<compile_context>
chip_gen: v7x
topology: tpu7x:2x2x1
jax: 0.10.2.dev20260603
libtpu: 0.0.44.dev20260713+nightly
codegen_flags: <defaults>
</compile_context>

<pallas_src>
import functools

import jax
import jax.numpy as jnp
from jax import lax
from jax.experimental import pallas as pl
from jax.experimental.pallas import tpu as pltpu
from jax.experimental.pallas import tpu_sc as plsc

F32 = jnp.float32

N_NODES = 50000
N_EDGES = 800000
T_STEPS = 12
F_IN = 16
H = 64
HH = 32
K_IDX = 128
SB_ROWS = 2
N_SB = N_EDGES // (K_IDX * SB_ROWS)
NS = 16
ROWS_PER_W = N_NODES // NS




def _lstm_body(seq_ref, wu0, b0, wu1, b1, nw1, nb1, nw2, nb2, a0t,
               h_ref, ha_ref):
  x = seq_ref[...]
  bn = x.shape[0]
  h0 = jnp.zeros((bn, H), F32)
  c0 = jnp.zeros((bn, H), F32)
  h1 = jnp.zeros((bn, H), F32)
  c1 = jnp.zeros((bn, H), F32)
  WU0 = wu0[...]; B0 = b0[...]
  WU1 = wu1[...]; B1 = b1[...]
  for t in range(T_STEPS):
    xt = x[:, t * F_IN:(t + 1) * F_IN]
    g = jnp.dot(jnp.concatenate([xt, h0], axis=1), WU0,
                preferred_element_type=F32) + B0
    ig = jax.nn.sigmoid(g[:, :H])
    fg = jax.nn.sigmoid(g[:, H:2 * H])
    gg = jnp.tanh(g[:, 2 * H:3 * H])
    og = jax.nn.sigmoid(g[:, 3 * H:])
    c0 = fg * c0 + ig * gg
    h0 = og * jnp.tanh(c0)
    g = jnp.dot(jnp.concatenate([h0, h1], axis=1), WU1,
                preferred_element_type=F32) + B1
    ig = jax.nn.sigmoid(g[:, :H])
    fg = jax.nn.sigmoid(g[:, H:2 * H])
    gg = jnp.tanh(g[:, 2 * H:3 * H])
    og = jax.nn.sigmoid(g[:, 3 * H:])
    c1 = fg * c1 + ig * gg
    h1 = og * jnp.tanh(c1)
  h = jax.nn.relu(jnp.dot(h1, nw1[...], preferred_element_type=F32) + nb1[...])
  h = jax.nn.relu(jnp.dot(h, nw2[...], preferred_element_type=F32) + nb2[...])
  h_ref[...] = h
  ha = jnp.dot(h, a0t[...], preferred_element_type=F32)
  ha_ref[0, :, :] = ha[:, :HH]
  ha_ref[1, :, :] = ha[:, HH:]


def _lstm_encode(seq_flat, wu0, b0, wu1, b1, nw1, nb1, nw2, nb2, a0t):
  bn = 2000
  grid = (N_NODES // bn,)

  def wspec(w):
    r = w.ndim
    return pl.BlockSpec(w.shape, lambda i, _r=r: (0,) * _r)

  ws = [wu0, b0, wu1, b1, nw1, nb1, nw2, nb2, a0t]
  return pl.pallas_call(
      _lstm_body,
      grid=grid,
      in_specs=[pl.BlockSpec((bn, T_STEPS * F_IN), lambda i: (i, 0))]
      + [wspec(w) for w in ws],
      out_specs=[
          pl.BlockSpec((bn, H), lambda i: (i, 0)),
          pl.BlockSpec((2, bn, HH), lambda i: (0, i, 0)),
      ],
      out_shape=[
          jax.ShapeDtypeStruct((N_NODES, H), F32),
          jax.ShapeDtypeStruct((2, N_NODES, HH), F32),
      ],
  )(seq_flat, *ws)




def _edge_body(ea_ref, ew8, eb1c, c0t, d0, c1t, d1, out_ref):
  zt = jnp.dot(ew8[...], ea_ref[...], preferred_element_type=F32) + eb1c[...]
  rt = jax.nn.relu(zt)
  dn = (((0,), (0,)), ((), ()))
  v0 = lax.dot_general(rt, c0t[...], dn, preferred_element_type=F32) + d0[...]
  v1 = lax.dot_general(rt, c1t[...], dn, preferred_element_type=F32) + d1[...]
  out_ref[:, :H] = v0
  out_ref[:, H:] = v1


def _edge_prep(ea_t8, ew8, eb1c, c0t, d0, c1t, d1):
  be = 3200
  grid = (N_EDGES // be,)

  def wspec(w):
    r = w.ndim
    return pl.BlockSpec(w.shape, lambda i, _r=r: (0,) * _r)

  ws = [ew8, eb1c, c0t, d0, c1t, d1]
  return pl.pallas_call(
      _edge_body,
      grid=grid,
      in_specs=[pl.BlockSpec((8, be), lambda i: (0, i))]
      + [wspec(w) for w in ws],
      out_specs=pl.BlockSpec((be, 2 * H), lambda i: (i, 0)),
      out_shape=jax.ShapeDtypeStruct((N_EDGES, 2 * H), F32),
  )(ea_t8, *ws)




def _sc_body(lane0, srcs, dsts, ha, eb3, zeros_f,
             out_feat,
             acc_f, src_v, dst_v, gidx_v, gath_v, eb_v, sem):
  c = lax.axis_index("c")
  s = lax.axis_index("s")

  pltpu.sync_copy(zeros_f, acc_f.at[pl.ds(s * ROWS_PER_W, ROWS_PER_W)])
  plsc.subcore_barrier()

  coff = c * N_NODES
  eoff = lane0 + c * HH
  n_mine = (N_SB - s + NS - 1) // NS

  def superblock(i, carry):
    sb = s + i * NS
    row0 = sb * SB_ROWS
    pltpu.sync_copy(srcs.at[pl.ds(row0, SB_ROWS)], src_v)
    pltpu.sync_copy(dsts.at[pl.ds(row0, SB_ROWS)], dst_v)
    for r in range(SB_ROWS):
      for k in range(K_IDX // 16):
        gidx_v[r, pl.ds(k * 16, 16)] = src_v[r, pl.ds(k * 16, 16)] + coff
    descs = [
        pltpu.async_copy(ha.at[gidx_v.at[r]], gath_v.at[r], sem)
        for r in range(SB_ROWS)
    ]
    pltpu.sync_copy(
        eb3.at[pl.ds(row0, SB_ROWS), slice(None), pl.ds(eoff, HH)], eb_v)
    for d in descs:
      d.wait()
    for r in range(SB_ROWS):
      def rowgrp(j, carry2, _r=r):
        for jj in range(4):
          row = j * 4 + jj
          for w in range(HH // 16):
            sl = pl.ds(w * 16, 16)
            eb_v[_r, row, sl] = jnp.maximum(
                gath_v[_r, row, sl] + eb_v[_r, row, sl], 0.0)
        return carry2
      lax.fori_loop(0, K_IDX // 4, rowgrp, 0)
    for r in range(SB_ROWS):
      pltpu.sync_copy(eb_v.at[r], acc_f.at[dst_v.at[r]], add=True)
    return carry

  lax.fori_loop(0, n_mine, superblock, 0)
  plsc.subcore_barrier()

  pltpu.sync_copy(acc_f.at[pl.ds(s * ROWS_PER_W, ROWS_PER_W)],
                  out_feat.at[pl.ds(coff + s * ROWS_PER_W, ROWS_PER_W)])


@functools.cache
def _get_sc_mp(lane0):
  return functools.partial(
      pl.kernel,
      out_type=jax.ShapeDtypeStruct((2 * N_NODES, HH), F32),
      mesh=plsc.VectorSubcoreMesh(core_axis_name="c", subcore_axis_name="s"),
      compiler_params=pltpu.CompilerParams(use_tc_tiling_on_sc=False),
      scratch_types=[
          pltpu.VMEM_SHARED((N_NODES, HH), F32),
          pltpu.VMEM((SB_ROWS, K_IDX), jnp.int32),
          pltpu.VMEM((SB_ROWS, K_IDX), jnp.int32),
          pltpu.VMEM((SB_ROWS, K_IDX), jnp.int32),
          pltpu.VMEM((SB_ROWS, K_IDX, HH), F32),
          pltpu.VMEM((SB_ROWS, K_IDX, HH), F32),
          pltpu.SemaphoreType.DMA,
      ],
  )(functools.partial(_sc_body, lane0))


def _sc_mp(lane0, *args):
  return _get_sc_mp(lane0)(*args)



CNT_SB = 5
CNT_ROWS_PER_CORE = (N_EDGES // K_IDX) // 2
CNT_NSB = CNT_ROWS_PER_CORE // CNT_SB


def _sc_cnt_body(dsts, zeros_c, ones_h, out_cnt,
                 acc_c, dst_v, ones_v, sem):
  c = lax.axis_index("c")
  s = lax.axis_index("s")

  pltpu.sync_copy(zeros_c, acc_c.at[pl.ds(s * ROWS_PER_W, ROWS_PER_W)])
  pltpu.sync_copy(ones_h, ones_v)
  plsc.subcore_barrier()

  rbase = c * CNT_ROWS_PER_CORE
  n_mine = (CNT_NSB - s + NS - 1) // NS

  def superblock(i, carry):
    row0 = rbase + (s + i * NS) * CNT_SB
    pltpu.sync_copy(dsts.at[pl.ds(row0, CNT_SB)], dst_v)
    for r in range(CNT_SB):
      pltpu.sync_copy(ones_v, acc_c.at[dst_v.at[r]], add=True)
    return carry

  lax.fori_loop(0, n_mine, superblock, 0)
  plsc.subcore_barrier()

  pltpu.sync_copy(acc_c.at[pl.ds(s * ROWS_PER_W, ROWS_PER_W)],
                  out_cnt.at[pl.ds(c * N_NODES + s * ROWS_PER_W, ROWS_PER_W)])


@functools.cache
def _get_sc_cnt():
  return functools.partial(
      pl.kernel,
      out_type=jax.ShapeDtypeStruct((2 * N_NODES, 8), F32),
      mesh=plsc.VectorSubcoreMesh(core_axis_name="c", subcore_axis_name="s"),
      compiler_params=pltpu.CompilerParams(use_tc_tiling_on_sc=False),
      scratch_types=[
          pltpu.VMEM_SHARED((N_NODES, 8), F32),
          pltpu.VMEM((CNT_SB, K_IDX), jnp.int32),
          pltpu.VMEM((K_IDX, 8), F32),
          pltpu.SemaphoreType.DMA,
      ],
  )(_sc_cnt_body)


def _sc_cnt(*args):
  return _get_sc_cnt()(*args)




def _update_body(h_ref, sa_ref, sb_ref, ca_ref, cb_ref, m2t, mb2, u1at, u1bt,
                 ub1, u2t, ub2, a1t, h_out, ha_out):
  h = h_ref[...]
  cnt = (ca_ref[...] + cb_ref[...])[:, 0:1]
  S = jnp.concatenate([sa_ref[...], sb_ref[...]], axis=1)
  inv = 1.0 / jnp.maximum(cnt, 1.0)
  ind = (cnt > 0.0).astype(F32)
  aggr = jnp.dot(S * inv, m2t[...], preferred_element_type=F32) + mb2[...] * ind
  u = jax.nn.relu(
      jnp.dot(h, u1at[...], preferred_element_type=F32)
      + jnp.dot(aggr, u1bt[...], preferred_element_type=F32) + ub1[...])
  u = jnp.dot(u, u2t[...], preferred_element_type=F32) + ub2[...]
  hn = h + u
  h_out[...] = hn
  ha = jnp.dot(hn, a1t[...], preferred_element_type=F32)
  ha_out[0, :, :] = ha[:, :HH]
  ha_out[1, :, :] = ha[:, HH:]


def _update_dec_body(h_ref, sa_ref, sb_ref, ca_ref, cb_ref, m2t, mb2, u1at,
                     u1bt, ub1, u2t, ub2, dw1t, db1, dw2t, db2, out_ref):
  h = h_ref[...]
  cnt = (ca_ref[...] + cb_ref[...])[:, 0:1]
  S = jnp.concatenate([sa_ref[...], sb_ref[...]], axis=1)
  inv = 1.0 / jnp.maximum(cnt, 1.0)
  ind = (cnt > 0.0).astype(F32)
  aggr = jnp.dot(S * inv, m2t[...], preferred_element_type=F32) + mb2[...] * ind
  u = jax.nn.relu(
      jnp.dot(h, u1at[...], preferred_element_type=F32)
      + jnp.dot(aggr, u1bt[...], preferred_element_type=F32) + ub1[...])
  u = jnp.dot(u, u2t[...], preferred_element_type=F32) + ub2[...]
  hn = h + u
  d = jax.nn.relu(jnp.dot(hn, dw1t[...], preferred_element_type=F32) + db1[...])
  d = jnp.dot(d, dw2t[...], preferred_element_type=F32) + db2[...]
  out_ref[...] = jax.nn.sigmoid(d)


def _update(h, out_feat, out_cnt, ws, body, out_specs, out_shape):
  bn = 2000
  nblk = N_NODES // bn
  grid = (nblk,)

  def wspec(w):
    r = w.ndim
    return pl.BlockSpec(w.shape, lambda i, _r=r: (0,) * _r)

  return pl.pallas_call(
      body,
      grid=grid,
      in_specs=[
          pl.BlockSpec((bn, H), lambda i: (i, 0)),
          pl.BlockSpec((bn, HH), lambda i: (i, 0)),
          pl.BlockSpec((bn, HH), lambda i, _n=nblk: (i + _n, 0)),
          pl.BlockSpec((bn, 8), lambda i: (i, 0)),
          pl.BlockSpec((bn, 8), lambda i, _n=nblk: (i + _n, 0)),
      ] + [wspec(w) for w in ws],
      out_specs=out_specs,
      out_shape=out_shape,
  )(h, out_feat, out_feat, out_cnt, out_cnt, *ws)




def kernel(node_seq, edge_index, edge_attr,
           l0_Wih, l0_Whh, l0_bih, l0_bhh,
           l1_Wih, l1_Whh, l1_bih, l1_bhh,
           ne_W1, ne_b1, ne_W2, ne_b2,
           ee_W1, ee_b1, ee_W2, ee_b2,
           mp0_mW1, mp0_mb1, mp0_mW2, mp0_mb2,
           mp0_uW1, mp0_ub1, mp0_uW2, mp0_ub2,
           mp1_mW1, mp1_mb1, mp1_mW2, mp1_mb2,
           mp1_uW1, mp1_ub1, mp1_uW2, mp1_ub2,
           dec_W1, dec_b1, dec_W2, dec_b2):
  r2 = lambda v: v.reshape(1, -1)

  seq_flat = node_seq.reshape(N_NODES, T_STEPS * F_IN)
  a0 = mp0_mW1[:, :H]
  wu0 = jnp.concatenate([l0_Wih.T, l0_Whh.T], axis=0)
  wu1 = jnp.concatenate([l1_Wih.T, l1_Whh.T], axis=0)
  h, ha0 = _lstm_encode(
      seq_flat, wu0, r2(l0_bih + l0_bhh), wu1, r2(l1_bih + l1_bhh),
      ne_W1.T, r2(ne_b1), ne_W2.T, r2(ne_b2), a0.T)

  ea_t8 = jnp.pad(edge_attr.T, ((0, 4), (0, 0)))
  ew8 = jnp.pad(ee_W1, ((0, 0), (0, 4)))
  b0m = mp0_mW1[:, H:]
  b1m = mp1_mW1[:, H:]
  c0 = b0m @ ee_W2
  d0 = b0m @ ee_b2 + mp0_mb1
  c1 = b1m @ ee_W2
  d1 = b1m @ ee_b2 + mp1_mb1
  ebf = _edge_prep(ea_t8, ew8, ee_b1.reshape(-1, 1), c0.T, r2(d0), c1.T,
                   r2(d1))
  eb3 = ebf.reshape(N_EDGES // K_IDX, K_IDX, 2 * H)

  srcs = edge_index[0].reshape(N_EDGES // K_IDX, K_IDX)
  dsts = edge_index[1].reshape(N_EDGES // K_IDX, K_IDX)
  zeros_f = jnp.zeros((ROWS_PER_W, HH), F32)
  zeros_c = jnp.zeros((ROWS_PER_W, 8), F32)
  ones_h = jnp.ones((K_IDX, 8), F32)

  cntp = _sc_cnt(dsts, zeros_c, ones_h)

  ha_flat = ha0.reshape(2 * N_NODES, HH)
  s0 = _sc_mp(0, srcs, dsts, ha_flat, eb3, zeros_f)
  ws0 = [mp0_mW2.T, r2(mp0_mb2), mp0_uW1[:, :H].T, mp0_uW1[:, H:].T,
         r2(mp0_ub1), mp0_uW2.T, r2(mp0_ub2), mp1_mW1[:, :H].T]
  bn = 2000
  h, ha1 = _update(
      h, s0, cntp, ws0, _update_body,
      out_specs=[
          pl.BlockSpec((bn, H), lambda i: (i, 0)),
          pl.BlockSpec((2, bn, HH), lambda i: (0, i, 0)),
      ],
      out_shape=[
          jax.ShapeDtypeStruct((N_NODES, H), F32),
          jax.ShapeDtypeStruct((2, N_NODES, HH), F32),
      ])

  ha_flat = ha1.reshape(2 * N_NODES, HH)
  s1 = _sc_mp(H, srcs, dsts, ha_flat, eb3, zeros_f)
  ws1 = [mp1_mW2.T, r2(mp1_mb2), mp1_uW1[:, :H].T, mp1_uW1[:, H:].T,
         r2(mp1_ub1), mp1_uW2.T, r2(mp1_ub2),
         dec_W1.T, r2(dec_b1), dec_W2.T, r2(dec_b2)]
  out = _update(
      h, s1, cntp, ws1, _update_dec_body,
      out_specs=[pl.BlockSpec((bn, 1), lambda i: (i, 0))],
      out_shape=[jax.ShapeDtypeStruct((N_NODES, 1), F32)])
  return out[0].reshape(N_NODES)

# --- scband reference (transcript-rebuilt; emitter-appended) ---
"""Pipeline reference for scband-stgnn-91302414779095 (READ-ONLY COPY).

The authoritative reference and input builder live on the scoring server;
editing this copy changes nothing except your own understanding.
"""

import jax, jax.numpy as jnp
import numpy as np

_PSPECS = [("l0_Wih",(256,16)),("l0_Whh",(256,64)),("l0_bih",(256,)),("l0_bhh",(256,)),("l1_Wih",(256,64)),("l1_Whh",(256,64)),("l1_bih",(256,)),("l1_bhh",(256,)),("ne_W1",(64,64)),("ne_b1",(64,)),("ne_W2",(64,64)),("ne_b2",(64,)),("ee_W1",(64,4)),("ee_b1",(64,)),("ee_W2",(64,64)),("ee_b2",(64,)),("mp0_mW1",(64,128)),("mp0_mb1",(64,)),("mp0_mW2",(64,64)),("mp0_mb2",(64,)),("mp0_uW1",(64,128)),("mp0_ub1",(64,)),("mp0_uW2",(64,64)),("mp0_ub2",(64,)),("mp1_mW1",(64,128)),("mp1_mb1",(64,)),("mp1_mW2",(64,64)),("mp1_mb2",(64,)),("mp1_uW1",(64,128)),("mp1_ub1",(64,)),("mp1_uW2",(64,64)),("mp1_ub2",(64,)),("dec_W1",(64,64)),("dec_b1",(64,)),("dec_W2",(1,64)),("dec_b2",(1,))]


def setup_inputs(seed: int = 0):
    key = jax.random.key(seed)
    inp = {}
    inp["node_seq"] = jax.random.normal(jax.random.fold_in(key, 0), (50000, 12, 16), jnp.float32)
    inp["edge_index"] = jax.random.randint(jax.random.fold_in(key, 1), (2, 800000), 0, 50000, dtype=jnp.int32)
    inp["edge_attr"] = jax.random.normal(jax.random.fold_in(key, 2), (800000, 4), jnp.float32)
    for i, (name, shp) in enumerate(_PSPECS):
        inp[name] = 0.05 * jax.random.normal(jax.random.fold_in(key, 10 + i), shp, jnp.float32)
    return inp


def _lstm(xs, Wih, Whh, bih, bhh):
    # xs: [T, N, in] -> ys: [T, N, H]
    N = xs.shape[1]
    H = Whh.shape[1]
    h0 = jnp.zeros((N, H), xs.dtype)
    c0 = jnp.zeros((N, H), xs.dtype)

    def step(carry, x_t):
        h, c = carry
        g = x_t @ Wih.T + h @ Whh.T + bih + bhh
        i, f, gg, o = jnp.split(g, 4, axis=-1)
        i = jax.nn.sigmoid(i)
        f = jax.nn.sigmoid(f)
        gg = jnp.tanh(gg)
        o = jax.nn.sigmoid(o)
        c = f * c + i * gg
        h = o * jnp.tanh(c)
        return (h, c), h

    _, ys = jax.lax.scan(step, (h0, c0), xs)
    return ys


def _forward(node_seq, edge_attr, p, edge_index):
    # 2-layer LSTM over time, batch_first semantics; take last timestep
    xs = jnp.transpose(node_seq, (1, 0, 2))  # [T, N, F]
    ys = _lstm(xs, p["l0_Wih"], p["l0_Whh"], p["l0_bih"], p["l0_bhh"])
    ys = _lstm(ys, p["l1_Wih"], p["l1_Whh"], p["l1_bih"], p["l1_bhh"])
    h = ys[-1]  # [N, H]
    # node_enc (dropout = identity in eval)
    h = jax.nn.relu(h @ p["ne_W1"].T + p["ne_b1"])
    h = jax.nn.relu(h @ p["ne_W2"].T + p["ne_b2"])
    # edge_enc MLP
    e = jax.nn.relu(edge_attr @ p["ee_W1"].T + p["ee_b1"]) @ p["ee_W2"].T + p["ee_b2"]
    N = h.shape[0]
    src = edge_index[0]
    dst = edge_index[1]
    for l in ("mp0", "mp1"):
        x_j = h[src]  # gather source node features
        m = jnp.concatenate([x_j, e], axis=-1)
        m = jax.nn.relu(m @ p[l + "_mW1"].T + p[l + "_mb1"]) @ p[l + "_mW2"].T + p[l + "_mb2"]
        s = jax.ops.segment_sum(m, dst, num_segments=N)
        cnt = jax.ops.segment_sum(jnp.ones((m.shape[0], 1), m.dtype), dst, num_segments=N)
        aggr = s / jnp.clip(cnt, 1.0)  # mean aggregation (0 for isolated nodes)
        u = jnp.concatenate([h, aggr], axis=-1)
        u = jax.nn.relu(u @ p[l + "_uW1"].T + p[l + "_ub1"]) @ p[l + "_uW2"].T + p[l + "_ub2"]
        h = h + u
    d = jax.nn.relu(h @ p["dec_W1"].T + p["dec_b1"]) @ p["dec_W2"].T + p["dec_b2"]
    return jax.nn.sigmoid(d).squeeze(-1)


def reference(node_seq, edge_index, edge_attr,
              l0_Wih, l0_Whh, l0_bih, l0_bhh,
              l1_Wih, l1_Whh, l1_bih, l1_bhh,
              ne_W1, ne_b1, ne_W2, ne_b2,
              ee_W1, ee_b1, ee_W2, ee_b2,
              mp0_mW1, mp0_mb1, mp0_mW2, mp0_mb2,
              mp0_uW1, mp0_ub1, mp0_uW2, mp0_ub2,
              mp1_mW1, mp1_mb1, mp1_mW2, mp1_mb2,
              mp1_uW1, mp1_ub1, mp1_uW2, mp1_ub2,
              dec_W1, dec_b1, dec_W2, dec_b2):
    p = {
        "l0_Wih": l0_Wih, "l0_Whh": l0_Whh, "l0_bih": l0_bih, "l0_bhh": l0_bhh,
        "l1_Wih": l1_Wih, "l1_Whh": l1_Whh, "l1_bih": l1_bih, "l1_bhh": l1_bhh,
        "ne_W1": ne_W1, "ne_b1": ne_b1, "ne_W2": ne_W2, "ne_b2": ne_b2,
        "ee_W1": ee_W1, "ee_b1": ee_b1, "ee_W2": ee_W2, "ee_b2": ee_b2,
        "mp0_mW1": mp0_mW1, "mp0_mb1": mp0_mb1, "mp0_mW2": mp0_mW2, "mp0_mb2": mp0_mb2,
        "mp0_uW1": mp0_uW1, "mp0_ub1": mp0_ub1, "mp0_uW2": mp0_uW2, "mp0_ub2": mp0_ub2,
        "mp1_mW1": mp1_mW1, "mp1_mb1": mp1_mb1, "mp1_mW2": mp1_mW2, "mp1_mb2": mp1_mb2,
        "mp1_uW1": mp1_uW1, "mp1_ub1": mp1_ub1, "mp1_uW2": mp1_uW2, "mp1_ub2": mp1_ub2,
        "dec_W1": dec_W1, "dec_b1": dec_b1, "dec_W2": dec_W2, "dec_b2": dec_b2,
    }
    return _forward(node_seq, edge_attr, p, edge_index)

if __name__ == "__main__":
    import jax
    _d = setup_inputs()
    print(jax.jit(kernel)(*tuple(_d.values())))

</pallas_src>

<mosaic_0001>
#map = affine_map<(d0, d1) -> (0, 0)>
#map1 = affine_map<(d0, d1) -> (0, 0, 0)>
module attributes {stable_mosaic.version = 14 : i64} {
  func.func @_sc_body(%arg0: i32, %arg1: i32, %arg2: memref<6250x128xi32, #tpu.memory_space<hbm>>, %arg3: memref<6250x128xi32, #tpu.memory_space<hbm>>, %arg4: memref<100000x32xf32, #tpu.memory_space<hbm>>, %arg5: memref<6250x128x128xf32, #tpu.memory_space<hbm>>, %arg6: memref<3125x32xf32, #tpu.memory_space<hbm>>, %arg7: memref<100000x32xf32, #tpu.memory_space<hbm>>, %arg8: memref<50000x32xf32, #tpu.memory_space<vmem_shared>>, %arg9: memref<2x128xi32, #tpu.memory_space<vmem>>, %arg10: memref<2x128xi32, #tpu.memory_space<vmem>>, %arg11: memref<2x128xi32, #tpu.memory_space<vmem>>, %arg12: memref<2x128x32xf32, #tpu.memory_space<vmem>>, %arg13: memref<2x128x32xf32, #tpu.memory_space<vmem>>, %arg14: memref<!tpu.dma_semaphore, #tpu.memory_space<semaphore_mem>>) attributes {dimension_semantics = [#tpu.dimension_semantics<core_parallel>, #tpu.dimension_semantics<subcore_parallel>], iteration_bounds = array<i64: 2, 16>, scalar_prefetch = 0 : i64, scratch_operands = 7 : i64, tpu.core_type = #tpu.core_type<sc_vector_subcore>, window_params = [{transform_indices = #map}, {transform_indices = #map}, {transform_indices = #map}, {transform_indices = #map1}, {transform_indices = #map}, {transform_indices = #map}]} {
    %mul3A = arith.constant 3125 : i32
    %mul3A_0 = arith.muli %arg1, %mul3A : i32
    "tpu.region"() ({
      %run_scoped3A = tpu.sem_alloc : memref<!tpu.dma_semaphore, #tpu.memory_space<semaphore_mem>>
      %dma_start3A = arith.constant 0 : i32
      %dma_start3A_43 = tpu.memref_slice %arg8[%mul3A_0, %dma_start3A] : memref<50000x32xf32, #tpu.memory_space<vmem_shared>> -> memref<3125x32xf32, #tpu.memory_space<vmem_shared>>
      tpu.enqueue_dma source(%arg6 : memref<3125x32xf32, #tpu.memory_space<hbm>>) target(%dma_start3A_43 : memref<3125x32xf32, #tpu.memory_space<vmem_shared>>) target_semaphore(%run_scoped3A : memref<!tpu.dma_semaphore, #tpu.memory_space<semaphore_mem>>)
      %dma_wait3A = arith.constant 0 : i32
      %dma_wait3A_44 = tpu.memref_slice %arg8[%mul3A_0, %dma_wait3A] : memref<50000x32xf32, #tpu.memory_space<vmem_shared>> -> memref<3125x32xf32, #tpu.memory_space<vmem_shared>>
      tpu.wait_dma2 semaphore(%run_scoped3A : memref<!tpu.dma_semaphore, #tpu.memory_space<semaphore_mem>>) src(%arg6 : memref<3125x32xf32, #tpu.memory_space<hbm>>) dst(%dma_wait3A_44 : memref<3125x32xf32, #tpu.memory_space<vmem_shared>>)
      tpu.yield
    }) : () -> ()
    %barrier3A = arith.constant 0 : index
    tpu.barrier barrier_id(%barrier3A)
    %mul3A_1 = arith.constant 50000 : i32
    %mul3A_2 = arith.muli %arg0, %mul3A_1 : i32
    %mul3A_3 = arith.constant 32 : i32
    %mul3A_4 = arith.muli %arg0, %mul3A_3 : i32
    %add3A = arith.constant 0 : i32
    %add3A_5 = arith.addi %add3A, %mul3A_4 : i32
    %sub3A = arith.constant 3125 : i32
    %sub3A_6 = arith.subi %sub3A, %arg1 : i32
    %add3A_7 = arith.constant 16 : i32
    %add3A_8 = arith.addi %sub3A_6, %add3A_7 : i32
    %sub3A_9 = arith.constant 1 : i32
    %sub3A_10 = arith.subi %add3A_8, %sub3A_9 : i32
    %jit3A = arith.constant 16 : i32
    %div3A = arith.divsi %sub3A_10, %jit3A : i32
    %sign3A = arith.constant 0 : i32
    %sign3A_11 = arith.cmpi sgt, %sub3A_10, %sign3A : i32
    %sign3A_12 = arith.extui %sign3A_11 : i1 to i32
    %sign3A_13 = arith.constant 0 : i32
    %sign3A_14 = arith.cmpi slt, %sub3A_10, %sign3A_13 : i32
    %sign3A_15 = arith.extui %sign3A_14 : i1 to i32
    %sign3A_16 = arith.subi %sign3A_12, %sign3A_15 : i32
    %sign3A_17 = arith.constant 0 : i32
    %sign3A_18 = arith.cmpi sgt, %jit3A, %sign3A_17 : i32
    %sign3A_19 = arith.extui %sign3A_18 : i1 to i32
    %sign3A_20 = arith.constant 0 : i32
    %sign3A_21 = arith.cmpi slt, %jit3A, %sign3A_20 : i32
    %sign3A_22 = arith.extui %sign3A_21 : i1 to i32
    %sign3A_23 = arith.subi %sign3A_19, %sign3A_22 : i32
    %ne3A = arith.cmpi ne, %sign3A_16, %sign3A_23 : i32
    %rem3A = arith.remsi %sub3A_10, %jit3A : i32
    %ne3A_24 = arith.constant 0 : i32
    %ne3A_25 = arith.cmpi ne, %rem3A, %ne3A_24 : i32
    %and3A = arith.andi %ne3A, %ne3A_25 : i1
    %sub3A_26 = arith.constant 1 : i32
    %sub3A_27 = arith.subi %div3A, %sub3A_26 : i32
    %select_n3A = arith.select %and3A, %sub3A_27, %div3A : i32
    %while3A = arith.constant 0 : i32
    %while3A_28 = arith.constant 0 : i32
    %while3A_29 = arith.subi %select_n3A, %while3A_28 : i32
    %while3A_30 = arith.addi %while3A_28, %while3A_29 : i32
    %while3A_31 = arith.constant 1 : i32
    %while3A_32 = arith.divsi %while3A_29, %while3A_31 : i32
    %while3A_33 = arith.muli %while3A_32, %while3A_31 : i32
    %while3A_34 = arith.addi %while3A_28, %while3A_33 : i32
    %while3A_35 = arith.constant 1 : i32
    scf.for %while3A_43 = %while3A_28 to %while3A_34 step %while3A_35  : i32 {
      %mul3A_44 = arith.constant 16 : i32
      %mul3A_45 = arith.muli %while3A_43, %mul3A_44 : i32
      %add3A_46 = arith.addi %arg1, %mul3A_45 : i32
      %mul3A_47 = arith.constant 2 : i32
      %mul3A_48 = arith.muli %add3A_46, %mul3A_47 : i32
      "tpu.region"() ({
        %run_scoped3A_315 = tpu.sem_alloc : memref<!tpu.dma_semaphore, #tpu.memory_space<semaphore_mem>>
        %dma_start3A_316 = arith.constant 0 : i32
        %dma_start3A_317 = tpu.memref_slice %arg2[%mul3A_48, %dma_start3A_316] : memref<6250x128xi32, #tpu.memory_space<hbm>> -> memref<2x128xi32, #tpu.memory_space<hbm>>
        %dma_start3A_318 = arith.constant 0 : i32
        %dma_start3A_319 = tpu.memref_slice %arg2[%mul3A_48, %dma_start3A_318] : memref<6250x128xi32, #tpu.memory_space<hbm>> -> memref<2x128xi32, #tpu.memory_space<hbm>>
        tpu.enqueue_dma source(%dma_start3A_319 : memref<2x128xi32, #tpu.memory_space<hbm>>) target(%arg9 : memref<2x128xi32, #tpu.memory_space<vmem>>) target_semaphore(%run_scoped3A_315 : memref<!tpu.dma_semaphore, #tpu.memory_space<semaphore_mem>>)
        %dma_wait3A_320 = arith.constant 0 : i32
        %dma_wait3A_321 = tpu.memref_slice %arg2[%mul3A_48, %dma_wait3A_320] : memref<6250x128xi32, #tpu.memory_space<hbm>> -> memref<2x128xi32, #tpu.memory_space<hbm>>
        %dma_wait3A_322 = arith.constant 0 : i32
        %dma_wait3A_323 = tpu.memref_slice %arg2[%mul3A_48, %dma_wait3A_322] : memref<6250x128xi32, #tpu.memory_space<hbm>> -> memref<2x128xi32, #tpu.memory_space<hbm>>
        tpu.wait_dma2 semaphore(%run_scoped3A_315 : memref<!tpu.dma_semaphore, #tpu.memory_space<semaphore_mem>>) src(%dma_wait3A_323 : memref<2x128xi32, #tpu.memory_space<hbm>>) dst(%arg9 : memref<2x128xi32, #tpu.memory_space<vmem>>)
        tpu.yield
      }) : () -> ()
      "tpu.region"() ({
        %run_scoped3A_315 = tpu.sem_alloc : memref<!tpu.dma_semaphore, #tpu.memory_space<semaphore_mem>>
        %dma_start3A_316 = arith.constant 0 : i32
        %dma_start3A_317 = tpu.memref_slice %arg3[%mul3A_48, %dma_start3A_316] : memref<6250x128xi32, #tpu.memory_space<hbm>> -> memref<2x128xi32, #tpu.memory_space<hbm>>
        %dma_start3A_318 = arith.constant 0 : i32
        %dma_start3A_319 = tpu.memref_slice %arg3[%mul3A_48, %dma_start3A_318] : memref<6250x128xi32, #tpu.memory_space<hbm>> -> memref<2x128xi32, #tpu.memory_space<hbm>>
        tpu.enqueue_dma source(%dma_start3A_319 : memref<2x128xi32, #tpu.memory_space<hbm>>) target(%arg10 : memref<2x128xi32, #tpu.memory_space<vmem>>) target_semaphore(%run_scoped3A_315 : memref<!tpu.dma_semaphore, #tpu.memory_space<semaphore_mem>>)
        %dma_wait3A_320 = arith.constant 0 : i32
        %dma_wait3A_321 = tpu.memref_slice %arg3[%mul3A_48, %dma_wait3A_320] : memref<6250x128xi32, #tpu.memory_space<hbm>> -> memref<2x128xi32, #tpu.memory_space<hbm>>
        %dma_wait3A_322 = arith.constant 0 : i32
        %dma_wait3A_323 = tpu.memref_slice %arg3[%mul3A_48, %dma_wait3A_322] : memref<6250x128xi32, #tpu.memory_space<hbm>> -> memref<2x128xi32, #tpu.memory_space<hbm>>
        tpu.wait_dma2 semaphore(%run_scoped3A_315 : memref<!tpu.dma_semaphore, #tpu.memory_space<semaphore_mem>>) src(%dma_wait3A_323 : memref<2x128xi32, #tpu.memory_space<hbm>>) dst(%arg10 : memref<2x128xi32, #tpu.memory_space<vmem>>)
        tpu.yield
      }) : () -> ()
      %get3A = arith.constant 0 : i32
      %get3A_49 = arith.index_cast %get3A : i32 to index
      %get3A_50 = arith.constant 0 : index
      %get3A_51 = tpu.vector_load %arg9[%get3A_49, %get3A_50] {strides = array<i32>} : memref<2x128xi32, #tpu.memory_space<vmem>>, vector<1x16xi32>,
      %get3A_52 = vector.shape_cast %get3A_51 : vector<1x16xi32> to vector<16xi32>
      %add3A_53 = vector.broadcast %mul3A_2 : i32 to vector<16xi32>
      %add3A_54 = arith.addi %get3A_52, %add3A_53 : vector<16xi32>
      %swap3A = arith.constant 0 : i32
      %swap3A_55 = arith.index_cast %swap3A : i32 to index
      %swap3A_56 = arith.constant 0 : index
      %swap3A_57 = tpu.vector_load %arg11[%swap3A_55, %swap3A_56] {strides = array<i32>} : memref<2x128xi32, #tpu.memory_space<vmem>>, vector<1x16xi32>,
      %swap3A_58 = vector.shape_cast %swap3A_57 : vector<1x16xi32> to vector<16xi32>
      %swap3A_59 = vector.shape_cast %add3A_54 : vector<16xi32> to vector<1x16xi32>
      tpu.vector_store %arg11[%swap3A_55, %swap3A_56], %swap3A_59 {strides = array<i32>} : memref<2x128xi32, #tpu.memory_space<vmem>>, vector<1x16xi32>,
      %get3A_60 = arith.constant 0 : i32
      %get3A_61 = arith.index_cast %get3A_60 : i32 to index
      %get3A_62 = arith.constant 16 : index
      %get3A_63 = tpu.vector_load %arg9[%get3A_61, %get3A_62] {strides = array<i32>} : memref<2x128xi32, #tpu.memory_space<vmem>>, vector<1x16xi32>,
      %get3A_64 = vector.shape_cast %get3A_63 : vector<1x16xi32> to vector<16xi32>
      %add3A_65 = vector.broadcast %mul3A_2 : i32 to vector<16xi32>
      %add3A_66 = arith.addi %get3A_64, %add3A_65 : vector<16xi32>
      %swap3A_67 = arith.constant 0 : i32
      %swap3A_68 = arith.index_cast %swap3A_67 : i32 to index
      %swap3A_69 = arith.constant 16 : index
      %swap3A_70 = tpu.vector_load %arg11[%swap3A_68, %swap3A_69] {strides = array<i32>} : memref<2x128xi32, #tpu.memory_space<vmem>>, vector<1x16xi32>,
      %swap3A_71 = vector.shape_cast %swap3A_70 : vector<1x16xi32> to vector<16xi32>
      %swap3A_72 = vector.shape_cast %add3A_66 : vector<16xi32> to vector<1x16xi32>
      tpu.vector_store %arg11[%swap3A_68, %swap3A_69], %swap3A_72 {strides = array<i32>} : memref<2x128xi32, #tpu.memory_space<vmem>>, vector<1x16xi32>,
      %get3A_73 = arith.constant 0 : i32
      %get3A_74 = arith.index_cast %get3A_73 : i32 to index
      %get3A_75 = arith.constant 32 : index
      %get3A_76 = tpu.vector_load %arg9[%get3A_74, %get3A_75] {strides = array<i32>} : memref<2x128xi32, #tpu.memory_space<vmem>>, vector<1x16xi32>,
      %get3A_77 = vector.shape_cast %get3A_76 : vector<1x16xi32> to vector<16xi32>
      %add3A_78 = vector.broadcast %mul3A_2 : i32 to vector<16xi32>
      %add3A_79 = arith.addi %get3A_77, %add3A_78 : vector<16xi32>
      %swap3A_80 = arith.constant 0 : i32
      %swap3A_81 = arith.index_cast %swap3A_80 : i32 to index
      %swap3A_82 = arith.constant 32 : index
      %swap3A_83 = tpu.vector_load %arg11[%swap3A_81, %swap3A_82] {strides = array<i32>} : memref<2x128xi32, #tpu.memory_space<vmem>>, vector<1x16xi32>,
      %swap3A_84 = vector.shape_cast %swap3A_83 : vector<1x16xi32> to vector<16xi32>
      %swap3A_85 = vector.shape_cast %add3A_79 : vector<16xi32> to vector<1x16xi32>
      tpu.vector_store %arg11[%swap3A_81, %swap3A_82], %swap3A_85 {strides = array<i32>} : memref<2x128xi32, #tpu.memory_space<vmem>>, vector<1x16xi32>,
      %get3A_86 = arith.constant 0 : i32
      %get3A_87 = arith.index_cast %get3A_86 : i32 to index
      %get3A_88 = arith.constant 48 : index
      %get3A_89 = tpu.vector_load %arg9[%get3A_87, %get3A_88] {strides = array<i32>} : memref<2x128xi32, #tpu.memory_space<vmem>>, vector<1x16xi32>,
      %get3A_90 = vector.shape_cast %get3A_89 : vector<1x16xi32> to vector<16xi32>
      %add3A_91 = vector.broadcast %mul3A_2 : i32 to vector<16xi32>
      %add3A_92 = arith.addi %get3A_90, %add3A_91 : vector<16xi32>
      %swap3A_93 = arith.constant 0 : i32
      %swap3A_94 = arith.index_cast %swap3A_93 : i32 to index
      %swap3A_95 = arith.constant 48 : index
      %swap3A_96 = tpu.vector_load %arg11[%swap3A_94, %swap3A_95] {strides = array<i32>} : memref<2x128xi32, #tpu.memory_space<vmem>>, vector<1x16xi32>,
      %swap3A_97 = vector.shape_cast %swap3A_96 : vector<1x16xi32> to vector<16xi32>
      %swap3A_98 = vector.shape_cast %add3A_92 : vector<16xi32> to vector<1x16xi32>
      tpu.vector_store %arg11[%swap3A_94, %swap3A_95], %swap3A_98 {strides = array<i32>} : memref<2x128xi32, #tpu.memory_space<vmem>>, vector<1x16xi32>,
      %get3A_99 = arith.constant 0 : i32
      %get3A_100 = arith.index_cast %get3A_99 : i32 to index
      %get3A_101 = arith.constant 64 : index
      %get3A_102 = tpu.vector_load %arg9[%get3A_100, %get3A_101] {strides = array<i32>} : memref<2x128xi32, #tpu.memory_space<vmem>>, vector<1x16xi32>,
      %get3A_103 = vector.shape_cast %get3A_102 : vector<1x16xi32> to vector<16xi32>
      %add3A_104 = vector.broadcast %mul3A_2 : i32 to vector<16xi32>
      %add3A_105 = arith.addi %get3A_103, %add3A_104 : vector<16xi32>
      %swap3A_106 = arith.constant 0 : i32
      %swap3A_107 = arith.index_cast %swap3A_106 : i32 to index
      %swap3A_108 = arith.constant 64 : index
      %swap3A_109 = tpu.vector_load %arg11[%swap3A_107, %swap3A_108] {strides = array<i32>} : memref<2x128xi32, #tpu.memory_space<vmem>>, vector<1x16xi32>,
      %swap3A_110 = vector.shape_cast %swap3A_109 : vector<1x16xi32> to vector<16xi32>
      %swap3A_111 = vector.shape_cast %add3A_105 : vector<16xi32> to vector<1x16xi32>
      tpu.vector_store %arg11[%swap3A_107, %swap3A_108], %swap3A_111 {strides = array<i32>} : memref<2x128xi32, #tpu.memory_space<vmem>>, vector<1x16xi32>,
      %get3A_112 = arith.constant 0 : i32
      %get3A_113 = arith.index_cast %get3A_112 : i32 to index
      %get3A_114 = arith.constant 80 : index
      %get3A_115 = tpu.vector_load %arg9[%get3A_113, %get3A_114] {strides = array<i32>} : memref<2x128xi32, #tpu.memory_space<vmem>>, vector<1x16xi32>,
      %get3A_116 = vector.shape_cast %get3A_115 : vector<1x16xi32> to vector<16xi32>
      %add3A_117 = vector.broadcast %mul3A_2 : i32 to vector<16xi32>
      %add3A_118 = arith.addi %get3A_116, %add3A_117 : vector<16xi32>
      %swap3A_119 = arith.constant 0 : i32
      %swap3A_120 = arith.index_cast %swap3A_119 : i32 to index
      %swap3A_121 = arith.constant 80 : index
      %swap3A_122 = tpu.vector_load %arg11[%swap3A_120, %swap3A_121] {strides = array<i32>} : memref<2x128xi32, #tpu.memory_space<vmem>>, vector<1x16xi32>,
      %swap3A_123 = vector.shape_cast %swap3A_122 : vector<1x16xi32> to vector<16xi32>
      %swap3A_124 = vector.shape_cast %add3A_118 : vector<16xi32> to vector<1x16xi32>
      tpu.vector_store %arg11[%swap3A_120, %swap3A_121], %swap3A_124 {strides = array<i32>} : memref<2x128xi32, #tpu.memory_space<vmem>>, vector<1x16xi32>,
      %get3A_125 = arith.constant 0 : i32
      %get3A_126 = arith.index_cast %get3A_125 : i32 to index
      %get3A_127 = arith.constant 96 : index
      %get3A_128 = tpu.vector_load %arg9[%get3A_126, %get3A_127] {strides = array<i32>} : memref<2x128xi32, #tpu.memory_space<vmem>>, vector<1x16xi32>,
      %get3A_129 = vector.shape_cast %get3A_128 : vector<1x16xi32> to vector<16xi32>
      %add3A_130 = vector.broadcast %mul3A_2 : i32 to vector<16xi32>
      %add3A_131 = arith.addi %get3A_129, %add3A_130 : vector<16xi32>
      %swap3A_132 = arith.constant 0 : i32
      %swap3A_133 = arith.index_cast %swap3A_132 : i32 to index
      %swap3A_134 = arith.constant 96 : index
      %swap3A_135 = tpu.vector_load %arg11[%swap3A_133, %swap3A_134] {strides = array<i32>} : memref<2x128xi32, #tpu.memory_space<vmem>>, vector<1x16xi32>,
      %swap3A_136 = vector.shape_cast %swap3A_135 : vector<1x16xi32> to vector<16xi32>
      %swap3A_137 = vector.shape_cast %add3A_131 : vector<16xi32> to vector<1x16xi32>
      tpu.vector_store %arg11[%swap3A_133, %swap3A_134], %swap3A_137 {strides = array<i32>} : memref<2x128xi32, #tpu.memory_space<vmem>>, vector<1x16xi32>,
      %get3A_138 = arith.constant 0 : i32
      %get3A_139 = arith.index_cast %get3A_138 : i32 to index
      %get3A_140 = arith.constant 112 : index
      %get3A_141 = tpu.vector_load %arg9[%get3A_139, %get3A_140] {strides = array<i32>} : memref<2x128xi32, #tpu.memory_space<vmem>>, vector<1x16xi32>,
      %get3A_142 = vector.shape_cast %get3A_141 : vector<1x16xi32> to vector<16xi32>
      %add3A_143 = vector.broadcast %mul3A_2 : i32 to vector<16xi32>
      %add3A_144 = arith.addi %get3A_142, %add3A_143 : vector<16xi32>
      %swap3A_145 = arith.constant 0 : i32
      %swap3A_146 = arith.index_cast %swap3A_145 : i32 to index
      %swap3A_147 = arith.constant 112 : index
      %swap3A_148 = tpu.vector_load %arg11[%swap3A_146, %swap3A_147] {strides = array<i32>} : memref<2x128xi32, #tpu.memory_space<vmem>>, vector<1x16xi32>,
      %swap3A_149 = vector.shape_cast %swap3A_148 : vector<1x16xi32> to vector<16xi32>
      %swap3A_150 = vector.shape_cast %add3A_144 : vector<16xi32> to vector<1x16xi32>
      tpu.vector_store %arg11[%swap3A_146, %swap3A_147], %swap3A_150 {strides = array<i32>} : memref<2x128xi32, #tpu.memory_space<vmem>>, vector<1x16xi32>,
      %get3A_151 = arith.constant 1 : i32
      %get3A_152 = arith.index_cast %get3A_151 : i32 to index
      %get3A_153 = arith.constant 0 : index
      %get3A_154 = tpu.vector_load %arg9[%get3A_152, %get3A_153] {strides = array<i32>} : memref<2x128xi32, #tpu.memory_space<vmem>>, vector<1x16xi32>,
      %get3A_155 = vector.shape_cast %get3A_154 : vector<1x16xi32> to vector<16xi32>
      %add3A_156 = vector.broadcast %mul3A_2 : i32 to vector<16xi32>
      %add3A_157 = arith.addi %get3A_155, %add3A_156 : vector<16xi32>
      %swap3A_158 = arith.constant 1 : i32
      %swap3A_159 = arith.index_cast %swap3A_158 : i32 to index
      %swap3A_160 = arith.constant 0 : index
      %swap3A_161 = tpu.vector_load %arg11[%swap3A_159, %swap3A_160] {strides = array<i32>} : memref<2x128xi32, #tpu.memory_space<vmem>>, vector<1x16xi32>,
      %swap3A_162 = vector.shape_cast %swap3A_161 : vector<1x16xi32> to vector<16xi32>
      %swap3A_163 = vector.shape_cast %add3A_157 : vector<16xi32> to vector<1x16xi32>
      tpu.vector_store %arg11[%swap3A_159, %swap3A_160], %swap3A_163 {strides = array<i32>} : memref<2x128xi32, #tpu.memory_space<vmem>>, vector<1x16xi32>,
      %get3A_164 = arith.constant 1 : i32
      %get3A_165 = arith.index_cast %get3A_164 : i32 to index
      %get3A_166 = arith.constant 16 : index
      %get3A_167 = tpu.vector_load %arg9[%get3A_165, %get3A_166] {strides = array<i32>} : memref<2x128xi32, #tpu.memory_space<vmem>>, vector<1x16xi32>,
      %get3A_168 = vector.shape_cast %get3A_167 : vector<1x16xi32> to vector<16xi32>
      %add3A_169 = vector.broadcast %mul3A_2 : i32 to vector<16xi32>
      %add3A_170 = arith.addi %get3A_168, %add3A_169 : vector<16xi32>
      %swap3A_171 = arith.constant 1 : i32
      %swap3A_172 = arith.index_cast %swap3A_171 : i32 to index
      %swap3A_173 = arith.constant 16 : index
      %swap3A_174 = tpu.vector_load %arg11[%swap3A_172, %swap3A_173] {strides = array<i32>} : memref<2x128xi32, #tpu.memory_space<vmem>>, vector<1x16xi32>,
      %swap3A_175 = vector.shape_cast %swap3A_174 : vector<1x16xi32> to vector<16xi32>
      %swap3A_176 = vector.shape_cast %add3A_170 : vector<16xi32> to vector<1x16xi32>
      tpu.vector_store %arg11[%swap3A_172, %swap3A_173], %swap3A_176 {strides = array<i32>} : memref<2x128xi32, #tpu.memory_space<vmem>>, vector<1x16xi32>,
      %get3A_177 = arith.constant 1 : i32
      %get3A_178 = arith.index_cast %get3A_177 : i32 to index
      %get3A_179 = arith.constant 32 : index
      %get3A_180 = tpu.vector_load %arg9[%get3A_178, %get3A_179] {strides = array<i32>} : memref<2x128xi32, #tpu.memory_space<vmem>>, vector<1x16xi32>,
      %get3A_181 = vector.shape_cast %get3A_180 : vector<1x16xi32> to vector<16xi32>
      %add3A_182 = vector.broadcast %mul3A_2 : i32 to vector<16xi32>
      %add3A_183 = arith.addi %get3A_181, %add3A_182 : vector<16xi32>
      %swap3A_184 = arith.constant 1 : i32
      %swap3A_185 = arith.index_cast %swap3A_184 : i32 to index
      %swap3A_186 = arith.constant 32 : index
      %swap3A_187 = tpu.vector_load %arg11[%swap3A_185, %swap3A_186] {strides = array<i32>} : memref<2x128xi32, #tpu.memory_space<vmem>>, vector<1x16xi32>,
      %swap3A_188 = vector.shape_cast %swap3A_187 : vector<1x16xi32> to vector<16xi32>
      %swap3A_189 = vector.shape_cast %add3A_183 : vector<16xi32> to vector<1x16xi32>
      tpu.vector_store %arg11[%swap3A_185, %swap3A_186], %swap3A_189 {strides = array<i32>} : memref<2x128xi32, #tpu.memory_space<vmem>>, vector<1x16xi32>,
      %get3A_190 = arith.constant 1 : i32
      %get3A_191 = arith.index_cast %get3A_190 : i32 to index
      %get3A_192 = arith.constant 48 : index
      %get3A_193 = tpu.vector_load %arg9[%get3A_191, %get3A_192] {strides = array<i32>} : memref<2x128xi32, #tpu.memory_space<vmem>>, vector<1x16xi32>,
      %get3A_194 = vector.shape_cast %get3A_193 : vector<1x16xi32> to vector<16xi32>
      %add3A_195 = vector.broadcast %mul3A_2 : i32 to vector<16xi32>
      %add3A_196 = arith.addi %get3A_194, %add3A_195 : vector<16xi32>
      %swap3A_197 = arith.constant 1 : i32
      %swap3A_198 = arith.index_cast %swap3A_197 : i32 to index
      %swap3A_199 = arith.constant 48 : index
      %swap3A_200 = tpu.vector_load %arg11[%swap3A_198, %swap3A_199] {strides = array<i32>} : memref<2x128xi32, #tpu.memory_space<vmem>>, vector<1x16xi32>,
      %swap3A_201 = vector.shape_cast %swap3A_200 : vector<1x16xi32> to vector<16xi32>
      %swap3A_202 = vector.shape_cast %add3A_196 : vector<16xi32> to vector<1x16xi32>
      tpu.vector_store %arg11[%swap3A_198, %swap3A_199], %swap3A_202 {strides = array<i32>} : memref<2x128xi32, #tpu.memory_space<vmem>>, vector<1x16xi32>,
      %get3A_203 = arith.constant 1 : i32
      %get3A_204 = arith.index_cast %get3A_203 : i32 to index
      %get3A_205 = arith.constant 64 : index
      %get3A_206 = tpu.vector_load %arg9[%get3A_204, %get3A_205] {strides = array<i32>} : memref<2x128xi32, #tpu.memory_space<vmem>>, vector<1x16xi32>,
      %get3A_207 = vector.shape_cast %get3A_206 : vector<1x16xi32> to vector<16xi32>
      %add3A_208 = vector.broadcast %mul3A_2 : i32 to vector<16xi32>
      %add3A_209 = arith.addi %get3A_207, %add3A_208 : vector<16xi32>
      %swap3A_210 = arith.constant 1 : i32
      %swap3A_211 = arith.index_cast %swap3A_210 : i32 to index
      %swap3A_212 = arith.constant 64 : index
      %swap3A_213 = tpu.vector_load %arg11[%swap3A_211, %swap3A_212] {strides = array<i32>} : memref<2x128xi32, #tpu.memory_space<vmem>>, vector<1x16xi32>,
      %swap3A_214 = vector.shape_cast %swap3A_213 : vector<1x16xi32> to vector<16xi32>
      %swap3A_215 = vector.shape_cast %add3A_209 : vector<16xi32> to vector<1x16xi32>
      tpu.vector_store %arg11[%swap3A_211, %swap3A_212], %swap3A_215 {strides = array<i32>} : memref<2x128xi32, #tpu.memory_space<vmem>>, vector<1x16xi32>,
      %get3A_216 = arith.constant 1 : i32
      %get3A_217 = arith.index_cast %get3A_216 : i32 to index
      %get3A_218 = arith.constant 80 : index
      %get3A_219 = tpu.vector_load %arg9[%get3A_217, %get3A_218] {strides = array<i32>} : memref<2x128xi32, #tpu.memory_space<vmem>>, vector<1x16xi32>,
      %get3A_220 = vector.shape_cast %get3A_219 : vector<1x16xi32> to vector<16xi32>
      %add3A_221 = vector.broadcast %mul3A_2 : i32 to vector<16xi32>
      %add3A_222 = arith.addi %get3A_220, %add3A_221 : vector<16xi32>
      %swap3A_223 = arith.constant 1 : i32
      %swap3A_224 = arith.index_cast %swap3A_223 : i32 to index
      %swap3A_225 = arith.constant 80 : index
      %swap3A_226 = tpu.vector_load %arg11[%swap3A_224, %swap3A_225] {strides = array<i32>} : memref<2x128xi32, #tpu.memory_space<vmem>>, vector<1x16xi32>,
      %swap3A_227 = vector.shape_cast %swap3A_226 : vector<1x16xi32> to vector<16xi32>
      %swap3A_228 = vector.shape_cast %add3A_222 : vector<16xi32> to vector<1x16xi32>
      tpu.vector_store %arg11[%swap3A_224, %swap3A_225], %swap3A_228 {strides = array<i32>} : memref<2x128xi32, #tpu.memory_space<vmem>>, vector<1x16xi32>,
      %get3A_229 = arith.constant 1 : i32
      %get3A_230 = arith.index_cast %get3A_229 : i32 to index
      %get3A_231 = arith.constant 96 : index
      %get3A_232 = tpu.vector_load %arg9[%get3A_230, %get3A_231] {strides = array<i32>} : memref<2x128xi32, #tpu.memory_space<vmem>>, vector<1x16xi32>,
      %get3A_233 = vector.shape_cast %get3A_232 : vector<1x16xi32> to vector<16xi32>
      %add3A_234 = vector.broadcast %mul3A_2 : i32 to vector<16xi32>
      %add3A_235 = arith.addi %get3A_233, %add3A_234 : vector<16xi32>
      %swap3A_236 = arith.constant 1 : i32
      %swap3A_237 = arith.index_cast %swap3A_236 : i32 to index
      %swap3A_238 = arith.constant 96 : index
      %swap3A_239 = tpu.vector_load %arg11[%swap3A_237, %swap3A_238] {strides = array<i32>} : memref<2x128xi32, #tpu.memory_space<vmem>>, vector<1x16xi32>,
      %swap3A_240 = vector.shape_cast %swap3A_239 : vector<1x16xi32> to vector<16xi32>
      %swap3A_241 = vector.shape_cast %add3A_235 : vector<16xi32> to vector<1x16xi32>
      tpu.vector_store %arg11[%swap3A_237, %swap3A_238], %swap3A_241 {strides = array<i32>} : memref<2x128xi32, #tpu.memory_space<vmem>>, vector<1x16xi32>,
      %get3A_242 = arith.constant 1 : i32
      %get3A_243 = arith.index_cast %get3A_242 : i32 to index
      %get3A_244 = arith.constant 112 : index
      %get3A_245 = tpu.vector_load %arg9[%get3A_243, %get3A_244] {strides = array<i32>} : memref<2x128xi32, #tpu.memory_space<vmem>>, vector<1x16xi32>,
      %get3A_246 = vector.shape_cast %get3A_245 : vector<1x16xi32> to vector<16xi32>
      %add3A_247 = vector.broadcast %mul3A_2 : i32 to vector<16xi32>
      %add3A_248 = arith.addi %get3A_246, %add3A_247 : vector<16xi32>
      %swap3A_249 = arith.constant 1 : i32
      %swap3A_250 = arith.index_cast %swap3A_249 : i32 to index
      %swap3A_251 = arith.constant 112 : index
      %swap3A_252 = tpu.vector_load %arg11[%swap3A_250, %swap3A_251] {strides = array<i32>} : memref<2x128xi32, #tpu.memory_space<vmem>>, vector<1x16xi32>,
      %swap3A_253 = vector.shape_cast %swap3A_252 : vector<1x16xi32> to vector<16xi32>
      %swap3A_254 = vector.shape_cast %add3A_248 : vector<16xi32> to vector<1x16xi32>
      tpu.vector_store %arg11[%swap3A_250, %swap3A_251], %swap3A_254 {strides = array<i32>} : memref<2x128xi32, #tpu.memory_space<vmem>>, vector<1x16xi32>,
      %dma_start3A = arith.constant 0 : i32
      %dma_start3A_255 = arith.constant 0 : i32
      %dma_start3A_256 = arith.constant 0 : i32
      %dma_start3A_257 = arith.constant 0 : i32
      %dma_start3A_258 = tpu.memref_slice %arg12[%dma_start3A_255, %dma_start3A_256, %dma_start3A_257] : memref<2x128x32xf32, #tpu.memory_space<vmem>> -> memref<1x128x32xf32, #tpu.memory_space<vmem>>
      %dma_start3A_259 = tpu.memref_squeeze %dma_start3A_258 : memref<1x128x32xf32, #tpu.memory_space<vmem>> -> memref<128x32xf32, #tpu.memory_space<vmem>>
      %dma_start3A_260 = arith.constant 0 : i32
      %dma_start3A_261 = tpu.memref_slice %arg11[%dma_start3A, %dma_start3A_260] : memref<2x128xi32, #tpu.memory_space<vmem>> -> memref<1x128xi32, #tpu.memory_space<vmem>>
      %dma_start3A_262 = tpu.memref_squeeze %dma_start3A_261 : memref<1x128xi32, #tpu.memory_space<vmem>> -> memref<128xi32, #tpu.memory_space<vmem>>
      %dma_start3A_263 = arith.constant 0 : i32
      %dma_start3A_264 = arith.constant 0 : i32
      %dma_start3A_265 = tpu.memref_slice %arg4[%dma_start3A_263, %dma_start3A_264] : memref<100000x32xf32, #tpu.memory_space<hbm>> -> memref<100000x32xf32, #tpu.memory_space<hbm>>
      tpu.enqueue_indirect_dma source(%dma_start3A_265 : memref<100000x32xf32, #tpu.memory_space<hbm>>) target(%dma_start3A_259 : memref<128x32xf32, #tpu.memory_space<vmem>>) offsets(%dma_start3A_262 : memref<128xi32, #tpu.memory_space<vmem>>) semaphore(%arg14 : memref<!tpu.dma_semaphore, #tpu.memory_space<semaphore_mem>>)
      %dma_start3A_266 = arith.constant 1 : i32
      %dma_start3A_267 = arith.constant 1 : i32
      %dma_start3A_268 = arith.constant 0 : i32
      %dma_start3A_269 = arith.constant 0 : i32
      %dma_start3A_270 = tpu.memref_slice %arg12[%dma_start3A_267, %dma_start3A_268, %dma_start3A_269] : memref<2x128x32xf32, #tpu.memory_space<vmem>> -> memref<1x128x32xf32, #tpu.memory_space<vmem>>
      %dma_start3A_271 = tpu.memref_squeeze %dma_start3A_270 : memref<1x128x32xf32, #tpu.memory_space<vmem>> -> memref<128x32xf32, #tpu.memory_space<vmem>>
      %dma_start3A_272 = arith.constant 0 : i32
      %dma_start3A_273 = tpu.memref_slice %arg11[%dma_start3A_266, %dma_start3A_272] : memref<2x128xi32, #tpu.memory_space<vmem>> -> memref<1x128xi32, #tpu.memory_space<vmem>>
      %dma_start3A_274 = tpu.memref_squeeze %dma_start3A_273 : memref<1x128xi32, #tpu.memory_space<vmem>> -> memref<128xi32, #tpu.memory_space<vmem>>
      %dma_start3A_275 = arith.constant 0 : i32
      %dma_start3A_276 = arith.constant 0 : i32
      %dma_start3A_277 = tpu.memref_slice %arg4[%dma_start3A_275, %dma_start3A_276] : memref<100000x32xf32, #tpu.memory_space<hbm>> -> memref<100000x32xf32, #tpu.memory_space<hbm>>
      tpu.enqueue_indirect_dma source(%dma_start3A_277 : memref<100000x32xf32, #tpu.memory_space<hbm>>) target(%dma_start3A_271 : memref<128x32xf32, #tpu.memory_space<vmem>>) offsets(%dma_start3A_274 : memref<128xi32, #tpu.memory_space<vmem>>) semaphore(%arg14 : memref<!tpu.dma_semaphore, #tpu.memory_space<semaphore_mem>>)
      "tpu.region"() ({
        %run_scoped3A_315 = tpu.sem_alloc : memref<!tpu.dma_semaphore, #tpu.memory_space<semaphore_mem>>
        %dma_start3A_316 = arith.constant 0 : i32
        %dma_start3A_317 = tpu.memref_slice %arg5[%mul3A_48, %dma_start3A_316, %add3A_5] : memref<6250x128x128xf32, #tpu.memory_space<hbm>> -> memref<2x128x32xf32, #tpu.memory_space<hbm>>
        %dma_start3A_318 = arith.constant 0 : i32
        %dma_start3A_319 = tpu.memref_slice %arg5[%mul3A_48, %dma_start3A_318, %add3A_5] : memref<6250x128x128xf32, #tpu.memory_space<hbm>> -> memref<2x128x32xf32, #tpu.memory_space<hbm>>
        tpu.enqueue_dma source(%dma_start3A_319 : memref<2x128x32xf32, #tpu.memory_space<hbm>>) target(%arg13 : memref<2x128x32xf32, #tpu.memory_space<vmem>>) target_semaphore(%run_scoped3A_315 : memref<!tpu.dma_semaphore, #tpu.memory_space<semaphore_mem>>)
        %dma_wait3A_320 = arith.constant 0 : i32
        %dma_wait3A_321 = tpu.memref_slice %arg5[%mul3A_48, %dma_wait3A_320, %add3A_5] : memref<6250x128x128xf32, #tpu.memory_space<hbm>> -> memref<2x128x32xf32, #tpu.memory_space<hbm>>
        %dma_wait3A_322 = arith.constant 0 : i32
        %dma_wait3A_323 = tpu.memref_slice %arg5[%mul3A_48, %dma_wait3A_322, %add3A_5] : memref<6250x128x128xf32, #tpu.memory_space<hbm>> -> memref<2x128x32xf32, #tpu.memory_space<hbm>>
        tpu.wait_dma2 semaphore(%run_scoped3A_315 : memref<!tpu.dma_semaphore, #tpu.memory_space<semaphore_mem>>) src(%dma_wait3A_323 : memref<2x128x32xf32, #tpu.memory_space<hbm>>) dst(%arg13 : memref<2x128x32xf32, #tpu.memory_space<vmem>>)
        tpu.yield
      }) : () -> ()
      %dma_wait3A = arith.constant 0 : i32
      %dma_wait3A_278 = arith.constant 0 : i32
      %dma_wait3A_279 = arith.constant 0 : i32
      %dma_wait3A_280 = arith.constant 0 : i32
      %dma_wait3A_281 = tpu.memref_slice %arg12[%dma_wait3A_278, %dma_wait3A_279, %dma_wait3A_280] : memref<2x128x32xf32, #tpu.memory_space<vmem>> -> memref<1x128x32xf32, #tpu.memory_space<vmem>>
      %dma_wait3A_282 = tpu.memref_squeeze %dma_wait3A_281 : memref<1x128x32xf32, #tpu.memory_space<vmem>> -> memref<128x32xf32, #tpu.memory_space<vmem>>
      %dma_wait3A_283 = arith.constant 0 : i32
      %dma_wait3A_284 = tpu.memref_slice %arg11[%dma_wait3A, %dma_wait3A_283] : memref<2x128xi32, #tpu.memory_space<vmem>> -> memref<1x128xi32, #tpu.memory_space<vmem>>
      %dma_wait3A_285 = tpu.memref_squeeze %dma_wait3A_284 : memref<1x128xi32, #tpu.memory_space<vmem>> -> memref<128xi32, #tpu.memory_space<vmem>>
      %dma_wait3A_286 = arith.constant 0 : i32
      %dma_wait3A_287 = arith.constant 0 : i32
      %dma_wait3A_288 = tpu.memref_slice %arg4[%dma_wait3A_286, %dma_wait3A_287] : memref<100000x32xf32, #tpu.memory_space<hbm>> -> memref<100000x32xf32, #tpu.memory_space<hbm>>
      tpu.wait_indirect_dma semaphore(%arg14 : memref<!tpu.dma_semaphore, #tpu.memory_space<semaphore_mem>>) src(%dma_wait3A_288 : memref<100000x32xf32, #tpu.memory_space<hbm>>) dst(%dma_wait3A_282 : memref<128x32xf32, #tpu.memory_space<vmem>>)
      %dma_wait3A_289 = arith.constant 1 : i32
      %dma_wait3A_290 = arith.constant 1 : i32
      %dma_wait3A_291 = arith.constant 0 : i32
      %dma_wait3A_292 = arith.constant 0 : i32
      %dma_wait3A_293 = tpu.memref_slice %arg12[%dma_wait3A_290, %dma_wait3A_291, %dma_wait3A_292] : memref<2x128x32xf32, #tpu.memory_space<vmem>> -> memref<1x128x32xf32, #tpu.memory_space<vmem>>
      %dma_wait3A_294 = tpu.memref_squeeze %dma_wait3A_293 : memref<1x128x32xf32, #tpu.memory_space<vmem>> -> memref<128x32xf32, #tpu.memory_space<vmem>>
      %dma_wait3A_295 = arith.constant 0 : i32
      %dma_wait3A_296 = tpu.memref_slice %arg11[%dma_wait3A_289, %dma_wait3A_295] : memref<2x128xi32, #tpu.memory_space<vmem>> -> memref<1x128xi32, #tpu.memory_space<vmem>>
      %dma_wait3A_297 = tpu.memref_squeeze %dma_wait3A_296 : memref<1x128xi32, #tpu.memory_space<vmem>> -> memref<128xi32, #tpu.memory_space<vmem>>
      %dma_wait3A_298 = arith.constant 0 : i32
      %dma_wait3A_299 = arith.constant 0 : i32
      %dma_wait3A_300 = tpu.memref_slice %arg4[%dma_wait3A_298, %dma_wait3A_299] : memref<100000x32xf32, #tpu.memory_space<hbm>> -> memref<100000x32xf32, #tpu.memory_space<hbm>>
      tpu.wait_indirect_dma semaphore(%arg14 : memref<!tpu.dma_semaphore, #tpu.memory_space<semaphore_mem>>) src(%dma_wait3A_300 : memref<100000x32xf32, #tpu.memory_space<hbm>>) dst(%dma_wait3A_294 : memref<128x32xf32, #tpu.memory_space<vmem>>)
      %scan3A = arith.constant 0 : i32
      %scan3A_301 = arith.constant 0 : i32
      %scan3A_302 = arith.constant 32 : i32
      %scan3A_303 = arith.addi %scan3A_301, %scan3A_302 : i32
      %scan3A_304 = arith.constant 1 : i32
      scf.for %scan3A_315 = %scan3A_301 to %scan3A_303 step %scan3A_304  : i32 {
        %mul3A_316 = arith.constant 4 : i32
        %mul3A_317 = arith.muli %scan3A_315, %mul3A_316 : i32
        %add3A_318 = arith.constant 0 : i32
        %add3A_319 = arith.addi %mul3A_317, %add3A_318 : i32
        %get3A_320 = arith.constant 0 : i32
        %get3A_321 = arith.index_cast %get3A_320 : i32 to index
        %get3A_322 = arith.index_cast %add3A_319 : i32 to index
        %get3A_323 = arith.constant 0 : index
        %get3A_324 = tpu.vector_load %arg12[%get3A_321, %get3A_322, %get3A_323] {strides = array<i32>} : memref<2x128x32xf32, #tpu.memory_space<vmem>>, vector<1x1x16xf32>,
        %get3A_325 = vector.shape_cast %get3A_324 : vector<1x1x16xf32> to vector<16xf32>
        %get3A_326 = arith.constant 0 : i32
        %get3A_327 = arith.index_cast %get3A_326 : i32 to index
        %get3A_328 = arith.index_cast %add3A_319 : i32 to index
        %get3A_329 = arith.constant 0 : index
        %get3A_330 = tpu.vector_load %arg13[%get3A_327, %get3A_328, %get3A_329] {strides = array<i32>} : memref<2x128x32xf32, #tpu.memory_space<vmem>>, vector<1x1x16xf32>,
        %get3A_331 = vector.shape_cast %get3A_330 : vector<1x1x16xf32> to vector<16xf32>
        %add3A_332 = arith.addf %get3A_325, %get3A_331 : vector<16xf32>
        %max3A = arith.constant 0.000000e+00 : f32
        %max3A_333 = vector.broadcast %max3A : f32 to vector<16xf32>
        %max3A_334 = arith.maximumf %add3A_332, %max3A_333 : vector<16xf32>
        %swap3A_335 = arith.constant 0 : i32
        %swap3A_336 = arith.index_cast %swap3A_335 : i32 to index
        %swap3A_337 = arith.index_cast %add3A_319 : i32 to index
        %swap3A_338 = arith.constant 0 : index
        %swap3A_339 = tpu.vector_load %arg13[%swap3A_336, %swap3A_337, %swap3A_338] {strides = array<i32>} : memref<2x128x32xf32, #tpu.memory_space<vmem>>, vector<1x1x16xf32>,
        %swap3A_340 = vector.shape_cast %swap3A_339 : vector<1x1x16xf32> to vector<16xf32>
        %swap3A_341 = vector.shape_cast %max3A_334 : vector<16xf32> to vector<1x1x16xf32>
        tpu.vector_store %arg13[%swap3A_336, %swap3A_337, %swap3A_338], %swap3A_341 {strides = array<i32>} : memref<2x128x32xf32, #tpu.memory_space<vmem>>, vector<1x1x16xf32>,
        %get3A_342 = arith.constant 0 : i32
        %get3A_343 = arith.index_cast %get3A_342 : i32 to index
        %get3A_344 = arith.index_cast %add3A_319 : i32 to index
        %get3A_345 = arith.constant 16 : index
        %get3A_346 = tpu.vector_load %arg12[%get3A_343, %get3A_344, %get3A_345] {strides = array<i32>} : memref<2x128x32xf32, #tpu.memory_space<vmem>>, vector<1x1x16xf32>,
        %get3A_347 = vector.shape_cast %get3A_346 : vector<1x1x16xf32> to vector<16xf32>
        %get3A_348 = arith.constant 0 : i32
        %get3A_349 = arith.index_cast %get3A_348 : i32 to index
        %get3A_350 = arith.index_cast %add3A_319 : i32 to index
        %get3A_351 = arith.constant 16 : index
        %get3A_352 = tpu.vector_load %arg13[%get3A_349, %get3A_350, %get3A_351] {strides = array<i32>} : memref<2x128x32xf32, #tpu.memory_space<vmem>>, vector<1x1x16xf32>,
        %get3A_353 = vector.shape_cast %get3A_352 : vector<1x1x16xf32> to vector<16xf32>
        %add3A_354 = arith.addf %get3A_347, %get3A_353 : vector<16xf32>
        %max3A_355 = arith.constant 0.000000e+00 : f32
        %max3A_356 = vector.broadcast %max3A_355 : f32 to vector<16xf32>
        %max3A_357 = arith.maximumf %add3A_354, %max3A_356 : vector<16xf32>
        %swap3A_358 = arith.constant 0 : i32
        %swap3A_359 = arith.index_cast %swap3A_358 : i32 to index
        %swap3A_360 = arith.index_cast %add3A_319 : i32 to index
        %swap3A_361 = arith.constant 16 : index
        %swap3A_362 = tpu.vector_load %arg13[%swap3A_359, %swap3A_360, %swap3A_361] {strides = array<i32>} : memref<2x128x32xf32, #tpu.memory_space<vmem>>, vector<1x1x16xf32>,
        %swap3A_363 = vector.shape_cast %swap3A_362 : vector<1x1x16xf32> to vector<16xf32>
        %swap3A_364 = vector.shape_cast %max3A_357 : vector<16xf32> to vector<1x1x16xf32>
        tpu.vector_store %arg13[%swap3A_359, %swap3A_360, %swap3A_361], %swap3A_364 {strides = array<i32>} : memref<2x128x32xf32, #tpu.memory_space<vmem>>, vector<1x1x16xf32>,
        %mul3A_365 = arith.constant 4 : i32
        %mul3A_366 = arith.muli %scan3A_315, %mul3A_365 : i32
        %add3A_367 = arith.constant 1 : i32
        %add3A_368 = arith.addi %mul3A_366, %add3A_367 : i32
        %get3A_369 = arith.constant 0 : i32
        %get3A_370 = arith.index_cast %get3A_369 : i32 to index
        %get3A_371 = arith.index_cast %add3A_368 : i32 to index
        %get3A_372 = arith.constant 0 : index
        %get3A_373 = tpu.vector_load %arg12[%get3A_370, %get3A_371, %get3A_372] {strides = array<i32>} : memref<2x128x32xf32, #tpu.memory_space<vmem>>, vector<1x1x16xf32>,
        %get3A_374 = vector.shape_cast %get3A_373 : vector<1x1x16xf32> to vector<16xf32>
        %get3A_375 = arith.constant 0 : i32
        %get3A_376 = arith.index_cast %get3A_375 : i32 to index
        %get3A_377 = arith.index_cast %add3A_368 : i32 to index
        %get3A_378 = arith.constant 0 : index
        %get3A_379 = tpu.vector_load %arg13[%get3A_376, %get3A_377, %get3A_378] {strides = array<i32>} : memref<2x128x32xf32, #tpu.memory_space<vmem>>, vector<1x1x16xf32>,
        %get3A_380 = vector.shape_cast %get3A_379 : vector<1x1x16xf32> to vector<16xf32>
        %add3A_381 = arith.addf %get3A_374, %get3A_380 : vector<16xf32>
        %max3A_382 = arith.constant 0.000000e+00 : f32
        %max3A_383 = vector.broadcast %max3A_382 : f32 to vector<16xf32>
        %max3A_384 = arith.maximumf %add3A_381, %max3A_383 : vector<16xf32>
        %swap3A_385 = arith.constant 0 : i32
        %swap3A_386 = arith.index_cast %swap3A_385 : i32 to index
        %swap3A_387 = arith.index_cast %add3A_368 : i32 to index
        %swap3A_388 = arith.constant 0 : index
        %swap3A_389 = tpu.vector_load %arg13[%swap3A_386, %swap3A_387, %swap3A_388] {strides = array<i32>} : memref<2x128x32xf32, #tpu.memory_space<vmem>>, vector<1x1x16xf32>,
        %swap3A_390 = vector.shape_cast %swap3A_389 : vector<1x1x16xf32> to vector<16xf32>
        %swap3A_391 = vector.shape_cast %max3A_384 : vector<16xf32> to vector<1x1x16xf32>
        tpu.vector_store %arg13[%swap3A_386, %swap3A_387, %swap3A_388], %swap3A_391 {strides = array<i32>} : memref<2x128x32xf32, #tpu.memory_space<vmem>>, vector<1x1x16xf32>,
        %get3A_392 = arith.constant 0 : i32
        %get3A_393 = arith.index_cast %get3A_392 : i32 to index
        %get3A_394 = arith.index_cast %add3A_368 : i32 to index
        %get3A_395 = arith.constant 16 : index
        %get3A_396 = tpu.vector_load %arg12[%get3A_393, %get3A_394, %get3A_395] {strides = array<i32>} : memref<2x128x32xf32, #tpu.memory_space<vmem>>, vector<1x1x16xf32>,
        %get3A_397 = vector.shape_cast %get3A_396 : vector<1x1x16xf32> to vector<16xf32>
        %get3A_398 = arith.constant 0 : i32
        %get3A_399 = arith.index_cast %get3A_398 : i32 to index
        %get3A_400 = arith.index_cast %add3A_368 : i32 to index
        %get3A_401 = arith.constant 16 : index
        %get3A_402 = tpu.vector_load %arg13[%get3A_399, %get3A_400, %get3A_401] {strides = array<i32>} : memref<2x128x32xf32, #tpu.memory_space<vmem>>, vector<1x1x16xf32>,
        %get3A_403 = vector.shape_cast %get3A_402 : vector<1x1x16xf32> to vector<16xf32>
        %add3A_404 = arith.addf %get3A_397, %get3A_403 : vector<16xf32>
        %max3A_405 = arith.constant 0.000000e+00 : f32
        %max3A_406 = vector.broadcast %max3A_405 : f32 to vector<16xf32>
        %max3A_407 = arith.maximumf %add3A_404, %max3A_406 : vector<16xf32>
        %swap3A_408 = arith.constant 0 : i32
        %swap3A_409 = arith.index_cast %swap3A_408 : i32 to index
        %swap3A_410 = arith.index_cast %add3A_368 : i32 to index
        %swap3A_411 = arith.constant 16 : index
        %swap3A_412 = tpu.vector_load %arg13[%swap3A_409, %swap3A_410, %swap3A_411] {strides = array<i32>} : memref<2x128x32xf32, #tpu.memory_space<vmem>>, vector<1x1x16xf32>,
        %swap3A_413 = vector.shape_cast %swap3A_412 : vector<1x1x16xf32> to vector<16xf32>
        %swap3A_414 = vector.shape_cast %max3A_407 : vector<16xf32> to vector<1x1x16xf32>
        tpu.vector_store %arg13[%swap3A_409, %swap3A_410, %swap3A_411], %swap3A_414 {strides = array<i32>} : memref<2x128x32xf32, #tpu.memory_space<vmem>>, vector<1x1x16xf32>,
        %mul3A_415 = arith.constant 4 : i32
        %mul3A_416 = arith.muli %scan3A_315, %mul3A_415 : i32
        %add3A_417 = arith.constant 2 : i32
        %add3A_418 = arith.addi %mul3A_416, %add3A_417 : i32
        %get3A_419 = arith.constant 0 : i32
        %get3A_420 = arith.index_cast %get3A_419 : i32 to index
        %get3A_421 = arith.index_cast %add3A_418 : i32 to index
        %get3A_422 = arith.constant 0 : index
        %get3A_423 = tpu.vector_load %arg12[%get3A_420, %get3A_421, %get3A_422] {strides = array<i32>} : memref<2x128x32xf32, #tpu.memory_space<vmem>>, vector<1x1x16xf32>,
        %get3A_424 = vector.shape_cast %get3A_423 : vector<1x1x16xf32> to vector<16xf32>
        %get3A_425 = arith.constant 0 : i32
        %get3A_426 = arith.index_cast %get3A_425 : i32 to index
        %get3A_427 = arith.index_cast %add3A_418 : i32 to index
        %get3A_428 = arith.constant 0 : index
        %get3A_429 = tpu.vector_load %arg13[%get3A_426, %get3A_427, %get3A_428] {strides = array<i32>} : memref<2x128x32xf32, #tpu.memory_space<vmem>>, vector<1x1x16xf32>,
        %get3A_430 = vector.shape_cast %get3A_429 : vector<1x1x16xf32> to vector<16xf32>
        %add3A_431 = arith.addf %get3A_424, %get3A_430 : vector<16xf32>
        %max3A_432 = arith.constant 0.000000e+00 : f32
        %max3A_433 = vector.broadcast %max3A_432 : f32 to vector<16xf32>
        %max3A_434 = arith.maximumf %add3A_431, %max3A_433 : vector<16xf32>
        %swap3A_435 = arith.constant 0 : i32
        %swap3A_436 = arith.index_cast %swap3A_435 : i32 to index
        %swap3A_437 = arith.index_cast %add3A_418 : i32 to index
        %swap3A_438 = arith.constant 0 : index
        %swap3A_439 = tpu.vector_load %arg13[%swap3A_436, %swap3A_437, %swap3A_438] {strides = array<i32>} : memref<2x128x32xf32, #tpu.memory_space<vmem>>, vector<1x1x16xf32>,
        %swap3A_440 = vector.shape_cast %swap3A_439 : vector<1x1x16xf32> to vector<16xf32>
        %swap3A_441 = vector.shape_cast %max3A_434 : vector<16xf32> to vector<1x1x16xf32>
        tpu.vector_store %arg13[%swap3A_436, %swap3A_437, %swap3A_438], %swap3A_441 {strides = array<i32>} : memref<2x128x32xf32, #tpu.memory_space<vmem>>, vector<1x1x16xf32>,
        %get3A_442 = arith.constant 0 : i32
        %get3A_443 = arith.index_cast %get3A_442 : i32 to index
        %get3A_444 = arith.index_cast %add3A_418 : i32 to index
        %get3A_445 = arith.constant 16 : index
        %get3A_446 = tpu.vector_load %arg12[%get3A_443, %get3A_444, %get3A_445] {strides = array<i32>} : memref<2x128x32xf32, #tpu.memory_space<vmem>>, vector<1x1x16xf32>,
        %get3A_447 = vector.shape_cast %get3A_446 : vector<1x1x16xf32> to vector<16xf32>
        %get3A_448 = arith.constant 0 : i32
        %get3A_449 = arith.index_cast %get3A_448 : i32 to index
        %get3A_450 = arith.index_cast %add3A_418 : i32 to index
        %get3A_451 = arith.constant 16 : index
        %get3A_452 = tpu.vector_load %arg13[%get3A_449, %get3A_450, %get3A_451] {strides = array<i32>} : memref<2x128x32xf32, #tpu.memory_space<vmem>>, vector<1x1x16xf32>,
        %get3A_453 = vector.shape_cast %get3A_452 : vector<1x1x16xf32> to vector<16xf32>
        %add3A_454 = arith.addf %get3A_447, %get3A_453 : vector<16xf32>
        %max3A_455 = arith.constant 0.000000e+00 : f32
        %max3A_456 = vector.broadcast %max3A_455 : f32 to vector<16xf32>
        %max3A_457 = arith.maximumf %add3A_454, %max3A_456 : vector<16xf32>
        %swap3A_458 = arith.constant 0 : i32
        %swap3A_459 = arith.index_cast %swap3A_458 : i32 to index
        %swap3A_460 = arith.index_cast %add3A_418 : i32 to index
        %swap3A_461 = arith.constant 16 : index
        %swap3A_462 = tpu.vector_load %arg13[%swap3A_459, %swap3A_460, %swap3A_461] {strides = array<i32>} : memref<2x128x32xf32, #tpu.memory_space<vmem>>, vector<1x1x16xf32>,
        %swap3A_463 = vector.shape_cast %swap3A_462 : vector<1x1x16xf32> to vector<16xf32>
        %swap3A_464 = vector.shape_cast %max3A_457 : vector<16xf32> to vector<1x1x16xf32>
        tpu.vector_store %arg13[%swap3A_459, %swap3A_460, %swap3A_461], %swap3A_464 {strides = array<i32>} : memref<2x128x32xf32, #tpu.memory_space<vmem>>, vector<1x1x16xf32>,
        %mul3A_465 = arith.constant 4 : i32
        %mul3A_466 = arith.muli %scan3A_315, %mul3A_465 : i32
        %add3A_467 = arith.constant 3 : i32
        %add3A_468 = arith.addi %mul3A_466, %add3A_467 : i32
        %get3A_469 = arith.constant 0 : i32
        %get3A_470 = arith.index_cast %get3A_469 : i32 to index
        %get3A_471 = arith.index_cast %add3A_468 : i32 to index
        %get3A_472 = arith.constant 0 : index
        %get3A_473 = tpu.vector_load %arg12[%get3A_470, %get3A_471, %get3A_472] {strides = array<i32>} : memref<2x128x32xf32, #tpu.memory_space<vmem>>, vector<1x1x16xf32>,
        %get3A_474 = vector.shape_cast %get3A_473 : vector<1x1x16xf32> to vector<16xf32>
        %get3A_475 = arith.constant 0 : i32
        %get3A_476 = arith.index_cast %get3A_475 : i32 to index
        %get3A_477 = arith.index_cast %add3A_468 : i32 to index
        %get3A_478 = arith.constant 0 : index
        %get3A_479 = tpu.vector_load %arg13[%get3A_476, %get3A_477, %get3A_478] {strides = array<i32>} : memref<2x128x32xf32, #tpu.memory_space<vmem>>, vector<1x1x16xf32>,
        %get3A_480 = vector.shape_cast %get3A_479 : vector<1x1x16xf32> to vector<16xf32>
        %add3A_481 = arith.addf %get3A_474, %get3A_480 : vector<16xf32>
        %max3A_482 = arith.constant 0.000000e+00 : f32
        %max3A_483 = vector.broadcast %max3A_482 : f32 to vector<16xf32>
        %max3A_484 = arith.maximumf %add3A_481, %max3A_483 : vector<16xf32>
        %swap3A_485 = arith.constant 0 : i32
        %swap3A_486 = arith.index_cast %swap3A_485 : i32 to index
        %swap3A_487 = arith.index_cast %add3A_468 : i32 to index
        %swap3A_488 = arith.constant 0 : index
        %swap3A_489 = tpu.vector_load %arg13[%swap3A_486, %swap3A_487, %swap3A_488] {strides = array<i32>} : memref<2x128x32xf32, #tpu.memory_space<vmem>>, vector<1x1x16xf32>,
        %swap3A_490 = vector.shape_cast %swap3A_489 : vector<1x1x16xf32> to vector<16xf32>
        %swap3A_491 = vector.shape_cast %max3A_484 : vector<16xf32> to vector<1x1x16xf32>
        tpu.vector_store %arg13[%swap3A_486, %swap3A_487, %swap3A_488], %swap3A_491 {strides = array<i32>} : memref<2x128x32xf32, #tpu.memory_space<vmem>>, vector<1x1x16xf32>,
        %get3A_492 = arith.constant 0 : i32
        %get3A_493 = arith.index_cast %get3A_492 : i32 to index
        %get3A_494 = arith.index_cast %add3A_468 : i32 to index
        %get3A_495 = arith.constant 16 : index
        %get3A_496 = tpu.vector_load %arg12[%get3A_493, %get3A_494, %get3A_495] {strides = array<i32>} : memref<2x128x32xf32, #tpu.memory_space<vmem>>, vector<1x1x16xf32>,
        %get3A_497 = vector.shape_cast %get3A_496 : vector<1x1x16xf32> to vector<16xf32>
        %get3A_498 = arith.constant 0 : i32
        %get3A_499 = arith.index_cast %get3A_498 : i32 to index
        %get3A_500 = arith.index_cast %add3A_468 : i32 to index
        %get3A_501 = arith.constant 16 : index
        %get3A_502 = tpu.vector_load %arg13[%get3A_499, %get3A_500, %get3A_501] {strides = array<i32>} : memref<2x128x32xf32, #tpu.memory_space<vmem>>, vector<1x1x16xf32>,
        %get3A_503 = vector.shape_cast %get3A_502 : vector<1x1x16xf32> to vector<16xf32>
        %add3A_504 = arith.addf %get3A_497, %get3A_503 : vector<16xf32>
        %max3A_505 = arith.constant 0.000000e+00 : f32
        %max3A_506 = vector.broadcast %max3A_505 : f32 to vector<16xf32>
        %max3A_507 = arith.maximumf %add3A_504, %max3A_506 : vector<16xf32>
        %swap3A_508 = arith.constant 0 : i32
        %swap3A_509 = arith.index_cast %swap3A_508 : i32 to index
        %swap3A_510 = arith.index_cast %add3A_468 : i32 to index
        %swap3A_511 = arith.constant 16 : index
        %swap3A_512 = tpu.vector_load %arg13[%swap3A_509, %swap3A_510, %swap3A_511] {strides = array<i32>} : memref<2x128x32xf32, #tpu.memory_space<vmem>>, vector<1x1x16xf32>,
        %swap3A_513 = vector.shape_cast %swap3A_512 : vector<1x1x16xf32> to vector<16xf32>
        %swap3A_514 = vector.shape_cast %max3A_507 : vector<16xf32> to vector<1x1x16xf32>
        tpu.vector_store %arg13[%swap3A_509, %swap3A_510, %swap3A_511], %swap3A_514 {strides = array<i32>} : memref<2x128x32xf32, #tpu.memory_space<vmem>>, vector<1x1x16xf32>,
      }
      %scan3A_305 = arith.constant 32 : i32
      %scan3A_306 = arith.constant 0 : i32
      %scan3A_307 = arith.constant 0 : i32
      %scan3A_308 = arith.constant 32 : i32
      %scan3A_309 = arith.addi %scan3A_307, %scan3A_308 : i32
      %scan3A_310 = arith.constant 1 : i32
      scf.for %scan3A_315 = %scan3A_307 to %scan3A_309 step %scan3A_310  : i32 {
        %mul3A_316 = arith.constant 4 : i32
        %mul3A_317 = arith.muli %scan3A_315, %mul3A_316 : i32
        %add3A_318 = arith.constant 0 : i32
        %add3A_319 = arith.addi %mul3A_317, %add3A_318 : i32
        %get3A_320 = arith.constant 1 : i32
        %get3A_321 = arith.index_cast %get3A_320 : i32 to index
        %get3A_322 = arith.index_cast %add3A_319 : i32 to index
        %get3A_323 = arith.constant 0 : index
        %get3A_324 = tpu.vector_load %arg12[%get3A_321, %get3A_322, %get3A_323] {strides = array<i32>} : memref<2x128x32xf32, #tpu.memory_space<vmem>>, vector<1x1x16xf32>,
        %get3A_325 = vector.shape_cast %get3A_324 : vector<1x1x16xf32> to vector<16xf32>
        %get3A_326 = arith.constant 1 : i32
        %get3A_327 = arith.index_cast %get3A_326 : i32 to index
        %get3A_328 = arith.index_cast %add3A_319 : i32 to index
        %get3A_329 = arith.constant 0 : index
        %get3A_330 = tpu.vector_load %arg13[%get3A_327, %get3A_328, %get3A_329] {strides = array<i32>} : memref<2x128x32xf32, #tpu.memory_space<vmem>>, vector<1x1x16xf32>,
        %get3A_331 = vector.shape_cast %get3A_330 : vector<1x1x16xf32> to vector<16xf32>
        %add3A_332 = arith.addf %get3A_325, %get3A_331 : vector<16xf32>
        %max3A = arith.constant 0.000000e+00 : f32
        %max3A_333 = vector.broadcast %max3A : f32 to vector<16xf32>
        %max3A_334 = arith.maximumf %add3A_332, %max3A_333 : vector<16xf32>
        %swap3A_335 = arith.constant 1 : i32
        %swap3A_336 = arith.index_cast %swap3A_335 : i32 to index
        %swap3A_337 = arith.index_cast %add3A_319 : i32 to index
        %swap3A_338 = arith.constant 0 : index
        %swap3A_339 = tpu.vector_load %arg13[%swap3A_336, %swap3A_337, %swap3A_338] {strides = array<i32>} : memref<2x128x32xf32, #tpu.memory_space<vmem>>, vector<1x1x16xf32>,
        %swap3A_340 = vector.shape_cast %swap3A_339 : vector<1x1x16xf32> to vector<16xf32>
        %swap3A_341 = vector.shape_cast %max3A_334 : vector<16xf32> to vector<1x1x16xf32>
        tpu.vector_store %arg13[%swap3A_336, %swap3A_337, %swap3A_338], %swap3A_341 {strides = array<i32>} : memref<2x128x32xf32, #tpu.memory_space<vmem>>, vector<1x1x16xf32>,
        %get3A_342 = arith.constant 1 : i32
        %get3A_343 = arith.index_cast %get3A_342 : i32 to index
        %get3A_344 = arith.index_cast %add3A_319 : i32 to index
        %get3A_345 = arith.constant 16 : index
        %get3A_346 = tpu.vector_load %arg12[%get3A_343, %get3A_344, %get3A_345] {strides = array<i32>} : memref<2x128x32xf32, #tpu.memory_space<vmem>>, vector<1x1x16xf32>,
        %get3A_347 = vector.shape_cast %get3A_346 : vector<1x1x16xf32> to vector<16xf32>
        %get3A_348 = arith.constant 1 : i32
        %get3A_349 = arith.index_cast %get3A_348 : i32 to index
        %get3A_350 = arith.index_cast %add3A_319 : i32 to index
        %get3A_351 = arith.constant 16 : index
        %get3A_352 = tpu.vector_load %arg13[%get3A_349, %get3A_350, %get3A_351] {strides = array<i32>} : memref<2x128x32xf32, #tpu.memory_space<vmem>>, vector<1x1x16xf32>,
        %get3A_353 = vector.shape_cast %get3A_352 : vector<1x1x16xf32> to vector<16xf32>
        %add3A_354 = arith.addf %get3A_347, %get3A_353 : vector<16xf32>
        %max3A_355 = arith.constant 0.000000e+00 : f32
        %max3A_356 = vector.broadcast %max3A_355 : f32 to vector<16xf32>
        %max3A_357 = arith.maximumf %add3A_354, %max3A_356 : vector<16xf32>
        %swap3A_358 = arith.constant 1 : i32
        %swap3A_359 = arith.index_cast %swap3A_358 : i32 to index
        %swap3A_360 = arith.index_cast %add3A_319 : i32 to index
        %swap3A_361 = arith.constant 16 : index
        %swap3A_362 = tpu.vector_load %arg13[%swap3A_359, %swap3A_360, %swap3A_361] {strides = array<i32>} : memref<2x128x32xf32, #tpu.memory_space<vmem>>, vector<1x1x16xf32>,
        %swap3A_363 = vector.shape_cast %swap3A_362 : vector<1x1x16xf32> to vector<16xf32>
        %swap3A_364 = vector.shape_cast %max3A_357 : vector<16xf32> to vector<1x1x16xf32>
        tpu.vector_store %arg13[%swap3A_359, %swap3A_360, %swap3A_361], %swap3A_364 {strides = array<i32>} : memref<2x128x32xf32, #tpu.memory_space<vmem>>, vector<1x1x16xf32>,
        %mul3A_365 = arith.constant 4 : i32
        %mul3A_366 = arith.muli %scan3A_315, %mul3A_365 : i32
        %add3A_367 = arith.constant 1 : i32
        %add3A_368 = arith.addi %mul3A_366, %add3A_367 : i32
        %get3A_369 = arith.constant 1 : i32
        %get3A_370 = arith.index_cast %get3A_369 : i32 to index
        %get3A_371 = arith.index_cast %add3A_368 : i32 to index
        %get3A_372 = arith.constant 0 : index
        %get3A_373 = tpu.vector_load %arg12[%get3A_370, %get3A_371, %get3A_372] {strides = array<i32>} : memref<2x128x32xf32, #tpu.memory_space<vmem>>, vector<1x1x16xf32>,
        %get3A_374 = vector.shape_cast %get3A_373 : vector<1x1x16xf32> to vector<16xf32>
        %get3A_375 = arith.constant 1 : i32
        %get3A_376 = arith.index_cast %get3A_375 : i32 to index
        %get3A_377 = arith.index_cast %add3A_368 : i32 to index
        %get3A_378 = arith.constant 0 : index
        %get3A_379 = tpu.vector_load %arg13[%get3A_376, %get3A_377, %get3A_378] {strides = array<i32>} : memref<2x128x32xf32, #tpu.memory_space<vmem>>, vector<1x1x16xf32>,
        %get3A_380 = vector.shape_cast %get3A_379 : vector<1x1x16xf32> to vector<16xf32>
        %add3A_381 = arith.addf %get3A_374, %get3A_380 : vector<16xf32>
        %max3A_382 = arith.constant 0.000000e+00 : f32
        %max3A_383 = vector.broadcast %max3A_382 : f32 to vector<16xf32>
        %max3A_384 = arith.maximumf %add3A_381, %max3A_383 : vector<16xf32>
        %swap3A_385 = arith.constant 1 : i32
        %swap3A_386 = arith.index_cast %swap3A_385 : i32 to index
        %swap3A_387 = arith.index_cast %add3A_368 : i32 to index
        %swap3A_388 = arith.constant 0 : index
        %swap3A_389 = tpu.vector_load %arg13[%swap3A_386, %swap3A_387, %swap3A_388] {strides = array<i32>} : memref<2x128x32xf32, #tpu.memory_space<vmem>>, vector<1x1x16xf32>,
        %swap3A_390 = vector.shape_cast %swap3A_389 : vector<1x1x16xf32> to vector<16xf32>
        %swap3A_391 = vector.shape_cast %max3A_384 : vector<16xf32> to vector<1x1x16xf32>
        tpu.vector_store %arg13[%swap3A_386, %swap3A_387, %swap3A_388], %swap3A_391 {strides = array<i32>} : memref<2x128x32xf32, #tpu.memory_space<vmem>>, vector<1x1x16xf32>,
        %get3A_392 = arith.constant 1 : i32
        %get3A_393 = arith.index_cast %get3A_392 : i32 to index
        %get3A_394 = arith.index_cast %add3A_368 : i32 to index
        %get3A_395 = arith.constant 16 : index
        %get3A_396 = tpu.vector_load %arg12[%get3A_393, %get3A_394, %get3A_395] {strides = array<i32>} : memref<2x128x32xf32, #tpu.memory_space<vmem>>, vector<1x1x16xf32>,
        %get3A_397 = vector.shape_cast %get3A_396 : vector<1x1x16xf32> to vector<16xf32>
        %get3A_398 = arith.constant 1 : i32
        %get3A_399 = arith.index_cast %get3A_398 : i32 to index
        %get3A_400 = arith.index_cast %add3A_368 : i32 to index
        %get3A_401 = arith.constant 16 : index
        %get3A_402 = tpu.vector_load %arg13[%get3A_399, %get3A_400, %get3A_401] {strides = array<i32>} : memref<2x128x32xf32, #tpu.memory_space<vmem>>, vector<1x1x16xf32>,
        %get3A_403 = vector.shape_cast %get3A_402 : vector<1x1x16xf32> to vector<16xf32>
        %add3A_404 = arith.addf %get3A_397, %get3A_403 : vector<16xf32>
        %max3A_405 = arith.constant 0.000000e+00 : f32
        %max3A_406 = vector.broadcast %max3A_405 : f32 to vector<16xf32>
        %max3A_407 = arith.maximumf %add3A_404, %max3A_406 : vector<16xf32>
        %swap3A_408 = arith.constant 1 : i32
        %swap3A_409 = arith.index_cast %swap3A_408 : i32 to index
        %swap3A_410 = arith.index_cast %add3A_368 : i32 to index
        %swap3A_411 = arith.constant 16 : index
        %swap3A_412 = tpu.vector_load %arg13[%swap3A_409, %swap3A_410, %swap3A_411] {strides = array<i32>} : memref<2x128x32xf32, #tpu.memory_space<vmem>>, vector<1x1x16xf32>,
        %swap3A_413 = vector.shape_cast %swap3A_412 : vector<1x1x16xf32> to vector<16xf32>
        %swap3A_414 = vector.shape_cast %max3A_407 : vector<16xf32> to vector<1x1x16xf32>
        tpu.vector_store %arg13[%swap3A_409, %swap3A_410, %swap3A_411], %swap3A_414 {strides = array<i32>} : memref<2x128x32xf32, #tpu.memory_space<vmem>>, vector<1x1x16xf32>,
        %mul3A_415 = arith.constant 4 : i32
        %mul3A_416 = arith.muli %scan3A_315, %mul3A_415 : i32
        %add3A_417 = arith.constant 2 : i32
        %add3A_418 = arith.addi %mul3A_416, %add3A_417 : i32
        %get3A_419 = arith.constant 1 : i32
        %get3A_420 = arith.index_cast %get3A_419 : i32 to index
        %get3A_421 = arith.index_cast %add3A_418 : i32 to index
        %get3A_422 = arith.constant 0 : index
        %get3A_423 = tpu.vector_load %arg12[%get3A_420, %get3A_421, %get3A_422] {strides = array<i32>} : memref<2x128x32xf32, #tpu.memory_space<vmem>>, vector<1x1x16xf32>,
        %get3A_424 = vector.shape_cast %get3A_423 : vector<1x1x16xf32> to vector<16xf32>
        %get3A_425 = arith.constant 1 : i32
        %get3A_426 = arith.index_cast %get3A_425 : i32 to index
        %get3A_427 = arith.index_cast %add3A_418 : i32 to index
        %get3A_428 = arith.constant 0 : index
        %get3A_429 = tpu.vector_load %arg13[%get3A_426, %get3A_427, %get3A_428] {strides = array<i32>} : memref<2x128x32xf32, #tpu.memory_space<vmem>>, vector<1x1x16xf32>,
        %get3A_430 = vector.shape_cast %get3A_429 : vector<1x1x16xf32> to vector<16xf32>
        %add3A_431 = arith.addf %get3A_424, %get3A_430 : vector<16xf32>
        %max3A_432 = arith.constant 0.000000e+00 : f32
        %max3A_433 = vector.broadcast %max3A_432 : f32 to vector<16xf32>
        %max3A_434 = arith.maximumf %add3A_431, %max3A_433 : vector<16xf32>
        %swap3A_435 = arith.constant 1 : i32
        %swap3A_436 = arith.index_cast %swap3A_435 : i32 to index
        %swap3A_437 = arith.index_cast %add3A_418 : i32 to index
        %swap3A_438 = arith.constant 0 : index
        %swap3A_439 = tpu.vector_load %arg13[%swap3A_436, %swap3A_437, %swap3A_438] {strides = array<i32>} : memref<2x128x32xf32, #tpu.memory_space<vmem>>, vector<1x1x16xf32>,
        %swap3A_440 = vector.shape_cast %swap3A_439 : vector<1x1x16xf32> to vector<16xf32>
        %swap3A_441 = vector.shape_cast %max3A_434 : vector<16xf32> to vector<1x1x16xf32>
        tpu.vector_store %arg13[%swap3A_436, %swap3A_437, %swap3A_438], %swap3A_441 {strides = array<i32>} : memref<2x128x32xf32, #tpu.memory_space<vmem>>, vector<1x1x16xf32>,
        %get3A_442 = arith.constant 1 : i32
        %get3A_443 = arith.index_cast %get3A_442 : i32 to index
        %get3A_444 = arith.index_cast %add3A_418 : i32 to index
        %get3A_445 = arith.constant 16 : index
        %get3A_446 = tpu.vector_load %arg12[%get3A_443, %get3A_444, %get3A_445] {strides = array<i32>} : memref<2x128x32xf32, #tpu.memory_space<vmem>>, vector<1x1x16xf32>,
        %get3A_447 = vector.shape_cast %get3A_446 : vector<1x1x16xf32> to vector<16xf32>
        %get3A_448 = arith.constant 1 : i32
        %get3A_449 = arith.index_cast %get3A_448 : i32 to index
        %get3A_450 = arith.index_cast %add3A_418 : i32 to index
        %get3A_451 = arith.constant 16 : index
        %get3A_452 = tpu.vector_load %arg13[%get3A_449, %get3A_450, %get3A_451] {strides = array<i32>} : memref<2x128x32xf32, #tpu.memory_space<vmem>>, vector<1x1x16xf32>,
        %get3A_453 = vector.shape_cast %get3A_452 : vector<1x1x16xf32> to vector<16xf32>
        %add3A_454 = arith.addf %get3A_447, %get3A_453 : vector<16xf32>
        %max3A_455 = arith.constant 0.000000e+00 : f32
        %max3A_456 = vector.broadcast %max3A_455 : f32 to vector<16xf32>
        %max3A_457 = arith.maximumf %add3A_454, %max3A_456 : vector<16xf32>
        %swap3A_458 = arith.constant 1 : i32
        %swap3A_459 = arith.index_cast %swap3A_458 : i32 to index
        %swap3A_460 = arith.index_cast %add3A_418 : i32 to index
        %swap3A_461 = arith.constant 16 : index
        %swap3A_462 = tpu.vector_load %arg13[%swap3A_459, %swap3A_460, %swap3A_461] {strides = array<i32>} : memref<2x128x32xf32, #tpu.memory_space<vmem>>, vector<1x1x16xf32>,
        %swap3A_463 = vector.shape_cast %swap3A_462 : vector<1x1x16xf32> to vector<16xf32>
        %swap3A_464 = vector.shape_cast %max3A_457 : vector<16xf32> to vector<1x1x16xf32>
        tpu.vector_store %arg13[%swap3A_459, %swap3A_460, %swap3A_461], %swap3A_464 {strides = array<i32>} : memref<2x128x32xf32, #tpu.memory_space<vmem>>, vector<1x1x16xf32>,
        %mul3A_465 = arith.constant 4 : i32
        %mul3A_466 = arith.muli %scan3A_315, %mul3A_465 : i32
        %add3A_467 = arith.constant 3 : i32
        %add3A_468 = arith.addi %mul3A_466, %add3A_467 : i32
        %get3A_469 = arith.constant 1 : i32
        %get3A_470 = arith.index_cast %get3A_469 : i32 to index
        %get3A_471 = arith.index_cast %add3A_468 : i32 to index
        %get3A_472 = arith.constant 0 : index
        %get3A_473 = tpu.vector_load %arg12[%get3A_470, %get3A_471, %get3A_472] {strides = array<i32>} : memref<2x128x32xf32, #tpu.memory_space<vmem>>, vector<1x1x16xf32>,
        %get3A_474 = vector.shape_cast %get3A_473 : vector<1x1x16xf32> to vector<16xf32>
        %get3A_475 = arith.constant 1 : i32
        %get3A_476 = arith.index_cast %get3A_475 : i32 to index
        %get3A_477 = arith.index_cast %add3A_468 : i32 to index
        %get3A_478 = arith.constant 0 : index
        %get3A_479 = tpu.vector_load %arg13[%get3A_476, %get3A_477, %get3A_478] {strides = array<i32>} : memref<2x128x32xf32, #tpu.memory_space<vmem>>, vector<1x1x16xf32>,
        %get3A_480 = vector.shape_cast %get3A_479 : vector<1x1x16xf32> to vector<16xf32>
        %add3A_481 = arith.addf %get3A_474, %get3A_480 : vector<16xf32>
        %max3A_482 = arith.constant 0.000000e+00 : f32
        %max3A_483 = vector.broadcast %max3A_482 : f32 to vector<16xf32>
        %max3A_484 = arith.maximumf %add3A_481, %max3A_483 : vector<16xf32>
        %swap3A_485 = arith.constant 1 : i32
        %swap3A_486 = arith.index_cast %swap3A_485 : i32 to index
        %swap3A_487 = arith.index_cast %add3A_468 : i32 to index
        %swap3A_488 = arith.constant 0 : index
        %swap3A_489 = tpu.vector_load %arg13[%swap3A_486, %swap3A_487, %swap3A_488] {strides = array<i32>} : memref<2x128x32xf32, #tpu.memory_space<vmem>>, vector<1x1x16xf32>,
        %swap3A_490 = vector.shape_cast %swap3A_489 : vector<1x1x16xf32> to vector<16xf32>
        %swap3A_491 = vector.shape_cast %max3A_484 : vector<16xf32> to vector<1x1x16xf32>
        tpu.vector_store %arg13[%swap3A_486, %swap3A_487, %swap3A_488], %swap3A_491 {strides = array<i32>} : memref<2x128x32xf32, #tpu.memory_space<vmem>>, vector<1x1x16xf32>,
        %get3A_492 = arith.constant 1 : i32
        %get3A_493 = arith.index_cast %get3A_492 : i32 to index
        %get3A_494 = arith.index_cast %add3A_468 : i32 to index
        %get3A_495 = arith.constant 16 : index
        %get3A_496 = tpu.vector_load %arg12[%get3A_493, %get3A_494, %get3A_495] {strides = array<i32>} : memref<2x128x32xf32, #tpu.memory_space<vmem>>, vector<1x1x16xf32>,
        %get3A_497 = vector.shape_cast %get3A_496 : vector<1x1x16xf32> to vector<16xf32>
        %get3A_498 = arith.constant 1 : i32
        %get3A_499 = arith.index_cast %get3A_498 : i32 to index
        %get3A_500 = arith.index_cast %add3A_468 : i32 to index
        %get3A_501 = arith.constant 16 : index
        %get3A_502 = tpu.vector_load %arg13[%get3A_499, %get3A_500, %get3A_501] {strides = array<i32>} : memref<2x128x32xf32, #tpu.memory_space<vmem>>, vector<1x1x16xf32>,
        %get3A_503 = vector.shape_cast %get3A_502 : vector<1x1x16xf32> to vector<16xf32>
        %add3A_504 = arith.addf %get3A_497, %get3A_503 : vector<16xf32>
        %max3A_505 = arith.constant 0.000000e+00 : f32
        %max3A_506 = vector.broadcast %max3A_505 : f32 to vector<16xf32>
        %max3A_507 = arith.maximumf %add3A_504, %max3A_506 : vector<16xf32>
        %swap3A_508 = arith.constant 1 : i32
        %swap3A_509 = arith.index_cast %swap3A_508 : i32 to index
        %swap3A_510 = arith.index_cast %add3A_468 : i32 to index
        %swap3A_511 = arith.constant 16 : index
        %swap3A_512 = tpu.vector_load %arg13[%swap3A_509, %swap3A_510, %swap3A_511] {strides = array<i32>} : memref<2x128x32xf32, #tpu.memory_space<vmem>>, vector<1x1x16xf32>,
        %swap3A_513 = vector.shape_cast %swap3A_512 : vector<1x1x16xf32> to vector<16xf32>
        %swap3A_514 = vector.shape_cast %max3A_507 : vector<16xf32> to vector<1x1x16xf32>
        tpu.vector_store %arg13[%swap3A_509, %swap3A_510, %swap3A_511], %swap3A_514 {strides = array<i32>} : memref<2x128x32xf32, #tpu.memory_space<vmem>>, vector<1x1x16xf32>,
      }
      %scan3A_311 = arith.constant 32 : i32
      %run_scoped3A = arith.constant 0 : i32
      %run_scoped3A_312 = arith.constant 0 : i32
      "tpu.region"() ({
        %run_scoped3A_315 = tpu.sem_alloc : memref<!tpu.dma_semaphore, #tpu.memory_space<semaphore_mem>>
        %dma_start3A_316 = arith.constant 0 : i32
        %dma_start3A_317 = arith.constant 0 : i32
        %dma_start3A_318 = tpu.memref_slice %arg13[%run_scoped3A, %dma_start3A_316, %dma_start3A_317] : memref<2x128x32xf32, #tpu.memory_space<vmem>> -> memref<1x128x32xf32, #tpu.memory_space<vmem>>
        %dma_start3A_319 = tpu.memref_squeeze %dma_start3A_318 : memref<1x128x32xf32, #tpu.memory_space<vmem>> -> memref<128x32xf32, #tpu.memory_space<vmem>>
        %dma_start3A_320 = arith.constant 0 : i32
        %dma_start3A_321 = tpu.memref_slice %arg10[%run_scoped3A_312, %dma_start3A_320] : memref<2x128xi32, #tpu.memory_space<vmem>> -> memref<1x128xi32, #tpu.memory_space<vmem>>
        %dma_start3A_322 = tpu.memref_squeeze %dma_start3A_321 : memref<1x128xi32, #tpu.memory_space<vmem>> -> memref<128xi32, #tpu.memory_space<vmem>>
        %dma_start3A_323 = arith.constant 0 : i32
        %dma_start3A_324 = arith.constant 0 : i32
        %dma_start3A_325 = tpu.memref_slice %arg8[%dma_start3A_323, %dma_start3A_324] : memref<50000x32xf32, #tpu.memory_space<vmem_shared>> -> memref<50000x32xf32, #tpu.memory_space<vmem_shared>>
        tpu.enqueue_indirect_dma source(%dma_start3A_319 : memref<128x32xf32, #tpu.memory_space<vmem>>) target(%dma_start3A_325 : memref<50000x32xf32, #tpu.memory_space<vmem_shared>>) offsets(%dma_start3A_322 : memref<128xi32, #tpu.memory_space<vmem>>) semaphore(%run_scoped3A_315 : memref<!tpu.dma_semaphore, #tpu.memory_space<semaphore_mem>>) {add = true}
        %dma_wait3A_326 = arith.constant 0 : i32
        %dma_wait3A_327 = arith.constant 0 : i32
        %dma_wait3A_328 = tpu.memref_slice %arg13[%run_scoped3A, %dma_wait3A_326, %dma_wait3A_327] : memref<2x128x32xf32, #tpu.memory_space<vmem>> -> memref<1x128x32xf32, #tpu.memory_space<vmem>>
        %dma_wait3A_329 = tpu.memref_squeeze %dma_wait3A_328 : memref<1x128x32xf32, #tpu.memory_space<vmem>> -> memref<128x32xf32, #tpu.memory_space<vmem>>
        %dma_wait3A_330 = arith.constant 0 : i32
        %dma_wait3A_331 = tpu.memref_slice %arg10[%run_scoped3A_312, %dma_wait3A_330] : memref<2x128xi32, #tpu.memory_space<vmem>> -> memref<1x128xi32, #tpu.memory_space<vmem>>
        %dma_wait3A_332 = tpu.memref_squeeze %dma_wait3A_331 : memref<1x128xi32, #tpu.memory_space<vmem>> -> memref<128xi32, #tpu.memory_space<vmem>>
        %dma_wait3A_333 = arith.constant 0 : i32
        %dma_wait3A_334 = arith.constant 0 : i32
        %dma_wait3A_335 = tpu.memref_slice %arg8[%dma_wait3A_333, %dma_wait3A_334] : memref<50000x32xf32, #tpu.memory_space<vmem_shared>> -> memref<50000x32xf32, #tpu.memory_space<vmem_shared>>
        tpu.wait_indirect_dma semaphore(%run_scoped3A_315 : memref<!tpu.dma_semaphore, #tpu.memory_space<semaphore_mem>>) src(%dma_wait3A_329 : memref<128x32xf32, #tpu.memory_space<vmem>>) dst(%dma_wait3A_335 : memref<50000x32xf32, #tpu.memory_space<vmem_shared>>)
        tpu.yield
      }) : () -> ()
      %run_scoped3A_313 = arith.constant 1 : i32
      %run_scoped3A_314 = arith.constant 1 : i32
      "tpu.region"() ({
        %run_scoped3A_315 = tpu.sem_alloc : memref<!tpu.dma_semaphore, #tpu.memory_space<semaphore_mem>>
        %dma_start3A_316 = arith.constant 0 : i32
        %dma_start3A_317 = arith.constant 0 : i32
        %dma_start3A_318 = tpu.memref_slice %arg13[%run_scoped3A_313, %dma_start3A_316, %dma_start3A_317] : memref<2x128x32xf32, #tpu.memory_space<vmem>> -> memref<1x128x32xf32, #tpu.memory_space<vmem>>
        %dma_start3A_319 = tpu.memref_squeeze %dma_start3A_318 : memref<1x128x32xf32, #tpu.memory_space<vmem>> -> memref<128x32xf32, #tpu.memory_space<vmem>>
        %dma_start3A_320 = arith.constant 0 : i32
        %dma_start3A_321 = tpu.memref_slice %arg10[%run_scoped3A_314, %dma_start3A_320] : memref<2x128xi32, #tpu.memory_space<vmem>> -> memref<1x128xi32, #tpu.memory_space<vmem>>
        %dma_start3A_322 = tpu.memref_squeeze %dma_start3A_321 : memref<1x128xi32, #tpu.memory_space<vmem>> -> memref<128xi32, #tpu.memory_space<vmem>>
        %dma_start3A_323 = arith.constant 0 : i32
        %dma_start3A_324 = arith.constant 0 : i32
        %dma_start3A_325 = tpu.memref_slice %arg8[%dma_start3A_323, %dma_start3A_324] : memref<50000x32xf32, #tpu.memory_space<vmem_shared>> -> memref<50000x32xf32, #tpu.memory_space<vmem_shared>>
        tpu.enqueue_indirect_dma source(%dma_start3A_319 : memref<128x32xf32, #tpu.memory_space<vmem>>) target(%dma_start3A_325 : memref<50000x32xf32, #tpu.memory_space<vmem_shared>>) offsets(%dma_start3A_322 : memref<128xi32, #tpu.memory_space<vmem>>) semaphore(%run_scoped3A_315 : memref<!tpu.dma_semaphore, #tpu.memory_space<semaphore_mem>>) {add = true}
        %dma_wait3A_326 = arith.constant 0 : i32
        %dma_wait3A_327 = arith.constant 0 : i32
        %dma_wait3A_328 = tpu.memref_slice %arg13[%run_scoped3A_313, %dma_wait3A_326, %dma_wait3A_327] : memref<2x128x32xf32, #tpu.memory_space<vmem>> -> memref<1x128x32xf32, #tpu.memory_space<vmem>>
        %dma_wait3A_329 = tpu.memref_squeeze %dma_wait3A_328 : memref<1x128x32xf32, #tpu.memory_space<vmem>> -> memref<128x32xf32, #tpu.memory_space<vmem>>
        %dma_wait3A_330 = arith.constant 0 : i32
        %dma_wait3A_331 = tpu.memref_slice %arg10[%run_scoped3A_314, %dma_wait3A_330] : memref<2x128xi32, #tpu.memory_space<vmem>> -> memref<1x128xi32, #tpu.memory_space<vmem>>
        %dma_wait3A_332 = tpu.memref_squeeze %dma_wait3A_331 : memref<1x128xi32, #tpu.memory_space<vmem>> -> memref<128xi32, #tpu.memory_space<vmem>>
        %dma_wait3A_333 = arith.constant 0 : i32
        %dma_wait3A_334 = arith.constant 0 : i32
        %dma_wait3A_335 = tpu.memref_slice %arg8[%dma_wait3A_333, %dma_wait3A_334] : memref<50000x32xf32, #tpu.memory_space<vmem_shared>> -> memref<50000x32xf32, #tpu.memory_space<vmem_shared>>
        tpu.wait_indirect_dma semaphore(%run_scoped3A_315 : memref<!tpu.dma_semaphore, #tpu.memory_space<semaphore_mem>>) src(%dma_wait3A_329 : memref<128x32xf32, #tpu.memory_space<vmem>>) dst(%dma_wait3A_335 : memref<50000x32xf32, #tpu.memory_space<vmem_shared>>)
        tpu.yield
      }) : () -> ()
    }
    %while3A_36 = arith.constant 1 : i32
    scf.for %while3A_43 = %while3A_34 to %while3A_30 step %while3A_36  : i32 {
      %mul3A_44 = arith.constant 16 : i32
      %mul3A_45 = arith.muli %while3A_43, %mul3A_44 : i32
      %add3A_46 = arith.addi %arg1, %mul3A_45 : i32
      %mul3A_47 = arith.constant 2 : i32
      %mul3A_48 = arith.muli %add3A_46, %mul3A_47 : i32
      "tpu.region"() ({
        %run_scoped3A_315 = tpu.sem_alloc : memref<!tpu.dma_semaphore, #tpu.memory_space<semaphore_mem>>
        %dma_start3A_316 = arith.constant 0 : i32
        %dma_start3A_317 = tpu.memref_slice %arg2[%mul3A_48, %dma_start3A_316] : memref<6250x128xi32, #tpu.memory_space<hbm>> -> memref<2x128xi32, #tpu.memory_space<hbm>>
        %dma_start3A_318 = arith.constant 0 : i32
        %dma_start3A_319 = tpu.memref_slice %arg2[%mul3A_48, %dma_start3A_318] : memref<6250x128xi32, #tpu.memory_space<hbm>> -> memref<2x128xi32, #tpu.memory_space<hbm>>
        tpu.enqueue_dma source(%dma_start3A_319 : memref<2x128xi32, #tpu.memory_space<hbm>>) target(%arg9 : memref<2x128xi32, #tpu.memory_space<vmem>>) target_semaphore(%run_scoped3A_315 : memref<!tpu.dma_semaphore, #tpu.memory_space<semaphore_mem>>)
        %dma_wait3A_320 = arith.constant 0 : i32
        %dma_wait3A_321 = tpu.memref_slice %arg2[%mul3A_48, %dma_wait3A_320] : memref<6250x128xi32, #tpu.memory_space<hbm>> -> memref<2x128xi32, #tpu.memory_space<hbm>>
        %dma_wait3A_322 = arith.constant 0 : i32
        %dma_wait3A_323 = tpu.memref_slice %arg2[%mul3A_48, %dma_wait3A_322] : memref<6250x128xi32, #tpu.memory_space<hbm>> -> memref<2x128xi32, #tpu.memory_space<hbm>>
        tpu.wait_dma2 semaphore(%run_scoped3A_315 : memref<!tpu.dma_semaphore, #tpu.memory_space<semaphore_mem>>) src(%dma_wait3A_323 : memref<2x128xi32, #tpu.memory_space<hbm>>) dst(%arg9 : memref<2x128xi32, #tpu.memory_space<vmem>>)
        tpu.yield
      }) : () -> ()
      "tpu.region"() ({
        %run_scoped3A_315 = tpu.sem_alloc : memref<!tpu.dma_semaphore, #tpu.memory_space<semaphore_mem>>
        %dma_start3A_316 = arith.constant 0 : i32
        %dma_start3A_317 = tpu.memref_slice %arg3[%mul3A_48, %dma_start3A_316] : memref<6250x128xi32, #tpu.memory_space<hbm>> -> memref<2x128xi32, #tpu.memory_space<hbm>>
        %dma_start3A_318 = arith.constant 0 : i32
        %dma_start3A_319 = tpu.memref_slice %arg3[%mul3A_48, %dma_start3A_318] : memref<6250x128xi32, #tpu.memory_space<hbm>> -> memref<2x128xi32, #tpu.memory_space<hbm>>
        tpu.enqueue_dma source(%dma_start3A_319 : memref<2x128xi32, #tpu.memory_space<hbm>>) target(%arg10 : memref<2x128xi32, #tpu.memory_space<vmem>>) target_semaphore(%run_scoped3A_315 : memref<!tpu.dma_semaphore, #tpu.memory_space<semaphore_mem>>)
        %dma_wait3A_320 = arith.constant 0 : i32
        %dma_wait3A_321 = tpu.memref_slice %arg3[%mul3A_48, %dma_wait3A_320] : memref<6250x128xi32, #tpu.memory_space<hbm>> -> memref<2x128xi32, #tpu.memory_space<hbm>>
        %dma_wait3A_322 = arith.constant 0 : i32
        %dma_wait3A_323 = tpu.memref_slice %arg3[%mul3A_48, %dma_wait3A_322] : memref<6250x128xi32, #tpu.memory_space<hbm>> -> memref<2x128xi32, #tpu.memory_space<hbm>>
        tpu.wait_dma2 semaphore(%run_scoped3A_315 : memref<!tpu.dma_semaphore, #tpu.memory_space<semaphore_mem>>) src(%dma_wait3A_323 : memref<2x128xi32, #tpu.memory_space<hbm>>) dst(%arg10 : memref<2x128xi32, #tpu.memory_space<vmem>>)
        tpu.yield
      }) : () -> ()
      %get3A = arith.constant 0 : i32
      %get3A_49 = arith.index_cast %get3A : i32 to index
      %get3A_50 = arith.constant 0 : index
      %get3A_51 = tpu.vector_load %arg9[%get3A_49, %get3A_50] {strides = array<i32>} : memref<2x128xi32, #tpu.memory_space<vmem>>, vector<1x16xi32>,
      %get3A_52 = vector.shape_cast %get3A_51 : vector<1x16xi32> to vector<16xi32>
      %add3A_53 = vector.broadcast %mul3A_2 : i32 to vector<16xi32>
      %add3A_54 = arith.addi %get3A_52, %add3A_53 : vector<16xi32>
      %swap3A = arith.constant 0 : i32
      %swap3A_55 = arith.index_cast %swap3A : i32 to index
      %swap3A_56 = arith.constant 0 : index
      %swap3A_57 = tpu.vector_load %arg11[%swap3A_55, %swap3A_56] {strides = array<i32>} : memref<2x128xi32, #tpu.memory_space<vmem>>, vector<1x16xi32>,
      %swap3A_58 = vector.shape_cast %swap3A_57 : vector<1x16xi32> to vector<16xi32>
      %swap3A_59 = vector.shape_cast %add3A_54 : vector<16xi32> to vector<1x16xi32>
      tpu.vector_store %arg11[%swap3A_55, %swap3A_56], %swap3A_59 {strides = array<i32>} : memref<2x128xi32, #tpu.memory_space<vmem>>, vector<1x16xi32>,
      %get3A_60 = arith.constant 0 : i32
      %get3A_61 = arith.index_cast %get3A_60 : i32 to index
      %get3A_62 = arith.constant 16 : index
      %get3A_63 = tpu.vector_load %arg9[%get3A_61, %get3A_62] {strides = array<i32>} : memref<2x128xi32, #tpu.memory_space<vmem>>, vector<1x16xi32>,
      %get3A_64 = vector.shape_cast %get3A_63 : vector<1x16xi32> to vector<16xi32>
      %add3A_65 = vector.broadcast %mul3A_2 : i32 to vector<16xi32>
      %add3A_66 = arith.addi %get3A_64, %add3A_65 : vector<16xi32>
      %swap3A_67 = arith.constant 0 : i32
      %swap3A_68 = arith.index_cast %swap3A_67 : i32 to index
      %swap3A_69 = arith.constant 16 : index
      %swap3A_70 = tpu.vector_load %arg11[%swap3A_68, %swap3A_69] {strides = array<i32>} : memref<2x128xi32, #tpu.memory_space<vmem>>, vector<1x16xi32>,
      %swap3A_71 = vector.shape_cast %swap3A_70 : vector<1x16xi32> to vector<16xi32>
      %swap3A_72 = vector.shape_cast %add3A_66 : vector<16xi32> to vector<1x16xi32>
      tpu.vector_store %arg11[%swap3A_68, %swap3A_69], %swap3A_72 {strides = array<i32>} : memref<2x128xi32, #tpu.memory_space<vmem>>, vector<1x16xi32>,
      %get3A_73 = arith.constant 0 : i32
      %get3A_74 = arith.index_cast %get3A_73 : i32 to index
      %get3A_75 = arith.constant 32 : index
      %get3A_76 = tpu.vector_load %arg9[%get3A_74, %get3A_75] {strides = array<i32>} : memref<2x128xi32, #tpu.memory_space<vmem>>, vector<1x16xi32>,
      %get3A_77 = vector.shape_cast %get3A_76 : vector<1x16xi32> to vector<16xi32>
      %add3A_78 = vector.broadcast %mul3A_2 : i32 to vector<16xi32>
      %add3A_79 = arith.addi %get3A_77, %add3A_78 : vector<16xi32>
      %swap3A_80 = arith.constant 0 : i32
      %swap3A_81 = arith.index_cast %swap3A_80 : i32 to index
      %swap3A_82 = arith.constant 32 : index
      %swap3A_83 = tpu.vector_load %arg11[%swap3A_81, %swap3A_82] {strides = array<i32>} : memref<2x128xi32, #tpu.memory_space<vmem>>, vector<1x16xi32>,
      %swap3A_84 = vector.shape_cast %swap3A_83 : vector<1x16xi32> to vector<16xi32>
      %swap3A_85 = vector.shape_cast %add3A_79 : vector<16xi32> to vector<1x16xi32>
      tpu.vector_store %arg11[%swap3A_81, %swap3A_82], %swap3A_85 {strides = array<i32>} : memref<2x128xi32, #tpu.memory_space<vmem>>, vector<1x16xi32>,
      %get3A_86 = arith.constant 0 : i32
      %get3A_87 = arith.index_cast %get3A_86 : i32 to index
      %get3A_88 = arith.constant 48 : index
      %get3A_89 = tpu.vector_load %arg9[%get3A_87, %get3A_88] {strides = array<i32>} : memref<2x128xi32, #tpu.memory_space<vmem>>, vector<1x16xi32>,
      %get3A_90 = vector.shape_cast %get3A_89 : vector<1x16xi32> to vector<16xi32>
      %add3A_91 = vector.broadcast %mul3A_2 : i32 to vector<16xi32>
      %add3A_92 = arith.addi %get3A_90, %add3A_91 : vector<16xi32>
      %swap3A_93 = arith.constant 0 : i32
      %swap3A_94 = arith.index_cast %swap3A_93 : i32 to index
      %swap3A_95 = arith.constant 48 : index
      %swap3A_96 = tpu.vector_load %arg11[%swap3A_94, %swap3A_95] {strides = array<i32>} : memref<2x128xi32, #tpu.memory_space<vmem>>, vector<1x16xi32>,
      %swap3A_97 = vector.shape_cast %swap3A_96 : vector<1x16xi32> to vector<16xi32>
      %swap3A_98 = vector.shape_cast %add3A_92 : vector<16xi32> to vector<1x16xi32>
      tpu.vector_store %arg11[%swap3A_94, %swap3A_95], %swap3A_98 {strides = array<i32>} : memref<2x128xi32, #tpu.memory_space<vmem>>, vector<1x16xi32>,
      %get3A_99 = arith.constant 0 : i32
      %get3A_100 = arith.index_cast %get3A_99 : i32 to index
      %get3A_101 = arith.constant 64 : index
      %get3A_102 = tpu.vector_load %arg9[%get3A_100, %get3A_101] {strides = array<i32>} : memref<2x128xi32, #tpu.memory_space<vmem>>, vector<1x16xi32>,
      %get3A_103 = vector.shape_cast %get3A_102 : vector<1x16xi32> to vector<16xi32>
      %add3A_104 = vector.broadcast %mul3A_2 : i32 to vector<16xi32>
      %add3A_105 = arith.addi %get3A_103, %add3A_104 : vector<16xi32>
      %swap3A_106 = arith.constant 0 : i32
      %swap3A_107 = arith.index_cast %swap3A_106 : i32 to index
      %swap3A_108 = arith.constant 64 : index
      %swap3A_109 = tpu.vector_load %arg11[%swap3A_107, %swap3A_108] {strides = array<i32>} : memref<2x128xi32, #tpu.memory_space<vmem>>, vector<1x16xi32>,
      %swap3A_110 = vector.shape_cast %swap3A_109 : vector<1x16xi32> to vector<16xi32>
      %swap3A_111 = vector.shape_cast %add3A_105 : vector<16xi32> to vector<1x16xi32>
      tpu.vector_store %arg11[%swap3A_107, %swap3A_108], %swap3A_111 {strides = array<i32>} : memref<2x128xi32, #tpu.memory_space<vmem>>, vector<1x16xi32>,
      %get3A_112 = arith.constant 0 : i32
      %get3A_113 = arith.index_cast %get3A_112 : i32 to index
      %get3A_114 = arith.constant 80 : index
      %get3A_115 = tpu.vector_load %arg9[%get3A_113, %get3A_114] {strides = array<i32>} : memref<2x128xi32, #tpu.memory_space<vmem>>, vector<1x16xi32>,
      %get3A_116 = vector.shape_cast %get3A_115 : vector<1x16xi32> to vector<16xi32>
      %add3A_117 = vector.broadcast %mul3A_2 : i32 to vector<16xi32>
      %add3A_118 = arith.addi %get3A_116, %add3A_117 : vector<16xi32>
      %swap3A_119 = arith.constant 0 : i32
      %swap3A_120 = arith.index_cast %swap3A_119 : i32 to index
      %swap3A_121 = arith.constant 80 : index
      %swap3A_122 = tpu.vector_load %arg11[%swap3A_120, %swap3A_121] {strides = array<i32>} : memref<2x128xi32, #tpu.memory_space<vmem>>, vector<1x16xi32>,
      %swap3A_123 = vector.shape_cast %swap3A_122 : vector<1x16xi32> to vector<16xi32>
      %swap3A_124 = vector.shape_cast %add3A_118 : vector<16xi32> to vector<1x16xi32>
      tpu.vector_store %arg11[%swap3A_120, %swap3A_121], %swap3A_124 {strides = array<i32>} : memref<2x128xi32, #tpu.memory_space<vmem>>, vector<1x16xi32>,
      %get3A_125 = arith.constant 0 : i32
      %get3A_126 = arith.index_cast %get3A_125 : i32 to index
      %get3A_127 = arith.constant 96 : index
      %get3A_128 = tpu.vector_load %arg9[%get3A_126, %get3A_127] {strides = array<i32>} : memref<2x128xi32, #tpu.memory_space<vmem>>, vector<1x16xi32>,
      %get3A_129 = vector.shape_cast %get3A_128 : vector<1x16xi32> to vector<16xi32>
      %add3A_130 = vector.broadcast %mul3A_2 : i32 to vector<16xi32>
      %add3A_131 = arith.addi %get3A_129, %add3A_130 : vector<16xi32>
      %swap3A_132 = arith.constant 0 : i32
      %swap3A_133 = arith.index_cast %swap3A_132 : i32 to index
      %swap3A_134 = arith.constant 96 : index
      %swap3A_135 = tpu.vector_load %arg11[%swap3A_133, %swap3A_134] {strides = array<i32>} : memref<2x128xi32, #tpu.memory_space<vmem>>, vector<1x16xi32>,
      %swap3A_136 = vector.shape_cast %swap3A_135 : vector<1x16xi32> to vector<16xi32>
      %swap3A_137 = vector.shape_cast %add3A_131 : vector<16xi32> to vector<1x16xi32>
      tpu.vector_store %arg11[%swap3A_133, %swap3A_134], %swap3A_137 {strides = array<i32>} : memref<2x128xi32, #tpu.memory_space<vmem>>, vector<1x16xi32>,
      %get3A_138 = arith.constant 0 : i32
      %get3A_139 = arith.index_cast %get3A_138 : i32 to index
      %get3A_140 = arith.constant 112 : index
      %get3A_141 = tpu.vector_load %arg9[%get3A_139, %get3A_140] {strides = array<i32>} : memref<2x128xi32, #tpu.memory_space<vmem>>, vector<1x16xi32>,
      %get3A_142 = vector.shape_cast %get3A_141 : vector<1x16xi32> to vector<16xi32>
      %add3A_143 = vector.broadcast %mul3A_2 : i32 to vector<16xi32>
      %add3A_144 = arith.addi %get3A_142, %add3A_143 : vector<16xi32>
      %swap3A_145 = arith.constant 0 : i32
      %swap3A_146 = arith.index_cast %swap3A_145 : i32 to index
      %swap3A_147 = arith.constant 112 : index
      %swap3A_148 = tpu.vector_load %arg11[%swap3A_146, %swap3A_147] {strides = array<i32>} : memref<2x128xi32, #tpu.memory_space<vmem>>, vector<1x16xi32>,
      %swap3A_149 = vector.shape_cast %swap3A_148 : vector<1x16xi32> to vector<16xi32>
      %swap3A_150 = vector.shape_cast %add3A_144 : vector<16xi32> to vector<1x16xi32>
      tpu.vector_store %arg11[%swap3A_146, %swap3A_147], %swap3A_150 {strides = array<i32>} : memref<2x128xi32, #tpu.memory_space<vmem>>, vector<1x16xi32>,
      %get3A_151 = arith.constant 1 : i32
      %get3A_152 = arith.index_cast %get3A_151 : i32 to index
      %get3A_153 = arith.constant 0 : index
      %get3A_154 = tpu.vector_load %arg9[%get3A_152, %get3A_153] {strides = array<i32>} : memref<2x128xi32, #tpu.memory_space<vmem>>, vector<1x16xi32>,
      %get3A_155 = vector.shape_cast %get3A_154 : vector<1x16xi32> to vector<16xi32>
      %add3A_156 = vector.broadcast %mul3A_2 : i32 to vector<16xi32>
      %add3A_157 = arith.addi %get3A_155, %add3A_156 : vector<16xi32>
      %swap3A_158 = arith.constant 1 : i32
      %swap3A_159 = arith.index_cast %swap3A_158 : i32 to index
      %swap3A_160 = arith.constant 0 : index
      %swap3A_161 = tpu.vector_load %arg11[%swap3A_159, %swap3A_160] {strides = array<i32>} : memref<2x128xi32, #tpu.memory_space<vmem>>, vector<1x16xi32>,
      %swap3A_162 = vector.shape_cast %swap3A_161 : vector<1x16xi32> to vector<16xi32>
      %swap3A_163 = vector.shape_cast %add3A_157 : vector<16xi32> to vector<1x16xi32>
      tpu.vector_store %arg11[%swap3A_159, %swap3A_160], %swap3A_163 {strides = array<i32>} : memref<2x128xi32, #tpu.memory_space<vmem>>, vector<1x16xi32>,
      %get3A_164 = arith.constant 1 : i32
      %get3A_165 = arith.index_cast %get3A_164 : i32 to index
      %get3A_166 = arith.constant 16 : index
      %get3A_167 = tpu.vector_load %arg9[%get3A_165, %get3A_166] {strides = array<i32>} : memref<2x128xi32, #tpu.memory_space<vmem>>, vector<1x16xi32>,
      %get3A_168 = vector.shape_cast %get3A_167 : vector<1x16xi32> to vector<16xi32>
      %add3A_169 = vector.broadcast %mul3A_2 : i32 to vector<16xi32>
      %add3A_170 = arith.addi %get3A_168, %add3A_169 : vector<16xi32>
      %swap3A_171 = arith.constant 1 : i32
      %swap3A_172 = arith.index_cast %swap3A_171 : i32 to index
      %swap3A_173 = arith.constant 16 : index
      %swap3A_174 = tpu.vector_load %arg11[%swap3A_172, %swap3A_173] {strides = array<i32>} : memref<2x128xi32, #tpu.memory_space<vmem>>, vector<1x16xi32>,
      %swap3A_175 = vector.shape_cast %swap3A_174 : vector<1x16xi32> to vector<16xi32>
      %swap3A_176 = vector.shape_cast %add3A_170 : vector<16xi32> to vector<1x16xi32>
      tpu.vector_store %arg11[%swap3A_172, %swap3A_173], %swap3A_176 {strides = array<i32>} : memref<2x128xi32, #tpu.memory_space<vmem>>, vector<1x16xi32>,
      %get3A_177 = arith.constant 1 : i32
      %get3A_178 = arith.index_cast %get3A_177 : i32 to index
      %get3A_179 = arith.constant 32 : index
      %get3A_180 = tpu.vector_load %arg9[%get3A_178, %get3A_179] {strides = array<i32>} : memref<2x128xi32, #tpu.memory_space<vmem>>, vector<1x16xi32>,
      %get3A_181 = vector.shape_cast %get3A_180 : vector<1x16xi32> to vector<16xi32>
      %add3A_182 = vector.broadcast %mul3A_2 : i32 to vector<16xi32>
      %add3A_183 = arith.addi %get3A_181, %add3A_182 : vector<16xi32>
      %swap3A_184 = arith.constant 1 : i32
      %swap3A_185 = arith.index_cast %swap3A_184 : i32 to index
      %swap3A_186 = arith.constant 32 : index
      %swap3A_187 = tpu.vector_load %arg11[%swap3A_185, %swap3A_186] {strides = array<i32>} : memref<2x128xi32, #tpu.memory_space<vmem>>, vector<1x16xi32>,
      %swap3A_188 = vector.shape_cast %swap3A_187 : vector<1x16xi32> to vector<16xi32>
      %swap3A_189 = vector.shape_cast %add3A_183 : vector<16xi32> to vector<1x16xi32>
      tpu.vector_store %arg11[%swap3A_185, %swap3A_186], %swap3A_189 {strides = array<i32>} : memref<2x128xi32, #tpu.memory_space<vmem>>, vector<1x16xi32>,
      %get3A_190 = arith.constant 1 : i32
      %get3A_191 = arith.index_cast %get3A_190 : i32 to index
      %get3A_192 = arith.constant 48 : index
      %get3A_193 = tpu.vector_load %arg9[%get3A_191, %get3A_192] {strides = array<i32>} : memref<2x128xi32, #tpu.memory_space<vmem>>, vector<1x16xi32>,
      %get3A_194 = vector.shape_cast %get3A_193 : vector<1x16xi32> to vector<16xi32>
      %add3A_195 = vector.broadcast %mul3A_2 : i32 to vector<16xi32>
      %add3A_196 = arith.addi %get3A_194, %add3A_195 : vector<16xi32>
      %swap3A_197 = arith.constant 1 : i32
      %swap3A_198 = arith.index_cast %swap3A_197 : i32 to index
      %swap3A_199 = arith.constant 48 : index
      %swap3A_200 = tpu.vector_load %arg11[%swap3A_198, %swap3A_199] {strides = array<i32>} : memref<2x128xi32, #tpu.memory_space<vmem>>, vector<1x16xi32>,
      %swap3A_201 = vector.shape_cast %swap3A_200 : vector<1x16xi32> to vector<16xi32>
      %swap3A_202 = vector.shape_cast %add3A_196 : vector<16xi32> to vector<1x16xi32>
      tpu.vector_store %arg11[%swap3A_198, %swap3A_199], %swap3A_202 {strides = array<i32>} : memref<2x128xi32, #tpu.memory_space<vmem>>, vector<1x16xi32>,
      %get3A_203 = arith.constant 1 : i32
      %get3A_204 = arith.index_cast %get3A_203 : i32 to index
      %get3A_205 = arith.constant 64 : index
      %get3A_206 = tpu.vector_load %arg9[%get3A_204, %get3A_205] {strides = array<i32>} : memref<2x128xi32, #tpu.memory_space<vmem>>, vector<1x16xi32>,
      %get3A_207 = vector.shape_cast %get3A_206 : vector<1x16xi32> to vector<16xi32>
      %add3A_208 = vector.broadcast %mul3A_2 : i32 to vector<16xi32>
      %add3A_209 = arith.addi %get3A_207, %add3A_208 : vector<16xi32>
      %swap3A_210 = arith.constant 1 : i32
      %swap3A_211 = arith.index_cast %swap3A_210 : i32 to index
      %swap3A_212 = arith.constant 64 : index
      %swap3A_213 = tpu.vector_load %arg11[%swap3A_211, %swap3A_212] {strides = array<i32>} : memref<2x128xi32, #tpu.memory_space<vmem>>, vector<1x16xi32>,
      %swap3A_214 = vector.shape_cast %swap3A_213 : vector<1x16xi32> to vector<16xi32>
      %swap3A_215 = vector.shape_cast %add3A_209 : vector<16xi32> to vector<1x16xi32>
      tpu.vector_store %arg11[%swap3A_211, %swap3A_212], %swap3A_215 {strides = array<i32>} : memref<2x128xi32, #tpu.memory_space<vmem>>, vector<1x16xi32>,
      %get3A_216 = arith.constant 1 : i32
      %get3A_217 = arith.index_cast %get3A_216 : i32 to index
      %get3A_218 = arith.constant 80 : index
      %get3A_219 = tpu.vector_load %arg9[%get3A_217, %get3A_218] {strides = array<i32>} : memref<2x128xi32, #tpu.memory_space<vmem>>, vector<1x16xi32>,
      %get3A_220 = vector.shape_cast %get3A_219 : vector<1x16xi32> to vector<16xi32>
      %add3A_221 = vector.broadcast %mul3A_2 : i32 to vector<16xi32>
      %add3A_222 = arith.addi %get3A_220, %add3A_221 : vector<16xi32>
      %swap3A_223 = arith.constant 1 : i32
      %swap3A_224 = arith.index_cast %swap3A_223 : i32 to index
      %swap3A_225 = arith.constant 80 : index
      %swap3A_226 = tpu.vector_load %arg11[%swap3A_224, %swap3A_225] {strides = array<i32>} : memref<2x128xi32, #tpu.memory_space<vmem>>, vector<1x16xi32>,
      %swap3A_227 = vector.shape_cast %swap3A_226 : vector<1x16xi32> to vector<16xi32>
      %swap3A_228 = vector.shape_cast %add3A_222 : vector<16xi32> to vector<1x16xi32>
      tpu.vector_store %arg11[%swap3A_224, %swap3A_225], %swap3A_228 {strides = array<i32>} : memref<2x128xi32, #tpu.memory_space<vmem>>, vector<1x16xi32>,
      %get3A_229 = arith.constant 1 : i32
      %get3A_230 = arith.index_cast %get3A_229 : i32 to index
      %get3A_231 = arith.constant 96 : index
      %get3A_232 = tpu.vector_load %arg9[%get3A_230, %get3A_231] {strides = array<i32>} : memref<2x128xi32, #tpu.memory_space<vmem>>, vector<1x16xi32>,
      %get3A_233 = vector.shape_cast %get3A_232 : vector<1x16xi32> to vector<16xi32>
      %add3A_234 = vector.broadcast %mul3A_2 : i32 to vector<16xi32>
      %add3A_235 = arith.addi %get3A_233, %add3A_234 : vector<16xi32>
      %swap3A_236 = arith.constant 1 : i32
      %swap3A_237 = arith.index_cast %swap3A_236 : i32 to index
      %swap3A_238 = arith.constant 96 : index
      %swap3A_239 = tpu.vector_load %arg11[%swap3A_237, %swap3A_238] {strides = array<i32>} : memref<2x128xi32, #tpu.memory_space<vmem>>, vector<1x16xi32>,
      %swap3A_240 = vector.shape_cast %swap3A_239 : vector<1x16xi32> to vector<16xi32>
      %swap3A_241 = vector.shape_cast %add3A_235 : vector<16xi32> to vector<1x16xi32>
      tpu.vector_store %arg11[%swap3A_237, %swap3A_238], %swap3A_241 {strides = array<i32>} : memref<2x128xi32, #tpu.memory_space<vmem>>, vector<1x16xi32>,
      %get3A_242 = arith.constant 1 : i32
      %get3A_243 = arith.index_cast %get3A_242 : i32 to index
      %get3A_244 = arith.constant 112 : index
      %get3A_245 = tpu.vector_load %arg9[%get3A_243, %get3A_244] {strides = array<i32>} : memref<2x128xi32, #tpu.memory_space<vmem>>, vector<1x16xi32>,
      %get3A_246 = vector.shape_cast %get3A_245 : vector<1x16xi32> to vector<16xi32>
      %add3A_247 = vector.broadcast %mul3A_2 : i32 to vector<16xi32>
      %add3A_248 = arith.addi %get3A_246, %add3A_247 : vector<16xi32>
      %swap3A_249 = arith.constant 1 : i32
      %swap3A_250 = arith.index_cast %swap3A_249 : i32 to index
      %swap3A_251 = arith.constant 112 : index
      %swap3A_252 = tpu.vector_load %arg11[%swap3A_250, %swap3A_251] {strides = array<i32>} : memref<2x128xi32, #tpu.memory_space<vmem>>, vector<1x16xi32>,
      %swap3A_253 = vector.shape_cast %swap3A_252 : vector<1x16xi32> to vector<16xi32>
      %swap3A_254 = vector.shape_cast %add3A_248 : vector<16xi32> to vector<1x16xi32>
      tpu.vector_store %arg11[%swap3A_250, %swap3A_251], %swap3A_254 {strides = array<i32>} : memref<2x128xi32, #tpu.memory_space<vmem>>, vector<1x16xi32>,
      %dma_start3A = arith.constant 0 : i32
      %dma_start3A_255 = arith.constant 0 : i32
      %dma_start3A_256 = arith.constant 0 : i32
      %dma_start3A_257 = arith.constant 0 : i32
      %dma_start3A_258 = tpu.memref_slice %arg12[%dma_start3A_255, %dma_start3A_256, %dma_start3A_257] : memref<2x128x32xf32, #tpu.memory_space<vmem>> -> memref<1x128x32xf32, #tpu.memory_space<vmem>>
      %dma_start3A_259 = tpu.memref_squeeze %dma_start3A_258 : memref<1x128x32xf32, #tpu.memory_space<vmem>> -> memref<128x32xf32, #tpu.memory_space<vmem>>
      %dma_start3A_260 = arith.constant 0 : i32
      %dma_start3A_261 = tpu.memref_slice %arg11[%dma_start3A, %dma_start3A_260] : memref<2x128xi32, #tpu.memory_space<vmem>> -> memref<1x128xi32, #tpu.memory_space<vmem>>
      %dma_start3A_262 = tpu.memref_squeeze %dma_start3A_261 : memref<1x128xi32, #tpu.memory_space<vmem>> -> memref<128xi32, #tpu.memory_space<vmem>>
      %dma_start3A_263 = arith.constant 0 : i32
      %dma_start3A_264 = arith.constant 0 : i32
      %dma_start3A_265 = tpu.memref_slice %arg4[%dma_start3A_263, %dma_start3A_264] : memref<100000x32xf32, #tpu.memory_space<hbm>> -> memref<100000x32xf32, #tpu.memory_space<hbm>>
      tpu.enqueue_indirect_dma source(%dma_start3A_265 : memref<100000x32xf32, #tpu.memory_space<hbm>>) target(%dma_start3A_259 : memref<128x32xf32, #tpu.memory_space<vmem>>) offsets(%dma_start3A_262 : memref<128xi32, #tpu.memory_space<vmem>>) semaphore(%arg14 : memref<!tpu.dma_semaphore, #tpu.memory_space<semaphore_mem>>)
      %dma_start3A_266 = arith.constant 1 : i32
      %dma_start3A_267 = arith.constant 1 : i32
      %dma_start3A_268 = arith.constant 0 : i32
      %dma_start3A_269 = arith.constant 0 : i32
      %dma_start3A_270 = tpu.memref_slice %arg12[%dma_start3A_267, %dma_start3A_268, %dma_start3A_269] : memref<2x128x32xf32, #tpu.memory_space<vmem>> -> memref<1x128x32xf32, #tpu.memory_space<vmem>>
      %dma_start3A_271 = tpu.memref_squeeze %dma_start3A_270 : memref<1x128x32xf32, #tpu.memory_space<vmem>> -> memref<128x32xf32, #tpu.memory_space<vmem>>
      %dma_start3A_272 = arith.constant 0 : i32
      %dma_start3A_273 = tpu.memref_slice %arg11[%dma_start3A_266, %dma_start3A_272] : memref<2x128xi32, #tpu.memory_space<vmem>> -> memref<1x128xi32, #tpu.memory_space<vmem>>
      %dma_start3A_274 = tpu.memref_squeeze %dma_start3A_273 : memref<1x128xi32, #tpu.memory_space<vmem>> -> memref<128xi32, #tpu.memory_space<vmem>>
      %dma_start3A_275 = arith.constant 0 : i32
      %dma_start3A_276 = arith.constant 0 : i32
      %dma_start3A_277 = tpu.memref_slice %arg4[%dma_start3A_275, %dma_start3A_276] : memref<100000x32xf32, #tpu.memory_space<hbm>> -> memref<100000x32xf32, #tpu.memory_space<hbm>>
      tpu.enqueue_indirect_dma source(%dma_start3A_277 : memref<100000x32xf32, #tpu.memory_space<hbm>>) target(%dma_start3A_271 : memref<128x32xf32, #tpu.memory_space<vmem>>) offsets(%dma_start3A_274 : memref<128xi32, #tpu.memory_space<vmem>>) semaphore(%arg14 : memref<!tpu.dma_semaphore, #tpu.memory_space<semaphore_mem>>)
      "tpu.region"() ({
        %run_scoped3A_315 = tpu.sem_alloc : memref<!tpu.dma_semaphore, #tpu.memory_space<semaphore_mem>>
        %dma_start3A_316 = arith.constant 0 : i32
        %dma_start3A_317 = tpu.memref_slice %arg5[%mul3A_48, %dma_start3A_316, %add3A_5] : memref<6250x128x128xf32, #tpu.memory_space<hbm>> -> memref<2x128x32xf32, #tpu.memory_space<hbm>>
        %dma_start3A_318 = arith.constant 0 : i32
        %dma_start3A_319 = tpu.memref_slice %arg5[%mul3A_48, %dma_start3A_318, %add3A_5] : memref<6250x128x128xf32, #tpu.memory_space<hbm>> -> memref<2x128x32xf32, #tpu.memory_space<hbm>>
        tpu.enqueue_dma source(%dma_start3A_319 : memref<2x128x32xf32, #tpu.memory_space<hbm>>) target(%arg13 : memref<2x128x32xf32, #tpu.memory_space<vmem>>) target_semaphore(%run_scoped3A_315 : memref<!tpu.dma_semaphore, #tpu.memory_space<semaphore_mem>>)
        %dma_wait3A_320 = arith.constant 0 : i32
        %dma_wait3A_321 = tpu.memref_slice %arg5[%mul3A_48, %dma_wait3A_320, %add3A_5] : memref<6250x128x128xf32, #tpu.memory_space<hbm>> -> memref<2x128x32xf32, #tpu.memory_space<hbm>>
        %dma_wait3A_322 = arith.constant 0 : i32
        %dma_wait3A_323 = tpu.memref_slice %arg5[%mul3A_48, %dma_wait3A_322, %add3A_5] : memref<6250x128x128xf32, #tpu.memory_space<hbm>> -> memref<2x128x32xf32, #tpu.memory_space<hbm>>
        tpu.wait_dma2 semaphore(%run_scoped3A_315 : memref<!tpu.dma_semaphore, #tpu.memory_space<semaphore_mem>>) src(%dma_wait3A_323 : memref<2x128x32xf32, #tpu.memory_space<hbm>>) dst(%arg13 : memref<2x128x32xf32, #tpu.memory_space<vmem>>)
        tpu.yield
      }) : () -> ()
      %dma_wait3A = arith.constant 0 : i32
      %dma_wait3A_278 = arith.constant 0 : i32
      %dma_wait3A_279 = arith.constant 0 : i32
      %dma_wait3A_280 = arith.constant 0 : i32
      %dma_wait3A_281 = tpu.memref_slice %arg12[%dma_wait3A_278, %dma_wait3A_279, %dma_wait3A_280] : memref<2x128x32xf32, #tpu.memory_space<vmem>> -> memref<1x128x32xf32, #tpu.memory_space<vmem>>
      %dma_wait3A_282 = tpu.memref_squeeze %dma_wait3A_281 : memref<1x128x32xf32, #tpu.memory_space<vmem>> -> memref<128x32xf32, #tpu.memory_space<vmem>>
      %dma_wait3A_283 = arith.constant 0 : i32
      %dma_wait3A_284 = tpu.memref_slice %arg11[%dma_wait3A, %dma_wait3A_283] : memref<2x128xi32, #tpu.memory_space<vmem>> -> memref<1x128xi32, #tpu.memory_space<vmem>>
      %dma_wait3A_285 = tpu.memref_squeeze %dma_wait3A_284 : memref<1x128xi32, #tpu.memory_space<vmem>> -> memref<128xi32, #tpu.memory_space<vmem>>
      %dma_wait3A_286 = arith.constant 0 : i32
      %dma_wait3A_287 = arith.constant 0 : i32
      %dma_wait3A_288 = tpu.memref_slice %arg4[%dma_wait3A_286, %dma_wait3A_287] : memref<100000x32xf32, #tpu.memory_space<hbm>> -> memref<100000x32xf32, #tpu.memory_space<hbm>>
      tpu.wait_indirect_dma semaphore(%arg14 : memref<!tpu.dma_semaphore, #tpu.memory_space<semaphore_mem>>) src(%dma_wait3A_288 : memref<100000x32xf32, #tpu.memory_space<hbm>>) dst(%dma_wait3A_282 : memref<128x32xf32, #tpu.memory_space<vmem>>)
      %dma_wait3A_289 = arith.constant 1 : i32
      %dma_wait3A_290 = arith.constant 1 : i32
      %dma_wait3A_291 = arith.constant 0 : i32
      %dma_wait3A_292 = arith.constant 0 : i32
      %dma_wait3A_293 = tpu.memref_slice %arg12[%dma_wait3A_290, %dma_wait3A_291, %dma_wait3A_292] : memref<2x128x32xf32, #tpu.memory_space<vmem>> -> memref<1x128x32xf32, #tpu.memory_space<vmem>>
      %dma_wait3A_294 = tpu.memref_squeeze %dma_wait3A_293 : memref<1x128x32xf32, #tpu.memory_space<vmem>> -> memref<128x32xf32, #tpu.memory_space<vmem>>
      %dma_wait3A_295 = arith.constant 0 : i32
      %dma_wait3A_296 = tpu.memref_slice %arg11[%dma_wait3A_289, %dma_wait3A_295] : memref<2x128xi32, #tpu.memory_space<vmem>> -> memref<1x128xi32, #tpu.memory_space<vmem>>
      %dma_wait3A_297 = tpu.memref_squeeze %dma_wait3A_296 : memref<1x128xi32, #tpu.memory_space<vmem>> -> memref<128xi32, #tpu.memory_space<vmem>>
      %dma_wait3A_298 = arith.constant 0 : i32
      %dma_wait3A_299 = arith.constant 0 : i32
      %dma_wait3A_300 = tpu.memref_slice %arg4[%dma_wait3A_298, %dma_wait3A_299] : memref<100000x32xf32, #tpu.memory_space<hbm>> -> memref<100000x32xf32, #tpu.memory_space<hbm>>
      tpu.wait_indirect_dma semaphore(%arg14 : memref<!tpu.dma_semaphore, #tpu.memory_space<semaphore_mem>>) src(%dma_wait3A_300 : memref<100000x32xf32, #tpu.memory_space<hbm>>) dst(%dma_wait3A_294 : memref<128x32xf32, #tpu.memory_space<vmem>>)
      %scan3A = arith.constant 0 : i32
      %scan3A_301 = arith.constant 0 : i32
      %scan3A_302 = arith.constant 32 : i32
      %scan3A_303 = arith.addi %scan3A_301, %scan3A_302 : i32
      %scan3A_304 = arith.constant 1 : i32
      scf.for %scan3A_315 = %scan3A_301 to %scan3A_303 step %scan3A_304  : i32 {
        %mul3A_316 = arith.constant 4 : i32
        %mul3A_317 = arith.muli %scan3A_315, %mul3A_316 : i32
        %add3A_318 = arith.constant 0 : i32
        %add3A_319 = arith.addi %mul3A_317, %add3A_318 : i32
        %get3A_320 = arith.constant 0 : i32
        %get3A_321 = arith.index_cast %get3A_320 : i32 to index
        %get3A_322 = arith.index_cast %add3A_319 : i32 to index
        %get3A_323 = arith.constant 0 : index
        %get3A_324 = tpu.vector_load %arg12[%get3A_321, %get3A_322, %get3A_323] {strides = array<i32>} : memref<2x128x32xf32, #tpu.memory_space<vmem>>, vector<1x1x16xf32>,
        %get3A_325 = vector.shape_cast %get3A_324 : vector<1x1x16xf32> to vector<16xf32>
        %get3A_326 = arith.constant 0 : i32
        %get3A_327 = arith.index_cast %get3A_326 : i32 to index
        %get3A_328 = arith.index_cast %add3A_319 : i32 to index
        %get3A_329 = arith.constant 0 : index
        %get3A_330 = tpu.vector_load %arg13[%get3A_327, %get3A_328, %get3A_329] {strides = array<i32>} : memref<2x128x32xf32, #tpu.memory_space<vmem>>, vector<1x1x16xf32>,
        %get3A_331 = vector.shape_cast %get3A_330 : vector<1x1x16xf32> to vector<16xf32>
        %add3A_332 = arith.addf %get3A_325, %get3A_331 : vector<16xf32>
        %max3A = arith.constant 0.000000e+00 : f32
        %max3A_333 = vector.broadcast %max3A : f32 to vector<16xf32>
        %max3A_334 = arith.maximumf %add3A_332, %max3A_333 : vector<16xf32>
        %swap3A_335 = arith.constant 0 : i32
        %swap3A_336 = arith.index_cast %swap3A_335 : i32 to index
        %swap3A_337 = arith.index_cast %add3A_319 : i32 to index
        %swap3A_338 = arith.constant 0 : index
        %swap3A_339 = tpu.vector_load %arg13[%swap3A_336, %swap3A_337, %swap3A_338] {strides = array<i32>} : memref<2x128x32xf32, #tpu.memory_space<vmem>>, vector<1x1x16xf32>,
        %swap3A_340 = vector.shape_cast %swap3A_339 : vector<1x1x16xf32> to vector<16xf32>
        %swap3A_341 = vector.shape_cast %max3A_334 : vector<16xf32> to vector<1x1x16xf32>
        tpu.vector_store %arg13[%swap3A_336, %swap3A_337, %swap3A_338], %swap3A_341 {strides = array<i32>} : memref<2x128x32xf32, #tpu.memory_space<vmem>>, vector<1x1x16xf32>,
        %get3A_342 = arith.constant 0 : i32
        %get3A_343 = arith.index_cast %get3A_342 : i32 to index
        %get3A_344 = arith.index_cast %add3A_319 : i32 to index
        %get3A_345 = arith.constant 16 : index
        %get3A_346 = tpu.vector_load %arg12[%get3A_343, %get3A_344, %get3A_345] {strides = array<i32>} : memref<2x128x32xf32, #tpu.memory_space<vmem>>, vector<1x1x16xf32>,
        %get3A_347 = vector.shape_cast %get3A_346 : vector<1x1x16xf32> to vector<16xf32>
        %get3A_348 = arith.constant 0 : i32
        %get3A_349 = arith.index_cast %get3A_348 : i32 to index
        %get3A_350 = arith.index_cast %add3A_319 : i32 to index
        %get3A_351 = arith.constant 16 : index
        %get3A_352 = tpu.vector_load %arg13[%get3A_349, %get3A_350, %get3A_351] {strides = array<i32>} : memref<2x128x32xf32, #tpu.memory_space<vmem>>, vector<1x1x16xf32>,
        %get3A_353 = vector.shape_cast %get3A_352 : vector<1x1x16xf32> to vector<16xf32>
        %add3A_354 = arith.addf %get3A_347, %get3A_353 : vector<16xf32>
        %max3A_355 = arith.constant 0.000000e+00 : f32
        %max3A_356 = vector.broadcast %max3A_355 : f32 to vector<16xf32>
        %max3A_357 = arith.maximumf %add3A_354, %max3A_356 : vector<16xf32>
        %swap3A_358 = arith.constant 0 : i32
        %swap3A_359 = arith.index_cast %swap3A_358 : i32 to index
        %swap3A_360 = arith.index_cast %add3A_319 : i32 to index
        %swap3A_361 = arith.constant 16 : index
        %swap3A_362 = tpu.vector_load %arg13[%swap3A_359, %swap3A_360, %swap3A_361] {strides = array<i32>} : memref<2x128x32xf32, #tpu.memory_space<vmem>>, vector<1x1x16xf32>,
        %swap3A_363 = vector.shape_cast %swap3A_362 : vector<1x1x16xf32> to vector<16xf32>
        %swap3A_364 = vector.shape_cast %max3A_357 : vector<16xf32> to vector<1x1x16xf32>
        tpu.vector_store %arg13[%swap3A_359, %swap3A_360, %swap3A_361], %swap3A_364 {strides = array<i32>} : memref<2x128x32xf32, #tpu.memory_space<vmem>>, vector<1x1x16xf32>,
        %mul3A_365 = arith.constant 4 : i32
        %mul3A_366 = arith.muli %scan3A_315, %mul3A_365 : i32
        %add3A_367 = arith.constant 1 : i32
        %add3A_368 = arith.addi %mul3A_366, %add3A_367 : i32
        %get3A_369 = arith.constant 0 : i32
        %get3A_370 = arith.index_cast %get3A_369 : i32 to index
        %get3A_371 = arith.index_cast %add3A_368 : i32 to index
        %get3A_372 = arith.constant 0 : index
        %get3A_373 = tpu.vector_load %arg12[%get3A_370, %get3A_371, %get3A_372] {strides = array<i32>} : memref<2x128x32xf32, #tpu.memory_space<vmem>>, vector<1x1x16xf32>,
        %get3A_374 = vector.shape_cast %get3A_373 : vector<1x1x16xf32> to vector<16xf32>
        %get3A_375 = arith.constant 0 : i32
        %get3A_376 = arith.index_cast %get3A_375 : i32 to index
        %get3A_377 = arith.index_cast %add3A_368 : i32 to index
        %get3A_378 = arith.constant 0 : index
        %get3A_379 = tpu.vector_load %arg13[%get3A_376, %get3A_377, %get3A_378] {strides = array<i32>} : memref<2x128x32xf32, #tpu.memory_space<vmem>>, vector<1x1x16xf32>,
        %get3A_380 = vector.shape_cast %get3A_379 : vector<1x1x16xf32> to vector<16xf32>
        %add3A_381 = arith.addf %get3A_374, %get3A_380 : vector<16xf32>
        %max3A_382 = arith.constant 0.000000e+00 : f32
        %max3A_383 = vector.broadcast %max3A_382 : f32 to vector<16xf32>
        %max3A_384 = arith.maximumf %add3A_381, %max3A_383 : vector<16xf32>
        %swap3A_385 = arith.constant 0 : i32
        %swap3A_386 = arith.index_cast %swap3A_385 : i32 to index
        %swap3A_387 = arith.index_cast %add3A_368 : i32 to index
        %swap3A_388 = arith.constant 0 : index
        %swap3A_389 = tpu.vector_load %arg13[%swap3A_386, %swap3A_387, %swap3A_388] {strides = array<i32>} : memref<2x128x32xf32, #tpu.memory_space<vmem>>, vector<1x1x16xf32>,
        %swap3A_390 = vector.shape_cast %swap3A_389 : vector<1x1x16xf32> to vector<16xf32>
        %swap3A_391 = vector.shape_cast %max3A_384 : vector<16xf32> to vector<1x1x16xf32>
        tpu.vector_store %arg13[%swap3A_386, %swap3A_387, %swap3A_388], %swap3A_391 {strides = array<i32>} : memref<2x128x32xf32, #tpu.memory_space<vmem>>, vector<1x1x16xf32>,
        %get3A_392 = arith.constant 0 : i32
        %get3A_393 = arith.index_cast %get3A_392 : i32 to index
        %get3A_394 = arith.index_cast %add3A_368 : i32 to index
        %get3A_395 = arith.constant 16 : index
        %get3A_396 = tpu.vector_load %arg12[%get3A_393, %get3A_394, %get3A_395] {strides = array<i32>} : memref<2x128x32xf32, #tpu.memory_space<vmem>>, vector<1x1x16xf32>,
        %get3A_397 = vector.shape_cast %get3A_396 : vector<1x1x16xf32> to vector<16xf32>
        %get3A_398 = arith.constant 0 : i32
        %get3A_399 = arith.index_cast %get3A_398 : i32 to index
        %get3A_400 = arith.index_cast %add3A_368 : i32 to index
        %get3A_401 = arith.constant 16 : index
        %get3A_402 = tpu.vector_load %arg13[%get3A_399, %get3A_400, %get3A_401] {strides = array<i32>} : memref<2x128x32xf32, #tpu.memory_space<vmem>>, vector<1x1x16xf32>,
        %get3A_403 = vector.shape_cast %get3A_402 : vector<1x1x16xf32> to vector<16xf32>
        %add3A_404 = arith.addf %get3A_397, %get3A_403 : vector<16xf32>
        %max3A_405 = arith.constant 0.000000e+00 : f32
        %max3A_406 = vector.broadcast %max3A_405 : f32 to vector<16xf32>
        %max3A_407 = arith.maximumf %add3A_404, %max3A_406 : vector<16xf32>
        %swap3A_408 = arith.constant 0 : i32
        %swap3A_409 = arith.index_cast %swap3A_408 : i32 to index
        %swap3A_410 = arith.index_cast %add3A_368 : i32 to index
        %swap3A_411 = arith.constant 16 : index
        %swap3A_412 = tpu.vector_load %arg13[%swap3A_409, %swap3A_410, %swap3A_411] {strides = array<i32>} : memref<2x128x32xf32, #tpu.memory_space<vmem>>, vector<1x1x16xf32>,
        %swap3A_413 = vector.shape_cast %swap3A_412 : vector<1x1x16xf32> to vector<16xf32>
        %swap3A_414 = vector.shape_cast %max3A_407 : vector<16xf32> to vector<1x1x16xf32>
        tpu.vector_store %arg13[%swap3A_409, %swap3A_410, %swap3A_411], %swap3A_414 {strides = array<i32>} : memref<2x128x32xf32, #tpu.memory_space<vmem>>, vector<1x1x16xf32>,
        %mul3A_415 = arith.constant 4 : i32
        %mul3A_416 = arith.muli %scan3A_315, %mul3A_415 : i32
        %add3A_417 = arith.constant 2 : i32
        %add3A_418 = arith.addi %mul3A_416, %add3A_417 : i32
        %get3A_419 = arith.constant 0 : i32
        %get3A_420 = arith.index_cast %get3A_419 : i32 to index
        %get3A_421 = arith.index_cast %add3A_418 : i32 to index
        %get3A_422 = arith.constant 0 : index
        %get3A_423 = tpu.vector_load %arg12[%get3A_420, %get3A_421, %get3A_422] {strides = array<i32>} : memref<2x128x32xf32, #tpu.memory_space<vmem>>, vector<1x1x16xf32>,
        %get3A_424 = vector.shape_cast %get3A_423 : vector<1x1x16xf32> to vector<16xf32>
        %get3A_425 = arith.constant 0 : i32
        %get3A_426 = arith.index_cast %get3A_425 : i32 to index
        %get3A_427 = arith.index_cast %add3A_418 : i32 to index
        %get3A_428 = arith.constant 0 : index
        %get3A_429 = tpu.vector_load %arg13[%get3A_426, %get3A_427, %get3A_428] {strides = array<i32>} : memref<2x128x32xf32, #tpu.memory_space<vmem>>, vector<1x1x16xf32>,
        %get3A_430 = vector.shape_cast %get3A_429 : vector<1x1x16xf32> to vector<16xf32>
        %add3A_431 = arith.addf %get3A_424, %get3A_430 : vector<16xf32>
        %max3A_432 = arith.constant 0.000000e+00 : f32
        %max3A_433 = vector.broadcast %max3A_432 : f32 to vector<16xf32>
        %max3A_434 = arith.maximumf %add3A_431, %max3A_433 : vector<16xf32>
        %swap3A_435 = arith.constant 0 : i32
        %swap3A_436 = arith.index_cast %swap3A_435 : i32 to index
        %swap3A_437 = arith.index_cast %add3A_418 : i32 to index
        %swap3A_438 = arith.constant 0 : index
        %swap3A_439 = tpu.vector_load %arg13[%swap3A_436, %swap3A_437, %swap3A_438] {strides = array<i32>} : memref<2x128x32xf32, #tpu.memory_space<vmem>>, vector<1x1x16xf32>,
        %swap3A_440 = vector.shape_cast %swap3A_439 : vector<1x1x16xf32> to vector<16xf32>
        %swap3A_441 = vector.shape_cast %max3A_434 : vector<16xf32> to vector<1x1x16xf32>
        tpu.vector_store %arg13[%swap3A_436, %swap3A_437, %swap3A_438], %swap3A_441 {strides = array<i32>} : memref<2x128x32xf32, #tpu.memory_space<vmem>>, vector<1x1x16xf32>,
        %get3A_442 = arith.constant 0 : i32
        %get3A_443 = arith.index_cast %get3A_442 : i32 to index
        %get3A_444 = arith.index_cast %add3A_418 : i32 to index
        %get3A_445 = arith.constant 16 : index
        %get3A_446 = tpu.vector_load %arg12[%get3A_443, %get3A_444, %get3A_445] {strides = array<i32>} : memref<2x128x32xf32, #tpu.memory_space<vmem>>, vector<1x1x16xf32>,
        %get3A_447 = vector.shape_cast %get3A_446 : vector<1x1x16xf32> to vector<16xf32>
        %get3A_448 = arith.constant 0 : i32
        %get3A_449 = arith.index_cast %get3A_448 : i32 to index
        %get3A_450 = arith.index_cast %add3A_418 : i32 to index
        %get3A_451 = arith.constant 16 : index
        %get3A_452 = tpu.vector_load %arg13[%get3A_449, %get3A_450, %get3A_451] {strides = array<i32>} : memref<2x128x32xf32, #tpu.memory_space<vmem>>, vector<1x1x16xf32>,
        %get3A_453 = vector.shape_cast %get3A_452 : vector<1x1x16xf32> to vector<16xf32>
        %add3A_454 = arith.addf %get3A_447, %get3A_453 : vector<16xf32>
        %max3A_455 = arith.constant 0.000000e+00 : f32
        %max3A_456 = vector.broadcast %max3A_455 : f32 to vector<16xf32>
        %max3A_457 = arith.maximumf %add3A_454, %max3A_456 : vector<16xf32>
        %swap3A_458 = arith.constant 0 : i32
        %swap3A_459 = arith.index_cast %swap3A_458 : i32 to index
        %swap3A_460 = arith.index_cast %add3A_418 : i32 to index
        %swap3A_461 = arith.constant 16 : index
        %swap3A_462 = tpu.vector_load %arg13[%swap3A_459, %swap3A_460, %swap3A_461] {strides = array<i32>} : memref<2x128x32xf32, #tpu.memory_space<vmem>>, vector<1x1x16xf32>,
        %swap3A_463 = vector.shape_cast %swap3A_462 : vector<1x1x16xf32> to vector<16xf32>
        %swap3A_464 = vector.shape_cast %max3A_457 : vector<16xf32> to vector<1x1x16xf32>
        tpu.vector_store %arg13[%swap3A_459, %swap3A_460, %swap3A_461], %swap3A_464 {strides = array<i32>} : memref<2x128x32xf32, #tpu.memory_space<vmem>>, vector<1x1x16xf32>,
        %mul3A_465 = arith.constant 4 : i32
        %mul3A_466 = arith.muli %scan3A_315, %mul3A_465 : i32
        %add3A_467 = arith.constant 3 : i32
        %add3A_468 = arith.addi %mul3A_466, %add3A_467 : i32
        %get3A_469 = arith.constant 0 : i32
        %get3A_470 = arith.index_cast %get3A_469 : i32 to index
        %get3A_471 = arith.index_cast %add3A_468 : i32 to index
        %get3A_472 = arith.constant 0 : index
        %get3A_473 = tpu.vector_load %arg12[%get3A_470, %get3A_471, %get3A_472] {strides = array<i32>} : memref<2x128x32xf32, #tpu.memory_space<vmem>>, vector<1x1x16xf32>,
        %get3A_474 = vector.shape_cast %get3A_473 : vector<1x1x16xf32> to vector<16xf32>
        %get3A_475 = arith.constant 0 : i32
        %get3A_476 = arith.index_cast %get3A_475 : i32 to index
        %get3A_477 = arith.index_cast %add3A_468 : i32 to index
        %get3A_478 = arith.constant 0 : index
        %get3A_479 = tpu.vector_load %arg13[%get3A_476, %get3A_477, %get3A_478] {strides = array<i32>} : memref<2x128x32xf32, #tpu.memory_space<vmem>>, vector<1x1x16xf32>,
        %get3A_480 = vector.shape_cast %get3A_479 : vector<1x1x16xf32> to vector<16xf32>
        %add3A_481 = arith.addf %get3A_474, %get3A_480 : vector<16xf32>
        %max3A_482 = arith.constant 0.000000e+00 : f32
        %max3A_483 = vector.broadcast %max3A_482 : f32 to vector<16xf32>
        %max3A_484 = arith.maximumf %add3A_481, %max3A_483 : vector<16xf32>
        %swap3A_485 = arith.constant 0 : i32
        %swap3A_486 = arith.index_cast %swap3A_485 : i32 to index
        %swap3A_487 = arith.index_cast %add3A_468 : i32 to index
        %swap3A_488 = arith.constant 0 : index
        %swap3A_489 = tpu.vector_load %arg13[%swap3A_486, %swap3A_487, %swap3A_488] {strides = array<i32>} : memref<2x128x32xf32, #tpu.memory_space<vmem>>, vector<1x1x16xf32>,
        %swap3A_490 = vector.shape_cast %swap3A_489 : vector<1x1x16xf32> to vector<16xf32>
        %swap3A_491 = vector.shape_cast %max3A_484 : vector<16xf32> to vector<1x1x16xf32>
        tpu.vector_store %arg13[%swap3A_486, %swap3A_487, %swap3A_488], %swap3A_491 {strides = array<i32>} : memref<2x128x32xf32, #tpu.memory_space<vmem>>, vector<1x1x16xf32>,
        %get3A_492 = arith.constant 0 : i32
        %get3A_493 = arith.index_cast %get3A_492 : i32 to index
        %get3A_494 = arith.index_cast %add3A_468 : i32 to index
        %get3A_495 = arith.constant 16 : index
        %get3A_496 = tpu.vector_load %arg12[%get3A_493, %get3A_494, %get3A_495] {strides = array<i32>} : memref<2x128x32xf32, #tpu.memory_space<vmem>>, vector<1x1x16xf32>,
        %get3A_497 = vector.shape_cast %get3A_496 : vector<1x1x16xf32> to vector<16xf32>
        %get3A_498 = arith.constant 0 : i32
        %get3A_499 = arith.index_cast %get3A_498 : i32 to index
        %get3A_500 = arith.index_cast %add3A_468 : i32 to index
        %get3A_501 = arith.constant 16 : index
        %get3A_502 = tpu.vector_load %arg13[%get3A_499, %get3A_500, %get3A_501] {strides = array<i32>} : memref<2x128x32xf32, #tpu.memory_space<vmem>>, vector<1x1x16xf32>,
        %get3A_503 = vector.shape_cast %get3A_502 : vector<1x1x16xf32> to vector<16xf32>
        %add3A_504 = arith.addf %get3A_497, %get3A_503 : vector<16xf32>
        %max3A_505 = arith.constant 0.000000e+00 : f32
        %max3A_506 = vector.broadcast %max3A_505 : f32 to vector<16xf32>
        %max3A_507 = arith.maximumf %add3A_504, %max3A_506 : vector<16xf32>
        %swap3A_508 = arith.constant 0 : i32
        %swap3A_509 = arith.index_cast %swap3A_508 : i32 to index
        %swap3A_510 = arith.index_cast %add3A_468 : i32 to index
        %swap3A_511 = arith.constant 16 : index
        %swap3A_512 = tpu.vector_load %arg13[%swap3A_509, %swap3A_510, %swap3A_511] {strides = array<i32>} : memref<2x128x32xf32, #tpu.memory_space<vmem>>, vector<1x1x16xf32>,
        %swap3A_513 = vector.shape_cast %swap3A_512 : vector<1x1x16xf32> to vector<16xf32>
        %swap3A_514 = vector.shape_cast %max3A_507 : vector<16xf32> to vector<1x1x16xf32>
        tpu.vector_store %arg13[%swap3A_509, %swap3A_510, %swap3A_511], %swap3A_514 {strides = array<i32>} : memref<2x128x32xf32, #tpu.memory_space<vmem>>, vector<1x1x16xf32>,
      }
      %scan3A_305 = arith.constant 32 : i32
      %scan3A_306 = arith.constant 0 : i32
      %scan3A_307 = arith.constant 0 : i32
      %scan3A_308 = arith.constant 32 : i32
      %scan3A_309 = arith.addi %scan3A_307, %scan3A_308 : i32
      %scan3A_310 = arith.constant 1 : i32
      scf.for %scan3A_315 = %scan3A_307 to %scan3A_309 step %scan3A_310  : i32 {
        %mul3A_316 = arith.constant 4 : i32
        %mul3A_317 = arith.muli %scan3A_315, %mul3A_316 : i32
        %add3A_318 = arith.constant 0 : i32
        %add3A_319 = arith.addi %mul3A_317, %add3A_318 : i32
        %get3A_320 = arith.constant 1 : i32
        %get3A_321 = arith.index_cast %get3A_320 : i32 to index
        %get3A_322 = arith.index_cast %add3A_319 : i32 to index
        %get3A_323 = arith.constant 0 : index
        %get3A_324 = tpu.vector_load %arg12[%get3A_321, %get3A_322, %get3A_323] {strides = array<i32>} : memref<2x128x32xf32, #tpu.memory_space<vmem>>, vector<1x1x16xf32>,
        %get3A_325 = vector.shape_cast %get3A_324 : vector<1x1x16xf32> to vector<16xf32>
        %get3A_326 = arith.constant 1 : i32
        %get3A_327 = arith.index_cast %get3A_326 : i32 to index
        %get3A_328 = arith.index_cast %add3A_319 : i32 to index
        %get3A_329 = arith.constant 0 : index
        %get3A_330 = tpu.vector_load %arg13[%get3A_327, %get3A_328, %get3A_329] {strides = array<i32>} : memref<2x128x32xf32, #tpu.memory_space<vmem>>, vector<1x1x16xf32>,
        %get3A_331 = vector.shape_cast %get3A_330 : vector<1x1x16xf32> to vector<16xf32>
        %add3A_332 = arith.addf %get3A_325, %get3A_331 : vector<16xf32>
        %max3A = arith.constant 0.000000e+00 : f32
        %max3A_333 = vector.broadcast %max3A : f32 to vector<16xf32>
        %max3A_334 = arith.maximumf %add3A_332, %max3A_333 : vector<16xf32>
        %swap3A_335 = arith.constant 1 : i32
        %swap3A_336 = arith.index_cast %swap3A_335 : i32 to index
        %swap3A_337 = arith.index_cast %add3A_319 : i32 to index
        %swap3A_338 = arith.constant 0 : index
        %swap3A_339 = tpu.vector_load %arg13[%swap3A_336, %swap3A_337, %swap3A_338] {strides = array<i32>} : memref<2x128x32xf32, #tpu.memory_space<vmem>>, vector<1x1x16xf32>,
        %swap3A_340 = vector.shape_cast %swap3A_339 : vector<1x1x16xf32> to vector<16xf32>
        %swap3A_341 = vector.shape_cast %max3A_334 : vector<16xf32> to vector<1x1x16xf32>
        tpu.vector_store %arg13[%swap3A_336, %swap3A_337, %swap3A_338], %swap3A_341 {strides = array<i32>} : memref<2x128x32xf32, #tpu.memory_space<vmem>>, vector<1x1x16xf32>,
        %get3A_342 = arith.constant 1 : i32
        %get3A_343 = arith.index_cast %get3A_342 : i32 to index
        %get3A_344 = arith.index_cast %add3A_319 : i32 to index
        %get3A_345 = arith.constant 16 : index
        %get3A_346 = tpu.vector_load %arg12[%get3A_343, %get3A_344, %get3A_345] {strides = array<i32>} : memref<2x128x32xf32, #tpu.memory_space<vmem>>, vector<1x1x16xf32>,
        %get3A_347 = vector.shape_cast %get3A_346 : vector<1x1x16xf32> to vector<16xf32>
        %get3A_348 = arith.constant 1 : i32
        %get3A_349 = arith.index_cast %get3A_348 : i32 to index
        %get3A_350 = arith.index_cast %add3A_319 : i32 to index
        %get3A_351 = arith.constant 16 : index
        %get3A_352 = tpu.vector_load %arg13[%get3A_349, %get3A_350, %get3A_351] {strides = array<i32>} : memref<2x128x32xf32, #tpu.memory_space<vmem>>, vector<1x1x16xf32>,
        %get3A_353 = vector.shape_cast %get3A_352 : vector<1x1x16xf32> to vector<16xf32>
        %add3A_354 = arith.addf %get3A_347, %get3A_353 : vector<16xf32>
        %max3A_355 = arith.constant 0.000000e+00 : f32
        %max3A_356 = vector.broadcast %max3A_355 : f32 to vector<16xf32>
        %max3A_357 = arith.maximumf %add3A_354, %max3A_356 : vector<16xf32>
        %swap3A_358 = arith.constant 1 : i32
        %swap3A_359 = arith.index_cast %swap3A_358 : i32 to index
        %swap3A_360 = arith.index_cast %add3A_319 : i32 to index
        %swap3A_361 = arith.constant 16 : index
        %swap3A_362 = tpu.vector_load %arg13[%swap3A_359, %swap3A_360, %swap3A_361] {strides = array<i32>} : memref<2x128x32xf32, #tpu.memory_space<vmem>>, vector<1x1x16xf32>,
        %swap3A_363 = vector.shape_cast %swap3A_362 : vector<1x1x16xf32> to vector<16xf32>
        %swap3A_364 = vector.shape_cast %max3A_357 : vector<16xf32> to vector<1x1x16xf32>
        tpu.vector_store %arg13[%swap3A_359, %swap3A_360, %swap3A_361], %swap3A_364 {strides = array<i32>} : memref<2x128x32xf32, #tpu.memory_space<vmem>>, vector<1x1x16xf32>,
        %mul3A_365 = arith.constant 4 : i32
        %mul3A_366 = arith.muli %scan3A_315, %mul3A_365 : i32
        %add3A_367 = arith.constant 1 : i32
        %add3A_368 = arith.addi %mul3A_366, %add3A_367 : i32
        %get3A_369 = arith.constant 1 : i32
        %get3A_370 = arith.index_cast %get3A_369 : i32 to index
        %get3A_371 = arith.index_cast %add3A_368 : i32 to index
        %get3A_372 = arith.constant 0 : index
        %get3A_373 = tpu.vector_load %arg12[%get3A_370, %get3A_371, %get3A_372] {strides = array<i32>} : memref<2x128x32xf32, #tpu.memory_space<vmem>>, vector<1x1x16xf32>,
        %get3A_374 = vector.shape_cast %get3A_373 : vector<1x1x16xf32> to vector<16xf32>
        %get3A_375 = arith.constant 1 : i32
        %get3A_376 = arith.index_cast %get3A_375 : i32 to index
        %get3A_377 = arith.index_cast %add3A_368 : i32 to index
        %get3A_378 = arith.constant 0 : index
        %get3A_379 = tpu.vector_load %arg13[%get3A_376, %get3A_377, %get3A_378] {strides = array<i32>} : memref<2x128x32xf32, #tpu.memory_space<vmem>>, vector<1x1x16xf32>,
        %get3A_380 = vector.shape_cast %get3A_379 : vector<1x1x16xf32> to vector<16xf32>
        %add3A_381 = arith.addf %get3A_374, %get3A_380 : vector<16xf32>
        %max3A_382 = arith.constant 0.000000e+00 : f32
        %max3A_383 = vector.broadcast %max3A_382 : f32 to vector<16xf32>
        %max3A_384 = arith.maximumf %add3A_381, %max3A_383 : vector<16xf32>
        %swap3A_385 = arith.constant 1 : i32
        %swap3A_386 = arith.index_cast %swap3A_385 : i32 to index
        %swap3A_387 = arith.index_cast %add3A_368 : i32 to index
        %swap3A_388 = arith.constant 0 : index
        %swap3A_389 = tpu.vector_load %arg13[%swap3A_386, %swap3A_387, %swap3A_388] {strides = array<i32>} : memref<2x128x32xf32, #tpu.memory_space<vmem>>, vector<1x1x16xf32>,
        %swap3A_390 = vector.shape_cast %swap3A_389 : vector<1x1x16xf32> to vector<16xf32>
        %swap3A_391 = vector.shape_cast %max3A_384 : vector<16xf32> to vector<1x1x16xf32>
        tpu.vector_store %arg13[%swap3A_386, %swap3A_387, %swap3A_388], %swap3A_391 {strides = array<i32>} : memref<2x128x32xf32, #tpu.memory_space<vmem>>, vector<1x1x16xf32>,
        %get3A_392 = arith.constant 1 : i32
        %get3A_393 = arith.index_cast %get3A_392 : i32 to index
        %get3A_394 = arith.index_cast %add3A_368 : i32 to index
        %get3A_395 = arith.constant 16 : index
        %get3A_396 = tpu.vector_load %arg12[%get3A_393, %get3A_394, %get3A_395] {strides = array<i32>} : memref<2x128x32xf32, #tpu.memory_space<vmem>>, vector<1x1x16xf32>,
        %get3A_397 = vector.shape_cast %get3A_396 : vector<1x1x16xf32> to vector<16xf32>
        %get3A_398 = arith.constant 1 : i32
        %get3A_399 = arith.index_cast %get3A_398 : i32 to index
        %get3A_400 = arith.index_cast %add3A_368 : i32 to index
        %get3A_401 = arith.constant 16 : index
        %get3A_402 = tpu.vector_load %arg13[%get3A_399, %get3A_400, %get3A_401] {strides = array<i32>} : memref<2x128x32xf32, #tpu.memory_space<vmem>>, vector<1x1x16xf32>,
        %get3A_403 = vector.shape_cast %get3A_402 : vector<1x1x16xf32> to vector<16xf32>
        %add3A_404 = arith.addf %get3A_397, %get3A_403 : vector<16xf32>
        %max3A_405 = arith.constant 0.000000e+00 : f32
        %max3A_406 = vector.broadcast %max3A_405 : f32 to vector<16xf32>
        %max3A_407 = arith.maximumf %add3A_404, %max3A_406 : vector<16xf32>
        %swap3A_408 = arith.constant 1 : i32
        %swap3A_409 = arith.index_cast %swap3A_408 : i32 to index
        %swap3A_410 = arith.index_cast %add3A_368 : i32 to index
        %swap3A_411 = arith.constant 16 : index
        %swap3A_412 = tpu.vector_load %arg13[%swap3A_409, %swap3A_410, %swap3A_411] {strides = array<i32>} : memref<2x128x32xf32, #tpu.memory_space<vmem>>, vector<1x1x16xf32>,
        %swap3A_413 = vector.shape_cast %swap3A_412 : vector<1x1x16xf32> to vector<16xf32>
        %swap3A_414 = vector.shape_cast %max3A_407 : vector<16xf32> to vector<1x1x16xf32>
        tpu.vector_store %arg13[%swap3A_409, %swap3A_410, %swap3A_411], %swap3A_414 {strides = array<i32>} : memref<2x128x32xf32, #tpu.memory_space<vmem>>, vector<1x1x16xf32>,
        %mul3A_415 = arith.constant 4 : i32
        %mul3A_416 = arith.muli %scan3A_315, %mul3A_415 : i32
        %add3A_417 = arith.constant 2 : i32
        %add3A_418 = arith.addi %mul3A_416, %add3A_417 : i32
        %get3A_419 = arith.constant 1 : i32
        %get3A_420 = arith.index_cast %get3A_419 : i32 to index
        %get3A_421 = arith.index_cast %add3A_418 : i32 to index
        %get3A_422 = arith.constant 0 : index
        %get3A_423 = tpu.vector_load %arg12[%get3A_420, %get3A_421, %get3A_422] {strides = array<i32>} : memref<2x128x32xf32, #tpu.memory_space<vmem>>, vector<1x1x16xf32>,
        %get3A_424 = vector.shape_cast %get3A_423 : vector<1x1x16xf32> to vector<16xf32>
        %get3A_425 = arith.constant 1 : i32
        %get3A_426 = arith.index_cast %get3A_425 : i32 to index
        %get3A_427 = arith.index_cast %add3A_418 : i32 to index
        %get3A_428 = arith.constant 0 : index
        %get3A_429 = tpu.vector_load %arg13[%get3A_426, %get3A_427, %get3A_428] {strides = array<i32>} : memref<2x128x32xf32, #tpu.memory_space<vmem>>, vector<1x1x16xf32>,
        %get3A_430 = vector.shape_cast %get3A_429 : vector<1x1x16xf32> to vector<16xf32>
        %add3A_431 = arith.addf %get3A_424, %get3A_430 : vector<16xf32>
        %max3A_432 = arith.constant 0.000000e+00 : f32
        %max3A_433 = vector.broadcast %max3A_432 : f32 to vector<16xf32>
        %max3A_434 = arith.maximumf %add3A_431, %max3A_433 : vector<16xf32>
        %swap3A_435 = arith.constant 1 : i32
        %swap3A_436 = arith.index_cast %swap3A_435 : i32 to index
        %swap3A_437 = arith.index_cast %add3A_418 : i32 to index
        %swap3A_438 = arith.constant 0 : index
        %swap3A_439 = tpu.vector_load %arg13[%swap3A_436, %swap3A_437, %swap3A_438] {strides = array<i32>} : memref<2x128x32xf32, #tpu.memory_space<vmem>>, vector<1x1x16xf32>,
        %swap3A_440 = vector.shape_cast %swap3A_439 : vector<1x1x16xf32> to vector<16xf32>
        %swap3A_441 = vector.shape_cast %max3A_434 : vector<16xf32> to vector<1x1x16xf32>
        tpu.vector_store %arg13[%swap3A_436, %swap3A_437, %swap3A_438], %swap3A_441 {strides = array<i32>} : memref<2x128x32xf32, #tpu.memory_space<vmem>>, vector<1x1x16xf32>,
        %get3A_442 = arith.constant 1 : i32
        %get3A_443 = arith.index_cast %get3A_442 : i32 to index
        %get3A_444 = arith.index_cast %add3A_418 : i32 to index
        %get3A_445 = arith.constant 16 : index
        %get3A_446 = tpu.vector_load %arg12[%get3A_443, %get3A_444, %get3A_445] {strides = array<i32>} : memref<2x128x32xf32, #tpu.memory_space<vmem>>, vector<1x1x16xf32>,
        %get3A_447 = vector.shape_cast %get3A_446 : vector<1x1x16xf32> to vector<16xf32>
        %get3A_448 = arith.constant 1 : i32
        %get3A_449 = arith.index_cast %get3A_448 : i32 to index
        %get3A_450 = arith.index_cast %add3A_418 : i32 to index
        %get3A_451 = arith.constant 16 : index
        %get3A_452 = tpu.vector_load %arg13[%get3A_449, %get3A_450, %get3A_451] {strides = array<i32>} : memref<2x128x32xf32, #tpu.memory_space<vmem>>, vector<1x1x16xf32>,
        %get3A_453 = vector.shape_cast %get3A_452 : vector<1x1x16xf32> to vector<16xf32>
        %add3A_454 = arith.addf %get3A_447, %get3A_453 : vector<16xf32>
        %max3A_455 = arith.constant 0.000000e+00 : f32
        %max3A_456 = vector.broadcast %max3A_455 : f32 to vector<16xf32>
        %max3A_457 = arith.maximumf %add3A_454, %max3A_456 : vector<16xf32>
        %swap3A_458 = arith.constant 1 : i32
        %swap3A_459 = arith.index_cast %swap3A_458 : i32 to index
        %swap3A_460 = arith.index_cast %add3A_418 : i32 to index
        %swap3A_461 = arith.constant 16 : index
        %swap3A_462 = tpu.vector_load %arg13[%swap3A_459, %swap3A_460, %swap3A_461] {strides = array<i32>} : memref<2x128x32xf32, #tpu.memory_space<vmem>>, vector<1x1x16xf32>,
        %swap3A_463 = vector.shape_cast %swap3A_462 : vector<1x1x16xf32> to vector<16xf32>
        %swap3A_464 = vector.shape_cast %max3A_457 : vector<16xf32> to vector<1x1x16xf32>
        tpu.vector_store %arg13[%swap3A_459, %swap3A_460, %swap3A_461], %swap3A_464 {strides = array<i32>} : memref<2x128x32xf32, #tpu.memory_space<vmem>>, vector<1x1x16xf32>,
        %mul3A_465 = arith.constant 4 : i32
        %mul3A_466 = arith.muli %scan3A_315, %mul3A_465 : i32
        %add3A_467 = arith.constant 3 : i32
        %add3A_468 = arith.addi %mul3A_466, %add3A_467 : i32
        %get3A_469 = arith.constant 1 : i32
        %get3A_470 = arith.index_cast %get3A_469 : i32 to index
        %get3A_471 = arith.index_cast %add3A_468 : i32 to index
        %get3A_472 = arith.constant 0 : index
        %get3A_473 = tpu.vector_load %arg12[%get3A_470, %get3A_471, %get3A_472] {strides = array<i32>} : memref<2x128x32xf32, #tpu.memory_space<vmem>>, vector<1x1x16xf32>,
        %get3A_474 = vector.shape_cast %get3A_473 : vector<1x1x16xf32> to vector<16xf32>
        %get3A_475 = arith.constant 1 : i32
        %get3A_476 = arith.index_cast %get3A_475 : i32 to index
        %get3A_477 = arith.index_cast %add3A_468 : i32 to index
        %get3A_478 = arith.constant 0 : index
        %get3A_479 = tpu.vector_load %arg13[%get3A_476, %get3A_477, %get3A_478] {strides = array<i32>} : memref<2x128x32xf32, #tpu.memory_space<vmem>>, vector<1x1x16xf32>,
        %get3A_480 = vector.shape_cast %get3A_479 : vector<1x1x16xf32> to vector<16xf32>
        %add3A_481 = arith.addf %get3A_474, %get3A_480 : vector<16xf32>
        %max3A_482 = arith.constant 0.000000e+00 : f32
        %max3A_483 = vector.broadcast %max3A_482 : f32 to vector<16xf32>
        %max3A_484 = arith.maximumf %add3A_481, %max3A_483 : vector<16xf32>
        %swap3A_485 = arith.constant 1 : i32
        %swap3A_486 = arith.index_cast %swap3A_485 : i32 to index
        %swap3A_487 = arith.index_cast %add3A_468 : i32 to index
        %swap3A_488 = arith.constant 0 : index
        %swap3A_489 = tpu.vector_load %arg13[%swap3A_486, %swap3A_487, %swap3A_488] {strides = array<i32>} : memref<2x128x32xf32, #tpu.memory_space<vmem>>, vector<1x1x16xf32>,
        %swap3A_490 = vector.shape_cast %swap3A_489 : vector<1x1x16xf32> to vector<16xf32>
        %swap3A_491 = vector.shape_cast %max3A_484 : vector<16xf32> to vector<1x1x16xf32>
        tpu.vector_store %arg13[%swap3A_486, %swap3A_487, %swap3A_488], %swap3A_491 {strides = array<i32>} : memref<2x128x32xf32, #tpu.memory_space<vmem>>, vector<1x1x16xf32>,
        %get3A_492 = arith.constant 1 : i32
        %get3A_493 = arith.index_cast %get3A_492 : i32 to index
        %get3A_494 = arith.index_cast %add3A_468 : i32 to index
        %get3A_495 = arith.constant 16 : index
        %get3A_496 = tpu.vector_load %arg12[%get3A_493, %get3A_494, %get3A_495] {strides = array<i32>} : memref<2x128x32xf32, #tpu.memory_space<vmem>>, vector<1x1x16xf32>,
        %get3A_497 = vector.shape_cast %get3A_496 : vector<1x1x16xf32> to vector<16xf32>
        %get3A_498 = arith.constant 1 : i32
        %get3A_499 = arith.index_cast %get3A_498 : i32 to index
        %get3A_500 = arith.index_cast %add3A_468 : i32 to index
        %get3A_501 = arith.constant 16 : index
        %get3A_502 = tpu.vector_load %arg13[%get3A_499, %get3A_500, %get3A_501] {strides = array<i32>} : memref<2x128x32xf32, #tpu.memory_space<vmem>>, vector<1x1x16xf32>,
        %get3A_503 = vector.shape_cast %get3A_502 : vector<1x1x16xf32> to vector<16xf32>
        %add3A_504 = arith.addf %get3A_497, %get3A_503 : vector<16xf32>
        %max3A_505 = arith.constant 0.000000e+00 : f32
        %max3A_506 = vector.broadcast %max3A_505 : f32 to vector<16xf32>
        %max3A_507 = arith.maximumf %add3A_504, %max3A_506 : vector<16xf32>
        %swap3A_508 = arith.constant 1 : i32
        %swap3A_509 = arith.index_cast %swap3A_508 : i32 to index
        %swap3A_510 = arith.index_cast %add3A_468 : i32 to index
        %swap3A_511 = arith.constant 16 : index
        %swap3A_512 = tpu.vector_load %arg13[%swap3A_509, %swap3A_510, %swap3A_511] {strides = array<i32>} : memref<2x128x32xf32, #tpu.memory_space<vmem>>, vector<1x1x16xf32>,
        %swap3A_513 = vector.shape_cast %swap3A_512 : vector<1x1x16xf32> to vector<16xf32>
        %swap3A_514 = vector.shape_cast %max3A_507 : vector<16xf32> to vector<1x1x16xf32>
        tpu.vector_store %arg13[%swap3A_509, %swap3A_510, %swap3A_511], %swap3A_514 {strides = array<i32>} : memref<2x128x32xf32, #tpu.memory_space<vmem>>, vector<1x1x16xf32>,
      }
      %scan3A_311 = arith.constant 32 : i32
      %run_scoped3A = arith.constant 0 : i32
      %run_scoped3A_312 = arith.constant 0 : i32
      "tpu.region"() ({
        %run_scoped3A_315 = tpu.sem_alloc : memref<!tpu.dma_semaphore, #tpu.memory_space<semaphore_mem>>
        %dma_start3A_316 = arith.constant 0 : i32
        %dma_start3A_317 = arith.constant 0 : i32
        %dma_start3A_318 = tpu.memref_slice %arg13[%run_scoped3A, %dma_start3A_316, %dma_start3A_317] : memref<2x128x32xf32, #tpu.memory_space<vmem>> -> memref<1x128x32xf32, #tpu.memory_space<vmem>>
        %dma_start3A_319 = tpu.memref_squeeze %dma_start3A_318 : memref<1x128x32xf32, #tpu.memory_space<vmem>> -> memref<128x32xf32, #tpu.memory_space<vmem>>
        %dma_start3A_320 = arith.constant 0 : i32
        %dma_start3A_321 = tpu.memref_slice %arg10[%run_scoped3A_312, %dma_start3A_320] : memref<2x128xi32, #tpu.memory_space<vmem>> -> memref<1x128xi32, #tpu.memory_space<vmem>>
        %dma_start3A_322 = tpu.memref_squeeze %dma_start3A_321 : memref<1x128xi32, #tpu.memory_space<vmem>> -> memref<128xi32, #tpu.memory_space<vmem>>
        %dma_start3A_323 = arith.constant 0 : i32
        %dma_start3A_324 = arith.constant 0 : i32
        %dma_start3A_325 = tpu.memref_slice %arg8[%dma_start3A_323, %dma_start3A_324] : memref<50000x32xf32, #tpu.memory_space<vmem_shared>> -> memref<50000x32xf32, #tpu.memory_space<vmem_shared>>
        tpu.enqueue_indirect_dma source(%dma_start3A_319 : memref<128x32xf32, #tpu.memory_space<vmem>>) target(%dma_start3A_325 : memref<50000x32xf32, #tpu.memory_space<vmem_shared>>) offsets(%dma_start3A_322 : memref<128xi32, #tpu.memory_space<vmem>>) semaphore(%run_scoped3A_315 : memref<!tpu.dma_semaphore, #tpu.memory_space<semaphore_mem>>) {add = true}
        %dma_wait3A_326 = arith.constant 0 : i32
        %dma_wait3A_327 = arith.constant 0 : i32
        %dma_wait3A_328 = tpu.memref_slice %arg13[%run_scoped3A, %dma_wait3A_326, %dma_wait3A_327] : memref<2x128x32xf32, #tpu.memory_space<vmem>> -> memref<1x128x32xf32, #tpu.memory_space<vmem>>
        %dma_wait3A_329 = tpu.memref_squeeze %dma_wait3A_328 : memref<1x128x32xf32, #tpu.memory_space<vmem>> -> memref<128x32xf32, #tpu.memory_space<vmem>>
        %dma_wait3A_330 = arith.constant 0 : i32
        %dma_wait3A_331 = tpu.memref_slice %arg10[%run_scoped3A_312, %dma_wait3A_330] : memref<2x128xi32, #tpu.memory_space<vmem>> -> memref<1x128xi32, #tpu.memory_space<vmem>>
        %dma_wait3A_332 = tpu.memref_squeeze %dma_wait3A_331 : memref<1x128xi32, #tpu.memory_space<vmem>> -> memref<128xi32, #tpu.memory_space<vmem>>
        %dma_wait3A_333 = arith.constant 0 : i32
        %dma_wait3A_334 = arith.constant 0 : i32
        %dma_wait3A_335 = tpu.memref_slice %arg8[%dma_wait3A_333, %dma_wait3A_334] : memref<50000x32xf32, #tpu.memory_space<vmem_shared>> -> memref<50000x32xf32, #tpu.memory_space<vmem_shared>>
        tpu.wait_indirect_dma semaphore(%run_scoped3A_315 : memref<!tpu.dma_semaphore, #tpu.memory_space<semaphore_mem>>) src(%dma_wait3A_329 : memref<128x32xf32, #tpu.memory_space<vmem>>) dst(%dma_wait3A_335 : memref<50000x32xf32, #tpu.memory_space<vmem_shared>>)
        tpu.yield
      }) : () -> ()
      %run_scoped3A_313 = arith.constant 1 : i32
      %run_scoped3A_314 = arith.constant 1 : i32
      "tpu.region"() ({
        %run_scoped3A_315 = tpu.sem_alloc : memref<!tpu.dma_semaphore, #tpu.memory_space<semaphore_mem>>
        %dma_start3A_316 = arith.constant 0 : i32
        %dma_start3A_317 = arith.constant 0 : i32
        %dma_start3A_318 = tpu.memref_slice %arg13[%run_scoped3A_313, %dma_start3A_316, %dma_start3A_317] : memref<2x128x32xf32, #tpu.memory_space<vmem>> -> memref<1x128x32xf32, #tpu.memory_space<vmem>>
        %dma_start3A_319 = tpu.memref_squeeze %dma_start3A_318 : memref<1x128x32xf32, #tpu.memory_space<vmem>> -> memref<128x32xf32, #tpu.memory_space<vmem>>
        %dma_start3A_320 = arith.constant 0 : i32
        %dma_start3A_321 = tpu.memref_slice %arg10[%run_scoped3A_314, %dma_start3A_320] : memref<2x128xi32, #tpu.memory_space<vmem>> -> memref<1x128xi32, #tpu.memory_space<vmem>>
        %dma_start3A_322 = tpu.memref_squeeze %dma_start3A_321 : memref<1x128xi32, #tpu.memory_space<vmem>> -> memref<128xi32, #tpu.memory_space<vmem>>
        %dma_start3A_323 = arith.constant 0 : i32
        %dma_start3A_324 = arith.constant 0 : i32
        %dma_start3A_325 = tpu.memref_slice %arg8[%dma_start3A_323, %dma_start3A_324] : memref<50000x32xf32, #tpu.memory_space<vmem_shared>> -> memref<50000x32xf32, #tpu.memory_space<vmem_shared>>
        tpu.enqueue_indirect_dma source(%dma_start3A_319 : memref<128x32xf32, #tpu.memory_space<vmem>>) target(%dma_start3A_325 : memref<50000x32xf32, #tpu.memory_space<vmem_shared>>) offsets(%dma_start3A_322 : memref<128xi32, #tpu.memory_space<vmem>>) semaphore(%run_scoped3A_315 : memref<!tpu.dma_semaphore, #tpu.memory_space<semaphore_mem>>) {add = true}
        %dma_wait3A_326 = arith.constant 0 : i32
        %dma_wait3A_327 = arith.constant 0 : i32
        %dma_wait3A_328 = tpu.memref_slice %arg13[%run_scoped3A_313, %dma_wait3A_326, %dma_wait3A_327] : memref<2x128x32xf32, #tpu.memory_space<vmem>> -> memref<1x128x32xf32, #tpu.memory_space<vmem>>
        %dma_wait3A_329 = tpu.memref_squeeze %dma_wait3A_328 : memref<1x128x32xf32, #tpu.memory_space<vmem>> -> memref<128x32xf32, #tpu.memory_space<vmem>>
        %dma_wait3A_330 = arith.constant 0 : i32
        %dma_wait3A_331 = tpu.memref_slice %arg10[%run_scoped3A_314, %dma_wait3A_330] : memref<2x128xi32, #tpu.memory_space<vmem>> -> memref<1x128xi32, #tpu.memory_space<vmem>>
        %dma_wait3A_332 = tpu.memref_squeeze %dma_wait3A_331 : memref<1x128xi32, #tpu.memory_space<vmem>> -> memref<128xi32, #tpu.memory_space<vmem>>
        %dma_wait3A_333 = arith.constant 0 : i32
        %dma_wait3A_334 = arith.constant 0 : i32
        %dma_wait3A_335 = tpu.memref_slice %arg8[%dma_wait3A_333, %dma_wait3A_334] : memref<50000x32xf32, #tpu.memory_space<vmem_shared>> -> memref<50000x32xf32, #tpu.memory_space<vmem_shared>>
        tpu.wait_indirect_dma semaphore(%run_scoped3A_315 : memref<!tpu.dma_semaphore, #tpu.memory_space<semaphore_mem>>) src(%dma_wait3A_329 : memref<128x32xf32, #tpu.memory_space<vmem>>) dst(%dma_wait3A_335 : memref<50000x32xf32, #tpu.memory_space<vmem_shared>>)
        tpu.yield
      }) : () -> ()
    }
    %barrier3A_37 = arith.constant 0 : index
    tpu.barrier barrier_id(%barrier3A_37)
    %mul3A_38 = arith.constant 3125 : i32
    %mul3A_39 = arith.muli %arg1, %mul3A_38 : i32
    %mul3A_40 = arith.constant 3125 : i32
    %mul3A_41 = arith.muli %arg1, %mul3A_40 : i32
    %add3A_42 = arith.addi %mul3A_2, %mul3A_41 : i32
    "tpu.region"() ({
      %run_scoped3A = tpu.sem_alloc : memref<!tpu.dma_semaphore, #tpu.memory_space<semaphore_mem>>
      %dma_start3A = arith.constant 0 : i32
      %dma_start3A_43 = tpu.memref_slice %arg7[%add3A_42, %dma_start3A] : memref<100000x32xf32, #tpu.memory_space<hbm>> -> memref<3125x32xf32, #tpu.memory_space<hbm>>
      %dma_start3A_44 = arith.constant 0 : i32
      %dma_start3A_45 = tpu.memref_slice %arg8[%mul3A_39, %dma_start3A_44] : memref<50000x32xf32, #tpu.memory_space<vmem_shared>> -> memref<3125x32xf32, #tpu.memory_space<vmem_shared>>
      tpu.enqueue_dma source(%dma_start3A_45 : memref<3125x32xf32, #tpu.memory_space<vmem_shared>>) target(%dma_start3A_43 : memref<3125x32xf32, #tpu.memory_space<hbm>>) target_semaphore(%run_scoped3A : memref<!tpu.dma_semaphore, #tpu.memory_space<semaphore_mem>>)
      %dma_wait3A = arith.constant 0 : i32
      %dma_wait3A_46 = tpu.memref_slice %arg7[%add3A_42, %dma_wait3A] : memref<100000x32xf32, #tpu.memory_space<hbm>> -> memref<3125x32xf32, #tpu.memory_space<hbm>>
      %dma_wait3A_47 = arith.constant 0 : i32
      %dma_wait3A_48 = tpu.memref_slice %arg8[%mul3A_39, %dma_wait3A_47] : memref<50000x32xf32, #tpu.memory_space<vmem_shared>> -> memref<3125x32xf32, #tpu.memory_space<vmem_shared>>
      tpu.wait_dma2 semaphore(%run_scoped3A : memref<!tpu.dma_semaphore, #tpu.memory_space<semaphore_mem>>) src(%dma_wait3A_48 : memref<3125x32xf32, #tpu.memory_space<vmem_shared>>) dst(%dma_wait3A_46 : memref<3125x32xf32, #tpu.memory_space<hbm>>)
      tpu.yield
    }) : () -> ()
    return
  }
}

#map = affine_map<(d0, d1) -> (0, 0)>
#map1 = affine_map<(d0, d1) -> (0, 0, 0)>
module attributes {stable_mosaic.version = 14 : i64} {
  func.func @_sc_body(%arg0: i32, %arg1: i32, %arg2: memref<6250x128xi32, #tpu.memory_space<hbm>>, %arg3: memref<6250x128xi32, #tpu.memory_space<hbm>>, %arg4: memref<100000x32xf32, #tpu.memory_space<hbm>>, %arg5: memref<6250x128x128xf32, #tpu.memory_space<hbm>>, %arg6: memref<3125x32xf32, #tpu.memory_space<hbm>>, %arg7: memref<100000x32xf32, #tpu.memory_space<hbm>>, %arg8: memref<50000x32xf32, #tpu.memory_space<vmem_shared>>, %arg9: memref<2x128xi32, #tpu.memory_space<vmem>>, %arg10: memref<2x128xi32, #tpu.memory_space<vmem>>, %arg11: memref<2x128xi32, #tpu.memory_space<vmem>>, %arg12: memref<2x128x32xf32, #tpu.memory_space<vmem>>, %arg13: memref<2x128x32xf32, #tpu.memory_space<vmem>>, %arg14: memref<!tpu.dma_semaphore, #tpu.memory_space<semaphore_mem>>) attributes {dimension_semantics = [#tpu.dimension_semantics<core_parallel>, #tpu.dimension_semantics<subcore_parallel>], iteration_bounds = array<i64: 2, 16>, scalar_prefetch = 0 : i64, scratch_operands = 7 : i64, tpu.core_type = #tpu.core_type<sc_vector_subcore>, window_params = [{transform_indices = #map}, {transform_indices = #map}, {transform_indices = #map}, {transform_indices = #map1}, {transform_indices = #map}, {transform_indices = #map}]} {
    %mul3A = arith.constant 3125 : i32
    %mul3A_0 = arith.muli %arg1, %mul3A : i32
    "tpu.region"() ({
      %run_scoped3A = tpu.sem_alloc : memref<!tpu.dma_semaphore, #tpu.memory_space<semaphore_mem>>
      %dma_start3A = arith.constant 0 : i32
      %dma_start3A_43 = tpu.memref_slice %arg8[%mul3A_0, %dma_start3A] : memref<50000x32xf32, #tpu.memory_space<vmem_shared>> -> memref<3125x32xf32, #tpu.memory_space<vmem_shared>>
      tpu.enqueue_dma source(%arg6 : memref<3125x32xf32, #tpu.memory_space<hbm>>) target(%dma_start3A_43 : memref<3125x32xf32, #tpu.memory_space<vmem_shared>>) target_semaphore(%run_scoped3A : memref<!tpu.dma_semaphore, #tpu.memory_space<semaphore_mem>>)
      %dma_wait3A = arith.constant 0 : i32
      %dma_wait3A_44 = tpu.memref_slice %arg8[%mul3A_0, %dma_wait3A] : memref<50000x32xf32, #tpu.memory_space<vmem_shared>> -> memref<3125x32xf32, #tpu.memory_space<vmem_shared>>
      tpu.wait_dma2 semaphore(%run_scoped3A : memref<!tpu.dma_semaphore, #tpu.memory_space<semaphore_mem>>) src(%arg6 : memref<3125x32xf32, #tpu.memory_space<hbm>>) dst(%dma_wait3A_44 : memref<3125x32xf32, #tpu.memory_space<vmem_shared>>)
      tpu.yield
    }) : () -> ()
    %barrier3A = arith.constant 0 : index
    tpu.barrier barrier_id(%barrier3A)
    %mul3A_1 = arith.constant 50000 : i32
    %mul3A_2 = arith.muli %arg0, %mul3A_1 : i32
    %mul3A_3 = arith.constant 32 : i32
    %mul3A_4 = arith.muli %arg0, %mul3A_3 : i32
    %add3A = arith.constant 64 : i32
    %add3A_5 = arith.addi %add3A, %mul3A_4 : i32
    %sub3A = arith.constant 3125 : i32
    %sub3A_6 = arith.subi %sub3A, %arg1 : i32
    %add3A_7 = arith.constant 16 : i32
    %add3A_8 = arith.addi %sub3A_6, %add3A_7 : i32
    %sub3A_9 = arith.constant 1 : i32
    %sub3A_10 = arith.subi %add3A_8, %sub3A_9 : i32
    %jit3A = arith.constant 16 : i32
    %div3A = arith.divsi %sub3A_10, %jit3A : i32
    %sign3A = arith.constant 0 : i32
    %sign3A_11 = arith.cmpi sgt, %sub3A_10, %sign3A : i32
    %sign3A_12 = arith.extui %sign3A_11 : i1 to i32
    %sign3A_13 = arith.constant 0 : i32
    %sign3A_14 = arith.cmpi slt, %sub3A_10, %sign3A_13 : i32
    %sign3A_15 = arith.extui %sign3A_14 : i1 to i32
    %sign3A_16 = arith.subi %sign3A_12, %sign3A_15 : i32
    %sign3A_17 = arith.constant 0 : i32
    %sign3A_18 = arith.cmpi sgt, %jit3A, %sign3A_17 : i32
    %sign3A_19 = arith.extui %sign3A_18 : i1 to i32
    %sign3A_20 = arith.constant 0 : i32
    %sign3A_21 = arith.cmpi slt, %jit3A, %sign3A_20 : i32
    %sign3A_22 = arith.extui %sign3A_21 : i1 to i32
    %sign3A_23 = arith.subi %sign3A_19, %sign3A_22 : i32
    %ne3A = arith.cmpi ne, %sign3A_16, %sign3A_23 : i32
    %rem3A = arith.remsi %sub3A_10, %jit3A : i32
    %ne3A_24 = arith.constant 0 : i32
    %ne3A_25 = arith.cmpi ne, %rem3A, %ne3A_24 : i32
    %and3A = arith.andi %ne3A, %ne3A_25 : i1
    %sub3A_26 = arith.constant 1 : i32
    %sub3A_27 = arith.subi %div3A, %sub3A_26 : i32
    %select_n3A = arith.select %and3A, %sub3A_27, %div3A : i32
    %while3A = arith.constant 0 : i32
    %while3A_28 = arith.constant 0 : i32
    %while3A_29 = arith.subi %select_n3A, %while3A_28 : i32
    %while3A_30 = arith.addi %while3A_28, %while3A_29 : i32
    %while3A_31 = arith.constant 1 : i32
    %while3A_32 = arith.divsi %while3A_29, %while3A_31 : i32
    %while3A_33 = arith.muli %while3A_32, %while3A_31 : i32
    %while3A_34 = arith.addi %while3A_28, %while3A_33 : i32
    %while3A_35 = arith.constant 1 : i32
    scf.for %while3A_43 = %while3A_28 to %while3A_34 step %while3A_35  : i32 {
      %mul3A_44 = arith.constant 16 : i32
      %mul3A_45 = arith.muli %while3A_43, %mul3A_44 : i32
      %add3A_46 = arith.addi %arg1, %mul3A_45 : i32
      %mul3A_47 = arith.constant 2 : i32
      %mul3A_48 = arith.muli %add3A_46, %mul3A_47 : i32
      "tpu.region"() ({
        %run_scoped3A_315 = tpu.sem_alloc : memref<!tpu.dma_semaphore, #tpu.memory_space<semaphore_mem>>
        %dma_start3A_316 = arith.constant 0 : i32
        %dma_start3A_317 = tpu.memref_slice %arg2[%mul3A_48, %dma_start3A_316] : memref<6250x128xi32, #tpu.memory_space<hbm>> -> memref<2x128xi32, #tpu.memory_space<hbm>>
        %dma_start3A_318 = arith.constant 0 : i32
        %dma_start3A_319 = tpu.memref_slice %arg2[%mul3A_48, %dma_start3A_318] : memref<6250x128xi32, #tpu.memory_space<hbm>> -> memref<2x128xi32, #tpu.memory_space<hbm>>
        tpu.enqueue_dma source(%dma_start3A_319 : memref<2x128xi32, #tpu.memory_space<hbm>>) target(%arg9 : memref<2x128xi32, #tpu.memory_space<vmem>>) target_semaphore(%run_scoped3A_315 : memref<!tpu.dma_semaphore, #tpu.memory_space<semaphore_mem>>)
        %dma_wait3A_320 = arith.constant 0 : i32
        %dma_wait3A_321 = tpu.memref_slice %arg2[%mul3A_48, %dma_wait3A_320] : memref<6250x128xi32, #tpu.memory_space<hbm>> -> memref<2x128xi32, #tpu.memory_space<hbm>>
        %dma_wait3A_322 = arith.constant 0 : i32
        %dma_wait3A_323 = tpu.memref_slice %arg2[%mul3A_48, %dma_wait3A_322] : memref<6250x128xi32, #tpu.memory_space<hbm>> -> memref<2x128xi32, #tpu.memory_space<hbm>>
        tpu.wait_dma2 semaphore(%run_scoped3A_315 : memref<!tpu.dma_semaphore, #tpu.memory_space<semaphore_mem>>) src(%dma_wait3A_323 : memref<2x128xi32, #tpu.memory_space<hbm>>) dst(%arg9 : memref<2x128xi32, #tpu.memory_space<vmem>>)
        tpu.yield
      }) : () -> ()
      "tpu.region"() ({
        %run_scoped3A_315 = tpu.sem_alloc : memref<!tpu.dma_semaphore, #tpu.memory_space<semaphore_mem>>
        %dma_start3A_316 = arith.constant 0 : i32
        %dma_start3A_317 = tpu.memref_slice %arg3[%mul3A_48, %dma_start3A_316] : memref<6250x128xi32, #tpu.memory_space<hbm>> -> memref<2x128xi32, #tpu.memory_space<hbm>>
        %dma_start3A_318 = arith.constant 0 : i32
        %dma_start3A_319 = tpu.memref_slice %arg3[%mul3A_48, %dma_start3A_318] : memref<6250x128xi32, #tpu.memory_space<hbm>> -> memref<2x128xi32, #tpu.memory_space<hbm>>
        tpu.enqueue_dma source(%dma_start3A_319 : memref<2x128xi32, #tpu.memory_space<hbm>>) target(%arg10 : memref<2x128xi32, #tpu.memory_space<vmem>>) target_semaphore(%run_scoped3A_315 : memref<!tpu.dma_semaphore, #tpu.memory_space<semaphore_mem>>)
        %dma_wait3A_320 = arith.constant 0 : i32
        %dma_wait3A_321 = tpu.memref_slice %arg3[%mul3A_48, %dma_wait3A_320] : memref<6250x128xi32, #tpu.memory_space<hbm>> -> memref<2x128xi32, #tpu.memory_space<hbm>>
        %dma_wait3A_322 = arith.constant 0 : i32
        %dma_wait3A_323 = tpu.memref_slice %arg3[%mul3A_48, %dma_wait3A_322] : memref<6250x128xi32, #tpu.memory_space<hbm>> -> memref<2x128xi32, #tpu.memory_space<hbm>>
        tpu.wait_dma2 semaphore(%run_scoped3A_315 : memref<!tpu.dma_semaphore, #tpu.memory_space<semaphore_mem>>) src(%dma_wait3A_323 : memref<2x128xi32, #tpu.memory_space<hbm>>) dst(%arg10 : memref<2x128xi32, #tpu.memory_space<vmem>>)
        tpu.yield
      }) : () -> ()
      %get3A = arith.constant 0 : i32
      %get3A_49 = arith.index_cast %get3A : i32 to index
      %get3A_50 = arith.constant 0 : index
      %get3A_51 = tpu.vector_load %arg9[%get3A_49, %get3A_50] {strides = array<i32>} : memref<2x128xi32, #tpu.memory_space<vmem>>, vector<1x16xi32>,
      %get3A_52 = vector.shape_cast %get3A_51 : vector<1x16xi32> to vector<16xi32>
      %add3A_53 = vector.broadcast %mul3A_2 : i32 to vector<16xi32>
      %add3A_54 = arith.addi %get3A_52, %add3A_53 : vector<16xi32>
      %swap3A = arith.constant 0 : i32
      %swap3A_55 = arith.index_cast %swap3A : i32 to index
      %swap3A_56 = arith.constant 0 : index
      %swap3A_57 = tpu.vector_load %arg11[%swap3A_55, %swap3A_56] {strides = array<i32>} : memref<2x128xi32, #tpu.memory_space<vmem>>, vector<1x16xi32>,
      %swap3A_58 = vector.shape_cast %swap3A_57 : vector<1x16xi32> to vector<16xi32>
      %swap3A_59 = vector.shape_cast %add3A_54 : vector<16xi32> to vector<1x16xi32>
      tpu.vector_store %arg11[%swap3A_55, %swap3A_56], %swap3A_59 {strides = array<i32>} : memref<2x128xi32, #tpu.memory_space<vmem>>, vector<1x16xi32>,
      %get3A_60 = arith.constant 0 : i32
      %get3A_61 = arith.index_cast %get3A_60 : i32 to index
      %get3A_62 = arith.constant 16 : index
      %get3A_63 = tpu.vector_load %arg9[%get3A_61, %get3A_62] {strides = array<i32>} : memref<2x128xi32, #tpu.memory_space<vmem>>, vector<1x16xi32>,
      %get3A_64 = vector.shape_cast %get3A_63 : vector<1x16xi32> to vector<16xi32>
      %add3A_65 = vector.broadcast %mul3A_2 : i32 to vector<16xi32>
      %add3A_66 = arith.addi %get3A_64, %add3A_65 : vector<16xi32>
      %swap3A_67 = arith.constant 0 : i32
      %swap3A_68 = arith.index_cast %swap3A_67 : i32 to index
      %swap3A_69 = arith.constant 16 : index
      %swap3A_70 = tpu.vector_load %arg11[%swap3A_68, %swap3A_69] {strides = array<i32>} : memref<2x128xi32, #tpu.memory_space<vmem>>, vector<1x16xi32>,
      %swap3A_71 = vector.shape_cast %swap3A_70 : vector<1x16xi32> to vector<16xi32>
      %swap3A_72 = vector.shape_cast %add3A_66 : vector<16xi32> to vector<1x16xi32>
      tpu.vector_store %arg11[%swap3A_68, %swap3A_69], %swap3A_72 {strides = array<i32>} : memref<2x128xi32, #tpu.memory_space<vmem>>, vector<1x16xi32>,
      %get3A_73 = arith.constant 0 : i32
      %get3A_74 = arith.index_cast %get3A_73 : i32 to index
      %get3A_75 = arith.constant 32 : index
      %get3A_76 = tpu.vector_load %arg9[%get3A_74, %get3A_75] {strides = array<i32>} : memref<2x128xi32, #tpu.memory_space<vmem>>, vector<1x16xi32>,
      %get3A_77 = vector.shape_cast %get3A_76 : vector<1x16xi32> to vector<16xi32>
      %add3A_78 = vector.broadcast %mul3A_2 : i32 to vector<16xi32>
      %add3A_79 = arith.addi %get3A_77, %add3A_78 : vector<16xi32>
      %swap3A_80 = arith.constant 0 : i32
      %swap3A_81 = arith.index_cast %swap3A_80 : i32 to index
      %swap3A_82 = arith.constant 32 : index
      %swap3A_83 = tpu.vector_load %arg11[%swap3A_81, %swap3A_82] {strides = array<i32>} : memref<2x128xi32, #tpu.memory_space<vmem>>, vector<1x16xi32>,
      %swap3A_84 = vector.shape_cast %swap3A_83 : vector<1x16xi32> to vector<16xi32>
      %swap3A_85 = vector.shape_cast %add3A_79 : vector<16xi32> to vector<1x16xi32>
      tpu.vector_store %arg11[%swap3A_81, %swap3A_82], %swap3A_85 {strides = array<i32>} : memref<2x128xi32, #tpu.memory_space<vmem>>, vector<1x16xi32>,
      %get3A_86 = arith.constant 0 : i32
      %get3A_87 = arith.index_cast %get3A_86 : i32 to index
      %get3A_88 = arith.constant 48 : index
      %get3A_89 = tpu.vector_load %arg9[%get3A_87, %get3A_88] {strides = array<i32>} : memref<2x128xi32, #tpu.memory_space<vmem>>, vector<1x16xi32>,
      %get3A_90 = vector.shape_cast %get3A_89 : vector<1x16xi32> to vector<16xi32>
      %add3A_91 = vector.broadcast %mul3A_2 : i32 to vector<16xi32>
      %add3A_92 = arith.addi %get3A_90, %add3A_91 : vector<16xi32>
      %swap3A_93 = arith.constant 0 : i32
      %swap3A_94 = arith.index_cast %swap3A_93 : i32 to index
      %swap3A_95 = arith.constant 48 : index
      %swap3A_96 = tpu.vector_load %arg11[%swap3A_94, %swap3A_95] {strides = array<i32>} : memref<2x128xi32, #tpu.memory_space<vmem>>, vector<1x16xi32>,
      %swap3A_97 = vector.shape_cast %swap3A_96 : vector<1x16xi32> to vector<16xi32>
      %swap3A_98 = vector.shape_cast %add3A_92 : vector<16xi32> to vector<1x16xi32>
      tpu.vector_store %arg11[%swap3A_94, %swap3A_95], %swap3A_98 {strides = array<i32>} : memref<2x128xi32, #tpu.memory_space<vmem>>, vector<1x16xi32>,
      %get3A_99 = arith.constant 0 : i32
      %get3A_100 = arith.index_cast %get3A_99 : i32 to index
      %get3A_101 = arith.constant 64 : index
      %get3A_102 = tpu.vector_load %arg9[%get3A_100, %get3A_101] {strides = array<i32>} : memref<2x128xi32, #tpu.memory_space<vmem>>, vector<1x16xi32>,
      %get3A_103 = vector.shape_cast %get3A_102 : vector<1x16xi32> to vector<16xi32>
      %add3A_104 = vector.broadcast %mul3A_2 : i32 to vector<16xi32>
      %add3A_105 = arith.addi %get3A_103, %add3A_104 : vector<16xi32>
      %swap3A_106 = arith.constant 0 : i32
      %swap3A_107 = arith.index_cast %swap3A_106 : i32 to index
      %swap3A_108 = arith.constant 64 : index
      %swap3A_109 = tpu.vector_load %arg11[%swap3A_107, %swap3A_108] {strides = array<i32>} : memref<2x128xi32, #tpu.memory_space<vmem>>, vector<1x16xi32>,
      %swap3A_110 = vector.shape_cast %swap3A_109 : vector<1x16xi32> to vector<16xi32>
      %swap3A_111 = vector.shape_cast %add3A_105 : vector<16xi32> to vector<1x16xi32>
      tpu.vector_store %arg11[%swap3A_107, %swap3A_108], %swap3A_111 {strides = array<i32>} : memref<2x128xi32, #tpu.memory_space<vmem>>, vector<1x16xi32>,
      %get3A_112 = arith.constant 0 : i32
      %get3A_113 = arith.index_cast %get3A_112 : i32 to index
      %get3A_114 = arith.constant 80 : index
      %get3A_115 = tpu.vector_load %arg9[%get3A_113, %get3A_114] {strides = array<i32>} : memref<2x128xi32, #tpu.memory_space<vmem>>, vector<1x16xi32>,
      %get3A_116 = vector.shape_cast %get3A_115 : vector<1x16xi32> to vector<16xi32>
      %add3A_117 = vector.broadcast %mul3A_2 : i32 to vector<16xi32>
      %add3A_118 = arith.addi %get3A_116, %add3A_117 : vector<16xi32>
      %swap3A_119 = arith.constant 0 : i32
      %swap3A_120 = arith.index_cast %swap3A_119 : i32 to index
      %swap3A_121 = arith.constant 80 : index
      %swap3A_122 = tpu.vector_load %arg11[%swap3A_120, %swap3A_121] {strides = array<i32>} : memref<2x128xi32, #tpu.memory_space<vmem>>, vector<1x16xi32>,
      %swap3A_123 = vector.shape_cast %swap3A_122 : vector<1x16xi32> to vector<16xi32>
      %swap3A_124 = vector.shape_cast %add3A_118 : vector<16xi32> to vector<1x16xi32>
      tpu.vector_store %arg11[%swap3A_120, %swap3A_121], %swap3A_124 {strides = array<i32>} : memref<2x128xi32, #tpu.memory_space<vmem>>, vector<1x16xi32>,
      %get3A_125 = arith.constant 0 : i32
      %get3A_126 = arith.index_cast %get3A_125 : i32 to index
      %get3A_127 = arith.constant 96 : index
      %get3A_128 = tpu.vector_load %arg9[%get3A_126, %get3A_127] {strides = array<i32>} : memref<2x128xi32, #tpu.memory_space<vmem>>, vector<1x16xi32>,
      %get3A_129 = vector.shape_cast %get3A_128 : vector<1x16xi32> to vector<16xi32>
      %add3A_130 = vector.broadcast %mul3A_2 : i32 to vector<16xi32>
      %add3A_131 = arith.addi %get3A_129, %add3A_130 : vector<16xi32>
      %swap3A_132 = arith.constant 0 : i32
      %swap3A_133 = arith.index_cast %swap3A_132 : i32 to index
      %swap3A_134 = arith.constant 96 : index
      %swap3A_135 = tpu.vector_load %arg11[%swap3A_133, %swap3A_134] {strides = array<i32>} : memref<2x128xi32, #tpu.memory_space<vmem>>, vector<1x16xi32>,
      %swap3A_136 = vector.shape_cast %swap3A_135 : vector<1x16xi32> to vector<16xi32>
      %swap3A_137 = vector.shape_cast %add3A_131 : vector<16xi32> to vector<1x16xi32>
      tpu.vector_store %arg11[%swap3A_133, %swap3A_134], %swap3A_137 {strides = array<i32>} : memref<2x128xi32, #tpu.memory_space<vmem>>, vector<1x16xi32>,
      %get3A_138 = arith.constant 0 : i32
      %get3A_139 = arith.index_cast %get3A_138 : i32 to index
      %get3A_140 = arith.constant 112 : index
      %get3A_141 = tpu.vector_load %arg9[%get3A_139, %get3A_140] {strides = array<i32>} : memref<2x128xi32, #tpu.memory_space<vmem>>, vector<1x16xi32>,
      %get3A_142 = vector.shape_cast %get3A_141 : vector<1x16xi32> to vector<16xi32>
      %add3A_143 = vector.broadcast %mul3A_2 : i32 to vector<16xi32>
      %add3A_144 = arith.addi %get3A_142, %add3A_143 : vector<16xi32>
      %swap3A_145 = arith.constant 0 : i32
      %swap3A_146 = arith.index_cast %swap3A_145 : i32 to index
      %swap3A_147 = arith.constant 112 : index
      %swap3A_148 = tpu.vector_load %arg11[%swap3A_146, %swap3A_147] {strides = array<i32>} : memref<2x128xi32, #tpu.memory_space<vmem>>, vector<1x16xi32>,
      %swap3A_149 = vector.shape_cast %swap3A_148 : vector<1x16xi32> to vector<16xi32>
      %swap3A_150 = vector.shape_cast %add3A_144 : vector<16xi32> to vector<1x16xi32>
      tpu.vector_store %arg11[%swap3A_146, %swap3A_147], %swap3A_150 {strides = array<i32>} : memref<2x128xi32, #tpu.memory_space<vmem>>, vector<1x16xi32>,
      %get3A_151 = arith.constant 1 : i32
      %get3A_152 = arith.index_cast %get3A_151 : i32 to index
      %get3A_153 = arith.constant 0 : index
      %get3A_154 = tpu.vector_load %arg9[%get3A_152, %get3A_153] {strides = array<i32>} : memref<2x128xi32, #tpu.memory_space<vmem>>, vector<1x16xi32>,
      %get3A_155 = vector.shape_cast %get3A_154 : vector<1x16xi32> to vector<16xi32>
      %add3A_156 = vector.broadcast %mul3A_2 : i32 to vector<16xi32>
      %add3A_157 = arith.addi %get3A_155, %add3A_156 : vector<16xi32>
      %swap3A_158 = arith.constant 1 : i32
      %swap3A_159 = arith.index_cast %swap3A_158 : i32 to index
      %swap3A_160 = arith.constant 0 : index
      %swap3A_161 = tpu.vector_load %arg11[%swap3A_159, %swap3A_160] {strides = array<i32>} : memref<2x128xi32, #tpu.memory_space<vmem>>, vector<1x16xi32>,
      %swap3A_162 = vector.shape_cast %swap3A_161 : vector<1x16xi32> to vector<16xi32>
      %swap3A_163 = vector.shape_cast %add3A_157 : vector<16xi32> to vector<1x16xi32>
      tpu.vector_store %arg11[%swap3A_159, %swap3A_160], %swap3A_163 {strides = array<i32>} : memref<2x128xi32, #tpu.memory_space<vmem>>, vector<1x16xi32>,
      %get3A_164 = arith.constant 1 : i32
      %get3A_165 = arith.index_cast %get3A_164 : i32 to index
      %get3A_166 = arith.constant 16 : index
      %get3A_167 = tpu.vector_load %arg9[%get3A_165, %get3A_166] {strides = array<i32>} : memref<2x128xi32, #tpu.memory_space<vmem>>, vector<1x16xi32>,
      %get3A_168 = vector.shape_cast %get3A_167 : vector<1x16xi32> to vector<16xi32>
      %add3A_169 = vector.broadcast %mul3A_2 : i32 to vector<16xi32>
      %add3A_170 = arith.addi %get3A_168, %add3A_169 : vector<16xi32>
      %swap3A_171 = arith.constant 1 : i32
      %swap3A_172 = arith.index_cast %swap3A_171 : i32 to index
      %swap3A_173 = arith.constant 16 : index
      %swap3A_174 = tpu.vector_load %arg11[%swap3A_172, %swap3A_173] {strides = array<i32>} : memref<2x128xi32, #tpu.memory_space<vmem>>, vector<1x16xi32>,
      %swap3A_175 = vector.shape_cast %swap3A_174 : vector<1x16xi32> to vector<16xi32>
      %swap3A_176 = vector.shape_cast %add3A_170 : vector<16xi32> to vector<1x16xi32>
      tpu.vector_store %arg11[%swap3A_172, %swap3A_173], %swap3A_176 {strides = array<i32>} : memref<2x128xi32, #tpu.memory_space<vmem>>, vector<1x16xi32>,
      %get3A_177 = arith.constant 1 : i32
      %get3A_178 = arith.index_cast %get3A_177 : i32 to index
      %get3A_179 = arith.constant 32 : index
      %get3A_180 = tpu.vector_load %arg9[%get3A_178, %get3A_179] {strides = array<i32>} : memref<2x128xi32, #tpu.memory_space<vmem>>, vector<1x16xi32>,
      %get3A_181 = vector.shape_cast %get3A_180 : vector<1x16xi32> to vector<16xi32>
      %add3A_182 = vector.broadcast %mul3A_2 : i32 to vector<16xi32>
      %add3A_183 = arith.addi %get3A_181, %add3A_182 : vector<16xi32>
      %swap3A_184 = arith.constant 1 : i32
      %swap3A_185 = arith.index_cast %swap3A_184 : i32 to index
      %swap3A_186 = arith.constant 32 : index
      %swap3A_187 = tpu.vector_load %arg11[%swap3A_185, %swap3A_186] {strides = array<i32>} : memref<2x128xi32, #tpu.memory_space<vmem>>, vector<1x16xi32>,
      %swap3A_188 = vector.shape_cast %swap3A_187 : vector<1x16xi32> to vector<16xi32>
      %swap3A_189 = vector.shape_cast %add3A_183 : vector<16xi32> to vector<1x16xi32>
      tpu.vector_store %arg11[%swap3A_185, %swap3A_186], %swap3A_189 {strides = array<i32>} : memref<2x128xi32, #tpu.memory_space<vmem>>, vector<1x16xi32>,
      %get3A_190 = arith.constant 1 : i32
      %get3A_191 = arith.index_cast %get3A_190 : i32 to index
      %get3A_192 = arith.constant 48 : index
      %get3A_193 = tpu.vector_load %arg9[%get3A_191, %get3A_192] {strides = array<i32>} : memref<2x128xi32, #tpu.memory_space<vmem>>, vector<1x16xi32>,
      %get3A_194 = vector.shape_cast %get3A_193 : vector<1x16xi32> to vector<16xi32>
      %add3A_195 = vector.broadcast %mul3A_2 : i32 to vector<16xi32>
      %add3A_196 = arith.addi %get3A_194, %add3A_195 : vector<16xi32>
      %swap3A_197 = arith.constant 1 : i32
      %swap3A_198 = arith.index_cast %swap3A_197 : i32 to index
      %swap3A_199 = arith.constant 48 : index
      %swap3A_200 = tpu.vector_load %arg11[%swap3A_198, %swap3A_199] {strides = array<i32>} : memref<2x128xi32, #tpu.memory_space<vmem>>, vector<1x16xi32>,
      %swap3A_201 = vector.shape_cast %swap3A_200 : vector<1x16xi32> to vector<16xi32>
      %swap3A_202 = vector.shape_cast %add3A_196 : vector<16xi32> to vector<1x16xi32>
      tpu.vector_store %arg11[%swap3A_198, %swap3A_199], %swap3A_202 {strides = array<i32>} : memref<2x128xi32, #tpu.memory_space<vmem>>, vector<1x16xi32>,
      %get3A_203 = arith.constant 1 : i32
      %get3A_204 = arith.index_cast %get3A_203 : i32 to index
      %get3A_205 = arith.constant 64 : index
      %get3A_206 = tpu.vector_load %arg9[%get3A_204, %get3A_205] {strides = array<i32>} : memref<2x128xi32, #tpu.memory_space<vmem>>, vector<1x16xi32>,
      %get3A_207 = vector.shape_cast %get3A_206 : vector<1x16xi32> to vector<16xi32>
      %add3A_208 = vector.broadcast %mul3A_2 : i32 to vector<16xi32>
      %add3A_209 = arith.addi %get3A_207, %add3A_208 : vector<16xi32>
      %swap3A_210 = arith.constant 1 : i32
      %swap3A_211 = arith.index_cast %swap3A_210 : i32 to index
      %swap3A_212 = arith.constant 64 : index
      %swap3A_213 = tpu.vector_load %arg11[%swap3A_211, %swap3A_212] {strides = array<i32>} : memref<2x128xi32, #tpu.memory_space<vmem>>, vector<1x16xi32>,
      %swap3A_214 = vector.shape_cast %swap3A_213 : vector<1x16xi32> to vector<16xi32>
      %swap3A_215 = vector.shape_cast %add3A_209 : vector<16xi32> to vector<1x16xi32>
      tpu.vector_store %arg11[%swap3A_211, %swap3A_212], %swap3A_215 {strides = array<i32>} : memref<2x128xi32, #tpu.memory_space<vmem>>, vector<1x16xi32>,
      %get3A_216 = arith.constant 1 : i32
      %get3A_217 = arith.index_cast %get3A_216 : i32 to index
      %get3A_218 = arith.constant 80 : index
      %get3A_219 = tpu.vector_load %arg9[%get3A_217, %get3A_218] {strides = array<i32>} : memref<2x128xi32, #tpu.memory_space<vmem>>, vector<1x16xi32>,
      %get3A_220 = vector.shape_cast %get3A_219 : vector<1x16xi32> to vector<16xi32>
      %add3A_221 = vector.broadcast %mul3A_2 : i32 to vector<16xi32>
      %add3A_222 = arith.addi %get3A_220, %add3A_221 : vector<16xi32>
      %swap3A_223 = arith.constant 1 : i32
      %swap3A_224 = arith.index_cast %swap3A_223 : i32 to index
      %swap3A_225 = arith.constant 80 : index
      %swap3A_226 = tpu.vector_load %arg11[%swap3A_224, %swap3A_225] {strides = array<i32>} : memref<2x128xi32, #tpu.memory_space<vmem>>, vector<1x16xi32>,
      %swap3A_227 = vector.shape_cast %swap3A_226 : vector<1x16xi32> to vector<16xi32>
      %swap3A_228 = vector.shape_cast %add3A_222 : vector<16xi32> to vector<1x16xi32>
      tpu.vector_store %arg11[%swap3A_224, %swap3A_225], %swap3A_228 {strides = array<i32>} : memref<2x128xi32, #tpu.memory_space<vmem>>, vector<1x16xi32>,
      %get3A_229 = arith.constant 1 : i32
      %get3A_230 = arith.index_cast %get3A_229 : i32 to index
      %get3A_231 = arith.constant 96 : index
      %get3A_232 = tpu.vector_load %arg9[%get3A_230, %get3A_231] {strides = array<i32>} : memref<2x128xi32, #tpu.memory_space<vmem>>, vector<1x16xi32>,
      %get3A_233 = vector.shape_cast %get3A_232 : vector<1x16xi32> to vector<16xi32>
      %add3A_234 = vector.broadcast %mul3A_2 : i32 to vector<16xi32>
      %add3A_235 = arith.addi %get3A_233, %add3A_234 : vector<16xi32>
      %swap3A_236 = arith.constant 1 : i32
      %swap3A_237 = arith.index_cast %swap3A_236 : i32 to index
      %swap3A_238 = arith.constant 96 : index
      %swap3A_239 = tpu.vector_load %arg11[%swap3A_237, %swap3A_238] {strides = array<i32>} : memref<2x128xi32, #tpu.memory_space<vmem>>, vector<1x16xi32>,
      %swap3A_240 = vector.shape_cast %swap3A_239 : vector<1x16xi32> to vector<16xi32>
      %swap3A_241 = vector.shape_cast %add3A_235 : vector<16xi32> to vector<1x16xi32>
      tpu.vector_store %arg11[%swap3A_237, %swap3A_238], %swap3A_241 {strides = array<i32>} : memref<2x128xi32, #tpu.memory_space<vmem>>, vector<1x16xi32>,
      %get3A_242 = arith.constant 1 : i32
      %get3A_243 = arith.index_cast %get3A_242 : i32 to index
      %get3A_244 = arith.constant 112 : index
      %get3A_245 = tpu.vector_load %arg9[%get3A_243, %get3A_244] {strides = array<i32>} : memref<2x128xi32, #tpu.memory_space<vmem>>, vector<1x16xi32>,
      %get3A_246 = vector.shape_cast %get3A_245 : vector<1x16xi32> to vector<16xi32>
      %add3A_247 = vector.broadcast %mul3A_2 : i32 to vector<16xi32>
      %add3A_248 = arith.addi %get3A_246, %add3A_247 : vector<16xi32>
      %swap3A_249 = arith.constant 1 : i32
      %swap3A_250 = arith.index_cast %swap3A_249 : i32 to index
      %swap3A_251 = arith.constant 112 : index
      %swap3A_252 = tpu.vector_load %arg11[%swap3A_250, %swap3A_251] {strides = array<i32>} : memref<2x128xi32, #tpu.memory_space<vmem>>, vector<1x16xi32>,
      %swap3A_253 = vector.shape_cast %swap3A_252 : vector<1x16xi32> to vector<16xi32>
      %swap3A_254 = vector.shape_cast %add3A_248 : vector<16xi32> to vector<1x16xi32>
      tpu.vector_store %arg11[%swap3A_250, %swap3A_251], %swap3A_254 {strides = array<i32>} : memref<2x128xi32, #tpu.memory_space<vmem>>, vector<1x16xi32>,
      %dma_start3A = arith.constant 0 : i32
      %dma_start3A_255 = arith.constant 0 : i32
      %dma_start3A_256 = arith.constant 0 : i32
      %dma_start3A_257 = arith.constant 0 : i32
      %dma_start3A_258 = tpu.memref_slice %arg12[%dma_start3A_255, %dma_start3A_256, %dma_start3A_257] : memref<2x128x32xf32, #tpu.memory_space<vmem>> -> memref<1x128x32xf32, #tpu.memory_space<vmem>>
      %dma_start3A_259 = tpu.memref_squeeze %dma_start3A_258 : memref<1x128x32xf32, #tpu.memory_space<vmem>> -> memref<128x32xf32, #tpu.memory_space<vmem>>
      %dma_start3A_260 = arith.constant 0 : i32
      %dma_start3A_261 = tpu.memref_slice %arg11[%dma_start3A, %dma_start3A_260] : memref<2x128xi32, #tpu.memory_space<vmem>> -> memref<1x128xi32, #tpu.memory_space<vmem>>
      %dma_start3A_262 = tpu.memref_squeeze %dma_start3A_261 : memref<1x128xi32, #tpu.memory_space<vmem>> -> memref<128xi32, #tpu.memory_space<vmem>>
      %dma_start3A_263 = arith.constant 0 : i32
      %dma_start3A_264 = arith.constant 0 : i32
      %dma_start3A_265 = tpu.memref_slice %arg4[%dma_start3A_263, %dma_start3A_264] : memref<100000x32xf32, #tpu.memory_space<hbm>> -> memref<100000x32xf32, #tpu.memory_space<hbm>>
      tpu.enqueue_indirect_dma source(%dma_start3A_265 : memref<100000x32xf32, #tpu.memory_space<hbm>>) target(%dma_start3A_259 : memref<128x32xf32, #tpu.memory_space<vmem>>) offsets(%dma_start3A_262 : memref<128xi32, #tpu.memory_space<vmem>>) semaphore(%arg14 : memref<!tpu.dma_semaphore, #tpu.memory_space<semaphore_mem>>)
      %dma_start3A_266 = arith.constant 1 : i32
      %dma_start3A_267 = arith.constant 1 : i32
      %dma_start3A_268 = arith.constant 0 : i32
      %dma_start3A_269 = arith.constant 0 : i32
      %dma_start3A_270 = tpu.memref_slice %arg12[%dma_start3A_267, %dma_start3A_268, %dma_start3A_269] : memref<2x128x32xf32, #tpu.memory_space<vmem>> -> memref<1x128x32xf32, #tpu.memory_space<vmem>>
      %dma_start3A_271 = tpu.memref_squeeze %dma_start3A_270 : memref<1x128x32xf32, #tpu.memory_space<vmem>> -> memref<128x32xf32, #tpu.memory_space<vmem>>
      %dma_start3A_272 = arith.constant 0 : i32
      %dma_start3A_273 = tpu.memref_slice %arg11[%dma_start3A_266, %dma_start3A_272] : memref<2x128xi32, #tpu.memory_space<vmem>> -> memref<1x128xi32, #tpu.memory_space<vmem>>
      %dma_start3A_274 = tpu.memref_squeeze %dma_start3A_273 : memref<1x128xi32, #tpu.memory_space<vmem>> -> memref<128xi32, #tpu.memory_space<vmem>>
      %dma_start3A_275 = arith.constant 0 : i32
      %dma_start3A_276 = arith.constant 0 : i32
      %dma_start3A_277 = tpu.memref_slice %arg4[%dma_start3A_275, %dma_start3A_276] : memref<100000x32xf32, #tpu.memory_space<hbm>> -> memref<100000x32xf32, #tpu.memory_space<hbm>>
      tpu.enqueue_indirect_dma source(%dma_start3A_277 : memref<100000x32xf32, #tpu.memory_space<hbm>>) target(%dma_start3A_271 : memref<128x32xf32, #tpu.memory_space<vmem>>) offsets(%dma_start3A_274 : memref<128xi32, #tpu.memory_space<vmem>>) semaphore(%arg14 : memref<!tpu.dma_semaphore, #tpu.memory_space<semaphore_mem>>)
      "tpu.region"() ({
        %run_scoped3A_315 = tpu.sem_alloc : memref<!tpu.dma_semaphore, #tpu.memory_space<semaphore_mem>>
        %dma_start3A_316 = arith.constant 0 : i32
        %dma_start3A_317 = tpu.memref_slice %arg5[%mul3A_48, %dma_start3A_316, %add3A_5] : memref<6250x128x128xf32, #tpu.memory_space<hbm>> -> memref<2x128x32xf32, #tpu.memory_space<hbm>>
        %dma_start3A_318 = arith.constant 0 : i32
        %dma_start3A_319 = tpu.memref_slice %arg5[%mul3A_48, %dma_start3A_318, %add3A_5] : memref<6250x128x128xf32, #tpu.memory_space<hbm>> -> memref<2x128x32xf32, #tpu.memory_space<hbm>>
        tpu.enqueue_dma source(%dma_start3A_319 : memref<2x128x32xf32, #tpu.memory_space<hbm>>) target(%arg13 : memref<2x128x32xf32, #tpu.memory_space<vmem>>) target_semaphore(%run_scoped3A_315 : memref<!tpu.dma_semaphore, #tpu.memory_space<semaphore_mem>>)
        %dma_wait3A_320 = arith.constant 0 : i32
        %dma_wait3A_321 = tpu.memref_slice %arg5[%mul3A_48, %dma_wait3A_320, %add3A_5] : memref<6250x128x128xf32, #tpu.memory_space<hbm>> -> memref<2x128x32xf32, #tpu.memory_space<hbm>>
        %dma_wait3A_322 = arith.constant 0 : i32
        %dma_wait3A_323 = tpu.memref_slice %arg5[%mul3A_48, %dma_wait3A_322, %add3A_5] : memref<6250x128x128xf32, #tpu.memory_space<hbm>> -> memref<2x128x32xf32, #tpu.memory_space<hbm>>
        tpu.wait_dma2 semaphore(%run_scoped3A_315 : memref<!tpu.dma_semaphore, #tpu.memory_space<semaphore_mem>>) src(%dma_wait3A_323 : memref<2x128x32xf32, #tpu.memory_space<hbm>>) dst(%arg13 : memref<2x128x32xf32, #tpu.memory_space<vmem>>)
        tpu.yield
      }) : () -> ()
      %dma_wait3A = arith.constant 0 : i32
      %dma_wait3A_278 = arith.constant 0 : i32
      %dma_wait3A_279 = arith.constant 0 : i32
      %dma_wait3A_280 = arith.constant 0 : i32
      %dma_wait3A_281 = tpu.memref_slice %arg12[%dma_wait3A_278, %dma_wait3A_279, %dma_wait3A_280] : memref<2x128x32xf32, #tpu.memory_space<vmem>> -> memref<1x128x32xf32, #tpu.memory_space<vmem>>
      %dma_wait3A_282 = tpu.memref_squeeze %dma_wait3A_281 : memref<1x128x32xf32, #tpu.memory_space<vmem>> -> memref<128x32xf32, #tpu.memory_space<vmem>>
      %dma_wait3A_283 = arith.constant 0 : i32
      %dma_wait3A_284 = tpu.memref_slice %arg11[%dma_wait3A, %dma_wait3A_283] : memref<2x128xi32, #tpu.memory_space<vmem>> -> memref<1x128xi32, #tpu.memory_space<vmem>>
      %dma_wait3A_285 = tpu.memref_squeeze %dma_wait3A_284 : memref<1x128xi32, #tpu.memory_space<vmem>> -> memref<128xi32, #tpu.memory_space<vmem>>
      %dma_wait3A_286 = arith.constant 0 : i32
      %dma_wait3A_287 = arith.constant 0 : i32
      %dma_wait3A_288 = tpu.memref_slice %arg4[%dma_wait3A_286, %dma_wait3A_287] : memref<100000x32xf32, #tpu.memory_space<hbm>> -> memref<100000x32xf32, #tpu.memory_space<hbm>>
      tpu.wait_indirect_dma semaphore(%arg14 : memref<!tpu.dma_semaphore, #tpu.memory_space<semaphore_mem>>) src(%dma_wait3A_288 : memref<100000x32xf32, #tpu.memory_space<hbm>>) dst(%dma_wait3A_282 : memref<128x32xf32, #tpu.memory_space<vmem>>)
      %dma_wait3A_289 = arith.constant 1 : i32
      %dma_wait3A_290 = arith.constant 1 : i32
      %dma_wait3A_291 = arith.constant 0 : i32
      %dma_wait3A_292 = arith.constant 0 : i32
      %dma_wait3A_293 = tpu.memref_slice %arg12[%dma_wait3A_290, %dma_wait3A_291, %dma_wait3A_292] : memref<2x128x32xf32, #tpu.memory_space<vmem>> -> memref<1x128x32xf32, #tpu.memory_space<vmem>>
      %dma_wait3A_294 = tpu.memref_squeeze %dma_wait3A_293 : memref<1x128x32xf32, #tpu.memory_space<vmem>> -> memref<128x32xf32, #tpu.memory_space<vmem>>
      %dma_wait3A_295 = arith.constant 0 : i32
      %dma_wait3A_296 = tpu.memref_slice %arg11[%dma_wait3A_289, %dma_wait3A_295] : memref<2x128xi32, #tpu.memory_space<vmem>> -> memref<1x128xi32, #tpu.memory_space<vmem>>
      %dma_wait3A_297 = tpu.memref_squeeze %dma_wait3A_296 : memref<1x128xi32, #tpu.memory_space<vmem>> -> memref<128xi32, #tpu.memory_space<vmem>>
      %dma_wait3A_298 = arith.constant 0 : i32
      %dma_wait3A_299 = arith.constant 0 : i32
      %dma_wait3A_300 = tpu.memref_slice %arg4[%dma_wait3A_298, %dma_wait3A_299] : memref<100000x32xf32, #tpu.memory_space<hbm>> -> memref<100000x32xf32, #tpu.memory_space<hbm>>
      tpu.wait_indirect_dma semaphore(%arg14 : memref<!tpu.dma_semaphore, #tpu.memory_space<semaphore_mem>>) src(%dma_wait3A_300 : memref<100000x32xf32, #tpu.memory_space<hbm>>) dst(%dma_wait3A_294 : memref<128x32xf32, #tpu.memory_space<vmem>>)
      %scan3A = arith.constant 0 : i32
      %scan3A_301 = arith.constant 0 : i32
      %scan3A_302 = arith.constant 32 : i32
      %scan3A_303 = arith.addi %scan3A_301, %scan3A_302 : i32
      %scan3A_304 = arith.constant 1 : i32
      scf.for %scan3A_315 = %scan3A_301 to %scan3A_303 step %scan3A_304  : i32 {
        %mul3A_316 = arith.constant 4 : i32
        %mul3A_317 = arith.muli %scan3A_315, %mul3A_316 : i32
        %add3A_318 = arith.constant 0 : i32
        %add3A_319 = arith.addi %mul3A_317, %add3A_318 : i32
        %get3A_320 = arith.constant 0 : i32
        %get3A_321 = arith.index_cast %get3A_320 : i32 to index
        %get3A_322 = arith.index_cast %add3A_319 : i32 to index
        %get3A_323 = arith.constant 0 : index
        %get3A_324 = tpu.vector_load %arg12[%get3A_321, %get3A_322, %get3A_323] {strides = array<i32>} : memref<2x128x32xf32, #tpu.memory_space<vmem>>, vector<1x1x16xf32>,
        %get3A_325 = vector.shape_cast %get3A_324 : vector<1x1x16xf32> to vector<16xf32>
        %get3A_326 = arith.constant 0 : i32
        %get3A_327 = arith.index_cast %get3A_326 : i32 to index
        %get3A_328 = arith.index_cast %add3A_319 : i32 to index
        %get3A_329 = arith.constant 0 : index
        %get3A_330 = tpu.vector_load %arg13[%get3A_327, %get3A_328, %get3A_329] {strides = array<i32>} : memref<2x128x32xf32, #tpu.memory_space<vmem>>, vector<1x1x16xf32>,
        %get3A_331 = vector.shape_cast %get3A_330 : vector<1x1x16xf32> to vector<16xf32>
        %add3A_332 = arith.addf %get3A_325, %get3A_331 : vector<16xf32>
        %max3A = arith.constant 0.000000e+00 : f32
        %max3A_333 = vector.broadcast %max3A : f32 to vector<16xf32>
        %max3A_334 = arith.maximumf %add3A_332, %max3A_333 : vector<16xf32>
        %swap3A_335 = arith.constant 0 : i32
        %swap3A_336 = arith.index_cast %swap3A_335 : i32 to index
        %swap3A_337 = arith.index_cast %add3A_319 : i32 to index
        %swap3A_338 = arith.constant 0 : index
        %swap3A_339 = tpu.vector_load %arg13[%swap3A_336, %swap3A_337, %swap3A_338] {strides = array<i32>} : memref<2x128x32xf32, #tpu.memory_space<vmem>>, vector<1x1x16xf32>,
        %swap3A_340 = vector.shape_cast %swap3A_339 : vector<1x1x16xf32> to vector<16xf32>
        %swap3A_341 = vector.shape_cast %max3A_334 : vector<16xf32> to vector<1x1x16xf32>
        tpu.vector_store %arg13[%swap3A_336, %swap3A_337, %swap3A_338], %swap3A_341 {strides = array<i32>} : memref<2x128x32xf32, #tpu.memory_space<vmem>>, vector<1x1x16xf32>,
        %get3A_342 = arith.constant 0 : i32
        %get3A_343 = arith.index_cast %get3A_342 : i32 to index
        %get3A_344 = arith.index_cast %add3A_319 : i32 to index
        %get3A_345 = arith.constant 16 : index
        %get3A_346 = tpu.vector_load %arg12[%get3A_343, %get3A_344, %get3A_345] {strides = array<i32>} : memref<2x128x32xf32, #tpu.memory_space<vmem>>, vector<1x1x16xf32>,
        %get3A_347 = vector.shape_cast %get3A_346 : vector<1x1x16xf32> to vector<16xf32>
        %get3A_348 = arith.constant 0 : i32
        %get3A_349 = arith.index_cast %get3A_348 : i32 to index
        %get3A_350 = arith.index_cast %add3A_319 : i32 to index
        %get3A_351 = arith.constant 16 : index
        %get3A_352 = tpu.vector_load %arg13[%get3A_349, %get3A_350, %get3A_351] {strides = array<i32>} : memref<2x128x32xf32, #tpu.memory_space<vmem>>, vector<1x1x16xf32>,
        %get3A_353 = vector.shape_cast %get3A_352 : vector<1x1x16xf32> to vector<16xf32>
        %add3A_354 = arith.addf %get3A_347, %get3A_353 : vector<16xf32>
        %max3A_355 = arith.constant 0.000000e+00 : f32
        %max3A_356 = vector.broadcast %max3A_355 : f32 to vector<16xf32>
        %max3A_357 = arith.maximumf %add3A_354, %max3A_356 : vector<16xf32>
        %swap3A_358 = arith.constant 0 : i32
        %swap3A_359 = arith.index_cast %swap3A_358 : i32 to index
        %swap3A_360 = arith.index_cast %add3A_319 : i32 to index
        %swap3A_361 = arith.constant 16 : index
        %swap3A_362 = tpu.vector_load %arg13[%swap3A_359, %swap3A_360, %swap3A_361] {strides = array<i32>} : memref<2x128x32xf32, #tpu.memory_space<vmem>>, vector<1x1x16xf32>,
        %swap3A_363 = vector.shape_cast %swap3A_362 : vector<1x1x16xf32> to vector<16xf32>
        %swap3A_364 = vector.shape_cast %max3A_357 : vector<16xf32> to vector<1x1x16xf32>
        tpu.vector_store %arg13[%swap3A_359, %swap3A_360, %swap3A_361], %swap3A_364 {strides = array<i32>} : memref<2x128x32xf32, #tpu.memory_space<vmem>>, vector<1x1x16xf32>,
        %mul3A_365 = arith.constant 4 : i32
        %mul3A_366 = arith.muli %scan3A_315, %mul3A_365 : i32
        %add3A_367 = arith.constant 1 : i32
        %add3A_368 = arith.addi %mul3A_366, %add3A_367 : i32
        %get3A_369 = arith.constant 0 : i32
        %get3A_370 = arith.index_cast %get3A_369 : i32 to index
        %get3A_371 = arith.index_cast %add3A_368 : i32 to index
        %get3A_372 = arith.constant 0 : index
        %get3A_373 = tpu.vector_load %arg12[%get3A_370, %get3A_371, %get3A_372] {strides = array<i32>} : memref<2x128x32xf32, #tpu.memory_space<vmem>>, vector<1x1x16xf32>,
        %get3A_374 = vector.shape_cast %get3A_373 : vector<1x1x16xf32> to vector<16xf32>
        %get3A_375 = arith.constant 0 : i32
        %get3A_376 = arith.index_cast %get3A_375 : i32 to index
        %get3A_377 = arith.index_cast %add3A_368 : i32 to index
        %get3A_378 = arith.constant 0 : index
        %get3A_379 = tpu.vector_load %arg13[%get3A_376, %get3A_377, %get3A_378] {strides = array<i32>} : memref<2x128x32xf32, #tpu.memory_space<vmem>>, vector<1x1x16xf32>,
        %get3A_380 = vector.shape_cast %get3A_379 : vector<1x1x16xf32> to vector<16xf32>
        %add3A_381 = arith.addf %get3A_374, %get3A_380 : vector<16xf32>
        %max3A_382 = arith.constant 0.000000e+00 : f32
        %max3A_383 = vector.broadcast %max3A_382 : f32 to vector<16xf32>
        %max3A_384 = arith.maximumf %add3A_381, %max3A_383 : vector<16xf32>
        %swap3A_385 = arith.constant 0 : i32
        %swap3A_386 = arith.index_cast %swap3A_385 : i32 to index
        %swap3A_387 = arith.index_cast %add3A_368 : i32 to index
        %swap3A_388 = arith.constant 0 : index
        %swap3A_389 = tpu.vector_load %arg13[%swap3A_386, %swap3A_387, %swap3A_388] {strides = array<i32>} : memref<2x128x32xf32, #tpu.memory_space<vmem>>, vector<1x1x16xf32>,
        %swap3A_390 = vector.shape_cast %swap3A_389 : vector<1x1x16xf32> to vector<16xf32>
        %swap3A_391 = vector.shape_cast %max3A_384 : vector<16xf32> to vector<1x1x16xf32>
        tpu.vector_store %arg13[%swap3A_386, %swap3A_387, %swap3A_388], %swap3A_391 {strides = array<i32>} : memref<2x128x32xf32, #tpu.memory_space<vmem>>, vector<1x1x16xf32>,
        %get3A_392 = arith.constant 0 : i32
        %get3A_393 = arith.index_cast %get3A_392 : i32 to index
        %get3A_394 = arith.index_cast %add3A_368 : i32 to index
        %get3A_395 = arith.constant 16 : index
        %get3A_396 = tpu.vector_load %arg12[%get3A_393, %get3A_394, %get3A_395] {strides = array<i32>} : memref<2x128x32xf32, #tpu.memory_space<vmem>>, vector<1x1x16xf32>,
        %get3A_397 = vector.shape_cast %get3A_396 : vector<1x1x16xf32> to vector<16xf32>
        %get3A_398 = arith.constant 0 : i32
        %get3A_399 = arith.index_cast %get3A_398 : i32 to index
        %get3A_400 = arith.index_cast %add3A_368 : i32 to index
        %get3A_401 = arith.constant 16 : index
        %get3A_402 = tpu.vector_load %arg13[%get3A_399, %get3A_400, %get3A_401] {strides = array<i32>} : memref<2x128x32xf32, #tpu.memory_space<vmem>>, vector<1x1x16xf32>,
        %get3A_403 = vector.shape_cast %get3A_402 : vector<1x1x16xf32> to vector<16xf32>
        %add3A_404 = arith.addf %get3A_397, %get3A_403 : vector<16xf32>
        %max3A_405 = arith.constant 0.000000e+00 : f32
        %max3A_406 = vector.broadcast %max3A_405 : f32 to vector<16xf32>
        %max3A_407 = arith.maximumf %add3A_404, %max3A_406 : vector<16xf32>
        %swap3A_408 = arith.constant 0 : i32
        %swap3A_409 = arith.index_cast %swap3A_408 : i32 to index
        %swap3A_410 = arith.index_cast %add3A_368 : i32 to index
        %swap3A_411 = arith.constant 16 : index
        %swap3A_412 = tpu.vector_load %arg13[%swap3A_409, %swap3A_410, %swap3A_411] {strides = array<i32>} : memref<2x128x32xf32, #tpu.memory_space<vmem>>, vector<1x1x16xf32>,
        %swap3A_413 = vector.shape_cast %swap3A_412 : vector<1x1x16xf32> to vector<16xf32>
        %swap3A_414 = vector.shape_cast %max3A_407 : vector<16xf32> to vector<1x1x16xf32>
        tpu.vector_store %arg13[%swap3A_409, %swap3A_410, %swap3A_411], %swap3A_414 {strides = array<i32>} : memref<2x128x32xf32, #tpu.memory_space<vmem>>, vector<1x1x16xf32>,
        %mul3A_415 = arith.constant 4 : i32
        %mul3A_416 = arith.muli %scan3A_315, %mul3A_415 : i32
        %add3A_417 = arith.constant 2 : i32
        %add3A_418 = arith.addi %mul3A_416, %add3A_417 : i32
        %get3A_419 = arith.constant 0 : i32
        %get3A_420 = arith.index_cast %get3A_419 : i32 to index
        %get3A_421 = arith.index_cast %add3A_418 : i32 to index
        %get3A_422 = arith.constant 0 : index
        %get3A_423 = tpu.vector_load %arg12[%get3A_420, %get3A_421, %get3A_422] {strides = array<i32>} : memref<2x128x32xf32, #tpu.memory_space<vmem>>, vector<1x1x16xf32>,
        %get3A_424 = vector.shape_cast %get3A_423 : vector<1x1x16xf32> to vector<16xf32>
        %get3A_425 = arith.constant 0 : i32
        %get3A_426 = arith.index_cast %get3A_425 : i32 to index
        %get3A_427 = arith.index_cast %add3A_418 : i32 to index
        %get3A_428 = arith.constant 0 : index
        %get3A_429 = tpu.vector_load %arg13[%get3A_426, %get3A_427, %get3A_428] {strides = array<i32>} : memref<2x128x32xf32, #tpu.memory_space<vmem>>, vector<1x1x16xf32>,
        %get3A_430 = vector.shape_cast %get3A_429 : vector<1x1x16xf32> to vector<16xf32>
        %add3A_431 = arith.addf %get3A_424, %get3A_430 : vector<16xf32>
        %max3A_432 = arith.constant 0.000000e+00 : f32
        %max3A_433 = vector.broadcast %max3A_432 : f32 to vector<16xf32>
        %max3A_434 = arith.maximumf %add3A_431, %max3A_433 : vector<16xf32>
        %swap3A_435 = arith.constant 0 : i32
        %swap3A_436 = arith.index_cast %swap3A_435 : i32 to index
        %swap3A_437 = arith.index_cast %add3A_418 : i32 to index
        %swap3A_438 = arith.constant 0 : index
        %swap3A_439 = tpu.vector_load %arg13[%swap3A_436, %swap3A_437, %swap3A_438] {strides = array<i32>} : memref<2x128x32xf32, #tpu.memory_space<vmem>>, vector<1x1x16xf32>,
        %swap3A_440 = vector.shape_cast %swap3A_439 : vector<1x1x16xf32> to vector<16xf32>
        %swap3A_441 = vector.shape_cast %max3A_434 : vector<16xf32> to vector<1x1x16xf32>
        tpu.vector_store %arg13[%swap3A_436, %swap3A_437, %swap3A_438], %swap3A_441 {strides = array<i32>} : memref<2x128x32xf32, #tpu.memory_space<vmem>>, vector<1x1x16xf32>,
        %get3A_442 = arith.constant 0 : i32
        %get3A_443 = arith.index_cast %get3A_442 : i32 to index
        %get3A_444 = arith.index_cast %add3A_418 : i32 to index
        %get3A_445 = arith.constant 16 : index
        %get3A_446 = tpu.vector_load %arg12[%get3A_443, %get3A_444, %get3A_445] {strides = array<i32>} : memref<2x128x32xf32, #tpu.memory_space<vmem>>, vector<1x1x16xf32>,
        %get3A_447 = vector.shape_cast %get3A_446 : vector<1x1x16xf32> to vector<16xf32>
        %get3A_448 = arith.constant 0 : i32
        %get3A_449 = arith.index_cast %get3A_448 : i32 to index
        %get3A_450 = arith.index_cast %add3A_418 : i32 to index
        %get3A_451 = arith.constant 16 : index
        %get3A_452 = tpu.vector_load %arg13[%get3A_449, %get3A_450, %get3A_451] {strides = array<i32>} : memref<2x128x32xf32, #tpu.memory_space<vmem>>, vector<1x1x16xf32>,
        %get3A_453 = vector.shape_cast %get3A_452 : vector<1x1x16xf32> to vector<16xf32>
        %add3A_454 = arith.addf %get3A_447, %get3A_453 : vector<16xf32>
        %max3A_455 = arith.constant 0.000000e+00 : f32
        %max3A_456 = vector.broadcast %max3A_455 : f32 to vector<16xf32>
        %max3A_457 = arith.maximumf %add3A_454, %max3A_456 : vector<16xf32>
        %swap3A_458 = arith.constant 0 : i32
        %swap3A_459 = arith.index_cast %swap3A_458 : i32 to index
        %swap3A_460 = arith.index_cast %add3A_418 : i32 to index
        %swap3A_461 = arith.constant 16 : index
        %swap3A_462 = tpu.vector_load %arg13[%swap3A_459, %swap3A_460, %swap3A_461] {strides = array<i32>} : memref<2x128x32xf32, #tpu.memory_space<vmem>>, vector<1x1x16xf32>,
        %swap3A_463 = vector.shape_cast %swap3A_462 : vector<1x1x16xf32> to vector<16xf32>
        %swap3A_464 = vector.shape_cast %max3A_457 : vector<16xf32> to vector<1x1x16xf32>
        tpu.vector_store %arg13[%swap3A_459, %swap3A_460, %swap3A_461], %swap3A_464 {strides = array<i32>} : memref<2x128x32xf32, #tpu.memory_space<vmem>>, vector<1x1x16xf32>,
        %mul3A_465 = arith.constant 4 : i32
        %mul3A_466 = arith.muli %scan3A_315, %mul3A_465 : i32
        %add3A_467 = arith.constant 3 : i32
        %add3A_468 = arith.addi %mul3A_466, %add3A_467 : i32
        %get3A_469 = arith.constant 0 : i32
        %get3A_470 = arith.index_cast %get3A_469 : i32 to index
        %get3A_471 = arith.index_cast %add3A_468 : i32 to index
        %get3A_472 = arith.constant 0 : index
        %get3A_473 = tpu.vector_load %arg12[%get3A_470, %get3A_471, %get3A_472] {strides = array<i32>} : memref<2x128x32xf32, #tpu.memory_space<vmem>>, vector<1x1x16xf32>,
        %get3A_474 = vector.shape_cast %get3A_473 : vector<1x1x16xf32> to vector<16xf32>
        %get3A_475 = arith.constant 0 : i32
        %get3A_476 = arith.index_cast %get3A_475 : i32 to index
        %get3A_477 = arith.index_cast %add3A_468 : i32 to index
        %get3A_478 = arith.constant 0 : index
        %get3A_479 = tpu.vector_load %arg13[%get3A_476, %get3A_477, %get3A_478] {strides = array<i32>} : memref<2x128x32xf32, #tpu.memory_space<vmem>>, vector<1x1x16xf32>,
        %get3A_480 = vector.shape_cast %get3A_479 : vector<1x1x16xf32> to vector<16xf32>
        %add3A_481 = arith.addf %get3A_474, %get3A_480 : vector<16xf32>
        %max3A_482 = arith.constant 0.000000e+00 : f32
        %max3A_483 = vector.broadcast %max3A_482 : f32 to vector<16xf32>
        %max3A_484 = arith.maximumf %add3A_481, %max3A_483 : vector<16xf32>
        %swap3A_485 = arith.constant 0 : i32
        %swap3A_486 = arith.index_cast %swap3A_485 : i32 to index
        %swap3A_487 = arith.index_cast %add3A_468 : i32 to index
        %swap3A_488 = arith.constant 0 : index
        %swap3A_489 = tpu.vector_load %arg13[%swap3A_486, %swap3A_487, %swap3A_488] {strides = array<i32>} : memref<2x128x32xf32, #tpu.memory_space<vmem>>, vector<1x1x16xf32>,
        %swap3A_490 = vector.shape_cast %swap3A_489 : vector<1x1x16xf32> to vector<16xf32>
        %swap3A_491 = vector.shape_cast %max3A_484 : vector<16xf32> to vector<1x1x16xf32>
        tpu.vector_store %arg13[%swap3A_486, %swap3A_487, %swap3A_488], %swap3A_491 {strides = array<i32>} : memref<2x128x32xf32, #tpu.memory_space<vmem>>, vector<1x1x16xf32>,
        %get3A_492 = arith.constant 0 : i32
        %get3A_493 = arith.index_cast %get3A_492 : i32 to index
        %get3A_494 = arith.index_cast %add3A_468 : i32 to index
        %get3A_495 = arith.constant 16 : index
        %get3A_496 = tpu.vector_load %arg12[%get3A_493, %get3A_494, %get3A_495] {strides = array<i32>} : memref<2x128x32xf32, #tpu.memory_space<vmem>>, vector<1x1x16xf32>,
        %get3A_497 = vector.shape_cast %get3A_496 : vector<1x1x16xf32> to vector<16xf32>
        %get3A_498 = arith.constant 0 : i32
        %get3A_499 = arith.index_cast %get3A_498 : i32 to index
        %get3A_500 = arith.index_cast %add3A_468 : i32 to index
        %get3A_501 = arith.constant 16 : index
        %get3A_502 = tpu.vector_load %arg13[%get3A_499, %get3A_500, %get3A_501] {strides = array<i32>} : memref<2x128x32xf32, #tpu.memory_space<vmem>>, vector<1x1x16xf32>,
        %get3A_503 = vector.shape_cast %get3A_502 : vector<1x1x16xf32> to vector<16xf32>
        %add3A_504 = arith.addf %get3A_497, %get3A_503 : vector<16xf32>
        %max3A_505 = arith.constant 0.000000e+00 : f32
        %max3A_506 = vector.broadcast %max3A_505 : f32 to vector<16xf32>
        %max3A_507 = arith.maximumf %add3A_504, %max3A_506 : vector<16xf32>
        %swap3A_508 = arith.constant 0 : i32
        %swap3A_509 = arith.index_cast %swap3A_508 : i32 to index
        %swap3A_510 = arith.index_cast %add3A_468 : i32 to index
        %swap3A_511 = arith.constant 16 : index
        %swap3A_512 = tpu.vector_load %arg13[%swap3A_509, %swap3A_510, %swap3A_511] {strides = array<i32>} : memref<2x128x32xf32, #tpu.memory_space<vmem>>, vector<1x1x16xf32>,
        %swap3A_513 = vector.shape_cast %swap3A_512 : vector<1x1x16xf32> to vector<16xf32>
        %swap3A_514 = vector.shape_cast %max3A_507 : vector<16xf32> to vector<1x1x16xf32>
        tpu.vector_store %arg13[%swap3A_509, %swap3A_510, %swap3A_511], %swap3A_514 {strides = array<i32>} : memref<2x128x32xf32, #tpu.memory_space<vmem>>, vector<1x1x16xf32>,
      }
      %scan3A_305 = arith.constant 32 : i32
      %scan3A_306 = arith.constant 0 : i32
      %scan3A_307 = arith.constant 0 : i32
      %scan3A_308 = arith.constant 32 : i32
      %scan3A_309 = arith.addi %scan3A_307, %scan3A_308 : i32
      %scan3A_310 = arith.constant 1 : i32
      scf.for %scan3A_315 = %scan3A_307 to %scan3A_309 step %scan3A_310  : i32 {
        %mul3A_316 = arith.constant 4 : i32
        %mul3A_317 = arith.muli %scan3A_315, %mul3A_316 : i32
        %add3A_318 = arith.constant 0 : i32
        %add3A_319 = arith.addi %mul3A_317, %add3A_318 : i32
        %get3A_320 = arith.constant 1 : i32
        %get3A_321 = arith.index_cast %get3A_320 : i32 to index
        %get3A_322 = arith.index_cast %add3A_319 : i32 to index
        %get3A_323 = arith.constant 0 : index
        %get3A_324 = tpu.vector_load %arg12[%get3A_321, %get3A_322, %get3A_323] {strides = array<i32>} : memref<2x128x32xf32, #tpu.memory_space<vmem>>, vector<1x1x16xf32>,
        %get3A_325 = vector.shape_cast %get3A_324 : vector<1x1x16xf32> to vector<16xf32>
        %get3A_326 = arith.constant 1 : i32
        %get3A_327 = arith.index_cast %get3A_326 : i32 to index
        %get3A_328 = arith.index_cast %add3A_319 : i32 to index
        %get3A_329 = arith.constant 0 : index
        %get3A_330 = tpu.vector_load %arg13[%get3A_327, %get3A_328, %get3A_329] {strides = array<i32>} : memref<2x128x32xf32, #tpu.memory_space<vmem>>, vector<1x1x16xf32>,
        %get3A_331 = vector.shape_cast %get3A_330 : vector<1x1x16xf32> to vector<16xf32>
        %add3A_332 = arith.addf %get3A_325, %get3A_331 : vector<16xf32>
        %max3A = arith.constant 0.000000e+00 : f32
        %max3A_333 = vector.broadcast %max3A : f32 to vector<16xf32>
        %max3A_334 = arith.maximumf %add3A_332, %max3A_333 : vector<16xf32>
        %swap3A_335 = arith.constant 1 : i32
        %swap3A_336 = arith.index_cast %swap3A_335 : i32 to index
        %swap3A_337 = arith.index_cast %add3A_319 : i32 to index
        %swap3A_338 = arith.constant 0 : index
        %swap3A_339 = tpu.vector_load %arg13[%swap3A_336, %swap3A_337, %swap3A_338] {strides = array<i32>} : memref<2x128x32xf32, #tpu.memory_space<vmem>>, vector<1x1x16xf32>,
        %swap3A_340 = vector.shape_cast %swap3A_339 : vector<1x1x16xf32> to vector<16xf32>
        %swap3A_341 = vector.shape_cast %max3A_334 : vector<16xf32> to vector<1x1x16xf32>
        tpu.vector_store %arg13[%swap3A_336, %swap3A_337, %swap3A_338], %swap3A_341 {strides = array<i32>} : memref<2x128x32xf32, #tpu.memory_space<vmem>>, vector<1x1x16xf32>,
        %get3A_342 = arith.constant 1 : i32
        %get3A_343 = arith.index_cast %get3A_342 : i32 to index
        %get3A_344 = arith.index_cast %add3A_319 : i32 to index
        %get3A_345 = arith.constant 16 : index
        %get3A_346 = tpu.vector_load %arg12[%get3A_343, %get3A_344, %get3A_345] {strides = array<i32>} : memref<2x128x32xf32, #tpu.memory_space<vmem>>, vector<1x1x16xf32>,
        %get3A_347 = vector.shape_cast %get3A_346 : vector<1x1x16xf32> to vector<16xf32>
        %get3A_348 = arith.constant 1 : i32
        %get3A_349 = arith.index_cast %get3A_348 : i32 to index
        %get3A_350 = arith.index_cast %add3A_319 : i32 to index
        %get3A_351 = arith.constant 16 : index
        %get3A_352 = tpu.vector_load %arg13[%get3A_349, %get3A_350, %get3A_351] {strides = array<i32>} : memref<2x128x32xf32, #tpu.memory_space<vmem>>, vector<1x1x16xf32>,
        %get3A_353 = vector.shape_cast %get3A_352 : vector<1x1x16xf32> to vector<16xf32>
        %add3A_354 = arith.addf %get3A_347, %get3A_353 : vector<16xf32>
        %max3A_355 = arith.constant 0.000000e+00 : f32
        %max3A_356 = vector.broadcast %max3A_355 : f32 to vector<16xf32>
        %max3A_357 = arith.maximumf %add3A_354, %max3A_356 : vector<16xf32>
        %swap3A_358 = arith.constant 1 : i32
        %swap3A_359 = arith.index_cast %swap3A_358 : i32 to index
        %swap3A_360 = arith.index_cast %add3A_319 : i32 to index
        %swap3A_361 = arith.constant 16 : index
        %swap3A_362 = tpu.vector_load %arg13[%swap3A_359, %swap3A_360, %swap3A_361] {strides = array<i32>} : memref<2x128x32xf32, #tpu.memory_space<vmem>>, vector<1x1x16xf32>,
        %swap3A_363 = vector.shape_cast %swap3A_362 : vector<1x1x16xf32> to vector<16xf32>
        %swap3A_364 = vector.shape_cast %max3A_357 : vector<16xf32> to vector<1x1x16xf32>
        tpu.vector_store %arg13[%swap3A_359, %swap3A_360, %swap3A_361], %swap3A_364 {strides = array<i32>} : memref<2x128x32xf32, #tpu.memory_space<vmem>>, vector<1x1x16xf32>,
        %mul3A_365 = arith.constant 4 : i32
        %mul3A_366 = arith.muli %scan3A_315, %mul3A_365 : i32
        %add3A_367 = arith.constant 1 : i32
        %add3A_368 = arith.addi %mul3A_366, %add3A_367 : i32
        %get3A_369 = arith.constant 1 : i32
        %get3A_370 = arith.index_cast %get3A_369 : i32 to index
        %get3A_371 = arith.index_cast %add3A_368 : i32 to index
        %get3A_372 = arith.constant 0 : index
        %get3A_373 = tpu.vector_load %arg12[%get3A_370, %get3A_371, %get3A_372] {strides = array<i32>} : memref<2x128x32xf32, #tpu.memory_space<vmem>>, vector<1x1x16xf32>,
        %get3A_374 = vector.shape_cast %get3A_373 : vector<1x1x16xf32> to vector<16xf32>
        %get3A_375 = arith.constant 1 : i32
        %get3A_376 = arith.index_cast %get3A_375 : i32 to index
        %get3A_377 = arith.index_cast %add3A_368 : i32 to index
        %get3A_378 = arith.constant 0 : index
        %get3A_379 = tpu.vector_load %arg13[%get3A_376, %get3A_377, %get3A_378] {strides = array<i32>} : memref<2x128x32xf32, #tpu.memory_space<vmem>>, vector<1x1x16xf32>,
        %get3A_380 = vector.shape_cast %get3A_379 : vector<1x1x16xf32> to vector<16xf32>
        %add3A_381 = arith.addf %get3A_374, %get3A_380 : vector<16xf32>
        %max3A_382 = arith.constant 0.000000e+00 : f32
        %max3A_383 = vector.broadcast %max3A_382 : f32 to vector<16xf32>
        %max3A_384 = arith.maximumf %add3A_381, %max3A_383 : vector<16xf32>
        %swap3A_385 = arith.constant 1 : i32
        %swap3A_386 = arith.index_cast %swap3A_385 : i32 to index
        %swap3A_387 = arith.index_cast %add3A_368 : i32 to index
        %swap3A_388 = arith.constant 0 : index
        %swap3A_389 = tpu.vector_load %arg13[%swap3A_386, %swap3A_387, %swap3A_388] {strides = array<i32>} : memref<2x128x32xf32, #tpu.memory_space<vmem>>, vector<1x1x16xf32>,
        %swap3A_390 = vector.shape_cast %swap3A_389 : vector<1x1x16xf32> to vector<16xf32>
        %swap3A_391 = vector.shape_cast %max3A_384 : vector<16xf32> to vector<1x1x16xf32>
        tpu.vector_store %arg13[%swap3A_386, %swap3A_387, %swap3A_388], %swap3A_391 {strides = array<i32>} : memref<2x128x32xf32, #tpu.memory_space<vmem>>, vector<1x1x16xf32>,
        %get3A_392 = arith.constant 1 : i32
        %get3A_393 = arith.index_cast %get3A_392 : i32 to index
        %get3A_394 = arith.index_cast %add3A_368 : i32 to index
        %get3A_395 = arith.constant 16 : index
        %get3A_396 = tpu.vector_load %arg12[%get3A_393, %get3A_394, %get3A_395] {strides = array<i32>} : memref<2x128x32xf32, #tpu.memory_space<vmem>>, vector<1x1x16xf32>,
        %get3A_397 = vector.shape_cast %get3A_396 : vector<1x1x16xf32> to vector<16xf32>
        %get3A_398 = arith.constant 1 : i32
        %get3A_399 = arith.index_cast %get3A_398 : i32 to index
        %get3A_400 = arith.index_cast %add3A_368 : i32 to index
        %get3A_401 = arith.constant 16 : index
        %get3A_402 = tpu.vector_load %arg13[%get3A_399, %get3A_400, %get3A_401] {strides = array<i32>} : memref<2x128x32xf32, #tpu.memory_space<vmem>>, vector<1x1x16xf32>,
        %get3A_403 = vector.shape_cast %get3A_402 : vector<1x1x16xf32> to vector<16xf32>
        %add3A_404 = arith.addf %get3A_397, %get3A_403 : vector<16xf32>
        %max3A_405 = arith.constant 0.000000e+00 : f32
        %max3A_406 = vector.broadcast %max3A_405 : f32 to vector<16xf32>
        %max3A_407 = arith.maximumf %add3A_404, %max3A_406 : vector<16xf32>
        %swap3A_408 = arith.constant 1 : i32
        %swap3A_409 = arith.index_cast %swap3A_408 : i32 to index
        %swap3A_410 = arith.index_cast %add3A_368 : i32 to index
        %swap3A_411 = arith.constant 16 : index
        %swap3A_412 = tpu.vector_load %arg13[%swap3A_409, %swap3A_410, %swap3A_411] {strides = array<i32>} : memref<2x128x32xf32, #tpu.memory_space<vmem>>, vector<1x1x16xf32>,
        %swap3A_413 = vector.shape_cast %swap3A_412 : vector<1x1x16xf32> to vector<16xf32>
        %swap3A_414 = vector.shape_cast %max3A_407 : vector<16xf32> to vector<1x1x16xf32>
        tpu.vector_store %arg13[%swap3A_409, %swap3A_410, %swap3A_411], %swap3A_414 {strides = array<i32>} : memref<2x128x32xf32, #tpu.memory_space<vmem>>, vector<1x1x16xf32>,
        %mul3A_415 = arith.constant 4 : i32
        %mul3A_416 = arith.muli %scan3A_315, %mul3A_415 : i32
        %add3A_417 = arith.constant 2 : i32
        %add3A_418 = arith.addi %mul3A_416, %add3A_417 : i32
        %get3A_419 = arith.constant 1 : i32
        %get3A_420 = arith.index_cast %get3A_419 : i32 to index
        %get3A_421 = arith.index_cast %add3A_418 : i32 to index
        %get3A_422 = arith.constant 0 : index
        %get3A_423 = tpu.vector_load %arg12[%get3A_420, %get3A_421, %get3A_422] {strides = array<i32>} : memref<2x128x32xf32, #tpu.memory_space<vmem>>, vector<1x1x16xf32>,
        %get3A_424 = vector.shape_cast %get3A_423 : vector<1x1x16xf32> to vector<16xf32>
        %get3A_425 = arith.constant 1 : i32
        %get3A_426 = arith.index_cast %get3A_425 : i32 to index
        %get3A_427 = arith.index_cast %add3A_418 : i32 to index
        %get3A_428 = arith.constant 0 : index
        %get3A_429 = tpu.vector_load %arg13[%get3A_426, %get3A_427, %get3A_428] {strides = array<i32>} : memref<2x128x32xf32, #tpu.memory_space<vmem>>, vector<1x1x16xf32>,
        %get3A_430 = vector.shape_cast %get3A_429 : vector<1x1x16xf32> to vector<16xf32>
        %add3A_431 = arith.addf %get3A_424, %get3A_430 : vector<16xf32>
        %max3A_432 = arith.constant 0.000000e+00 : f32
        %max3A_433 = vector.broadcast %max3A_432 : f32 to vector<16xf32>
        %max3A_434 = arith.maximumf %add3A_431, %max3A_433 : vector<16xf32>
        %swap3A_435 = arith.constant 1 : i32
        %swap3A_436 = arith.index_cast %swap3A_435 : i32 to index
        %swap3A_437 = arith.index_cast %add3A_418 : i32 to index
        %swap3A_438 = arith.constant 0 : index
        %swap3A_439 = tpu.vector_load %arg13[%swap3A_436, %swap3A_437, %swap3A_438] {strides = array<i32>} : memref<2x128x32xf32, #tpu.memory_space<vmem>>, vector<1x1x16xf32>,
        %swap3A_440 = vector.shape_cast %swap3A_439 : vector<1x1x16xf32> to vector<16xf32>
        %swap3A_441 = vector.shape_cast %max3A_434 : vector<16xf32> to vector<1x1x16xf32>
        tpu.vector_store %arg13[%swap3A_436, %swap3A_437, %swap3A_438], %swap3A_441 {strides = array<i32>} : memref<2x128x32xf32, #tpu.memory_space<vmem>>, vector<1x1x16xf32>,
        %get3A_442 = arith.constant 1 : i32
        %get3A_443 = arith.index_cast %get3A_442 : i32 to index
        %get3A_444 = arith.index_cast %add3A_418 : i32 to index
        %get3A_445 = arith.constant 16 : index
        %get3A_446 = tpu.vector_load %arg12[%get3A_443, %get3A_444, %get3A_445] {strides = array<i32>} : memref<2x128x32xf32, #tpu.memory_space<vmem>>, vector<1x1x16xf32>,
        %get3A_447 = vector.shape_cast %get3A_446 : vector<1x1x16xf32> to vector<16xf32>
        %get3A_448 = arith.constant 1 : i32
        %get3A_449 = arith.index_cast %get3A_448 : i32 to index
        %get3A_450 = arith.index_cast %add3A_418 : i32 to index
        %get3A_451 = arith.constant 16 : index
        %get3A_452 = tpu.vector_load %arg13[%get3A_449, %get3A_450, %get3A_451] {strides = array<i32>} : memref<2x128x32xf32, #tpu.memory_space<vmem>>, vector<1x1x16xf32>,
        %get3A_453 = vector.shape_cast %get3A_452 : vector<1x1x16xf32> to vector<16xf32>
        %add3A_454 = arith.addf %get3A_447, %get3A_453 : vector<16xf32>
        %max3A_455 = arith.constant 0.000000e+00 : f32
        %max3A_456 = vector.broadcast %max3A_455 : f32 to vector<16xf32>
        %max3A_457 = arith.maximumf %add3A_454, %max3A_456 : vector<16xf32>
        %swap3A_458 = arith.constant 1 : i32
        %swap3A_459 = arith.index_cast %swap3A_458 : i32 to index
        %swap3A_460 = arith.index_cast %add3A_418 : i32 to index
        %swap3A_461 = arith.constant 16 : index
        %swap3A_462 = tpu.vector_load %arg13[%swap3A_459, %swap3A_460, %swap3A_461] {strides = array<i32>} : memref<2x128x32xf32, #tpu.memory_space<vmem>>, vector<1x1x16xf32>,
        %swap3A_463 = vector.shape_cast %swap3A_462 : vector<1x1x16xf32> to vector<16xf32>
        %swap3A_464 = vector.shape_cast %max3A_457 : vector<16xf32> to vector<1x1x16xf32>
        tpu.vector_store %arg13[%swap3A_459, %swap3A_460, %swap3A_461], %swap3A_464 {strides = array<i32>} : memref<2x128x32xf32, #tpu.memory_space<vmem>>, vector<1x1x16xf32>,
        %mul3A_465 = arith.constant 4 : i32
        %mul3A_466 = arith.muli %scan3A_315, %mul3A_465 : i32
        %add3A_467 = arith.constant 3 : i32
        %add3A_468 = arith.addi %mul3A_466, %add3A_467 : i32
        %get3A_469 = arith.constant 1 : i32
        %get3A_470 = arith.index_cast %get3A_469 : i32 to index
        %get3A_471 = arith.index_cast %add3A_468 : i32 to index
        %get3A_472 = arith.constant 0 : index
        %get3A_473 = tpu.vector_load %arg12[%get3A_470, %get3A_471, %get3A_472] {strides = array<i32>} : memref<2x128x32xf32, #tpu.memory_space<vmem>>, vector<1x1x16xf32>,
        %get3A_474 = vector.shape_cast %get3A_473 : vector<1x1x16xf32> to vector<16xf32>
        %get3A_475 = arith.constant 1 : i32
        %get3A_476 = arith.index_cast %get3A_475 : i32 to index
        %get3A_477 = arith.index_cast %add3A_468 : i32 to index
        %get3A_478 = arith.constant 0 : index
        %get3A_479 = tpu.vector_load %arg13[%get3A_476, %get3A_477, %get3A_478] {strides = array<i32>} : memref<2x128x32xf32, #tpu.memory_space<vmem>>, vector<1x1x16xf32>,
        %get3A_480 = vector.shape_cast %get3A_479 : vector<1x1x16xf32> to vector<16xf32>
        %add3A_481 = arith.addf %get3A_474, %get3A_480 : vector<16xf32>
        %max3A_482 = arith.constant 0.000000e+00 : f32
        %max3A_483 = vector.broadcast %max3A_482 : f32 to vector<16xf32>
        %max3A_484 = arith.maximumf %add3A_481, %max3A_483 : vector<16xf32>
        %swap3A_485 = arith.constant 1 : i32
        %swap3A_486 = arith.index_cast %swap3A_485 : i32 to index
        %swap3A_487 = arith.index_cast %add3A_468 : i32 to index
        %swap3A_488 = arith.constant 0 : index
        %swap3A_489 = tpu.vector_load %arg13[%swap3A_486, %swap3A_487, %swap3A_488] {strides = array<i32>} : memref<2x128x32xf32, #tpu.memory_space<vmem>>, vector<1x1x16xf32>,
        %swap3A_490 = vector.shape_cast %swap3A_489 : vector<1x1x16xf32> to vector<16xf32>
        %swap3A_491 = vector.shape_cast %max3A_484 : vector<16xf32> to vector<1x1x16xf32>
        tpu.vector_store %arg13[%swap3A_486, %swap3A_487, %swap3A_488], %swap3A_491 {strides = array<i32>} : memref<2x128x32xf32, #tpu.memory_space<vmem>>, vector<1x1x16xf32>,
        %get3A_492 = arith.constant 1 : i32
        %get3A_493 = arith.index_cast %get3A_492 : i32 to index
        %get3A_494 = arith.index_cast %add3A_468 : i32 to index
        %get3A_495 = arith.constant 16 : index
        %get3A_496 = tpu.vector_load %arg12[%get3A_493, %get3A_494, %get3A_495] {strides = array<i32>} : memref<2x128x32xf32, #tpu.memory_space<vmem>>, vector<1x1x16xf32>,
        %get3A_497 = vector.shape_cast %get3A_496 : vector<1x1x16xf32> to vector<16xf32>
        %get3A_498 = arith.constant 1 : i32
        %get3A_499 = arith.index_cast %get3A_498 : i32 to index
        %get3A_500 = arith.index_cast %add3A_468 : i32 to index
        %get3A_501 = arith.constant 16 : index
        %get3A_502 = tpu.vector_load %arg13[%get3A_499, %get3A_500, %get3A_501] {strides = array<i32>} : memref<2x128x32xf32, #tpu.memory_space<vmem>>, vector<1x1x16xf32>,
        %get3A_503 = vector.shape_cast %get3A_502 : vector<1x1x16xf32> to vector<16xf32>
        %add3A_504 = arith.addf %get3A_497, %get3A_503 : vector<16xf32>
        %max3A_505 = arith.constant 0.000000e+00 : f32
        %max3A_506 = vector.broadcast %max3A_505 : f32 to vector<16xf32>
        %max3A_507 = arith.maximumf %add3A_504, %max3A_506 : vector<16xf32>
        %swap3A_508 = arith.constant 1 : i32
        %swap3A_509 = arith.index_cast %swap3A_508 : i32 to index
        %swap3A_510 = arith.index_cast %add3A_468 : i32 to index
        %swap3A_511 = arith.constant 16 : index
        %swap3A_512 = tpu.vector_load %arg13[%swap3A_509, %swap3A_510, %swap3A_511] {strides = array<i32>} : memref<2x128x32xf32, #tpu.memory_space<vmem>>, vector<1x1x16xf32>,
        %swap3A_513 = vector.shape_cast %swap3A_512 : vector<1x1x16xf32> to vector<16xf32>
        %swap3A_514 = vector.shape_cast %max3A_507 : vector<16xf32> to vector<1x1x16xf32>
        tpu.vector_store %arg13[%swap3A_509, %swap3A_510, %swap3A_511], %swap3A_514 {strides = array<i32>} : memref<2x128x32xf32, #tpu.memory_space<vmem>>, vector<1x1x16xf32>,
      }
      %scan3A_311 = arith.constant 32 : i32
      %run_scoped3A = arith.constant 0 : i32
      %run_scoped3A_312 = arith.constant 0 : i32
      "tpu.region"() ({
        %run_scoped3A_315 = tpu.sem_alloc : memref<!tpu.dma_semaphore, #tpu.memory_space<semaphore_mem>>
        %dma_start3A_316 = arith.constant 0 : i32
        %dma_start3A_317 = arith.constant 0 : i32
        %dma_start3A_318 = tpu.memref_slice %arg13[%run_scoped3A, %dma_start3A_316, %dma_start3A_317] : memref<2x128x32xf32, #tpu.memory_space<vmem>> -> memref<1x128x32xf32, #tpu.memory_space<vmem>>
        %dma_start3A_319 = tpu.memref_squeeze %dma_start3A_318 : memref<1x128x32xf32, #tpu.memory_space<vmem>> -> memref<128x32xf32, #tpu.memory_space<vmem>>
        %dma_start3A_320 = arith.constant 0 : i32
        %dma_start3A_321 = tpu.memref_slice %arg10[%run_scoped3A_312, %dma_start3A_320] : memref<2x128xi32, #tpu.memory_space<vmem>> -> memref<1x128xi32, #tpu.memory_space<vmem>>
        %dma_start3A_322 = tpu.memref_squeeze %dma_start3A_321 : memref<1x128xi32, #tpu.memory_space<vmem>> -> memref<128xi32, #tpu.memory_space<vmem>>
        %dma_start3A_323 = arith.constant 0 : i32
        %dma_start3A_324 = arith.constant 0 : i32
        %dma_start3A_325 = tpu.memref_slice %arg8[%dma_start3A_323, %dma_start3A_324] : memref<50000x32xf32, #tpu.memory_space<vmem_shared>> -> memref<50000x32xf32, #tpu.memory_space<vmem_shared>>
        tpu.enqueue_indirect_dma source(%dma_start3A_319 : memref<128x32xf32, #tpu.memory_space<vmem>>) target(%dma_start3A_325 : memref<50000x32xf32, #tpu.memory_space<vmem_shared>>) offsets(%dma_start3A_322 : memref<128xi32, #tpu.memory_space<vmem>>) semaphore(%run_scoped3A_315 : memref<!tpu.dma_semaphore, #tpu.memory_space<semaphore_mem>>) {add = true}
        %dma_wait3A_326 = arith.constant 0 : i32
        %dma_wait3A_327 = arith.constant 0 : i32
        %dma_wait3A_328 = tpu.memref_slice %arg13[%run_scoped3A, %dma_wait3A_326, %dma_wait3A_327] : memref<2x128x32xf32, #tpu.memory_space<vmem>> -> memref<1x128x32xf32, #tpu.memory_space<vmem>>
        %dma_wait3A_329 = tpu.memref_squeeze %dma_wait3A_328 : memref<1x128x32xf32, #tpu.memory_space<vmem>> -> memref<128x32xf32, #tpu.memory_space<vmem>>
        %dma_wait3A_330 = arith.constant 0 : i32
        %dma_wait3A_331 = tpu.memref_slice %arg10[%run_scoped3A_312, %dma_wait3A_330] : memref<2x128xi32, #tpu.memory_space<vmem>> -> memref<1x128xi32, #tpu.memory_space<vmem>>
        %dma_wait3A_332 = tpu.memref_squeeze %dma_wait3A_331 : memref<1x128xi32, #tpu.memory_space<vmem>> -> memref<128xi32, #tpu.memory_space<vmem>>
        %dma_wait3A_333 = arith.constant 0 : i32
        %dma_wait3A_334 = arith.constant 0 : i32
        %dma_wait3A_335 = tpu.memref_slice %arg8[%dma_wait3A_333, %dma_wait3A_334] : memref<50000x32xf32, #tpu.memory_space<vmem_shared>> -> memref<50000x32xf32, #tpu.memory_space<vmem_shared>>
        tpu.wait_indirect_dma semaphore(%run_scoped3A_315 : memref<!tpu.dma_semaphore, #tpu.memory_space<semaphore_mem>>) src(%dma_wait3A_329 : memref<128x32xf32, #tpu.memory_space<vmem>>) dst(%dma_wait3A_335 : memref<50000x32xf32, #tpu.memory_space<vmem_shared>>)
        tpu.yield
      }) : () -> ()
      %run_scoped3A_313 = arith.constant 1 : i32
      %run_scoped3A_314 = arith.constant 1 : i32
      "tpu.region"() ({
        %run_scoped3A_315 = tpu.sem_alloc : memref<!tpu.dma_semaphore, #tpu.memory_space<semaphore_mem>>
        %dma_start3A_316 = arith.constant 0 : i32
        %dma_start3A_317 = arith.constant 0 : i32
        %dma_start3A_318 = tpu.memref_slice %arg13[%run_scoped3A_313, %dma_start3A_316, %dma_start3A_317] : memref<2x128x32xf32, #tpu.memory_space<vmem>> -> memref<1x128x32xf32, #tpu.memory_space<vmem>>
        %dma_start3A_319 = tpu.memref_squeeze %dma_start3A_318 : memref<1x128x32xf32, #tpu.memory_space<vmem>> -> memref<128x32xf32, #tpu.memory_space<vmem>>
        %dma_start3A_320 = arith.constant 0 : i32
        %dma_start3A_321 = tpu.memref_slice %arg10[%run_scoped3A_314, %dma_start3A_320] : memref<2x128xi32, #tpu.memory_space<vmem>> -> memref<1x128xi32, #tpu.memory_space<vmem>>
        %dma_start3A_322 = tpu.memref_squeeze %dma_start3A_321 : memref<1x128xi32, #tpu.memory_space<vmem>> -> memref<128xi32, #tpu.memory_space<vmem>>
        %dma_start3A_323 = arith.constant 0 : i32
        %dma_start3A_324 = arith.constant 0 : i32
        %dma_start3A_325 = tpu.memref_slice %arg8[%dma_start3A_323, %dma_start3A_324] : memref<50000x32xf32, #tpu.memory_space<vmem_shared>> -> memref<50000x32xf32, #tpu.memory_space<vmem_shared>>
        tpu.enqueue_indirect_dma source(%dma_start3A_319 : memref<128x32xf32, #tpu.memory_space<vmem>>) target(%dma_start3A_325 : memref<50000x32xf32, #tpu.memory_space<vmem_shared>>) offsets(%dma_start3A_322 : memref<128xi32, #tpu.memory_space<vmem>>) semaphore(%run_scoped3A_315 : memref<!tpu.dma_semaphore, #tpu.memory_space<semaphore_mem>>) {add = true}
        %dma_wait3A_326 = arith.constant 0 : i32
        %dma_wait3A_327 = arith.constant 0 : i32
        %dma_wait3A_328 = tpu.memref_slice %arg13[%run_scoped3A_313, %dma_wait3A_326, %dma_wait3A_327] : memref<2x128x32xf32, #tpu.memory_space<vmem>> -> memref<1x128x32xf32, #tpu.memory_space<vmem>>
        %dma_wait3A_329 = tpu.memref_squeeze %dma_wait3A_328 : memref<1x128x32xf32, #tpu.memory_space<vmem>> -> memref<128x32xf32, #tpu.memory_space<vmem>>
        %dma_wait3A_330 = arith.constant 0 : i32
        %dma_wait3A_331 = tpu.memref_slice %arg10[%run_scoped3A_314, %dma_wait3A_330] : memref<2x128xi32, #tpu.memory_space<vmem>> -> memref<1x128xi32, #tpu.memory_space<vmem>>
        %dma_wait3A_332 = tpu.memref_squeeze %dma_wait3A_331 : memref<1x128xi32, #tpu.memory_space<vmem>> -> memref<128xi32, #tpu.memory_space<vmem>>
        %dma_wait3A_333 = arith.constant 0 : i32
        %dma_wait3A_334 = arith.constant 0 : i32
        %dma_wait3A_335 = tpu.memref_slice %arg8[%dma_wait3A_333, %dma_wait3A_334] : memref<50000x32xf32, #tpu.memory_space<vmem_shared>> -> memref<50000x32xf32, #tpu.memory_space<vmem_shared>>
        tpu.wait_indirect_dma semaphore(%run_scoped3A_315 : memref<!tpu.dma_semaphore, #tpu.memory_space<semaphore_mem>>) src(%dma_wait3A_329 : memref<128x32xf32, #tpu.memory_space<vmem>>) dst(%dma_wait3A_335 : memref<50000x32xf32, #tpu.memory_space<vmem_shared>>)
        tpu.yield
      }) : () -> ()
    }
    %while3A_36 = arith.constant 1 : i32
    scf.for %while3A_43 = %while3A_34 to %while3A_30 step %while3A_36  : i32 {
      %mul3A_44 = arith.constant 16 : i32
      %mul3A_45 = arith.muli %while3A_43, %mul3A_44 : i32
      %add3A_46 = arith.addi %arg1, %mul3A_45 : i32
      %mul3A_47 = arith.constant 2 : i32
      %mul3A_48 = arith.muli %add3A_46, %mul3A_47 : i32
      "tpu.region"() ({
        %run_scoped3A_315 = tpu.sem_alloc : memref<!tpu.dma_semaphore, #tpu.memory_space<semaphore_mem>>
        %dma_start3A_316 = arith.constant 0 : i32
        %dma_start3A_317 = tpu.memref_slice %arg2[%mul3A_48, %dma_start3A_316] : memref<6250x128xi32, #tpu.memory_space<hbm>> -> memref<2x128xi32, #tpu.memory_space<hbm>>
        %dma_start3A_318 = arith.constant 0 : i32
        %dma_start3A_319 = tpu.memref_slice %arg2[%mul3A_48, %dma_start3A_318] : memref<6250x128xi32, #tpu.memory_space<hbm>> -> memref<2x128xi32, #tpu.memory_space<hbm>>
        tpu.enqueue_dma source(%dma_start3A_319 : memref<2x128xi32, #tpu.memory_space<hbm>>) target(%arg9 : memref<2x128xi32, #tpu.memory_space<vmem>>) target_semaphore(%run_scoped3A_315 : memref<!tpu.dma_semaphore, #tpu.memory_space<semaphore_mem>>)
        %dma_wait3A_320 = arith.constant 0 : i32
        %dma_wait3A_321 = tpu.memref_slice %arg2[%mul3A_48, %dma_wait3A_320] : memref<6250x128xi32, #tpu.memory_space<hbm>> -> memref<2x128xi32, #tpu.memory_space<hbm>>
        %dma_wait3A_322 = arith.constant 0 : i32
        %dma_wait3A_323 = tpu.memref_slice %arg2[%mul3A_48, %dma_wait3A_322] : memref<6250x128xi32, #tpu.memory_space<hbm>> -> memref<2x128xi32, #tpu.memory_space<hbm>>
        tpu.wait_dma2 semaphore(%run_scoped3A_315 : memref<!tpu.dma_semaphore, #tpu.memory_space<semaphore_mem>>) src(%dma_wait3A_323 : memref<2x128xi32, #tpu.memory_space<hbm>>) dst(%arg9 : memref<2x128xi32, #tpu.memory_space<vmem>>)
        tpu.yield
      }) : () -> ()
      "tpu.region"() ({
        %run_scoped3A_315 = tpu.sem_alloc : memref<!tpu.dma_semaphore, #tpu.memory_space<semaphore_mem>>
        %dma_start3A_316 = arith.constant 0 : i32
        %dma_start3A_317 = tpu.memref_slice %arg3[%mul3A_48, %dma_start3A_316] : memref<6250x128xi32, #tpu.memory_space<hbm>> -> memref<2x128xi32, #tpu.memory_space<hbm>>
        %dma_start3A_318 = arith.constant 0 : i32
        %dma_start3A_319 = tpu.memref_slice %arg3[%mul3A_48, %dma_start3A_318] : memref<6250x128xi32, #tpu.memory_space<hbm>> -> memref<2x128xi32, #tpu.memory_space<hbm>>
        tpu.enqueue_dma source(%dma_start3A_319 : memref<2x128xi32, #tpu.memory_space<hbm>>) target(%arg10 : memref<2x128xi32, #tpu.memory_space<vmem>>) target_semaphore(%run_scoped3A_315 : memref<!tpu.dma_semaphore, #tpu.memory_space<semaphore_mem>>)
        %dma_wait3A_320 = arith.constant 0 : i32
        %dma_wait3A_321 = tpu.memref_slice %arg3[%mul3A_48, %dma_wait3A_320] : memref<6250x128xi32, #tpu.memory_space<hbm>> -> memref<2x128xi32, #tpu.memory_space<hbm>>
        %dma_wait3A_322 = arith.constant 0 : i32
        %dma_wait3A_323 = tpu.memref_slice %arg3[%mul3A_48, %dma_wait3A_322] : memref<6250x128xi32, #tpu.memory_space<hbm>> -> memref<2x128xi32, #tpu.memory_space<hbm>>
        tpu.wait_dma2 semaphore(%run_scoped3A_315 : memref<!tpu.dma_semaphore, #tpu.memory_space<semaphore_mem>>) src(%dma_wait3A_323 : memref<2x128xi32, #tpu.memory_space<hbm>>) dst(%arg10 : memref<2x128xi32, #tpu.memory_space<vmem>>)
        tpu.yield
      }) : () -> ()
      %get3A = arith.constant 0 : i32
      %get3A_49 = arith.index_cast %get3A : i32 to index
      %get3A_50 = arith.constant 0 : index
      %get3A_51 = tpu.vector_load %arg9[%get3A_49, %get3A_50] {strides = array<i32>} : memref<2x128xi32, #tpu.memory_space<vmem>>, vector<1x16xi32>,
      %get3A_52 = vector.shape_cast %get3A_51 : vector<1x16xi32> to vector<16xi32>
      %add3A_53 = vector.broadcast %mul3A_2 : i32 to vector<16xi32>
      %add3A_54 = arith.addi %get3A_52, %add3A_53 : vector<16xi32>
      %swap3A = arith.constant 0 : i32
      %swap3A_55 = arith.index_cast %swap3A : i32 to index
      %swap3A_56 = arith.constant 0 : index
      %swap3A_57 = tpu.vector_load %arg11[%swap3A_55, %swap3A_56] {strides = array<i32>} : memref<2x128xi32, #tpu.memory_space<vmem>>, vector<1x16xi32>,
      %swap3A_58 = vector.shape_cast %swap3A_57 : vector<1x16xi32> to vector<16xi32>
      %swap3A_59 = vector.shape_cast %add3A_54 : vector<16xi32> to vector<1x16xi32>
      tpu.vector_store %arg11[%swap3A_55, %swap3A_56], %swap3A_59 {strides = array<i32>} : memref<2x128xi32, #tpu.memory_space<vmem>>, vector<1x16xi32>,
      %get3A_60 = arith.constant 0 : i32
      %get3A_61 = arith.index_cast %get3A_60 : i32 to index
      %get3A_62 = arith.constant 16 : index
      %get3A_63 = tpu.vector_load %arg9[%get3A_61, %get3A_62] {strides = array<i32>} : memref<2x128xi32, #tpu.memory_space<vmem>>, vector<1x16xi32>,
      %get3A_64 = vector.shape_cast %get3A_63 : vector<1x16xi32> to vector<16xi32>
      %add3A_65 = vector.broadcast %mul3A_2 : i32 to vector<16xi32>
      %add3A_66 = arith.addi %get3A_64, %add3A_65 : vector<16xi32>
      %swap3A_67 = arith.constant 0 : i32
      %swap3A_68 = arith.index_cast %swap3A_67 : i32 to index
      %swap3A_69 = arith.constant 16 : index
      %swap3A_70 = tpu.vector_load %arg11[%swap3A_68, %swap3A_69] {strides = array<i32>} : memref<2x128xi32, #tpu.memory_space<vmem>>, vector<1x16xi32>,
      %swap3A_71 = vector.shape_cast %swap3A_70 : vector<1x16xi32> to vector<16xi32>
      %swap3A_72 = vector.shape_cast %add3A_66 : vector<16xi32> to vector<1x16xi32>
      tpu.vector_store %arg11[%swap3A_68, %swap3A_69], %swap3A_72 {strides = array<i32>} : memref<2x128xi32, #tpu.memory_space<vmem>>, vector<1x16xi32>,
      %get3A_73 = arith.constant 0 : i32
      %get3A_74 = arith.index_cast %get3A_73 : i32 to index
      %get3A_75 = arith.constant 32 : index
      %get3A_76 = tpu.vector_load %arg9[%get3A_74, %get3A_75] {strides = array<i32>} : memref<2x128xi32, #tpu.memory_space<vmem>>, vector<1x16xi32>,
      %get3A_77 = vector.shape_cast %get3A_76 : vector<1x16xi32> to vector<16xi32>
      %add3A_78 = vector.broadcast %mul3A_2 : i32 to vector<16xi32>
      %add3A_79 = arith.addi %get3A_77, %add3A_78 : vector<16xi32>
      %swap3A_80 = arith.constant 0 : i32
      %swap3A_81 = arith.index_cast %swap3A_80 : i32 to index
      %swap3A_82 = arith.constant 32 : index
      %swap3A_83 = tpu.vector_load %arg11[%swap3A_81, %swap3A_82] {strides = array<i32>} : memref<2x128xi32, #tpu.memory_space<vmem>>, vector<1x16xi32>,
      %swap3A_84 = vector.shape_cast %swap3A_83 : vector<1x16xi32> to vector<16xi32>
      %swap3A_85 = vector.shape_cast %add3A_79 : vector<16xi32> to vector<1x16xi32>
      tpu.vector_store %arg11[%swap3A_81, %swap3A_82], %swap3A_85 {strides = array<i32>} : memref<2x128xi32, #tpu.memory_space<vmem>>, vector<1x16xi32>,
      %get3A_86 = arith.constant 0 : i32
      %get3A_87 = arith.index_cast %get3A_86 : i32 to index
      %get3A_88 = arith.constant 48 : index
      %get3A_89 = tpu.vector_load %arg9[%get3A_87, %get3A_88] {strides = array<i32>} : memref<2x128xi32, #tpu.memory_space<vmem>>, vector<1x16xi32>,
      %get3A_90 = vector.shape_cast %get3A_89 : vector<1x16xi32> to vector<16xi32>
      %add3A_91 = vector.broadcast %mul3A_2 : i32 to vector<16xi32>
      %add3A_92 = arith.addi %get3A_90, %add3A_91 : vector<16xi32>
      %swap3A_93 = arith.constant 0 : i32
      %swap3A_94 = arith.index_cast %swap3A_93 : i32 to index
      %swap3A_95 = arith.constant 48 : index
      %swap3A_96 = tpu.vector_load %arg11[%swap3A_94, %swap3A_95] {strides = array<i32>} : memref<2x128xi32, #tpu.memory_space<vmem>>, vector<1x16xi32>,
      %swap3A_97 = vector.shape_cast %swap3A_96 : vector<1x16xi32> to vector<16xi32>
      %swap3A_98 = vector.shape_cast %add3A_92 : vector<16xi32> to vector<1x16xi32>
      tpu.vector_store %arg11[%swap3A_94, %swap3A_95], %swap3A_98 {strides = array<i32>} : memref<2x128xi32, #tpu.memory_space<vmem>>, vector<1x16xi32>,
      %get3A_99 = arith.constant 0 : i32
      %get3A_100 = arith.index_cast %get3A_99 : i32 to index
      %get3A_101 = arith.constant 64 : index
      %get3A_102 = tpu.vector_load %arg9[%get3A_100, %get3A_101] {strides = array<i32>} : memref<2x128xi32, #tpu.memory_space<vmem>>, vector<1x16xi32>,
      %get3A_103 = vector.shape_cast %get3A_102 : vector<1x16xi32> to vector<16xi32>
      %add3A_104 = vector.broadcast %mul3A_2 : i32 to vector<16xi32>
      %add3A_105 = arith.addi %get3A_103, %add3A_104 : vector<16xi32>
      %swap3A_106 = arith.constant 0 : i32
      %swap3A_107 = arith.index_cast %swap3A_106 : i32 to index
      %swap3A_108 = arith.constant 64 : index
      %swap3A_109 = tpu.vector_load %arg11[%swap3A_107, %swap3A_108] {strides = array<i32>} : memref<2x128xi32, #tpu.memory_space<vmem>>, vector<1x16xi32>,
      %swap3A_110 = vector.shape_cast %swap3A_109 : vector<1x16xi32> to vector<16xi32>
      %swap3A_111 = vector.shape_cast %add3A_105 : vector<16xi32> to vector<1x16xi32>
      tpu.vector_store %arg11[%swap3A_107, %swap3A_108], %swap3A_111 {strides = array<i32>} : memref<2x128xi32, #tpu.memory_space<vmem>>, vector<1x16xi32>,
      %get3A_112 = arith.constant 0 : i32
      %get3A_113 = arith.index_cast %get3A_112 : i32 to index
      %get3A_114 = arith.constant 80 : index
      %get3A_115 = tpu.vector_load %arg9[%get3A_113, %get3A_114] {strides = array<i32>} : memref<2x128xi32, #tpu.memory_space<vmem>>, vector<1x16xi32>,
      %get3A_116 = vector.shape_cast %get3A_115 : vector<1x16xi32> to vector<16xi32>
      %add3A_117 = vector.broadcast %mul3A_2 : i32 to vector<16xi32>
      %add3A_118 = arith.addi %get3A_116, %add3A_117 : vector<16xi32>
      %swap3A_119 = arith.constant 0 : i32
      %swap3A_120 = arith.index_cast %swap3A_119 : i32 to index
      %swap3A_121 = arith.constant 80 : index
      %swap3A_122 = tpu.vector_load %arg11[%swap3A_120, %swap3A_121] {strides = array<i32>} : memref<2x128xi32, #tpu.memory_space<vmem>>, vector<1x16xi32>,
      %swap3A_123 = vector.shape_cast %swap3A_122 : vector<1x16xi32> to vector<16xi32>
      %swap3A_124 = vector.shape_cast %add3A_118 : vector<16xi32> to vector<1x16xi32>
      tpu.vector_store %arg11[%swap3A_120, %swap3A_121], %swap3A_124 {strides = array<i32>} : memref<2x128xi32, #tpu.memory_space<vmem>>, vector<1x16xi32>,
      %get3A_125 = arith.constant 0 : i32
      %get3A_126 = arith.index_cast %get3A_125 : i32 to index
      %get3A_127 = arith.constant 96 : index
      %get3A_128 = tpu.vector_load %arg9[%get3A_126, %get3A_127] {strides = array<i32>} : memref<2x128xi32, #tpu.memory_space<vmem>>, vector<1x16xi32>,
      %get3A_129 = vector.shape_cast %get3A_128 : vector<1x16xi32> to vector<16xi32>
      %add3A_130 = vector.broadcast %mul3A_2 : i32 to vector<16xi32>
      %add3A_131 = arith.addi %get3A_129, %add3A_130 : vector<16xi32>
      %swap3A_132 = arith.constant 0 : i32
      %swap3A_133 = arith.index_cast %swap3A_132 : i32 to index
      %swap3A_134 = arith.constant 96 : index
      %swap3A_135 = tpu.vector_load %arg11[%swap3A_133, %swap3A_134] {strides = array<i32>} : memref<2x128xi32, #tpu.memory_space<vmem>>, vector<1x16xi32>,
      %swap3A_136 = vector.shape_cast %swap3A_135 : vector<1x16xi32> to vector<16xi32>
      %swap3A_137 = vector.shape_cast %add3A_131 : vector<16xi32> to vector<1x16xi32>
      tpu.vector_store %arg11[%swap3A_133, %swap3A_134], %swap3A_137 {strides = array<i32>} : memref<2x128xi32, #tpu.memory_space<vmem>>, vector<1x16xi32>,
      %get3A_138 = arith.constant 0 : i32
      %get3A_139 = arith.index_cast %get3A_138 : i32 to index
      %get3A_140 = arith.constant 112 : index
      %get3A_141 = tpu.vector_load %arg9[%get3A_139, %get3A_140] {strides = array<i32>} : memref<2x128xi32, #tpu.memory_space<vmem>>, vector<1x16xi32>,
      %get3A_142 = vector.shape_cast %get3A_141 : vector<1x16xi32> to vector<16xi32>
      %add3A_143 = vector.broadcast %mul3A_2 : i32 to vector<16xi32>
      %add3A_144 = arith.addi %get3A_142, %add3A_143 : vector<16xi32>
      %swap3A_145 = arith.constant 0 : i32
      %swap3A_146 = arith.index_cast %swap3A_145 : i32 to index
      %swap3A_147 = arith.constant 112 : index
      %swap3A_148 = tpu.vector_load %arg11[%swap3A_146, %swap3A_147] {strides = array<i32>} : memref<2x128xi32, #tpu.memory_space<vmem>>, vector<1x16xi32>,
      %swap3A_149 = vector.shape_cast %swap3A_148 : vector<1x16xi32> to vector<16xi32>
      %swap3A_150 = vector.shape_cast %add3A_144 : vector<16xi32> to vector<1x16xi32>
      tpu.vector_store %arg11[%swap3A_146, %swap3A_147], %swap3A_150 {strides = array<i32>} : memref<2x128xi32, #tpu.memory_space<vmem>>, vector<1x16xi32>,
      %get3A_151 = arith.constant 1 : i32
      %get3A_152 = arith.index_cast %get3A_151 : i32 to index
      %get3A_153 = arith.constant 0 : index
      %get3A_154 = tpu.vector_load %arg9[%get3A_152, %get3A_153] {strides = array<i32>} : memref<2x128xi32, #tpu.memory_space<vmem>>, vector<1x16xi32>,
      %get3A_155 = vector.shape_cast %get3A_154 : vector<1x16xi32> to vector<16xi32>
      %add3A_156 = vector.broadcast %mul3A_2 : i32 to vector<16xi32>
      %add3A_157 = arith.addi %get3A_155, %add3A_156 : vector<16xi32>
      %swap3A_158 = arith.constant 1 : i32
      %swap3A_159 = arith.index_cast %swap3A_158 : i32 to index
      %swap3A_160 = arith.constant 0 : index
      %swap3A_161 = tpu.vector_load %arg11[%swap3A_159, %swap3A_160] {strides = array<i32>} : memref<2x128xi32, #tpu.memory_space<vmem>>, vector<1x16xi32>,
      %swap3A_162 = vector.shape_cast %swap3A_161 : vector<1x16xi32> to vector<16xi32>
      %swap3A_163 = vector.shape_cast %add3A_157 : vector<16xi32> to vector<1x16xi32>
      tpu.vector_store %arg11[%swap3A_159, %swap3A_160], %swap3A_163 {strides = array<i32>} : memref<2x128xi32, #tpu.memory_space<vmem>>, vector<1x16xi32>,
      %get3A_164 = arith.constant 1 : i32
      %get3A_165 = arith.index_cast %get3A_164 : i32 to index
      %get3A_166 = arith.constant 16 : index
      %get3A_167 = tpu.vector_load %arg9[%get3A_165, %get3A_166] {strides = array<i32>} : memref<2x128xi32, #tpu.memory_space<vmem>>, vector<1x16xi32>,
      %get3A_168 = vector.shape_cast %get3A_167 : vector<1x16xi32> to vector<16xi32>
      %add3A_169 = vector.broadcast %mul3A_2 : i32 to vector<16xi32>
      %add3A_170 = arith.addi %get3A_168, %add3A_169 : vector<16xi32>
      %swap3A_171 = arith.constant 1 : i32
      %swap3A_172 = arith.index_cast %swap3A_171 : i32 to index
      %swap3A_173 = arith.constant 16 : index
      %swap3A_174 = tpu.vector_load %arg11[%swap3A_172, %swap3A_173] {strides = array<i32>} : memref<2x128xi32, #tpu.memory_space<vmem>>, vector<1x16xi32>,
      %swap3A_175 = vector.shape_cast %swap3A_174 : vector<1x16xi32> to vector<16xi32>
      %swap3A_176 = vector.shape_cast %add3A_170 : vector<16xi32> to vector<1x16xi32>
      tpu.vector_store %arg11[%swap3A_172, %swap3A_173], %swap3A_176 {strides = array<i32>} : memref<2x128xi32, #tpu.memory_space<vmem>>, vector<1x16xi32>,
      %get3A_177 = arith.constant 1 : i32
      %get3A_178 = arith.index_cast %get3A_177 : i32 to index
      %get3A_179 = arith.constant 32 : index
      %get3A_180 = tpu.vector_load %arg9[%get3A_178, %get3A_179] {strides = array<i32>} : memref<2x128xi32, #tpu.memory_space<vmem>>, vector<1x16xi32>,
      %get3A_181 = vector.shape_cast %get3A_180 : vector<1x16xi32> to vector<16xi32>
      %add3A_182 = vector.broadcast %mul3A_2 : i32 to vector<16xi32>
      %add3A_183 = arith.addi %get3A_181, %add3A_182 : vector<16xi32>
      %swap3A_184 = arith.constant 1 : i32
      %swap3A_185 = arith.index_cast %swap3A_184 : i32 to index
      %swap3A_186 = arith.constant 32 : index
      %swap3A_187 = tpu.vector_load %arg11[%swap3A_185, %swap3A_186] {strides = array<i32>} : memref<2x128xi32, #tpu.memory_space<vmem>>, vector<1x16xi32>,
      %swap3A_188 = vector.shape_cast %swap3A_187 : vector<1x16xi32> to vector<16xi32>
      %swap3A_189 = vector.shape_cast %add3A_183 : vector<16xi32> to vector<1x16xi32>
      tpu.vector_store %arg11[%swap3A_185, %swap3A_186], %swap3A_189 {strides = array<i32>} : memref<2x128xi32, #tpu.memory_space<vmem>>, vector<1x16xi32>,
      %get3A_190 = arith.constant 1 : i32
      %get3A_191 = arith.index_cast %get3A_190 : i32 to index
      %get3A_192 = arith.constant 48 : index
      %get3A_193 = tpu.vector_load %arg9[%get3A_191, %get3A_192] {strides = array<i32>} : memref<2x128xi32, #tpu.memory_space<vmem>>, vector<1x16xi32>,
      %get3A_194 = vector.shape_cast %get3A_193 : vector<1x16xi32> to vector<16xi32>
      %add3A_195 = vector.broadcast %mul3A_2 : i32 to vector<16xi32>
      %add3A_196 = arith.addi %get3A_194, %add3A_195 : vector<16xi32>
      %swap3A_197 = arith.constant 1 : i32
      %swap3A_198 = arith.index_cast %swap3A_197 : i32 to index
      %swap3A_199 = arith.constant 48 : index
      %swap3A_200 = tpu.vector_load %arg11[%swap3A_198, %swap3A_199] {strides = array<i32>} : memref<2x128xi32, #tpu.memory_space<vmem>>, vector<1x16xi32>,
      %swap3A_201 = vector.shape_cast %swap3A_200 : vector<1x16xi32> to vector<16xi32>
      %swap3A_202 = vector.shape_cast %add3A_196 : vector<16xi32> to vector<1x16xi32>
      tpu.vector_store %arg11[%swap3A_198, %swap3A_199], %swap3A_202 {strides = array<i32>} : memref<2x128xi32, #tpu.memory_space<vmem>>, vector<1x16xi32>,
      %get3A_203 = arith.constant 1 : i32
      %get3A_204 = arith.index_cast %get3A_203 : i32 to index
      %get3A_205 = arith.constant 64 : index
      %get3A_206 = tpu.vector_load %arg9[%get3A_204, %get3A_205] {strides = array<i32>} : memref<2x128xi32, #tpu.memory_space<vmem>>, vector<1x16xi32>,
      %get3A_207 = vector.shape_cast %get3A_206 : vector<1x16xi32> to vector<16xi32>
      %add3A_208 = vector.broadcast %mul3A_2 : i32 to vector<16xi32>
      %add3A_209 = arith.addi %get3A_207, %add3A_208 : vector<16xi32>
      %swap3A_210 = arith.constant 1 : i32
      %swap3A_211 = arith.index_cast %swap3A_210 : i32 to index
      %swap3A_212 = arith.constant 64 : index
      %swap3A_213 = tpu.vector_load %arg11[%swap3A_211, %swap3A_212] {strides = array<i32>} : memref<2x128xi32, #tpu.memory_space<vmem>>, vector<1x16xi32>,
      %swap3A_214 = vector.shape_cast %swap3A_213 : vector<1x16xi32> to vector<16xi32>
      %swap3A_215 = vector.shape_cast %add3A_209 : vector<16xi32> to vector<1x16xi32>
      tpu.vector_store %arg11[%swap3A_211, %swap3A_212], %swap3A_215 {strides = array<i32>} : memref<2x128xi32, #tpu.memory_space<vmem>>, vector<1x16xi32>,
      %get3A_216 = arith.constant 1 : i32
      %get3A_217 = arith.index_cast %get3A_216 : i32 to index
      %get3A_218 = arith.constant 80 : index
      %get3A_219 = tpu.vector_load %arg9[%get3A_217, %get3A_218] {strides = array<i32>} : memref<2x128xi32, #tpu.memory_space<vmem>>, vector<1x16xi32>,
      %get3A_220 = vector.shape_cast %get3A_219 : vector<1x16xi32> to vector<16xi32>
      %add3A_221 = vector.broadcast %mul3A_2 : i32 to vector<16xi32>
      %add3A_222 = arith.addi %get3A_220, %add3A_221 : vector<16xi32>
      %swap3A_223 = arith.constant 1 : i32
      %swap3A_224 = arith.index_cast %swap3A_223 : i32 to index
      %swap3A_225 = arith.constant 80 : index
      %swap3A_226 = tpu.vector_load %arg11[%swap3A_224, %swap3A_225] {strides = array<i32>} : memref<2x128xi32, #tpu.memory_space<vmem>>, vector<1x16xi32>,
      %swap3A_227 = vector.shape_cast %swap3A_226 : vector<1x16xi32> to vector<16xi32>
      %swap3A_228 = vector.shape_cast %add3A_222 : vector<16xi32> to vector<1x16xi32>
      tpu.vector_store %arg11[%swap3A_224, %swap3A_225], %swap3A_228 {strides = array<i32>} : memref<2x128xi32, #tpu.memory_space<vmem>>, vector<1x16xi32>,
      %get3A_229 = arith.constant 1 : i32
      %get3A_230 = arith.index_cast %get3A_229 : i32 to index
      %get3A_231 = arith.constant 96 : index
      %get3A_232 = tpu.vector_load %arg9[%get3A_230, %get3A_231] {strides = array<i32>} : memref<2x128xi32, #tpu.memory_space<vmem>>, vector<1x16xi32>,
      %get3A_233 = vector.shape_cast %get3A_232 : vector<1x16xi32> to vector<16xi32>
      %add3A_234 = vector.broadcast %mul3A_2 : i32 to vector<16xi32>
      %add3A_235 = arith.addi %get3A_233, %add3A_234 : vector<16xi32>
      %swap3A_236 = arith.constant 1 : i32
      %swap3A_237 = arith.index_cast %swap3A_236 : i32 to index
      %swap3A_238 = arith.constant 96 : index
      %swap3A_239 = tpu.vector_load %arg11[%swap3A_237, %swap3A_238] {strides = array<i32>} : memref<2x128xi32, #tpu.memory_space<vmem>>, vector<1x16xi32>,
      %swap3A_240 = vector.shape_cast %swap3A_239 : vector<1x16xi32> to vector<16xi32>
      %swap3A_241 = vector.shape_cast %add3A_235 : vector<16xi32> to vector<1x16xi32>
      tpu.vector_store %arg11[%swap3A_237, %swap3A_238], %swap3A_241 {strides = array<i32>} : memref<2x128xi32, #tpu.memory_space<vmem>>, vector<1x16xi32>,
      %get3A_242 = arith.constant 1 : i32
      %get3A_243 = arith.index_cast %get3A_242 : i32 to index
      %get3A_244 = arith.constant 112 : index
      %get3A_245 = tpu.vector_load %arg9[%get3A_243, %get3A_244] {strides = array<i32>} : memref<2x128xi32, #tpu.memory_space<vmem>>, vector<1x16xi32>,
      %get3A_246 = vector.shape_cast %get3A_245 : vector<1x16xi32> to vector<16xi32>
      %add3A_247 = vector.broadcast %mul3A_2 : i32 to vector<16xi32>
      %add3A_248 = arith.addi %get3A_246, %add3A_247 : vector<16xi32>
      %swap3A_249 = arith.constant 1 : i32
      %swap3A_250 = arith.index_cast %swap3A_249 : i32 to index
      %swap3A_251 = arith.constant 112 : index
      %swap3A_252 = tpu.vector_load %arg11[%swap3A_250, %swap3A_251] {strides = array<i32>} : memref<2x128xi32, #tpu.memory_space<vmem>>, vector<1x16xi32>,
      %swap3A_253 = vector.shape_cast %swap3A_252 : vector<1x16xi32> to vector<16xi32>
      %swap3A_254 = vector.shape_cast %add3A_248 : vector<16xi32> to vector<1x16xi32>
      tpu.vector_store %arg11[%swap3A_250, %swap3A_251], %swap3A_254 {strides = array<i32>} : memref<2x128xi32, #tpu.memory_space<vmem>>, vector<1x16xi32>,
      %dma_start3A = arith.constant 0 : i32
      %dma_start3A_255 = arith.constant 0 : i32
      %dma_start3A_256 = arith.constant 0 : i32
      %dma_start3A_257 = arith.constant 0 : i32
      %dma_start3A_258 = tpu.memref_slice %arg12[%dma_start3A_255, %dma_start3A_256, %dma_start3A_257] : memref<2x128x32xf32, #tpu.memory_space<vmem>> -> memref<1x128x32xf32, #tpu.memory_space<vmem>>
      %dma_start3A_259 = tpu.memref_squeeze %dma_start3A_258 : memref<1x128x32xf32, #tpu.memory_space<vmem>> -> memref<128x32xf32, #tpu.memory_space<vmem>>
      %dma_start3A_260 = arith.constant 0 : i32
      %dma_start3A_261 = tpu.memref_slice %arg11[%dma_start3A, %dma_start3A_260] : memref<2x128xi32, #tpu.memory_space<vmem>> -> memref<1x128xi32, #tpu.memory_space<vmem>>
      %dma_start3A_262 = tpu.memref_squeeze %dma_start3A_261 : memref<1x128xi32, #tpu.memory_space<vmem>> -> memref<128xi32, #tpu.memory_space<vmem>>
      %dma_start3A_263 = arith.constant 0 : i32
      %dma_start3A_264 = arith.constant 0 : i32
      %dma_start3A_265 = tpu.memref_slice %arg4[%dma_start3A_263, %dma_start3A_264] : memref<100000x32xf32, #tpu.memory_space<hbm>> -> memref<100000x32xf32, #tpu.memory_space<hbm>>
      tpu.enqueue_indirect_dma source(%dma_start3A_265 : memref<100000x32xf32, #tpu.memory_space<hbm>>) target(%dma_start3A_259 : memref<128x32xf32, #tpu.memory_space<vmem>>) offsets(%dma_start3A_262 : memref<128xi32, #tpu.memory_space<vmem>>) semaphore(%arg14 : memref<!tpu.dma_semaphore, #tpu.memory_space<semaphore_mem>>)
      %dma_start3A_266 = arith.constant 1 : i32
      %dma_start3A_267 = arith.constant 1 : i32
      %dma_start3A_268 = arith.constant 0 : i32
      %dma_start3A_269 = arith.constant 0 : i32
      %dma_start3A_270 = tpu.memref_slice %arg12[%dma_start3A_267, %dma_start3A_268, %dma_start3A_269] : memref<2x128x32xf32, #tpu.memory_space<vmem>> -> memref<1x128x32xf32, #tpu.memory_space<vmem>>
      %dma_start3A_271 = tpu.memref_squeeze %dma_start3A_270 : memref<1x128x32xf32, #tpu.memory_space<vmem>> -> memref<128x32xf32, #tpu.memory_space<vmem>>
      %dma_start3A_272 = arith.constant 0 : i32
      %dma_start3A_273 = tpu.memref_slice %arg11[%dma_start3A_266, %dma_start3A_272] : memref<2x128xi32, #tpu.memory_space<vmem>> -> memref<1x128xi32, #tpu.memory_space<vmem>>
      %dma_start3A_274 = tpu.memref_squeeze %dma_start3A_273 : memref<1x128xi32, #tpu.memory_space<vmem>> -> memref<128xi32, #tpu.memory_space<vmem>>
      %dma_start3A_275 = arith.constant 0 : i32
      %dma_start3A_276 = arith.constant 0 : i32
      %dma_start3A_277 = tpu.memref_slice %arg4[%dma_start3A_275, %dma_start3A_276] : memref<100000x32xf32, #tpu.memory_space<hbm>> -> memref<100000x32xf32, #tpu.memory_space<hbm>>
      tpu.enqueue_indirect_dma source(%dma_start3A_277 : memref<100000x32xf32, #tpu.memory_space<hbm>>) target(%dma_start3A_271 : memref<128x32xf32, #tpu.memory_space<vmem>>) offsets(%dma_start3A_274 : memref<128xi32, #tpu.memory_space<vmem>>) semaphore(%arg14 : memref<!tpu.dma_semaphore, #tpu.memory_space<semaphore_mem>>)
      "tpu.region"() ({
        %run_scoped3A_315 = tpu.sem_alloc : memref<!tpu.dma_semaphore, #tpu.memory_space<semaphore_mem>>
        %dma_start3A_316 = arith.constant 0 : i32
        %dma_start3A_317 = tpu.memref_slice %arg5[%mul3A_48, %dma_start3A_316, %add3A_5] : memref<6250x128x128xf32, #tpu.memory_space<hbm>> -> memref<2x128x32xf32, #tpu.memory_space<hbm>>
        %dma_start3A_318 = arith.constant 0 : i32
        %dma_start3A_319 = tpu.memref_slice %arg5[%mul3A_48, %dma_start3A_318, %add3A_5] : memref<6250x128x128xf32, #tpu.memory_space<hbm>> -> memref<2x128x32xf32, #tpu.memory_space<hbm>>
        tpu.enqueue_dma source(%dma_start3A_319 : memref<2x128x32xf32, #tpu.memory_space<hbm>>) target(%arg13 : memref<2x128x32xf32, #tpu.memory_space<vmem>>) target_semaphore(%run_scoped3A_315 : memref<!tpu.dma_semaphore, #tpu.memory_space<semaphore_mem>>)
        %dma_wait3A_320 = arith.constant 0 : i32
        %dma_wait3A_321 = tpu.memref_slice %arg5[%mul3A_48, %dma_wait3A_320, %add3A_5] : memref<6250x128x128xf32, #tpu.memory_space<hbm>> -> memref<2x128x32xf32, #tpu.memory_space<hbm>>
        %dma_wait3A_322 = arith.constant 0 : i32
        %dma_wait3A_323 = tpu.memref_slice %arg5[%mul3A_48, %dma_wait3A_322, %add3A_5] : memref<6250x128x128xf32, #tpu.memory_space<hbm>> -> memref<2x128x32xf32, #tpu.memory_space<hbm>>
        tpu.wait_dma2 semaphore(%run_scoped3A_315 : memref<!tpu.dma_semaphore, #tpu.memory_space<semaphore_mem>>) src(%dma_wait3A_323 : memref<2x128x32xf32, #tpu.memory_space<hbm>>) dst(%arg13 : memref<2x128x32xf32, #tpu.memory_space<vmem>>)
        tpu.yield
      }) : () -> ()
      %dma_wait3A = arith.constant 0 : i32
      %dma_wait3A_278 = arith.constant 0 : i32
      %dma_wait3A_279 = arith.constant 0 : i32
      %dma_wait3A_280 = arith.constant 0 : i32
      %dma_wait3A_281 = tpu.memref_slice %arg12[%dma_wait3A_278, %dma_wait3A_279, %dma_wait3A_280] : memref<2x128x32xf32, #tpu.memory_space<vmem>> -> memref<1x128x32xf32, #tpu.memory_space<vmem>>
      %dma_wait3A_282 = tpu.memref_squeeze %dma_wait3A_281 : memref<1x128x32xf32, #tpu.memory_space<vmem>> -> memref<128x32xf32, #tpu.memory_space<vmem>>
      %dma_wait3A_283 = arith.constant 0 : i32
      %dma_wait3A_284 = tpu.memref_slice %arg11[%dma_wait3A, %dma_wait3A_283] : memref<2x128xi32, #tpu.memory_space<vmem>> -> memref<1x128xi32, #tpu.memory_space<vmem>>
      %dma_wait3A_285 = tpu.memref_squeeze %dma_wait3A_284 : memref<1x128xi32, #tpu.memory_space<vmem>> -> memref<128xi32, #tpu.memory_space<vmem>>
      %dma_wait3A_286 = arith.constant 0 : i32
      %dma_wait3A_287 = arith.constant 0 : i32
      %dma_wait3A_288 = tpu.memref_slice %arg4[%dma_wait3A_286, %dma_wait3A_287] : memref<100000x32xf32, #tpu.memory_space<hbm>> -> memref<100000x32xf32, #tpu.memory_space<hbm>>
      tpu.wait_indirect_dma semaphore(%arg14 : memref<!tpu.dma_semaphore, #tpu.memory_space<semaphore_mem>>) src(%dma_wait3A_288 : memref<100000x32xf32, #tpu.memory_space<hbm>>) dst(%dma_wait3A_282 : memref<128x32xf32, #tpu.memory_space<vmem>>)
      %dma_wait3A_289 = arith.constant 1 : i32
      %dma_wait3A_290 = arith.constant 1 : i32
      %dma_wait3A_291 = arith.constant 0 : i32
      %dma_wait3A_292 = arith.constant 0 : i32
      %dma_wait3A_293 = tpu.memref_slice %arg12[%dma_wait3A_290, %dma_wait3A_291, %dma_wait3A_292] : memref<2x128x32xf32, #tpu.memory_space<vmem>> -> memref<1x128x32xf32, #tpu.memory_space<vmem>>
      %dma_wait3A_294 = tpu.memref_squeeze %dma_wait3A_293 : memref<1x128x32xf32, #tpu.memory_space<vmem>> -> memref<128x32xf32, #tpu.memory_space<vmem>>
      %dma_wait3A_295 = arith.constant 0 : i32
      %dma_wait3A_296 = tpu.memref_slice %arg11[%dma_wait3A_289, %dma_wait3A_295] : memref<2x128xi32, #tpu.memory_space<vmem>> -> memref<1x128xi32, #tpu.memory_space<vmem>>
      %dma_wait3A_297 = tpu.memref_squeeze %dma_wait3A_296 : memref<1x128xi32, #tpu.memory_space<vmem>> -> memref<128xi32, #tpu.memory_space<vmem>>
      %dma_wait3A_298 = arith.constant 0 : i32
      %dma_wait3A_299 = arith.constant 0 : i32
      %dma_wait3A_300 = tpu.memref_slice %arg4[%dma_wait3A_298, %dma_wait3A_299] : memref<100000x32xf32, #tpu.memory_space<hbm>> -> memref<100000x32xf32, #tpu.memory_space<hbm>>
      tpu.wait_indirect_dma semaphore(%arg14 : memref<!tpu.dma_semaphore, #tpu.memory_space<semaphore_mem>>) src(%dma_wait3A_300 : memref<100000x32xf32, #tpu.memory_space<hbm>>) dst(%dma_wait3A_294 : memref<128x32xf32, #tpu.memory_space<vmem>>)
      %scan3A = arith.constant 0 : i32
      %scan3A_301 = arith.constant 0 : i32
      %scan3A_302 = arith.constant 32 : i32
      %scan3A_303 = arith.addi %scan3A_301, %scan3A_302 : i32
      %scan3A_304 = arith.constant 1 : i32
      scf.for %scan3A_315 = %scan3A_301 to %scan3A_303 step %scan3A_304  : i32 {
        %mul3A_316 = arith.constant 4 : i32
        %mul3A_317 = arith.muli %scan3A_315, %mul3A_316 : i32
        %add3A_318 = arith.constant 0 : i32
        %add3A_319 = arith.addi %mul3A_317, %add3A_318 : i32
        %get3A_320 = arith.constant 0 : i32
        %get3A_321 = arith.index_cast %get3A_320 : i32 to index
        %get3A_322 = arith.index_cast %add3A_319 : i32 to index
        %get3A_323 = arith.constant 0 : index
        %get3A_324 = tpu.vector_load %arg12[%get3A_321, %get3A_322, %get3A_323] {strides = array<i32>} : memref<2x128x32xf32, #tpu.memory_space<vmem>>, vector<1x1x16xf32>,
        %get3A_325 = vector.shape_cast %get3A_324 : vector<1x1x16xf32> to vector<16xf32>
        %get3A_326 = arith.constant 0 : i32
        %get3A_327 = arith.index_cast %get3A_326 : i32 to index
        %get3A_328 = arith.index_cast %add3A_319 : i32 to index
        %get3A_329 = arith.constant 0 : index
        %get3A_330 = tpu.vector_load %arg13[%get3A_327, %get3A_328, %get3A_329] {strides = array<i32>} : memref<2x128x32xf32, #tpu.memory_space<vmem>>, vector<1x1x16xf32>,
        %get3A_331 = vector.shape_cast %get3A_330 : vector<1x1x16xf32> to vector<16xf32>
        %add3A_332 = arith.addf %get3A_325, %get3A_331 : vector<16xf32>
        %max3A = arith.constant 0.000000e+00 : f32
        %max3A_333 = vector.broadcast %max3A : f32 to vector<16xf32>
        %max3A_334 = arith.maximumf %add3A_332, %max3A_333 : vector<16xf32>
        %swap3A_335 = arith.constant 0 : i32
        %swap3A_336 = arith.index_cast %swap3A_335 : i32 to index
        %swap3A_337 = arith.index_cast %add3A_319 : i32 to index
        %swap3A_338 = arith.constant 0 : index
        %swap3A_339 = tpu.vector_load %arg13[%swap3A_336, %swap3A_337, %swap3A_338] {strides = array<i32>} : memref<2x128x32xf32, #tpu.memory_space<vmem>>, vector<1x1x16xf32>,
        %swap3A_340 = vector.shape_cast %swap3A_339 : vector<1x1x16xf32> to vector<16xf32>
        %swap3A_341 = vector.shape_cast %max3A_334 : vector<16xf32> to vector<1x1x16xf32>
        tpu.vector_store %arg13[%swap3A_336, %swap3A_337, %swap3A_338], %swap3A_341 {strides = array<i32>} : memref<2x128x32xf32, #tpu.memory_space<vmem>>, vector<1x1x16xf32>,
        %get3A_342 = arith.constant 0 : i32
        %get3A_343 = arith.index_cast %get3A_342 : i32 to index
        %get3A_344 = arith.index_cast %add3A_319 : i32 to index
        %get3A_345 = arith.constant 16 : index
        %get3A_346 = tpu.vector_load %arg12[%get3A_343, %get3A_344, %get3A_345] {strides = array<i32>} : memref<2x128x32xf32, #tpu.memory_space<vmem>>, vector<1x1x16xf32>,
        %get3A_347 = vector.shape_cast %get3A_346 : vector<1x1x16xf32> to vector<16xf32>
        %get3A_348 = arith.constant 0 : i32
        %get3A_349 = arith.index_cast %get3A_348 : i32 to index
        %get3A_350 = arith.index_cast %add3A_319 : i32 to index
        %get3A_351 = arith.constant 16 : index
        %get3A_352 = tpu.vector_load %arg13[%get3A_349, %get3A_350, %get3A_351] {strides = array<i32>} : memref<2x128x32xf32, #tpu.memory_space<vmem>>, vector<1x1x16xf32>,
        %get3A_353 = vector.shape_cast %get3A_352 : vector<1x1x16xf32> to vector<16xf32>
        %add3A_354 = arith.addf %get3A_347, %get3A_353 : vector<16xf32>
        %max3A_355 = arith.constant 0.000000e+00 : f32
        %max3A_356 = vector.broadcast %max3A_355 : f32 to vector<16xf32>
        %max3A_357 = arith.maximumf %add3A_354, %max3A_356 : vector<16xf32>
        %swap3A_358 = arith.constant 0 : i32
        %swap3A_359 = arith.index_cast %swap3A_358 : i32 to index
        %swap3A_360 = arith.index_cast %add3A_319 : i32 to index
        %swap3A_361 = arith.constant 16 : index
        %swap3A_362 = tpu.vector_load %arg13[%swap3A_359, %swap3A_360, %swap3A_361] {strides = array<i32>} : memref<2x128x32xf32, #tpu.memory_space<vmem>>, vector<1x1x16xf32>,
        %swap3A_363 = vector.shape_cast %swap3A_362 : vector<1x1x16xf32> to vector<16xf32>
        %swap3A_364 = vector.shape_cast %max3A_357 : vector<16xf32> to vector<1x1x16xf32>
        tpu.vector_store %arg13[%swap3A_359, %swap3A_360, %swap3A_361], %swap3A_364 {strides = array<i32>} : memref<2x128x32xf32, #tpu.memory_space<vmem>>, vector<1x1x16xf32>,
        %mul3A_365 = arith.constant 4 : i32
        %mul3A_366 = arith.muli %scan3A_315, %mul3A_365 : i32
        %add3A_367 = arith.constant 1 : i32
        %add3A_368 = arith.addi %mul3A_366, %add3A_367 : i32
        %get3A_369 = arith.constant 0 : i32
        %get3A_370 = arith.index_cast %get3A_369 : i32 to index
        %get3A_371 = arith.index_cast %add3A_368 : i32 to index
        %get3A_372 = arith.constant 0 : index
        %get3A_373 = tpu.vector_load %arg12[%get3A_370, %get3A_371, %get3A_372] {strides = array<i32>} : memref<2x128x32xf32, #tpu.memory_space<vmem>>, vector<1x1x16xf32>,
        %get3A_374 = vector.shape_cast %get3A_373 : vector<1x1x16xf32> to vector<16xf32>
        %get3A_375 = arith.constant 0 : i32
        %get3A_376 = arith.index_cast %get3A_375 : i32 to index
        %get3A_377 = arith.index_cast %add3A_368 : i32 to index
        %get3A_378 = arith.constant 0 : index
        %get3A_379 = tpu.vector_load %arg13[%get3A_376, %get3A_377, %get3A_378] {strides = array<i32>} : memref<2x128x32xf32, #tpu.memory_space<vmem>>, vector<1x1x16xf32>,
        %get3A_380 = vector.shape_cast %get3A_379 : vector<1x1x16xf32> to vector<16xf32>
        %add3A_381 = arith.addf %get3A_374, %get3A_380 : vector<16xf32>
        %max3A_382 = arith.constant 0.000000e+00 : f32
        %max3A_383 = vector.broadcast %max3A_382 : f32 to vector<16xf32>
        %max3A_384 = arith.maximumf %add3A_381, %max3A_383 : vector<16xf32>
        %swap3A_385 = arith.constant 0 : i32
        %swap3A_386 = arith.index_cast %swap3A_385 : i32 to index
        %swap3A_387 = arith.index_cast %add3A_368 : i32 to index
        %swap3A_388 = arith.constant 0 : index
        %swap3A_389 = tpu.vector_load %arg13[%swap3A_386, %swap3A_387, %swap3A_388] {strides = array<i32>} : memref<2x128x32xf32, #tpu.memory_space<vmem>>, vector<1x1x16xf32>,
        %swap3A_390 = vector.shape_cast %swap3A_389 : vector<1x1x16xf32> to vector<16xf32>
        %swap3A_391 = vector.shape_cast %max3A_384 : vector<16xf32> to vector<1x1x16xf32>
        tpu.vector_store %arg13[%swap3A_386, %swap3A_387, %swap3A_388], %swap3A_391 {strides = array<i32>} : memref<2x128x32xf32, #tpu.memory_space<vmem>>, vector<1x1x16xf32>,
        %get3A_392 = arith.constant 0 : i32
        %get3A_393 = arith.index_cast %get3A_392 : i32 to index
        %get3A_394 = arith.index_cast %add3A_368 : i32 to index
        %get3A_395 = arith.constant 16 : index
        %get3A_396 = tpu.vector_load %arg12[%get3A_393, %get3A_394, %get3A_395] {strides = array<i32>} : memref<2x128x32xf32, #tpu.memory_space<vmem>>, vector<1x1x16xf32>,
        %get3A_397 = vector.shape_cast %get3A_396 : vector<1x1x16xf32> to vector<16xf32>
        %get3A_398 = arith.constant 0 : i32
        %get3A_399 = arith.index_cast %get3A_398 : i32 to index
        %get3A_400 = arith.index_cast %add3A_368 : i32 to index
        %get3A_401 = arith.constant 16 : index
        %get3A_402 = tpu.vector_load %arg13[%get3A_399, %get3A_400, %get3A_401] {strides = array<i32>} : memref<2x128x32xf32, #tpu.memory_space<vmem>>, vector<1x1x16xf32>,
        %get3A_403 = vector.shape_cast %get3A_402 : vector<1x1x16xf32> to vector<16xf32>
        %add3A_404 = arith.addf %get3A_397, %get3A_403 : vector<16xf32>
        %max3A_405 = arith.constant 0.000000e+00 : f32
        %max3A_406 = vector.broadcast %max3A_405 : f32 to vector<16xf32>
        %max3A_407 = arith.maximumf %add3A_404, %max3A_406 : vector<16xf32>
        %swap3A_408 = arith.constant 0 : i32
        %swap3A_409 = arith.index_cast %swap3A_408 : i32 to index
        %swap3A_410 = arith.index_cast %add3A_368 : i32 to index
        %swap3A_411 = arith.constant 16 : index
        %swap3A_412 = tpu.vector_load %arg13[%swap3A_409, %swap3A_410, %swap3A_411] {strides = array<i32>} : memref<2x128x32xf32, #tpu.memory_space<vmem>>, vector<1x1x16xf32>,
        %swap3A_413 = vector.shape_cast %swap3A_412 : vector<1x1x16xf32> to vector<16xf32>
        %swap3A_414 = vector.shape_cast %max3A_407 : vector<16xf32> to vector<1x1x16xf32>
        tpu.vector_store %arg13[%swap3A_409, %swap3A_410, %swap3A_411], %swap3A_414 {strides = array<i32>} : memref<2x128x32xf32, #tpu.memory_space<vmem>>, vector<1x1x16xf32>,
        %mul3A_415 = arith.constant 4 : i32
        %mul3A_416 = arith.muli %scan3A_315, %mul3A_415 : i32
        %add3A_417 = arith.constant 2 : i32
        %add3A_418 = arith.addi %mul3A_416, %add3A_417 : i32
        %get3A_419 = arith.constant 0 : i32
        %get3A_420 = arith.index_cast %get3A_419 : i32 to index
        %get3A_421 = arith.index_cast %add3A_418 : i32 to index
        %get3A_422 = arith.constant 0 : index
        %get3A_423 = tpu.vector_load %arg12[%get3A_420, %get3A_421, %get3A_422] {strides = array<i32>} : memref<2x128x32xf32, #tpu.memory_space<vmem>>, vector<1x1x16xf32>,
        %get3A_424 = vector.shape_cast %get3A_423 : vector<1x1x16xf32> to vector<16xf32>
        %get3A_425 = arith.constant 0 : i32
        %get3A_426 = arith.index_cast %get3A_425 : i32 to index
        %get3A_427 = arith.index_cast %add3A_418 : i32 to index
        %get3A_428 = arith.constant 0 : index
        %get3A_429 = tpu.vector_load %arg13[%get3A_426, %get3A_427, %get3A_428] {strides = array<i32>} : memref<2x128x32xf32, #tpu.memory_space<vmem>>, vector<1x1x16xf32>,
        %get3A_430 = vector.shape_cast %get3A_429 : vector<1x1x16xf32> to vector<16xf32>
        %add3A_431 = arith.addf %get3A_424, %get3A_430 : vector<16xf32>
        %max3A_432 = arith.constant 0.000000e+00 : f32
        %max3A_433 = vector.broadcast %max3A_432 : f32 to vector<16xf32>
        %max3A_434 = arith.maximumf %add3A_431, %max3A_433 : vector<16xf32>
        %swap3A_435 = arith.constant 0 : i32
        %swap3A_436 = arith.index_cast %swap3A_435 : i32 to index
        %swap3A_437 = arith.index_cast %add3A_418 : i32 to index
        %swap3A_438 = arith.constant 0 : index
        %swap3A_439 = tpu.vector_load %arg13[%swap3A_436, %swap3A_437, %swap3A_438] {strides = array<i32>} : memref<2x128x32xf32, #tpu.memory_space<vmem>>, vector<1x1x16xf32>,
        %swap3A_440 = vector.shape_cast %swap3A_439 : vector<1x1x16xf32> to vector<16xf32>
        %swap3A_441 = vector.shape_cast %max3A_434 : vector<16xf32> to vector<1x1x16xf32>
        tpu.vector_store %arg13[%swap3A_436, %swap3A_437, %swap3A_438], %swap3A_441 {strides = array<i32>} : memref<2x128x32xf32, #tpu.memory_space<vmem>>, vector<1x1x16xf32>,
        %get3A_442 = arith.constant 0 : i32
        %get3A_443 = arith.index_cast %get3A_442 : i32 to index
        %get3A_444 = arith.index_cast %add3A_418 : i32 to index
        %get3A_445 = arith.constant 16 : index
        %get3A_446 = tpu.vector_load %arg12[%get3A_443, %get3A_444, %get3A_445] {strides = array<i32>} : memref<2x128x32xf32, #tpu.memory_space<vmem>>, vector<1x1x16xf32>,
        %get3A_447 = vector.shape_cast %get3A_446 : vector<1x1x16xf32> to vector<16xf32>
        %get3A_448 = arith.constant 0 : i32
        %get3A_449 = arith.index_cast %get3A_448 : i32 to index
        %get3A_450 = arith.index_cast %add3A_418 : i32 to index
        %get3A_451 = arith.constant 16 : index
        %get3A_452 = tpu.vector_load %arg13[%get3A_449, %get3A_450, %get3A_451] {strides = array<i32>} : memref<2x128x32xf32, #tpu.memory_space<vmem>>, vector<1x1x16xf32>,
        %get3A_453 = vector.shape_cast %get3A_452 : vector<1x1x16xf32> to vector<16xf32>
        %add3A_454 = arith.addf %get3A_447, %get3A_453 : vector<16xf32>
        %max3A_455 = arith.constant 0.000000e+00 : f32
        %max3A_456 = vector.broadcast %max3A_455 : f32 to vector<16xf32>
        %max3A_457 = arith.maximumf %add3A_454, %max3A_456 : vector<16xf32>
        %swap3A_458 = arith.constant 0 : i32
        %swap3A_459 = arith.index_cast %swap3A_458 : i32 to index
        %swap3A_460 = arith.index_cast %add3A_418 : i32 to index
        %swap3A_461 = arith.constant 16 : index
        %swap3A_462 = tpu.vector_load %arg13[%swap3A_459, %swap3A_460, %swap3A_461] {strides = array<i32>} : memref<2x128x32xf32, #tpu.memory_space<vmem>>, vector<1x1x16xf32>,
        %swap3A_463 = vector.shape_cast %swap3A_462 : vector<1x1x16xf32> to vector<16xf32>
        %swap3A_464 = vector.shape_cast %max3A_457 : vector<16xf32> to vector<1x1x16xf32>
        tpu.vector_store %arg13[%swap3A_459, %swap3A_460, %swap3A_461], %swap3A_464 {strides = array<i32>} : memref<2x128x32xf32, #tpu.memory_space<vmem>>, vector<1x1x16xf32>,
        %mul3A_465 = arith.constant 4 : i32
        %mul3A_466 = arith.muli %scan3A_315, %mul3A_465 : i32
        %add3A_467 = arith.constant 3 : i32
        %add3A_468 = arith.addi %mul3A_466, %add3A_467 : i32
        %get3A_469 = arith.constant 0 : i32
        %get3A_470 = arith.index_cast %get3A_469 : i32 to index
        %get3A_471 = arith.index_cast %add3A_468 : i32 to index
        %get3A_472 = arith.constant 0 : index
        %get3A_473 = tpu.vector_load %arg12[%get3A_470, %get3A_471, %get3A_472] {strides = array<i32>} : memref<2x128x32xf32, #tpu.memory_space<vmem>>, vector<1x1x16xf32>,
        %get3A_474 = vector.shape_cast %get3A_473 : vector<1x1x16xf32> to vector<16xf32>
        %get3A_475 = arith.constant 0 : i32
        %get3A_476 = arith.index_cast %get3A_475 : i32 to index
        %get3A_477 = arith.index_cast %add3A_468 : i32 to index
        %get3A_478 = arith.constant 0 : index
        %get3A_479 = tpu.vector_load %arg13[%get3A_476, %get3A_477, %get3A_478] {strides = array<i32>} : memref<2x128x32xf32, #tpu.memory_space<vmem>>, vector<1x1x16xf32>,
        %get3A_480 = vector.shape_cast %get3A_479 : vector<1x1x16xf32> to vector<16xf32>
        %add3A_481 = arith.addf %get3A_474, %get3A_480 : vector<16xf32>
        %max3A_482 = arith.constant 0.000000e+00 : f32
        %max3A_483 = vector.broadcast %max3A_482 : f32 to vector<16xf32>
        %max3A_484 = arith.maximumf %add3A_481, %max3A_483 : vector<16xf32>
        %swap3A_485 = arith.constant 0 : i32
        %swap3A_486 = arith.index_cast %swap3A_485 : i32 to index
        %swap3A_487 = arith.index_cast %add3A_468 : i32 to index
        %swap3A_488 = arith.constant 0 : index
        %swap3A_489 = tpu.vector_load %arg13[%swap3A_486, %swap3A_487, %swap3A_488] {strides = array<i32>} : memref<2x128x32xf32, #tpu.memory_space<vmem>>, vector<1x1x16xf32>,
        %swap3A_490 = vector.shape_cast %swap3A_489 : vector<1x1x16xf32> to vector<16xf32>
        %swap3A_491 = vector.shape_cast %max3A_484 : vector<16xf32> to vector<1x1x16xf32>
        tpu.vector_store %arg13[%swap3A_486, %swap3A_487, %swap3A_488], %swap3A_491 {strides = array<i32>} : memref<2x128x32xf32, #tpu.memory_space<vmem>>, vector<1x1x16xf32>,
        %get3A_492 = arith.constant 0 : i32
        %get3A_493 = arith.index_cast %get3A_492 : i32 to index
        %get3A_494 = arith.index_cast %add3A_468 : i32 to index
        %get3A_495 = arith.constant 16 : index
        %get3A_496 = tpu.vector_load %arg12[%get3A_493, %get3A_494, %get3A_495] {strides = array<i32>} : memref<2x128x32xf32, #tpu.memory_space<vmem>>, vector<1x1x16xf32>,
        %get3A_497 = vector.shape_cast %get3A_496 : vector<1x1x16xf32> to vector<16xf32>
        %get3A_498 = arith.constant 0 : i32
        %get3A_499 = arith.index_cast %get3A_498 : i32 to index
        %get3A_500 = arith.index_cast %add3A_468 : i32 to index
        %get3A_501 = arith.constant 16 : index
        %get3A_502 = tpu.vector_load %arg13[%get3A_499, %get3A_500, %get3A_501] {strides = array<i32>} : memref<2x128x32xf32, #tpu.memory_space<vmem>>, vector<1x1x16xf32>,
        %get3A_503 = vector.shape_cast %get3A_502 : vector<1x1x16xf32> to vector<16xf32>
        %add3A_504 = arith.addf %get3A_497, %get3A_503 : vector<16xf32>
        %max3A_505 = arith.constant 0.000000e+00 : f32
        %max3A_506 = vector.broadcast %max3A_505 : f32 to vector<16xf32>
        %max3A_507 = arith.maximumf %add3A_504, %max3A_506 : vector<16xf32>
        %swap3A_508 = arith.constant 0 : i32
        %swap3A_509 = arith.index_cast %swap3A_508 : i32 to index
        %swap3A_510 = arith.index_cast %add3A_468 : i32 to index
        %swap3A_511 = arith.constant 16 : index
        %swap3A_512 = tpu.vector_load %arg13[%swap3A_509, %swap3A_510, %swap3A_511] {strides = array<i32>} : memref<2x128x32xf32, #tpu.memory_space<vmem>>, vector<1x1x16xf32>,
        %swap3A_513 = vector.shape_cast %swap3A_512 : vector<1x1x16xf32> to vector<16xf32>
        %swap3A_514 = vector.shape_cast %max3A_507 : vector<16xf32> to vector<1x1x16xf32>
        tpu.vector_store %arg13[%swap3A_509, %swap3A_510, %swap3A_511], %swap3A_514 {strides = array<i32>} : memref<2x128x32xf32, #tpu.memory_space<vmem>>, vector<1x1x16xf32>,
      }
      %scan3A_305 = arith.constant 32 : i32
      %scan3A_306 = arith.constant 0 : i32
      %scan3A_307 = arith.constant 0 : i32
      %scan3A_308 = arith.constant 32 : i32
      %scan3A_309 = arith.addi %scan3A_307, %scan3A_308 : i32
      %scan3A_310 = arith.constant 1 : i32
      scf.for %scan3A_315 = %scan3A_307 to %scan3A_309 step %scan3A_310  : i32 {
        %mul3A_316 = arith.constant 4 : i32
        %mul3A_317 = arith.muli %scan3A_315, %mul3A_316 : i32
        %add3A_318 = arith.constant 0 : i32
        %add3A_319 = arith.addi %mul3A_317, %add3A_318 : i32
        %get3A_320 = arith.constant 1 : i32
        %get3A_321 = arith.index_cast %get3A_320 : i32 to index
        %get3A_322 = arith.index_cast %add3A_319 : i32 to index
        %get3A_323 = arith.constant 0 : index
        %get3A_324 = tpu.vector_load %arg12[%get3A_321, %get3A_322, %get3A_323] {strides = array<i32>} : memref<2x128x32xf32, #tpu.memory_space<vmem>>, vector<1x1x16xf32>,
        %get3A_325 = vector.shape_cast %get3A_324 : vector<1x1x16xf32> to vector<16xf32>
        %get3A_326 = arith.constant 1 : i32
        %get3A_327 = arith.index_cast %get3A_326 : i32 to index
        %get3A_328 = arith.index_cast %add3A_319 : i32 to index
        %get3A_329 = arith.constant 0 : index
        %get3A_330 = tpu.vector_load %arg13[%get3A_327, %get3A_328, %get3A_329] {strides = array<i32>} : memref<2x128x32xf32, #tpu.memory_space<vmem>>, vector<1x1x16xf32>,
        %get3A_331 = vector.shape_cast %get3A_330 : vector<1x1x16xf32> to vector<16xf32>
        %add3A_332 = arith.addf %get3A_325, %get3A_331 : vector<16xf32>
        %max3A = arith.constant 0.000000e+00 : f32
        %max3A_333 = vector.broadcast %max3A : f32 to vector<16xf32>
        %max3A_334 = arith.maximumf %add3A_332, %max3A_333 : vector<16xf32>
        %swap3A_335 = arith.constant 1 : i32
        %swap3A_336 = arith.index_cast %swap3A_335 : i32 to index
        %swap3A_337 = arith.index_cast %add3A_319 : i32 to index
        %swap3A_338 = arith.constant 0 : index
        %swap3A_339 = tpu.vector_load %arg13[%swap3A_336, %swap3A_337, %swap3A_338] {strides = array<i32>} : memref<2x128x32xf32, #tpu.memory_space<vmem>>, vector<1x1x16xf32>,
        %swap3A_340 = vector.shape_cast %swap3A_339 : vector<1x1x16xf32> to vector<16xf32>
        %swap3A_341 = vector.shape_cast %max3A_334 : vector<16xf32> to vector<1x1x16xf32>
        tpu.vector_store %arg13[%swap3A_336, %swap3A_337, %swap3A_338], %swap3A_341 {strides = array<i32>} : memref<2x128x32xf32, #tpu.memory_space<vmem>>, vector<1x1x16xf32>,
        %get3A_342 = arith.constant 1 : i32
        %get3A_343 = arith.index_cast %get3A_342 : i32 to index
        %get3A_344 = arith.index_cast %add3A_319 : i32 to index
        %get3A_345 = arith.constant 16 : index
        %get3A_346 = tpu.vector_load %arg12[%get3A_343, %get3A_344, %get3A_345] {strides = array<i32>} : memref<2x128x32xf32, #tpu.memory_space<vmem>>, vector<1x1x16xf32>,
        %get3A_347 = vector.shape_cast %get3A_346 : vector<1x1x16xf32> to vector<16xf32>
        %get3A_348 = arith.constant 1 : i32
        %get3A_349 = arith.index_cast %get3A_348 : i32 to index
        %get3A_350 = arith.index_cast %add3A_319 : i32 to index
        %get3A_351 = arith.constant 16 : index
        %get3A_352 = tpu.vector_load %arg13[%get3A_349, %get3A_350, %get3A_351] {strides = array<i32>} : memref<2x128x32xf32, #tpu.memory_space<vmem>>, vector<1x1x16xf32>,
        %get3A_353 = vector.shape_cast %get3A_352 : vector<1x1x16xf32> to vector<16xf32>
        %add3A_354 = arith.addf %get3A_347, %get3A_353 : vector<16xf32>
        %max3A_355 = arith.constant 0.000000e+00 : f32
        %max3A_356 = vector.broadcast %max3A_355 : f32 to vector<16xf32>
        %max3A_357 = arith.maximumf %add3A_354, %max3A_356 : vector<16xf32>
        %swap3A_358 = arith.constant 1 : i32
        %swap3A_359 = arith.index_cast %swap3A_358 : i32 to index
        %swap3A_360 = arith.index_cast %add3A_319 : i32 to index
        %swap3A_361 = arith.constant 16 : index
        %swap3A_362 = tpu.vector_load %arg13[%swap3A_359, %swap3A_360, %swap3A_361] {strides = array<i32>} : memref<2x128x32xf32, #tpu.memory_space<vmem>>, vector<1x1x16xf32>,
        %swap3A_363 = vector.shape_cast %swap3A_362 : vector<1x1x16xf32> to vector<16xf32>
        %swap3A_364 = vector.shape_cast %max3A_357 : vector<16xf32> to vector<1x1x16xf32>
        tpu.vector_store %arg13[%swap3A_359, %swap3A_360, %swap3A_361], %swap3A_364 {strides = array<i32>} : memref<2x128x32xf32, #tpu.memory_space<vmem>>, vector<1x1x16xf32>,
        %mul3A_365 = arith.constant 4 : i32
        %mul3A_366 = arith.muli %scan3A_315, %mul3A_365 : i32
        %add3A_367 = arith.constant 1 : i32
        %add3A_368 = arith.addi %mul3A_366, %add3A_367 : i32
        %get3A_369 = arith.constant 1 : i32
        %get3A_370 = arith.index_cast %get3A_369 : i32 to index
        %get3A_371 = arith.index_cast %add3A_368 : i32 to index
        %get3A_372 = arith.constant 0 : index
        %get3A_373 = tpu.vector_load %arg12[%get3A_370, %get3A_371, %get3A_372] {strides = array<i32>} : memref<2x128x32xf32, #tpu.memory_space<vmem>>, vector<1x1x16xf32>,
        %get3A_374 = vector.shape_cast %get3A_373 : vector<1x1x16xf32> to vector<16xf32>
        %get3A_375 = arith.constant 1 : i32
        %get3A_376 = arith.index_cast %get3A_375 : i32 to index
        %get3A_377 = arith.index_cast %add3A_368 : i32 to index
        %get3A_378 = arith.constant 0 : index
        %get3A_379 = tpu.vector_load %arg13[%get3A_376, %get3A_377, %get3A_378] {strides = array<i32>} : memref<2x128x32xf32, #tpu.memory_space<vmem>>, vector<1x1x16xf32>,
        %get3A_380 = vector.shape_cast %get3A_379 : vector<1x1x16xf32> to vector<16xf32>
        %add3A_381 = arith.addf %get3A_374, %get3A_380 : vector<16xf32>
        %max3A_382 = arith.constant 0.000000e+00 : f32
        %max3A_383 = vector.broadcast %max3A_382 : f32 to vector<16xf32>
        %max3A_384 = arith.maximumf %add3A_381, %max3A_383 : vector<16xf32>
        %swap3A_385 = arith.constant 1 : i32
        %swap3A_386 = arith.index_cast %swap3A_385 : i32 to index
        %swap3A_387 = arith.index_cast %add3A_368 : i32 to index
        %swap3A_388 = arith.constant 0 : index
        %swap3A_389 = tpu.vector_load %arg13[%swap3A_386, %swap3A_387, %swap3A_388] {strides = array<i32>} : memref<2x128x32xf32, #tpu.memory_space<vmem>>, vector<1x1x16xf32>,
        %swap3A_390 = vector.shape_cast %swap3A_389 : vector<1x1x16xf32> to vector<16xf32>
        %swap3A_391 = vector.shape_cast %max3A_384 : vector<16xf32> to vector<1x1x16xf32>
        tpu.vector_store %arg13[%swap3A_386, %swap3A_387, %swap3A_388], %swap3A_391 {strides = array<i32>} : memref<2x128x32xf32, #tpu.memory_space<vmem>>, vector<1x1x16xf32>,
        %get3A_392 = arith.constant 1 : i32
        %get3A_393 = arith.index_cast %get3A_392 : i32 to index
        %get3A_394 = arith.index_cast %add3A_368 : i32 to index
        %get3A_395 = arith.constant 16 : index
        %get3A_396 = tpu.vector_load %arg12[%get3A_393, %get3A_394, %get3A_395] {strides = array<i32>} : memref<2x128x32xf32, #tpu.memory_space<vmem>>, vector<1x1x16xf32>,
        %get3A_397 = vector.shape_cast %get3A_396 : vector<1x1x16xf32> to vector<16xf32>
        %get3A_398 = arith.constant 1 : i32
        %get3A_399 = arith.index_cast %get3A_398 : i32 to index
        %get3A_400 = arith.index_cast %add3A_368 : i32 to index
        %get3A_401 = arith.constant 16 : index
        %get3A_402 = tpu.vector_load %arg13[%get3A_399, %get3A_400, %get3A_401] {strides = array<i32>} : memref<2x128x32xf32, #tpu.memory_space<vmem>>, vector<1x1x16xf32>,
        %get3A_403 = vector.shape_cast %get3A_402 : vector<1x1x16xf32> to vector<16xf32>
        %add3A_404 = arith.addf %get3A_397, %get3A_403 : vector<16xf32>
        %max3A_405 = arith.constant 0.000000e+00 : f32
        %max3A_406 = vector.broadcast %max3A_405 : f32 to vector<16xf32>
        %max3A_407 = arith.maximumf %add3A_404, %max3A_406 : vector<16xf32>
        %swap3A_408 = arith.constant 1 : i32
        %swap3A_409 = arith.index_cast %swap3A_408 : i32 to index
        %swap3A_410 = arith.index_cast %add3A_368 : i32 to index
        %swap3A_411 = arith.constant 16 : index
        %swap3A_412 = tpu.vector_load %arg13[%swap3A_409, %swap3A_410, %swap3A_411] {strides = array<i32>} : memref<2x128x32xf32, #tpu.memory_space<vmem>>, vector<1x1x16xf32>,
        %swap3A_413 = vector.shape_cast %swap3A_412 : vector<1x1x16xf32> to vector<16xf32>
        %swap3A_414 = vector.shape_cast %max3A_407 : vector<16xf32> to vector<1x1x16xf32>
        tpu.vector_store %arg13[%swap3A_409, %swap3A_410, %swap3A_411], %swap3A_414 {strides = array<i32>} : memref<2x128x32xf32, #tpu.memory_space<vmem>>, vector<1x1x16xf32>,
        %mul3A_415 = arith.constant 4 : i32
        %mul3A_416 = arith.muli %scan3A_315, %mul3A_415 : i32
        %add3A_417 = arith.constant 2 : i32
        %add3A_418 = arith.addi %mul3A_416, %add3A_417 : i32
        %get3A_419 = arith.constant 1 : i32
        %get3A_420 = arith.index_cast %get3A_419 : i32 to index
        %get3A_421 = arith.index_cast %add3A_418 : i32 to index
        %get3A_422 = arith.constant 0 : index
        %get3A_423 = tpu.vector_load %arg12[%get3A_420, %get3A_421, %get3A_422] {strides = array<i32>} : memref<2x128x32xf32, #tpu.memory_space<vmem>>, vector<1x1x16xf32>,
        %get3A_424 = vector.shape_cast %get3A_423 : vector<1x1x16xf32> to vector<16xf32>
        %get3A_425 = arith.constant 1 : i32
        %get3A_426 = arith.index_cast %get3A_425 : i32 to index
        %get3A_427 = arith.index_cast %add3A_418 : i32 to index
        %get3A_428 = arith.constant 0 : index
        %get3A_429 = tpu.vector_load %arg13[%get3A_426, %get3A_427, %get3A_428] {strides = array<i32>} : memref<2x128x32xf32, #tpu.memory_space<vmem>>, vector<1x1x16xf32>,
        %get3A_430 = vector.shape_cast %get3A_429 : vector<1x1x16xf32> to vector<16xf32>
        %add3A_431 = arith.addf %get3A_424, %get3A_430 : vector<16xf32>
        %max3A_432 = arith.constant 0.000000e+00 : f32
        %max3A_433 = vector.broadcast %max3A_432 : f32 to vector<16xf32>
        %max3A_434 = arith.maximumf %add3A_431, %max3A_433 : vector<16xf32>
        %swap3A_435 = arith.constant 1 : i32
        %swap3A_436 = arith.index_cast %swap3A_435 : i32 to index
        %swap3A_437 = arith.index_cast %add3A_418 : i32 to index
        %swap3A_438 = arith.constant 0 : index
        %swap3A_439 = tpu.vector_load %arg13[%swap3A_436, %swap3A_437, %swap3A_438] {strides = array<i32>} : memref<2x128x32xf32, #tpu.memory_space<vmem>>, vector<1x1x16xf32>,
        %swap3A_440 = vector.shape_cast %swap3A_439 : vector<1x1x16xf32> to vector<16xf32>
        %swap3A_441 = vector.shape_cast %max3A_434 : vector<16xf32> to vector<1x1x16xf32>
        tpu.vector_store %arg13[%swap3A_436, %swap3A_437, %swap3A_438], %swap3A_441 {strides = array<i32>} : memref<2x128x32xf32, #tpu.memory_space<vmem>>, vector<1x1x16xf32>,
        %get3A_442 = arith.constant 1 : i32
        %get3A_443 = arith.index_cast %get3A_442 : i32 to index
        %get3A_444 = arith.index_cast %add3A_418 : i32 to index
        %get3A_445 = arith.constant 16 : index
        %get3A_446 = tpu.vector_load %arg12[%get3A_443, %get3A_444, %get3A_445] {strides = array<i32>} : memref<2x128x32xf32, #tpu.memory_space<vmem>>, vector<1x1x16xf32>,
        %get3A_447 = vector.shape_cast %get3A_446 : vector<1x1x16xf32> to vector<16xf32>
        %get3A_448 = arith.constant 1 : i32
        %get3A_449 = arith.index_cast %get3A_448 : i32 to index
        %get3A_450 = arith.index_cast %add3A_418 : i32 to index
        %get3A_451 = arith.constant 16 : index
        %get3A_452 = tpu.vector_load %arg13[%get3A_449, %get3A_450, %get3A_451] {strides = array<i32>} : memref<2x128x32xf32, #tpu.memory_space<vmem>>, vector<1x1x16xf32>,
        %get3A_453 = vector.shape_cast %get3A_452 : vector<1x1x16xf32> to vector<16xf32>
        %add3A_454 = arith.addf %get3A_447, %get3A_453 : vector<16xf32>
        %max3A_455 = arith.constant 0.000000e+00 : f32
        %max3A_456 = vector.broadcast %max3A_455 : f32 to vector<16xf32>
        %max3A_457 = arith.maximumf %add3A_454, %max3A_456 : vector<16xf32>
        %swap3A_458 = arith.constant 1 : i32
        %swap3A_459 = arith.index_cast %swap3A_458 : i32 to index
        %swap3A_460 = arith.index_cast %add3A_418 : i32 to index
        %swap3A_461 = arith.constant 16 : index
        %swap3A_462 = tpu.vector_load %arg13[%swap3A_459, %swap3A_460, %swap3A_461] {strides = array<i32>} : memref<2x128x32xf32, #tpu.memory_space<vmem>>, vector<1x1x16xf32>,
        %swap3A_463 = vector.shape_cast %swap3A_462 : vector<1x1x16xf32> to vector<16xf32>
        %swap3A_464 = vector.shape_cast %max3A_457 : vector<16xf32> to vector<1x1x16xf32>
        tpu.vector_store %arg13[%swap3A_459, %swap3A_460, %swap3A_461], %swap3A_464 {strides = array<i32>} : memref<2x128x32xf32, #tpu.memory_space<vmem>>, vector<1x1x16xf32>,
        %mul3A_465 = arith.constant 4 : i32
        %mul3A_466 = arith.muli %scan3A_315, %mul3A_465 : i32
        %add3A_467 = arith.constant 3 : i32
        %add3A_468 = arith.addi %mul3A_466, %add3A_467 : i32
        %get3A_469 = arith.constant 1 : i32
        %get3A_470 = arith.index_cast %get3A_469 : i32 to index
        %get3A_471 = arith.index_cast %add3A_468 : i32 to index
        %get3A_472 = arith.constant 0 : index
        %get3A_473 = tpu.vector_load %arg12[%get3A_470, %get3A_471, %get3A_472] {strides = array<i32>} : memref<2x128x32xf32, #tpu.memory_space<vmem>>, vector<1x1x16xf32>,
        %get3A_474 = vector.shape_cast %get3A_473 : vector<1x1x16xf32> to vector<16xf32>
        %get3A_475 = arith.constant 1 : i32
        %get3A_476 = arith.index_cast %get3A_475 : i32 to index
        %get3A_477 = arith.index_cast %add3A_468 : i32 to index
        %get3A_478 = arith.constant 0 : index
        %get3A_479 = tpu.vector_load %arg13[%get3A_476, %get3A_477, %get3A_478] {strides = array<i32>} : memref<2x128x32xf32, #tpu.memory_space<vmem>>, vector<1x1x16xf32>,
        %get3A_480 = vector.shape_cast %get3A_479 : vector<1x1x16xf32> to vector<16xf32>
        %add3A_481 = arith.addf %get3A_474, %get3A_480 : vector<16xf32>
        %max3A_482 = arith.constant 0.000000e+00 : f32
        %max3A_483 = vector.broadcast %max3A_482 : f32 to vector<16xf32>
        %max3A_484 = arith.maximumf %add3A_481, %max3A_483 : vector<16xf32>
        %swap3A_485 = arith.constant 1 : i32
        %swap3A_486 = arith.index_cast %swap3A_485 : i32 to index
        %swap3A_487 = arith.index_cast %add3A_468 : i32 to index
        %swap3A_488 = arith.constant 0 : index
        %swap3A_489 = tpu.vector_load %arg13[%swap3A_486, %swap3A_487, %swap3A_488] {strides = array<i32>} : memref<2x128x32xf32, #tpu.memory_space<vmem>>, vector<1x1x16xf32>,
        %swap3A_490 = vector.shape_cast %swap3A_489 : vector<1x1x16xf32> to vector<16xf32>
        %swap3A_491 = vector.shape_cast %max3A_484 : vector<16xf32> to vector<1x1x16xf32>
        tpu.vector_store %arg13[%swap3A_486, %swap3A_487, %swap3A_488], %swap3A_491 {strides = array<i32>} : memref<2x128x32xf32, #tpu.memory_space<vmem>>, vector<1x1x16xf32>,
        %get3A_492 = arith.constant 1 : i32
        %get3A_493 = arith.index_cast %get3A_492 : i32 to index
        %get3A_494 = arith.index_cast %add3A_468 : i32 to index
        %get3A_495 = arith.constant 16 : index
        %get3A_496 = tpu.vector_load %arg12[%get3A_493, %get3A_494, %get3A_495] {strides = array<i32>} : memref<2x128x32xf32, #tpu.memory_space<vmem>>, vector<1x1x16xf32>,
        %get3A_497 = vector.shape_cast %get3A_496 : vector<1x1x16xf32> to vector<16xf32>
        %get3A_498 = arith.constant 1 : i32
        %get3A_499 = arith.index_cast %get3A_498 : i32 to index
        %get3A_500 = arith.index_cast %add3A_468 : i32 to index
        %get3A_501 = arith.constant 16 : index
        %get3A_502 = tpu.vector_load %arg13[%get3A_499, %get3A_500, %get3A_501] {strides = array<i32>} : memref<2x128x32xf32, #tpu.memory_space<vmem>>, vector<1x1x16xf32>,
        %get3A_503 = vector.shape_cast %get3A_502 : vector<1x1x16xf32> to vector<16xf32>
        %add3A_504 = arith.addf %get3A_497, %get3A_503 : vector<16xf32>
        %max3A_505 = arith.constant 0.000000e+00 : f32
        %max3A_506 = vector.broadcast %max3A_505 : f32 to vector<16xf32>
        %max3A_507 = arith.maximumf %add3A_504, %max3A_506 : vector<16xf32>
        %swap3A_508 = arith.constant 1 : i32
        %swap3A_509 = arith.index_cast %swap3A_508 : i32 to index
        %swap3A_510 = arith.index_cast %add3A_468 : i32 to index
        %swap3A_511 = arith.constant 16 : index
        %swap3A_512 = tpu.vector_load %arg13[%swap3A_509, %swap3A_510, %swap3A_511] {strides = array<i32>} : memref<2x128x32xf32, #tpu.memory_space<vmem>>, vector<1x1x16xf32>,
        %swap3A_513 = vector.shape_cast %swap3A_512 : vector<1x1x16xf32> to vector<16xf32>
        %swap3A_514 = vector.shape_cast %max3A_507 : vector<16xf32> to vector<1x1x16xf32>
        tpu.vector_store %arg13[%swap3A_509, %swap3A_510, %swap3A_511], %swap3A_514 {strides = array<i32>} : memref<2x128x32xf32, #tpu.memory_space<vmem>>, vector<1x1x16xf32>,
      }
      %scan3A_311 = arith.constant 32 : i32
      %run_scoped3A = arith.constant 0 : i32
      %run_scoped3A_312 = arith.constant 0 : i32
      "tpu.region"() ({
        %run_scoped3A_315 = tpu.sem_alloc : memref<!tpu.dma_semaphore, #tpu.memory_space<semaphore_mem>>
        %dma_start3A_316 = arith.constant 0 : i32
        %dma_start3A_317 = arith.constant 0 : i32
        %dma_start3A_318 = tpu.memref_slice %arg13[%run_scoped3A, %dma_start3A_316, %dma_start3A_317] : memref<2x128x32xf32, #tpu.memory_space<vmem>> -> memref<1x128x32xf32, #tpu.memory_space<vmem>>
        %dma_start3A_319 = tpu.memref_squeeze %dma_start3A_318 : memref<1x128x32xf32, #tpu.memory_space<vmem>> -> memref<128x32xf32, #tpu.memory_space<vmem>>
        %dma_start3A_320 = arith.constant 0 : i32
        %dma_start3A_321 = tpu.memref_slice %arg10[%run_scoped3A_312, %dma_start3A_320] : memref<2x128xi32, #tpu.memory_space<vmem>> -> memref<1x128xi32, #tpu.memory_space<vmem>>
        %dma_start3A_322 = tpu.memref_squeeze %dma_start3A_321 : memref<1x128xi32, #tpu.memory_space<vmem>> -> memref<128xi32, #tpu.memory_space<vmem>>
        %dma_start3A_323 = arith.constant 0 : i32
        %dma_start3A_324 = arith.constant 0 : i32
        %dma_start3A_325 = tpu.memref_slice %arg8[%dma_start3A_323, %dma_start3A_324] : memref<50000x32xf32, #tpu.memory_space<vmem_shared>> -> memref<50000x32xf32, #tpu.memory_space<vmem_shared>>
        tpu.enqueue_indirect_dma source(%dma_start3A_319 : memref<128x32xf32, #tpu.memory_space<vmem>>) target(%dma_start3A_325 : memref<50000x32xf32, #tpu.memory_space<vmem_shared>>) offsets(%dma_start3A_322 : memref<128xi32, #tpu.memory_space<vmem>>) semaphore(%run_scoped3A_315 : memref<!tpu.dma_semaphore, #tpu.memory_space<semaphore_mem>>) {add = true}
        %dma_wait3A_326 = arith.constant 0 : i32
        %dma_wait3A_327 = arith.constant 0 : i32
        %dma_wait3A_328 = tpu.memref_slice %arg13[%run_scoped3A, %dma_wait3A_326, %dma_wait3A_327] : memref<2x128x32xf32, #tpu.memory_space<vmem>> -> memref<1x128x32xf32, #tpu.memory_space<vmem>>
        %dma_wait3A_329 = tpu.memref_squeeze %dma_wait3A_328 : memref<1x128x32xf32, #tpu.memory_space<vmem>> -> memref<128x32xf32, #tpu.memory_space<vmem>>
        %dma_wait3A_330 = arith.constant 0 : i32
        %dma_wait3A_331 = tpu.memref_slice %arg10[%run_scoped3A_312, %dma_wait3A_330] : memref<2x128xi32, #tpu.memory_space<vmem>> -> memref<1x128xi32, #tpu.memory_space<vmem>>
        %dma_wait3A_332 = tpu.memref_squeeze %dma_wait3A_331 : memref<1x128xi32, #tpu.memory_space<vmem>> -> memref<128xi32, #tpu.memory_space<vmem>>
        %dma_wait3A_333 = arith.constant 0 : i32
        %dma_wait3A_334 = arith.constant 0 : i32
        %dma_wait3A_335 = tpu.memref_slice %arg8[%dma_wait3A_333, %dma_wait3A_334] : memref<50000x32xf32, #tpu.memory_space<vmem_shared>> -> memref<50000x32xf32, #tpu.memory_space<vmem_shared>>
        tpu.wait_indirect_dma semaphore(%run_scoped3A_315 : memref<!tpu.dma_semaphore, #tpu.memory_space<semaphore_mem>>) src(%dma_wait3A_329 : memref<128x32xf32, #tpu.memory_space<vmem>>) dst(%dma_wait3A_335 : memref<50000x32xf32, #tpu.memory_space<vmem_shared>>)
        tpu.yield
      }) : () -> ()
      %run_scoped3A_313 = arith.constant 1 : i32
      %run_scoped3A_314 = arith.constant 1 : i32
      "tpu.region"() ({
        %run_scoped3A_315 = tpu.sem_alloc : memref<!tpu.dma_semaphore, #tpu.memory_space<semaphore_mem>>
        %dma_start3A_316 = arith.constant 0 : i32
        %dma_start3A_317 = arith.constant 0 : i32
        %dma_start3A_318 = tpu.memref_slice %arg13[%run_scoped3A_313, %dma_start3A_316, %dma_start3A_317] : memref<2x128x32xf32, #tpu.memory_space<vmem>> -> memref<1x128x32xf32, #tpu.memory_space<vmem>>
        %dma_start3A_319 = tpu.memref_squeeze %dma_start3A_318 : memref<1x128x32xf32, #tpu.memory_space<vmem>> -> memref<128x32xf32, #tpu.memory_space<vmem>>
        %dma_start3A_320 = arith.constant 0 : i32
        %dma_start3A_321 = tpu.memref_slice %arg10[%run_scoped3A_314, %dma_start3A_320] : memref<2x128xi32, #tpu.memory_space<vmem>> -> memref<1x128xi32, #tpu.memory_space<vmem>>
        %dma_start3A_322 = tpu.memref_squeeze %dma_start3A_321 : memref<1x128xi32, #tpu.memory_space<vmem>> -> memref<128xi32, #tpu.memory_space<vmem>>
        %dma_start3A_323 = arith.constant 0 : i32
        %dma_start3A_324 = arith.constant 0 : i32
        %dma_start3A_325 = tpu.memref_slice %arg8[%dma_start3A_323, %dma_start3A_324] : memref<50000x32xf32, #tpu.memory_space<vmem_shared>> -> memref<50000x32xf32, #tpu.memory_space<vmem_shared>>
        tpu.enqueue_indirect_dma source(%dma_start3A_319 : memref<128x32xf32, #tpu.memory_space<vmem>>) target(%dma_start3A_325 : memref<50000x32xf32, #tpu.memory_space<vmem_shared>>) offsets(%dma_start3A_322 : memref<128xi32, #tpu.memory_space<vmem>>) semaphore(%run_scoped3A_315 : memref<!tpu.dma_semaphore, #tpu.memory_space<semaphore_mem>>) {add = true}
        %dma_wait3A_326 = arith.constant 0 : i32
        %dma_wait3A_327 = arith.constant 0 : i32
        %dma_wait3A_328 = tpu.memref_slice %arg13[%run_scoped3A_313, %dma_wait3A_326, %dma_wait3A_327] : memref<2x128x32xf32, #tpu.memory_space<vmem>> -> memref<1x128x32xf32, #tpu.memory_space<vmem>>
        %dma_wait3A_329 = tpu.memref_squeeze %dma_wait3A_328 : memref<1x128x32xf32, #tpu.memory_space<vmem>> -> memref<128x32xf32, #tpu.memory_space<vmem>>
        %dma_wait3A_330 = arith.constant 0 : i32
        %dma_wait3A_331 = tpu.memref_slice %arg10[%run_scoped3A_314, %dma_wait3A_330] : memref<2x128xi32, #tpu.memory_space<vmem>> -> memref<1x128xi32, #tpu.memory_space<vmem>>
        %dma_wait3A_332 = tpu.memref_squeeze %dma_wait3A_331 : memref<1x128xi32, #tpu.memory_space<vmem>> -> memref<128xi32, #tpu.memory_space<vmem>>
        %dma_wait3A_333 = arith.constant 0 : i32
        %dma_wait3A_334 = arith.constant 0 : i32
        %dma_wait3A_335 = tpu.memref_slice %arg8[%dma_wait3A_333, %dma_wait3A_334] : memref<50000x32xf32, #tpu.memory_space<vmem_shared>> -> memref<50000x32xf32, #tpu.memory_space<vmem_shared>>
        tpu.wait_indirect_dma semaphore(%run_scoped3A_315 : memref<!tpu.dma_semaphore, #tpu.memory_space<semaphore_mem>>) src(%dma_wait3A_329 : memref<128x32xf32, #tpu.memory_space<vmem>>) dst(%dma_wait3A_335 : memref<50000x32xf32, #tpu.memory_space<vmem_shared>>)
        tpu.yield
      }) : () -> ()
    }
    %barrier3A_37 = arith.constant 0 : index
    tpu.barrier barrier_id(%barrier3A_37)
    %mul3A_38 = arith.constant 3125 : i32
    %mul3A_39 = arith.muli %arg1, %mul3A_38 : i32
    %mul3A_40 = arith.constant 3125 : i32
    %mul3A_41 = arith.muli %arg1, %mul3A_40 : i32
    %add3A_42 = arith.addi %mul3A_2, %mul3A_41 : i32
    "tpu.region"() ({
      %run_scoped3A = tpu.sem_alloc : memref<!tpu.dma_semaphore, #tpu.memory_space<semaphore_mem>>
      %dma_start3A = arith.constant 0 : i32
      %dma_start3A_43 = tpu.memref_slice %arg7[%add3A_42, %dma_start3A] : memref<100000x32xf32, #tpu.memory_space<hbm>> -> memref<3125x32xf32, #tpu.memory_space<hbm>>
      %dma_start3A_44 = arith.constant 0 : i32
      %dma_start3A_45 = tpu.memref_slice %arg8[%mul3A_39, %dma_start3A_44] : memref<50000x32xf32, #tpu.memory_space<vmem_shared>> -> memref<3125x32xf32, #tpu.memory_space<vmem_shared>>
      tpu.enqueue_dma source(%dma_start3A_45 : memref<3125x32xf32, #tpu.memory_space<vmem_shared>>) target(%dma_start3A_43 : memref<3125x32xf32, #tpu.memory_space<hbm>>) target_semaphore(%run_scoped3A : memref<!tpu.dma_semaphore, #tpu.memory_space<semaphore_mem>>)
      %dma_wait3A = arith.constant 0 : i32
      %dma_wait3A_46 = tpu.memref_slice %arg7[%add3A_42, %dma_wait3A] : memref<100000x32xf32, #tpu.memory_space<hbm>> -> memref<3125x32xf32, #tpu.memory_space<hbm>>
      %dma_wait3A_47 = arith.constant 0 : i32
      %dma_wait3A_48 = tpu.memref_slice %arg8[%mul3A_39, %dma_wait3A_47] : memref<50000x32xf32, #tpu.memory_space<vmem_shared>> -> memref<3125x32xf32, #tpu.memory_space<vmem_shared>>
      tpu.wait_dma2 semaphore(%run_scoped3A : memref<!tpu.dma_semaphore, #tpu.memory_space<semaphore_mem>>) src(%dma_wait3A_48 : memref<3125x32xf32, #tpu.memory_space<vmem_shared>>) dst(%dma_wait3A_46 : memref<3125x32xf32, #tpu.memory_space<hbm>>)
      tpu.yield
    }) : () -> ()
    return
  }
}

#map = affine_map<(d0, d1) -> (0, 0)>
module attributes {stable_mosaic.version = 14 : i64} {
  func.func @_sc_cnt_body(%arg0: i32, %arg1: i32, %arg2: memref<6250x128xi32, #tpu.memory_space<hbm>>, %arg3: memref<3125x8xf32, #tpu.memory_space<hbm>>, %arg4: memref<128x8xf32, #tpu.memory_space<hbm>>, %arg5: memref<100000x8xf32, #tpu.memory_space<hbm>>, %arg6: memref<50000x8xf32, #tpu.memory_space<vmem_shared>>, %arg7: memref<5x128xi32, #tpu.memory_space<vmem>>, %arg8: memref<128x8xf32, #tpu.memory_space<vmem>>, %arg9: memref<!tpu.dma_semaphore, #tpu.memory_space<semaphore_mem>>) attributes {dimension_semantics = [#tpu.dimension_semantics<core_parallel>, #tpu.dimension_semantics<subcore_parallel>], iteration_bounds = array<i64: 2, 16>, scalar_prefetch = 0 : i64, scratch_operands = 4 : i64, tpu.core_type = #tpu.core_type<sc_vector_subcore>, window_params = [{transform_indices = #map}, {transform_indices = #map}, {transform_indices = #map}, {transform_indices = #map}]} {
    %mul3A = arith.constant 3125 : i32
    %mul3A_0 = arith.muli %arg1, %mul3A : i32
    "tpu.region"() ({
      %run_scoped3A = tpu.sem_alloc : memref<!tpu.dma_semaphore, #tpu.memory_space<semaphore_mem>>
      %dma_start3A = arith.constant 0 : i32
      %dma_start3A_41 = tpu.memref_slice %arg6[%mul3A_0, %dma_start3A] : memref<50000x8xf32, #tpu.memory_space<vmem_shared>> -> memref<3125x8xf32, #tpu.memory_space<vmem_shared>>
      tpu.enqueue_dma source(%arg3 : memref<3125x8xf32, #tpu.memory_space<hbm>>) target(%dma_start3A_41 : memref<3125x8xf32, #tpu.memory_space<vmem_shared>>) target_semaphore(%run_scoped3A : memref<!tpu.dma_semaphore, #tpu.memory_space<semaphore_mem>>)
      %dma_wait3A = arith.constant 0 : i32
      %dma_wait3A_42 = tpu.memref_slice %arg6[%mul3A_0, %dma_wait3A] : memref<50000x8xf32, #tpu.memory_space<vmem_shared>> -> memref<3125x8xf32, #tpu.memory_space<vmem_shared>>
      tpu.wait_dma2 semaphore(%run_scoped3A : memref<!tpu.dma_semaphore, #tpu.memory_space<semaphore_mem>>) src(%arg3 : memref<3125x8xf32, #tpu.memory_space<hbm>>) dst(%dma_wait3A_42 : memref<3125x8xf32, #tpu.memory_space<vmem_shared>>)
      tpu.yield
    }) : () -> ()
    "tpu.region"() ({
      %run_scoped3A = tpu.sem_alloc : memref<!tpu.dma_semaphore, #tpu.memory_space<semaphore_mem>>
      tpu.enqueue_dma source(%arg4 : memref<128x8xf32, #tpu.memory_space<hbm>>) target(%arg8 : memref<128x8xf32, #tpu.memory_space<vmem>>) target_semaphore(%run_scoped3A : memref<!tpu.dma_semaphore, #tpu.memory_space<semaphore_mem>>)
      tpu.wait_dma2 semaphore(%run_scoped3A : memref<!tpu.dma_semaphore, #tpu.memory_space<semaphore_mem>>) src(%arg4 : memref<128x8xf32, #tpu.memory_space<hbm>>) dst(%arg8 : memref<128x8xf32, #tpu.memory_space<vmem>>)
      tpu.yield
    }) : () -> ()
    %barrier3A = arith.constant 0 : index
    tpu.barrier barrier_id(%barrier3A)
    %mul3A_1 = arith.constant 3125 : i32
    %mul3A_2 = arith.muli %arg0, %mul3A_1 : i32
    %sub3A = arith.constant 625 : i32
    %sub3A_3 = arith.subi %sub3A, %arg1 : i32
    %add3A = arith.constant 16 : i32
    %add3A_4 = arith.addi %sub3A_3, %add3A : i32
    %sub3A_5 = arith.constant 1 : i32
    %sub3A_6 = arith.subi %add3A_4, %sub3A_5 : i32
    %jit3A = arith.constant 16 : i32
    %div3A = arith.divsi %sub3A_6, %jit3A : i32
    %sign3A = arith.constant 0 : i32
    %sign3A_7 = arith.cmpi sgt, %sub3A_6, %sign3A : i32
    %sign3A_8 = arith.extui %sign3A_7 : i1 to i32
    %sign3A_9 = arith.constant 0 : i32
    %sign3A_10 = arith.cmpi slt, %sub3A_6, %sign3A_9 : i32
    %sign3A_11 = arith.extui %sign3A_10 : i1 to i32
    %sign3A_12 = arith.subi %sign3A_8, %sign3A_11 : i32
    %sign3A_13 = arith.constant 0 : i32
    %sign3A_14 = arith.cmpi sgt, %jit3A, %sign3A_13 : i32
    %sign3A_15 = arith.extui %sign3A_14 : i1 to i32
    %sign3A_16 = arith.constant 0 : i32
    %sign3A_17 = arith.cmpi slt, %jit3A, %sign3A_16 : i32
    %sign3A_18 = arith.extui %sign3A_17 : i1 to i32
    %sign3A_19 = arith.subi %sign3A_15, %sign3A_18 : i32
    %ne3A = arith.cmpi ne, %sign3A_12, %sign3A_19 : i32
    %rem3A = arith.remsi %sub3A_6, %jit3A : i32
    %ne3A_20 = arith.constant 0 : i32
    %ne3A_21 = arith.cmpi ne, %rem3A, %ne3A_20 : i32
    %and3A = arith.andi %ne3A, %ne3A_21 : i1
    %sub3A_22 = arith.constant 1 : i32
    %sub3A_23 = arith.subi %div3A, %sub3A_22 : i32
    %select_n3A = arith.select %and3A, %sub3A_23, %div3A : i32
    %while3A = arith.constant 0 : i32
    %while3A_24 = arith.constant 0 : i32
    %while3A_25 = arith.subi %select_n3A, %while3A_24 : i32
    %while3A_26 = arith.addi %while3A_24, %while3A_25 : i32
    %while3A_27 = arith.constant 1 : i32
    %while3A_28 = arith.divsi %while3A_25, %while3A_27 : i32
    %while3A_29 = arith.muli %while3A_28, %while3A_27 : i32
    %while3A_30 = arith.addi %while3A_24, %while3A_29 : i32
    %while3A_31 = arith.constant 1 : i32
    scf.for %while3A_41 = %while3A_24 to %while3A_30 step %while3A_31  : i32 {
      %mul3A_42 = arith.constant 16 : i32
      %mul3A_43 = arith.muli %while3A_41, %mul3A_42 : i32
      %add3A_44 = arith.addi %arg1, %mul3A_43 : i32
      %mul3A_45 = arith.constant 5 : i32
      %mul3A_46 = arith.muli %add3A_44, %mul3A_45 : i32
      %add3A_47 = arith.addi %mul3A_2, %mul3A_46 : i32
      "tpu.region"() ({
        %run_scoped3A_52 = tpu.sem_alloc : memref<!tpu.dma_semaphore, #tpu.memory_space<semaphore_mem>>
        %dma_start3A = arith.constant 0 : i32
        %dma_start3A_53 = tpu.memref_slice %arg2[%add3A_47, %dma_start3A] : memref<6250x128xi32, #tpu.memory_space<hbm>> -> memref<5x128xi32, #tpu.memory_space<hbm>>
        %dma_start3A_54 = arith.constant 0 : i32
        %dma_start3A_55 = tpu.memref_slice %arg2[%add3A_47, %dma_start3A_54] : memref<6250x128xi32, #tpu.memory_space<hbm>> -> memref<5x128xi32, #tpu.memory_space<hbm>>
        tpu.enqueue_dma source(%dma_start3A_55 : memref<5x128xi32, #tpu.memory_space<hbm>>) target(%arg7 : memref<5x128xi32, #tpu.memory_space<vmem>>) target_semaphore(%run_scoped3A_52 : memref<!tpu.dma_semaphore, #tpu.memory_space<semaphore_mem>>)
        %dma_wait3A = arith.constant 0 : i32
        %dma_wait3A_56 = tpu.memref_slice %arg2[%add3A_47, %dma_wait3A] : memref<6250x128xi32, #tpu.memory_space<hbm>> -> memref<5x128xi32, #tpu.memory_space<hbm>>
        %dma_wait3A_57 = arith.constant 0 : i32
        %dma_wait3A_58 = tpu.memref_slice %arg2[%add3A_47, %dma_wait3A_57] : memref<6250x128xi32, #tpu.memory_space<hbm>> -> memref<5x128xi32, #tpu.memory_space<hbm>>
        tpu.wait_dma2 semaphore(%run_scoped3A_52 : memref<!tpu.dma_semaphore, #tpu.memory_space<semaphore_mem>>) src(%dma_wait3A_58 : memref<5x128xi32, #tpu.memory_space<hbm>>) dst(%arg7 : memref<5x128xi32, #tpu.memory_space<vmem>>)
        tpu.yield
      }) : () -> ()
      %run_scoped3A = arith.constant 0 : i32
      "tpu.region"() ({
        %run_scoped3A_52 = tpu.sem_alloc : memref<!tpu.dma_semaphore, #tpu.memory_space<semaphore_mem>>
        %dma_start3A = arith.constant 0 : i32
        %dma_start3A_53 = tpu.memref_slice %arg7[%run_scoped3A, %dma_start3A] : memref<5x128xi32, #tpu.memory_space<vmem>> -> memref<1x128xi32, #tpu.memory_space<vmem>>
        %dma_start3A_54 = tpu.memref_squeeze %dma_start3A_53 : memref<1x128xi32, #tpu.memory_space<vmem>> -> memref<128xi32, #tpu.memory_space<vmem>>
        %dma_start3A_55 = arith.constant 0 : i32
        %dma_start3A_56 = arith.constant 0 : i32
        %dma_start3A_57 = tpu.memref_slice %arg6[%dma_start3A_55, %dma_start3A_56] : memref<50000x8xf32, #tpu.memory_space<vmem_shared>> -> memref<50000x8xf32, #tpu.memory_space<vmem_shared>>
        tpu.enqueue_indirect_dma source(%arg8 : memref<128x8xf32, #tpu.memory_space<vmem>>) target(%dma_start3A_57 : memref<50000x8xf32, #tpu.memory_space<vmem_shared>>) offsets(%dma_start3A_54 : memref<128xi32, #tpu.memory_space<vmem>>) semaphore(%run_scoped3A_52 : memref<!tpu.dma_semaphore, #tpu.memory_space<semaphore_mem>>) {add = true}
        %dma_wait3A = arith.constant 0 : i32
        %dma_wait3A_58 = tpu.memref_slice %arg7[%run_scoped3A, %dma_wait3A] : memref<5x128xi32, #tpu.memory_space<vmem>> -> memref<1x128xi32, #tpu.memory_space<vmem>>
        %dma_wait3A_59 = tpu.memref_squeeze %dma_wait3A_58 : memref<1x128xi32, #tpu.memory_space<vmem>> -> memref<128xi32, #tpu.memory_space<vmem>>
        %dma_wait3A_60 = arith.constant 0 : i32
        %dma_wait3A_61 = arith.constant 0 : i32
        %dma_wait3A_62 = tpu.memref_slice %arg6[%dma_wait3A_60, %dma_wait3A_61] : memref<50000x8xf32, #tpu.memory_space<vmem_shared>> -> memref<50000x8xf32, #tpu.memory_space<vmem_shared>>
        tpu.wait_indirect_dma semaphore(%run_scoped3A_52 : memref<!tpu.dma_semaphore, #tpu.memory_space<semaphore_mem>>) src(%arg8 : memref<128x8xf32, #tpu.memory_space<vmem>>) dst(%dma_wait3A_62 : memref<50000x8xf32, #tpu.memory_space<vmem_shared>>)
        tpu.yield
      }) : () -> ()
      %run_scoped3A_48 = arith.constant 1 : i32
      "tpu.region"() ({
        %run_scoped3A_52 = tpu.sem_alloc : memref<!tpu.dma_semaphore, #tpu.memory_space<semaphore_mem>>
        %dma_start3A = arith.constant 0 : i32
        %dma_start3A_53 = tpu.memref_slice %arg7[%run_scoped3A_48, %dma_start3A] : memref<5x128xi32, #tpu.memory_space<vmem>> -> memref<1x128xi32, #tpu.memory_space<vmem>>
        %dma_start3A_54 = tpu.memref_squeeze %dma_start3A_53 : memref<1x128xi32, #tpu.memory_space<vmem>> -> memref<128xi32, #tpu.memory_space<vmem>>
        %dma_start3A_55 = arith.constant 0 : i32
        %dma_start3A_56 = arith.constant 0 : i32
        %dma_start3A_57 = tpu.memref_slice %arg6[%dma_start3A_55, %dma_start3A_56] : memref<50000x8xf32, #tpu.memory_space<vmem_shared>> -> memref<50000x8xf32, #tpu.memory_space<vmem_shared>>
        tpu.enqueue_indirect_dma source(%arg8 : memref<128x8xf32, #tpu.memory_space<vmem>>) target(%dma_start3A_57 : memref<50000x8xf32, #tpu.memory_space<vmem_shared>>) offsets(%dma_start3A_54 : memref<128xi32, #tpu.memory_space<vmem>>) semaphore(%run_scoped3A_52 : memref<!tpu.dma_semaphore, #tpu.memory_space<semaphore_mem>>) {add = true}
        %dma_wait3A = arith.constant 0 : i32
        %dma_wait3A_58 = tpu.memref_slice %arg7[%run_scoped3A_48, %dma_wait3A] : memref<5x128xi32, #tpu.memory_space<vmem>> -> memref<1x128xi32, #tpu.memory_space<vmem>>
        %dma_wait3A_59 = tpu.memref_squeeze %dma_wait3A_58 : memref<1x128xi32, #tpu.memory_space<vmem>> -> memref<128xi32, #tpu.memory_space<vmem>>
        %dma_wait3A_60 = arith.constant 0 : i32
        %dma_wait3A_61 = arith.constant 0 : i32
        %dma_wait3A_62 = tpu.memref_slice %arg6[%dma_wait3A_60, %dma_wait3A_61] : memref<50000x8xf32, #tpu.memory_space<vmem_shared>> -> memref<50000x8xf32, #tpu.memory_space<vmem_shared>>
        tpu.wait_indirect_dma semaphore(%run_scoped3A_52 : memref<!tpu.dma_semaphore, #tpu.memory_space<semaphore_mem>>) src(%arg8 : memref<128x8xf32, #tpu.memory_space<vmem>>) dst(%dma_wait3A_62 : memref<50000x8xf32, #tpu.memory_space<vmem_shared>>)
        tpu.yield
      }) : () -> ()
      %run_scoped3A_49 = arith.constant 2 : i32
      "tpu.region"() ({
        %run_scoped3A_52 = tpu.sem_alloc : memref<!tpu.dma_semaphore, #tpu.memory_space<semaphore_mem>>
        %dma_start3A = arith.constant 0 : i32
        %dma_start3A_53 = tpu.memref_slice %arg7[%run_scoped3A_49, %dma_start3A] : memref<5x128xi32, #tpu.memory_space<vmem>> -> memref<1x128xi32, #tpu.memory_space<vmem>>
        %dma_start3A_54 = tpu.memref_squeeze %dma_start3A_53 : memref<1x128xi32, #tpu.memory_space<vmem>> -> memref<128xi32, #tpu.memory_space<vmem>>
        %dma_start3A_55 = arith.constant 0 : i32
        %dma_start3A_56 = arith.constant 0 : i32
        %dma_start3A_57 = tpu.memref_slice %arg6[%dma_start3A_55, %dma_start3A_56] : memref<50000x8xf32, #tpu.memory_space<vmem_shared>> -> memref<50000x8xf32, #tpu.memory_space<vmem_shared>>
        tpu.enqueue_indirect_dma source(%arg8 : memref<128x8xf32, #tpu.memory_space<vmem>>) target(%dma_start3A_57 : memref<50000x8xf32, #tpu.memory_space<vmem_shared>>) offsets(%dma_start3A_54 : memref<128xi32, #tpu.memory_space<vmem>>) semaphore(%run_scoped3A_52 : memref<!tpu.dma_semaphore, #tpu.memory_space<semaphore_mem>>) {add = true}
        %dma_wait3A = arith.constant 0 : i32
        %dma_wait3A_58 = tpu.memref_slice %arg7[%run_scoped3A_49, %dma_wait3A] : memref<5x128xi32, #tpu.memory_space<vmem>> -> memref<1x128xi32, #tpu.memory_space<vmem>>
        %dma_wait3A_59 = tpu.memref_squeeze %dma_wait3A_58 : memref<1x128xi32, #tpu.memory_space<vmem>> -> memref<128xi32, #tpu.memory_space<vmem>>
        %dma_wait3A_60 = arith.constant 0 : i32
        %dma_wait3A_61 = arith.constant 0 : i32
        %dma_wait3A_62 = tpu.memref_slice %arg6[%dma_wait3A_60, %dma_wait3A_61] : memref<50000x8xf32, #tpu.memory_space<vmem_shared>> -> memref<50000x8xf32, #tpu.memory_space<vmem_shared>>
        tpu.wait_indirect_dma semaphore(%run_scoped3A_52 : memref<!tpu.dma_semaphore, #tpu.memory_space<semaphore_mem>>) src(%arg8 : memref<128x8xf32, #tpu.memory_space<vmem>>) dst(%dma_wait3A_62 : memref<50000x8xf32, #tpu.memory_space<vmem_shared>>)
        tpu.yield
      }) : () -> ()
      %run_scoped3A_50 = arith.constant 3 : i32
      "tpu.region"() ({
        %run_scoped3A_52 = tpu.sem_alloc : memref<!tpu.dma_semaphore, #tpu.memory_space<semaphore_mem>>
        %dma_start3A = arith.constant 0 : i32
        %dma_start3A_53 = tpu.memref_slice %arg7[%run_scoped3A_50, %dma_start3A] : memref<5x128xi32, #tpu.memory_space<vmem>> -> memref<1x128xi32, #tpu.memory_space<vmem>>
        %dma_start3A_54 = tpu.memref_squeeze %dma_start3A_53 : memref<1x128xi32, #tpu.memory_space<vmem>> -> memref<128xi32, #tpu.memory_space<vmem>>
        %dma_start3A_55 = arith.constant 0 : i32
        %dma_start3A_56 = arith.constant 0 : i32
        %dma_start3A_57 = tpu.memref_slice %arg6[%dma_start3A_55, %dma_start3A_56] : memref<50000x8xf32, #tpu.memory_space<vmem_shared>> -> memref<50000x8xf32, #tpu.memory_space<vmem_shared>>
        tpu.enqueue_indirect_dma source(%arg8 : memref<128x8xf32, #tpu.memory_space<vmem>>) target(%dma_start3A_57 : memref<50000x8xf32, #tpu.memory_space<vmem_shared>>) offsets(%dma_start3A_54 : memref<128xi32, #tpu.memory_space<vmem>>) semaphore(%run_scoped3A_52 : memref<!tpu.dma_semaphore, #tpu.memory_space<semaphore_mem>>) {add = true}
        %dma_wait3A = arith.constant 0 : i32
        %dma_wait3A_58 = tpu.memref_slice %arg7[%run_scoped3A_50, %dma_wait3A] : memref<5x128xi32, #tpu.memory_space<vmem>> -> memref<1x128xi32, #tpu.memory_space<vmem>>
        %dma_wait3A_59 = tpu.memref_squeeze %dma_wait3A_58 : memref<1x128xi32, #tpu.memory_space<vmem>> -> memref<128xi32, #tpu.memory_space<vmem>>
        %dma_wait3A_60 = arith.constant 0 : i32
        %dma_wait3A_61 = arith.constant 0 : i32
        %dma_wait3A_62 = tpu.memref_slice %arg6[%dma_wait3A_60, %dma_wait3A_61] : memref<50000x8xf32, #tpu.memory_space<vmem_shared>> -> memref<50000x8xf32, #tpu.memory_space<vmem_shared>>
        tpu.wait_indirect_dma semaphore(%run_scoped3A_52 : memref<!tpu.dma_semaphore, #tpu.memory_space<semaphore_mem>>) src(%arg8 : memref<128x8xf32, #tpu.memory_space<vmem>>) dst(%dma_wait3A_62 : memref<50000x8xf32, #tpu.memory_space<vmem_shared>>)
        tpu.yield
      }) : () -> ()
      %run_scoped3A_51 = arith.constant 4 : i32
      "tpu.region"() ({
        %run_scoped3A_52 = tpu.sem_alloc : memref<!tpu.dma_semaphore, #tpu.memory_space<semaphore_mem>>
        %dma_start3A = arith.constant 0 : i32
        %dma_start3A_53 = tpu.memref_slice %arg7[%run_scoped3A_51, %dma_start3A] : memref<5x128xi32, #tpu.memory_space<vmem>> -> memref<1x128xi32, #tpu.memory_space<vmem>>
        %dma_start3A_54 = tpu.memref_squeeze %dma_start3A_53 : memref<1x128xi32, #tpu.memory_space<vmem>> -> memref<128xi32, #tpu.memory_space<vmem>>
        %dma_start3A_55 = arith.constant 0 : i32
        %dma_start3A_56 = arith.constant 0 : i32
        %dma_start3A_57 = tpu.memref_slice %arg6[%dma_start3A_55, %dma_start3A_56] : memref<50000x8xf32, #tpu.memory_space<vmem_shared>> -> memref<50000x8xf32, #tpu.memory_space<vmem_shared>>
        tpu.enqueue_indirect_dma source(%arg8 : memref<128x8xf32, #tpu.memory_space<vmem>>) target(%dma_start3A_57 : memref<50000x8xf32, #tpu.memory_space<vmem_shared>>) offsets(%dma_start3A_54 : memref<128xi32, #tpu.memory_space<vmem>>) semaphore(%run_scoped3A_52 : memref<!tpu.dma_semaphore, #tpu.memory_space<semaphore_mem>>) {add = true}
        %dma_wait3A = arith.constant 0 : i32
        %dma_wait3A_58 = tpu.memref_slice %arg7[%run_scoped3A_51, %dma_wait3A] : memref<5x128xi32, #tpu.memory_space<vmem>> -> memref<1x128xi32, #tpu.memory_space<vmem>>
        %dma_wait3A_59 = tpu.memref_squeeze %dma_wait3A_58 : memref<1x128xi32, #tpu.memory_space<vmem>> -> memref<128xi32, #tpu.memory_space<vmem>>
        %dma_wait3A_60 = arith.constant 0 : i32
        %dma_wait3A_61 = arith.constant 0 : i32
        %dma_wait3A_62 = tpu.memref_slice %arg6[%dma_wait3A_60, %dma_wait3A_61] : memref<50000x8xf32, #tpu.memory_space<vmem_shared>> -> memref<50000x8xf32, #tpu.memory_space<vmem_shared>>
        tpu.wait_indirect_dma semaphore(%run_scoped3A_52 : memref<!tpu.dma_semaphore, #tpu.memory_space<semaphore_mem>>) src(%arg8 : memref<128x8xf32, #tpu.memory_space<vmem>>) dst(%dma_wait3A_62 : memref<50000x8xf32, #tpu.memory_space<vmem_shared>>)
        tpu.yield
      }) : () -> ()
    }
    %while3A_32 = arith.constant 1 : i32
    scf.for %while3A_41 = %while3A_30 to %while3A_26 step %while3A_32  : i32 {
      %mul3A_42 = arith.constant 16 : i32
      %mul3A_43 = arith.muli %while3A_41, %mul3A_42 : i32
      %add3A_44 = arith.addi %arg1, %mul3A_43 : i32
      %mul3A_45 = arith.constant 5 : i32
      %mul3A_46 = arith.muli %add3A_44, %mul3A_45 : i32
      %add3A_47 = arith.addi %mul3A_2, %mul3A_46 : i32
      "tpu.region"() ({
        %run_scoped3A_52 = tpu.sem_alloc : memref<!tpu.dma_semaphore, #tpu.memory_space<semaphore_mem>>
        %dma_start3A = arith.constant 0 : i32
        %dma_start3A_53 = tpu.memref_slice %arg2[%add3A_47, %dma_start3A] : memref<6250x128xi32, #tpu.memory_space<hbm>> -> memref<5x128xi32, #tpu.memory_space<hbm>>
        %dma_start3A_54 = arith.constant 0 : i32
        %dma_start3A_55 = tpu.memref_slice %arg2[%add3A_47, %dma_start3A_54] : memref<6250x128xi32, #tpu.memory_space<hbm>> -> memref<5x128xi32, #tpu.memory_space<hbm>>
        tpu.enqueue_dma source(%dma_start3A_55 : memref<5x128xi32, #tpu.memory_space<hbm>>) target(%arg7 : memref<5x128xi32, #tpu.memory_space<vmem>>) target_semaphore(%run_scoped3A_52 : memref<!tpu.dma_semaphore, #tpu.memory_space<semaphore_mem>>)
        %dma_wait3A = arith.constant 0 : i32
        %dma_wait3A_56 = tpu.memref_slice %arg2[%add3A_47, %dma_wait3A] : memref<6250x128xi32, #tpu.memory_space<hbm>> -> memref<5x128xi32, #tpu.memory_space<hbm>>
        %dma_wait3A_57 = arith.constant 0 : i32
        %dma_wait3A_58 = tpu.memref_slice %arg2[%add3A_47, %dma_wait3A_57] : memref<6250x128xi32, #tpu.memory_space<hbm>> -> memref<5x128xi32, #tpu.memory_space<hbm>>
        tpu.wait_dma2 semaphore(%run_scoped3A_52 : memref<!tpu.dma_semaphore, #tpu.memory_space<semaphore_mem>>) src(%dma_wait3A_58 : memref<5x128xi32, #tpu.memory_space<hbm>>) dst(%arg7 : memref<5x128xi32, #tpu.memory_space<vmem>>)
        tpu.yield
      }) : () -> ()
      %run_scoped3A = arith.constant 0 : i32
      "tpu.region"() ({
        %run_scoped3A_52 = tpu.sem_alloc : memref<!tpu.dma_semaphore, #tpu.memory_space<semaphore_mem>>
        %dma_start3A = arith.constant 0 : i32
        %dma_start3A_53 = tpu.memref_slice %arg7[%run_scoped3A, %dma_start3A] : memref<5x128xi32, #tpu.memory_space<vmem>> -> memref<1x128xi32, #tpu.memory_space<vmem>>
        %dma_start3A_54 = tpu.memref_squeeze %dma_start3A_53 : memref<1x128xi32, #tpu.memory_space<vmem>> -> memref<128xi32, #tpu.memory_space<vmem>>
        %dma_start3A_55 = arith.constant 0 : i32
        %dma_start3A_56 = arith.constant 0 : i32
        %dma_start3A_57 = tpu.memref_slice %arg6[%dma_start3A_55, %dma_start3A_56] : memref<50000x8xf32, #tpu.memory_space<vmem_shared>> -> memref<50000x8xf32, #tpu.memory_space<vmem_shared>>
        tpu.enqueue_indirect_dma source(%arg8 : memref<128x8xf32, #tpu.memory_space<vmem>>) target(%dma_start3A_57 : memref<50000x8xf32, #tpu.memory_space<vmem_shared>>) offsets(%dma_start3A_54 : memref<128xi32, #tpu.memory_space<vmem>>) semaphore(%run_scoped3A_52 : memref<!tpu.dma_semaphore, #tpu.memory_space<semaphore_mem>>) {add = true}
        %dma_wait3A = arith.constant 0 : i32
        %dma_wait3A_58 = tpu.memref_slice %arg7[%run_scoped3A, %dma_wait3A] : memref<5x128xi32, #tpu.memory_space<vmem>> -> memref<1x128xi32, #tpu.memory_space<vmem>>
        %dma_wait3A_59 = tpu.memref_squeeze %dma_wait3A_58 : memref<1x128xi32, #tpu.memory_space<vmem>> -> memref<128xi32, #tpu.memory_space<vmem>>
        %dma_wait3A_60 = arith.constant 0 : i32
        %dma_wait3A_61 = arith.constant 0 : i32
        %dma_wait3A_62 = tpu.memref_slice %arg6[%dma_wait3A_60, %dma_wait3A_61] : memref<50000x8xf32, #tpu.memory_space<vmem_shared>> -> memref<50000x8xf32, #tpu.memory_space<vmem_shared>>
        tpu.wait_indirect_dma semaphore(%run_scoped3A_52 : memref<!tpu.dma_semaphore, #tpu.memory_space<semaphore_mem>>) src(%arg8 : memref<128x8xf32, #tpu.memory_space<vmem>>) dst(%dma_wait3A_62 : memref<50000x8xf32, #tpu.memory_space<vmem_shared>>)
        tpu.yield
      }) : () -> ()
      %run_scoped3A_48 = arith.constant 1 : i32
      "tpu.region"() ({
        %run_scoped3A_52 = tpu.sem_alloc : memref<!tpu.dma_semaphore, #tpu.memory_space<semaphore_mem>>
        %dma_start3A = arith.constant 0 : i32
        %dma_start3A_53 = tpu.memref_slice %arg7[%run_scoped3A_48, %dma_start3A] : memref<5x128xi32, #tpu.memory_space<vmem>> -> memref<1x128xi32, #tpu.memory_space<vmem>>
        %dma_start3A_54 = tpu.memref_squeeze %dma_start3A_53 : memref<1x128xi32, #tpu.memory_space<vmem>> -> memref<128xi32, #tpu.memory_space<vmem>>
        %dma_start3A_55 = arith.constant 0 : i32
        %dma_start3A_56 = arith.constant 0 : i32
        %dma_start3A_57 = tpu.memref_slice %arg6[%dma_start3A_55, %dma_start3A_56] : memref<50000x8xf32, #tpu.memory_space<vmem_shared>> -> memref<50000x8xf32, #tpu.memory_space<vmem_shared>>
        tpu.enqueue_indirect_dma source(%arg8 : memref<128x8xf32, #tpu.memory_space<vmem>>) target(%dma_start3A_57 : memref<50000x8xf32, #tpu.memory_space<vmem_shared>>) offsets(%dma_start3A_54 : memref<128xi32, #tpu.memory_space<vmem>>) semaphore(%run_scoped3A_52 : memref<!tpu.dma_semaphore, #tpu.memory_space<semaphore_mem>>) {add = true}
        %dma_wait3A = arith.constant 0 : i32
        %dma_wait3A_58 = tpu.memref_slice %arg7[%run_scoped3A_48, %dma_wait3A] : memref<5x128xi32, #tpu.memory_space<vmem>> -> memref<1x128xi32, #tpu.memory_space<vmem>>
        %dma_wait3A_59 = tpu.memref_squeeze %dma_wait3A_58 : memref<1x128xi32, #tpu.memory_space<vmem>> -> memref<128xi32, #tpu.memory_space<vmem>>
        %dma_wait3A_60 = arith.constant 0 : i32
        %dma_wait3A_61 = arith.constant 0 : i32
        %dma_wait3A_62 = tpu.memref_slice %arg6[%dma_wait3A_60, %dma_wait3A_61] : memref<50000x8xf32, #tpu.memory_space<vmem_shared>> -> memref<50000x8xf32, #tpu.memory_space<vmem_shared>>
        tpu.wait_indirect_dma semaphore(%run_scoped3A_52 : memref<!tpu.dma_semaphore, #tpu.memory_space<semaphore_mem>>) src(%arg8 : memref<128x8xf32, #tpu.memory_space<vmem>>) dst(%dma_wait3A_62 : memref<50000x8xf32, #tpu.memory_space<vmem_shared>>)
        tpu.yield
      }) : () -> ()
      %run_scoped3A_49 = arith.constant 2 : i32
      "tpu.region"() ({
        %run_scoped3A_52 = tpu.sem_alloc : memref<!tpu.dma_semaphore, #tpu.memory_space<semaphore_mem>>
        %dma_start3A = arith.constant 0 : i32
        %dma_start3A_53 = tpu.memref_slice %arg7[%run_scoped3A_49, %dma_start3A] : memref<5x128xi32, #tpu.memory_space<vmem>> -> memref<1x128xi32, #tpu.memory_space<vmem>>
        %dma_start3A_54 = tpu.memref_squeeze %dma_start3A_53 : memref<1x128xi32, #tpu.memory_space<vmem>> -> memref<128xi32, #tpu.memory_space<vmem>>
        %dma_start3A_55 = arith.constant 0 : i32
        %dma_start3A_56 = arith.constant 0 : i32
        %dma_start3A_57 = tpu.memref_slice %arg6[%dma_start3A_55, %dma_start3A_56] : memref<50000x8xf32, #tpu.memory_space<vmem_shared>> -> memref<50000x8xf32, #tpu.memory_space<vmem_shared>>
        tpu.enqueue_indirect_dma source(%arg8 : memref<128x8xf32, #tpu.memory_space<vmem>>) target(%dma_start3A_57 : memref<50000x8xf32, #tpu.memory_space<vmem_shared>>) offsets(%dma_start3A_54 : memref<128xi32, #tpu.memory_space<vmem>>) semaphore(%run_scoped3A_52 : memref<!tpu.dma_semaphore, #tpu.memory_space<semaphore_mem>>) {add = true}
        %dma_wait3A = arith.constant 0 : i32
        %dma_wait3A_58 = tpu.memref_slice %arg7[%run_scoped3A_49, %dma_wait3A] : memref<5x128xi32, #tpu.memory_space<vmem>> -> memref<1x128xi32, #tpu.memory_space<vmem>>
        %dma_wait3A_59 = tpu.memref_squeeze %dma_wait3A_58 : memref<1x128xi32, #tpu.memory_space<vmem>> -> memref<128xi32, #tpu.memory_space<vmem>>
        %dma_wait3A_60 = arith.constant 0 : i32
        %dma_wait3A_61 = arith.constant 0 : i32
        %dma_wait3A_62 = tpu.memref_slice %arg6[%dma_wait3A_60, %dma_wait3A_61] : memref<50000x8xf32, #tpu.memory_space<vmem_shared>> -> memref<50000x8xf32, #tpu.memory_space<vmem_shared>>
        tpu.wait_indirect_dma semaphore(%run_scoped3A_52 : memref<!tpu.dma_semaphore, #tpu.memory_space<semaphore_mem>>) src(%arg8 : memref<128x8xf32, #tpu.memory_space<vmem>>) dst(%dma_wait3A_62 : memref<50000x8xf32, #tpu.memory_space<vmem_shared>>)
        tpu.yield
      }) : () -> ()
      %run_scoped3A_50 = arith.constant 3 : i32
      "tpu.region"() ({
        %run_scoped3A_52 = tpu.sem_alloc : memref<!tpu.dma_semaphore, #tpu.memory_space<semaphore_mem>>
        %dma_start3A = arith.constant 0 : i32
        %dma_start3A_53 = tpu.memref_slice %arg7[%run_scoped3A_50, %dma_start3A] : memref<5x128xi32, #tpu.memory_space<vmem>> -> memref<1x128xi32, #tpu.memory_space<vmem>>
        %dma_start3A_54 = tpu.memref_squeeze %dma_start3A_53 : memref<1x128xi32, #tpu.memory_space<vmem>> -> memref<128xi32, #tpu.memory_space<vmem>>
        %dma_start3A_55 = arith.constant 0 : i32
        %dma_start3A_56 = arith.constant 0 : i32
        %dma_start3A_57 = tpu.memref_slice %arg6[%dma_start3A_55, %dma_start3A_56] : memref<50000x8xf32, #tpu.memory_space<vmem_shared>> -> memref<50000x8xf32, #tpu.memory_space<vmem_shared>>
        tpu.enqueue_indirect_dma source(%arg8 : memref<128x8xf32, #tpu.memory_space<vmem>>) target(%dma_start3A_57 : memref<50000x8xf32, #tpu.memory_space<vmem_shared>>) offsets(%dma_start3A_54 : memref<128xi32, #tpu.memory_space<vmem>>) semaphore(%run_scoped3A_52 : memref<!tpu.dma_semaphore, #tpu.memory_space<semaphore_mem>>) {add = true}
        %dma_wait3A = arith.constant 0 : i32
        %dma_wait3A_58 = tpu.memref_slice %arg7[%run_scoped3A_50, %dma_wait3A] : memref<5x128xi32, #tpu.memory_space<vmem>> -> memref<1x128xi32, #tpu.memory_space<vmem>>
        %dma_wait3A_59 = tpu.memref_squeeze %dma_wait3A_58 : memref<1x128xi32, #tpu.memory_space<vmem>> -> memref<128xi32, #tpu.memory_space<vmem>>
        %dma_wait3A_60 = arith.constant 0 : i32
        %dma_wait3A_61 = arith.constant 0 : i32
        %dma_wait3A_62 = tpu.memref_slice %arg6[%dma_wait3A_60, %dma_wait3A_61] : memref<50000x8xf32, #tpu.memory_space<vmem_shared>> -> memref<50000x8xf32, #tpu.memory_space<vmem_shared>>
        tpu.wait_indirect_dma semaphore(%run_scoped3A_52 : memref<!tpu.dma_semaphore, #tpu.memory_space<semaphore_mem>>) src(%arg8 : memref<128x8xf32, #tpu.memory_space<vmem>>) dst(%dma_wait3A_62 : memref<50000x8xf32, #tpu.memory_space<vmem_shared>>)
        tpu.yield
      }) : () -> ()
      %run_scoped3A_51 = arith.constant 4 : i32
      "tpu.region"() ({
        %run_scoped3A_52 = tpu.sem_alloc : memref<!tpu.dma_semaphore, #tpu.memory_space<semaphore_mem>>
        %dma_start3A = arith.constant 0 : i32
        %dma_start3A_53 = tpu.memref_slice %arg7[%run_scoped3A_51, %dma_start3A] : memref<5x128xi32, #tpu.memory_space<vmem>> -> memref<1x128xi32, #tpu.memory_space<vmem>>
        %dma_start3A_54 = tpu.memref_squeeze %dma_start3A_53 : memref<1x128xi32, #tpu.memory_space<vmem>> -> memref<128xi32, #tpu.memory_space<vmem>>
        %dma_start3A_55 = arith.constant 0 : i32
        %dma_start3A_56 = arith.constant 0 : i32
        %dma_start3A_57 = tpu.memref_slice %arg6[%dma_start3A_55, %dma_start3A_56] : memref<50000x8xf32, #tpu.memory_space<vmem_shared>> -> memref<50000x8xf32, #tpu.memory_space<vmem_shared>>
        tpu.enqueue_indirect_dma source(%arg8 : memref<128x8xf32, #tpu.memory_space<vmem>>) target(%dma_start3A_57 : memref<50000x8xf32, #tpu.memory_space<vmem_shared>>) offsets(%dma_start3A_54 : memref<128xi32, #tpu.memory_space<vmem>>) semaphore(%run_scoped3A_52 : memref<!tpu.dma_semaphore, #tpu.memory_space<semaphore_mem>>) {add = true}
        %dma_wait3A = arith.constant 0 : i32
        %dma_wait3A_58 = tpu.memref_slice %arg7[%run_scoped3A_51, %dma_wait3A] : memref<5x128xi32, #tpu.memory_space<vmem>> -> memref<1x128xi32, #tpu.memory_space<vmem>>
        %dma_wait3A_59 = tpu.memref_squeeze %dma_wait3A_58 : memref<1x128xi32, #tpu.memory_space<vmem>> -> memref<128xi32, #tpu.memory_space<vmem>>
        %dma_wait3A_60 = arith.constant 0 : i32
        %dma_wait3A_61 = arith.constant 0 : i32
        %dma_wait3A_62 = tpu.memref_slice %arg6[%dma_wait3A_60, %dma_wait3A_61] : memref<50000x8xf32, #tpu.memory_space<vmem_shared>> -> memref<50000x8xf32, #tpu.memory_space<vmem_shared>>
        tpu.wait_indirect_dma semaphore(%run_scoped3A_52 : memref<!tpu.dma_semaphore, #tpu.memory_space<semaphore_mem>>) src(%arg8 : memref<128x8xf32, #tpu.memory_space<vmem>>) dst(%dma_wait3A_62 : memref<50000x8xf32, #tpu.memory_space<vmem_shared>>)
        tpu.yield
      }) : () -> ()
    }
    %barrier3A_33 = arith.constant 0 : index
    tpu.barrier barrier_id(%barrier3A_33)
    %mul3A_34 = arith.constant 3125 : i32
    %mul3A_35 = arith.muli %arg1, %mul3A_34 : i32
    %mul3A_36 = arith.constant 50000 : i32
    %mul3A_37 = arith.muli %arg0, %mul3A_36 : i32
    %mul3A_38 = arith.constant 3125 : i32
    %mul3A_39 = arith.muli %arg1, %mul3A_38 : i32
    %add3A_40 = arith.addi %mul3A_37, %mul3A_39 : i32
    "tpu.region"() ({
      %run_scoped3A = tpu.sem_alloc : memref<!tpu.dma_semaphore, #tpu.memory_space<semaphore_mem>>
      %dma_start3A = arith.constant 0 : i32
      %dma_start3A_41 = tpu.memref_slice %arg5[%add3A_40, %dma_start3A] : memref<100000x8xf32, #tpu.memory_space<hbm>> -> memref<3125x8xf32, #tpu.memory_space<hbm>>
      %dma_start3A_42 = arith.constant 0 : i32
      %dma_start3A_43 = tpu.memref_slice %arg6[%mul3A_35, %dma_start3A_42] : memref<50000x8xf32, #tpu.memory_space<vmem_shared>> -> memref<3125x8xf32, #tpu.memory_space<vmem_shared>>
      tpu.enqueue_dma source(%dma_start3A_43 : memref<3125x8xf32, #tpu.memory_space<vmem_shared>>) target(%dma_start3A_41 : memref<3125x8xf32, #tpu.memory_space<hbm>>) target_semaphore(%run_scoped3A : memref<!tpu.dma_semaphore, #tpu.memory_space<semaphore_mem>>)
      %dma_wait3A = arith.constant 0 : i32
      %dma_wait3A_44 = tpu.memref_slice %arg5[%add3A_40, %dma_wait3A] : memref<100000x8xf32, #tpu.memory_space<hbm>> -> memref<3125x8xf32, #tpu.memory_space<hbm>>
      %dma_wait3A_45 = arith.constant 0 : i32
      %dma_wait3A_46 = tpu.memref_slice %arg6[%mul3A_35, %dma_wait3A_45] : memref<50000x8xf32, #tpu.memory_space<vmem_shared>> -> memref<3125x8xf32, #tpu.memory_space<vmem_shared>>
      tpu.wait_dma2 semaphore(%run_scoped3A : memref<!tpu.dma_semaphore, #tpu.memory_space<semaphore_mem>>) src(%dma_wait3A_46 : memref<3125x8xf32, #tpu.memory_space<vmem_shared>>) dst(%dma_wait3A_44 : memref<3125x8xf32, #tpu.memory_space<hbm>>)
      tpu.yield
    }) : () -> ()
    return
  }
}

module attributes {stable_mosaic.version = 14 : i64} {
  func.func @_lstm_body(%arg0: i32, %arg1: memref<2000x192xf32, #tpu.memory_space<vmem>>, %arg2: memref<80x256xf32, #tpu.memory_space<vmem>>, %arg3: memref<1x256xf32, #tpu.memory_space<vmem>>, %arg4: memref<128x256xf32, #tpu.memory_space<vmem>>, %arg5: memref<1x256xf32, #tpu.memory_space<vmem>>, %arg6: memref<64x64xf32, #tpu.memory_space<vmem>>, %arg7: memref<1x64xf32, #tpu.memory_space<vmem>>, %arg8: memref<64x64xf32, #tpu.memory_space<vmem>>, %arg9: memref<1x64xf32, #tpu.memory_space<vmem>>, %arg10: memref<64x64xf32, #tpu.memory_space<vmem>>, %arg11: memref<2000x64xf32, #tpu.memory_space<vmem>>, %arg12: memref<2x2000x32xf32, #tpu.memory_space<vmem>>) attributes {dimension_semantics = [#tpu.dimension_semantics<arbitrary>], iteration_bounds = array<i64: 25>, scalar_prefetch = 0 : i64, scratch_operands = 0 : i64, tpu.core_type = #tpu.core_type<tc>, window_params = [{transform_indices = @transform_0, window_bounds = array<i64: 2000, 192>}, {pipeline_mode = #tpu.pipeline_mode<synchronous>, transform_indices = @transform_1, window_bounds = array<i64: 80, 256>}, {pipeline_mode = #tpu.pipeline_mode<synchronous>, transform_indices = @transform_2, window_bounds = array<i64: 1, 256>}, {pipeline_mode = #tpu.pipeline_mode<synchronous>, transform_indices = @transform_3, window_bounds = array<i64: 128, 256>}, {pipeline_mode = #tpu.pipeline_mode<synchronous>, transform_indices = @transform_4, window_bounds = array<i64: 1, 256>}, {pipeline_mode = #tpu.pipeline_mode<synchronous>, transform_indices = @transform_5, window_bounds = array<i64: 64, 64>}, {pipeline_mode = #tpu.pipeline_mode<synchronous>, transform_indices = @transform_6, window_bounds = array<i64: 1, 64>}, {pipeline_mode = #tpu.pipeline_mode<synchronous>, transform_indices = @transform_7, window_bounds = array<i64: 64, 64>}, {pipeline_mode = #tpu.pipeline_mode<synchronous>, transform_indices = @transform_8, window_bounds = array<i64: 1, 64>}, {pipeline_mode = #tpu.pipeline_mode<synchronous>, transform_indices = @transform_9, window_bounds = array<i64: 64, 64>}, {transform_indices = @transform_10, window_bounds = array<i64: 2000, 64>}, {transform_indices = @transform_11, window_bounds = array<i64: 2, 2000, 32>}]} {
    %get3A = arith.constant 0 : index
    %get3A_0 = arith.constant 0 : index
    %get3A_1 = vector.load %arg1[%get3A, %get3A_0] : memref<2000x192xf32, #tpu.memory_space<vmem>>, vector<2000x192xf32>
    %broadcast_in_dim3A = arith.constant 0.000000e+00 : f32
    %broadcast_in_dim3A_2 = vector.broadcast %broadcast_in_dim3A : f32 to vector<2000x64xf32>
    %broadcast_in_dim3A_3 = arith.constant 0.000000e+00 : f32
    %broadcast_in_dim3A_4 = vector.broadcast %broadcast_in_dim3A_3 : f32 to vector<2000x64xf32>
    %broadcast_in_dim3A_5 = arith.constant 0.000000e+00 : f32
    %broadcast_in_dim3A_6 = vector.broadcast %broadcast_in_dim3A_5 : f32 to vector<2000x64xf32>
    %broadcast_in_dim3A_7 = arith.constant 0.000000e+00 : f32
    %broadcast_in_dim3A_8 = vector.broadcast %broadcast_in_dim3A_7 : f32 to vector<2000x64xf32>
    %get3A_9 = arith.constant 0 : index
    %get3A_10 = arith.constant 0 : index
    %get3A_11 = vector.load %arg2[%get3A_9, %get3A_10] : memref<80x256xf32, #tpu.memory_space<vmem>>, vector<80x256xf32>
    %get3A_12 = arith.constant 0 : index
    %get3A_13 = arith.constant 0 : index
    %get3A_14 = vector.load %arg3[%get3A_12, %get3A_13] : memref<1x256xf32, #tpu.memory_space<vmem>>, vector<1x256xf32>
    %get3A_15 = arith.constant 0 : index
    %get3A_16 = arith.constant 0 : index
    %get3A_17 = vector.load %arg4[%get3A_15, %get3A_16] : memref<128x256xf32, #tpu.memory_space<vmem>>, vector<128x256xf32>
    %get3A_18 = arith.constant 0 : index
    %get3A_19 = arith.constant 0 : index
    %get3A_20 = vector.load %arg5[%get3A_18, %get3A_19] : memref<1x256xf32, #tpu.memory_space<vmem>>, vector<1x256xf32>
    %slice3A = vector.extract_strided_slice %get3A_1 {offsets = [0, 0], sizes = [2000, 16], strides = [1, 1]} : vector<2000x192xf32> to vector<2000x16xf32>
    %concatenate3A = tpu.concatenate %slice3A, %broadcast_in_dim3A_2 in 1 : vector<2000x16xf32>, vector<2000x64xf32> -> vector<2000x80xf32>
    %dot_general3A = arith.constant dense<0.000000e+00> : vector<2000x256xf32>
    %dot_general3A_21 = tpu.matmul %concatenate3A, %get3A_11, %dot_general3A {dimension_numbers = #tpu.dot_dimension_numbers<[1], [0], [0], [1], [0, 0, 1, 1], [], []>, transpose_lhs_hint = false} : vector<2000x80xf32>, vector<80x256xf32>, vector<2000x256xf32> -> vector<2000x256xf32>
    %add3A = vector.broadcast %get3A_14 : vector<1x256xf32> to vector<2000x256xf32>
    %add3A_22 = arith.addf %dot_general3A_21, %add3A : vector<2000x256xf32>
    %slice3A_23 = vector.extract_strided_slice %add3A_22 {offsets = [0, 0], sizes = [2000, 64], strides = [1, 1]} : vector<2000x256xf32> to vector<2000x64xf32>
    %logistic3A = arith.negf %slice3A_23 : vector<2000x64xf32>
    %logistic3A_24 = math.exp %logistic3A : vector<2000x64xf32>
    %logistic3A_25 = arith.constant 1.000000e+00 : f32
    %logistic3A_26 = vector.broadcast %logistic3A_25 : f32 to vector<2000x64xf32>
    %logistic3A_27 = arith.addf %logistic3A_26, %logistic3A_24 : vector<2000x64xf32>
    %logistic3A_28 = arith.divf %logistic3A_26, %logistic3A_27 : vector<2000x64xf32>
    %slice3A_29 = vector.extract_strided_slice %add3A_22 {offsets = [0, 64], sizes = [2000, 64], strides = [1, 1]} : vector<2000x256xf32> to vector<2000x64xf32>
    %logistic3A_30 = arith.negf %slice3A_29 : vector<2000x64xf32>
    %logistic3A_31 = math.exp %logistic3A_30 : vector<2000x64xf32>
    %logistic3A_32 = arith.constant 1.000000e+00 : f32
    %logistic3A_33 = vector.broadcast %logistic3A_32 : f32 to vector<2000x64xf32>
    %logistic3A_34 = arith.addf %logistic3A_33, %logistic3A_31 : vector<2000x64xf32>
    %logistic3A_35 = arith.divf %logistic3A_33, %logistic3A_34 : vector<2000x64xf32>
    %slice3A_36 = vector.extract_strided_slice %add3A_22 {offsets = [0, 128], sizes = [2000, 64], strides = [1, 1]} : vector<2000x256xf32> to vector<2000x64xf32>
    %tanh3A = math.tanh %slice3A_36 : vector<2000x64xf32>
    %slice3A_37 = vector.extract_strided_slice %add3A_22 {offsets = [0, 192], sizes = [2000, 64], strides = [1, 1]} : vector<2000x256xf32> to vector<2000x64xf32>
    %logistic3A_38 = arith.negf %slice3A_37 : vector<2000x64xf32>
    %logistic3A_39 = math.exp %logistic3A_38 : vector<2000x64xf32>
    %logistic3A_40 = arith.constant 1.000000e+00 : f32
    %logistic3A_41 = vector.broadcast %logistic3A_40 : f32 to vector<2000x64xf32>
    %logistic3A_42 = arith.addf %logistic3A_41, %logistic3A_39 : vector<2000x64xf32>
    %logistic3A_43 = arith.divf %logistic3A_41, %logistic3A_42 : vector<2000x64xf32>
    %mul3A = arith.mulf %logistic3A_35, %broadcast_in_dim3A_4 : vector<2000x64xf32>
    %mul3A_44 = arith.mulf %logistic3A_28, %tanh3A : vector<2000x64xf32>
    %add3A_45 = arith.addf %mul3A, %mul3A_44 : vector<2000x64xf32>
    %tanh3A_46 = math.tanh %add3A_45 : vector<2000x64xf32>
    %mul3A_47 = arith.mulf %logistic3A_43, %tanh3A_46 : vector<2000x64xf32>
    %concatenate3A_48 = tpu.concatenate %mul3A_47, %broadcast_in_dim3A_6 in 1 : vector<2000x64xf32>, vector<2000x64xf32> -> vector<2000x128xf32>
    %dot_general3A_49 = arith.constant dense<0.000000e+00> : vector<2000x256xf32>
    %dot_general3A_50 = tpu.matmul %concatenate3A_48, %get3A_17, %dot_general3A_49 {dimension_numbers = #tpu.dot_dimension_numbers<[1], [0], [0], [1], [0, 0, 1, 1], [], []>, transpose_lhs_hint = false} : vector<2000x128xf32>, vector<128x256xf32>, vector<2000x256xf32> -> vector<2000x256xf32>
    %add3A_51 = vector.broadcast %get3A_20 : vector<1x256xf32> to vector<2000x256xf32>
    %add3A_52 = arith.addf %dot_general3A_50, %add3A_51 : vector<2000x256xf32>
    %slice3A_53 = vector.extract_strided_slice %add3A_52 {offsets = [0, 0], sizes = [2000, 64], strides = [1, 1]} : vector<2000x256xf32> to vector<2000x64xf32>
    %logistic3A_54 = arith.negf %slice3A_53 : vector<2000x64xf32>
    %logistic3A_55 = math.exp %logistic3A_54 : vector<2000x64xf32>
    %logistic3A_56 = arith.constant 1.000000e+00 : f32
    %logistic3A_57 = vector.broadcast %logistic3A_56 : f32 to vector<2000x64xf32>
    %logistic3A_58 = arith.addf %logistic3A_57, %logistic3A_55 : vector<2000x64xf32>
    %logistic3A_59 = arith.divf %logistic3A_57, %logistic3A_58 : vector<2000x64xf32>
    %slice3A_60 = vector.extract_strided_slice %add3A_52 {offsets = [0, 64], sizes = [2000, 64], strides = [1, 1]} : vector<2000x256xf32> to vector<2000x64xf32>
    %logistic3A_61 = arith.negf %slice3A_60 : vector<2000x64xf32>
    %logistic3A_62 = math.exp %logistic3A_61 : vector<2000x64xf32>
    %logistic3A_63 = arith.constant 1.000000e+00 : f32
    %logistic3A_64 = vector.broadcast %logistic3A_63 : f32 to vector<2000x64xf32>
    %logistic3A_65 = arith.addf %logistic3A_64, %logistic3A_62 : vector<2000x64xf32>
    %logistic3A_66 = arith.divf %logistic3A_64, %logistic3A_65 : vector<2000x64xf32>
    %slice3A_67 = vector.extract_strided_slice %add3A_52 {offsets = [0, 128], sizes = [2000, 64], strides = [1, 1]} : vector<2000x256xf32> to vector<2000x64xf32>
    %tanh3A_68 = math.tanh %slice3A_67 : vector<2000x64xf32>
    %slice3A_69 = vector.extract_strided_slice %add3A_52 {offsets = [0, 192], sizes = [2000, 64], strides = [1, 1]} : vector<2000x256xf32> to vector<2000x64xf32>
    %logistic3A_70 = arith.negf %slice3A_69 : vector<2000x64xf32>
    %logistic3A_71 = math.exp %logistic3A_70 : vector<2000x64xf32>
    %logistic3A_72 = arith.constant 1.000000e+00 : f32
    %logistic3A_73 = vector.broadcast %logistic3A_72 : f32 to vector<2000x64xf32>
    %logistic3A_74 = arith.addf %logistic3A_73, %logistic3A_71 : vector<2000x64xf32>
    %logistic3A_75 = arith.divf %logistic3A_73, %logistic3A_74 : vector<2000x64xf32>
    %mul3A_76 = arith.mulf %logistic3A_66, %broadcast_in_dim3A_8 : vector<2000x64xf32>
    %mul3A_77 = arith.mulf %logistic3A_59, %tanh3A_68 : vector<2000x64xf32>
    %add3A_78 = arith.addf %mul3A_76, %mul3A_77 : vector<2000x64xf32>
    %tanh3A_79 = math.tanh %add3A_78 : vector<2000x64xf32>
    %mul3A_80 = arith.mulf %logistic3A_75, %tanh3A_79 : vector<2000x64xf32>
    %slice3A_81 = vector.extract_strided_slice %get3A_1 {offsets = [0, 16], sizes = [2000, 16], strides = [1, 1]} : vector<2000x192xf32> to vector<2000x16xf32>
    %concatenate3A_82 = tpu.concatenate %slice3A_81, %mul3A_47 in 1 : vector<2000x16xf32>, vector<2000x64xf32> -> vector<2000x80xf32>
    %dot_general3A_83 = arith.constant dense<0.000000e+00> : vector<2000x256xf32>
    %dot_general3A_84 = tpu.matmul %concatenate3A_82, %get3A_11, %dot_general3A_83 {dimension_numbers = #tpu.dot_dimension_numbers<[1], [0], [0], [1], [0, 0, 1, 1], [], []>, transpose_lhs_hint = false} : vector<2000x80xf32>, vector<80x256xf32>, vector<2000x256xf32> -> vector<2000x256xf32>
    %add3A_85 = vector.broadcast %get3A_14 : vector<1x256xf32> to vector<2000x256xf32>
    %add3A_86 = arith.addf %dot_general3A_84, %add3A_85 : vector<2000x256xf32>
    %slice3A_87 = vector.extract_strided_slice %add3A_86 {offsets = [0, 0], sizes = [2000, 64], strides = [1, 1]} : vector<2000x256xf32> to vector<2000x64xf32>
    %logistic3A_88 = arith.negf %slice3A_87 : vector<2000x64xf32>
    %logistic3A_89 = math.exp %logistic3A_88 : vector<2000x64xf32>
    %logistic3A_90 = arith.constant 1.000000e+00 : f32
    %logistic3A_91 = vector.broadcast %logistic3A_90 : f32 to vector<2000x64xf32>
    %logistic3A_92 = arith.addf %logistic3A_91, %logistic3A_89 : vector<2000x64xf32>
    %logistic3A_93 = arith.divf %logistic3A_91, %logistic3A_92 : vector<2000x64xf32>
    %slice3A_94 = vector.extract_strided_slice %add3A_86 {offsets = [0, 64], sizes = [2000, 64], strides = [1, 1]} : vector<2000x256xf32> to vector<2000x64xf32>
    %logistic3A_95 = arith.negf %slice3A_94 : vector<2000x64xf32>
    %logistic3A_96 = math.exp %logistic3A_95 : vector<2000x64xf32>
    %logistic3A_97 = arith.constant 1.000000e+00 : f32
    %logistic3A_98 = vector.broadcast %logistic3A_97 : f32 to vector<2000x64xf32>
    %logistic3A_99 = arith.addf %logistic3A_98, %logistic3A_96 : vector<2000x64xf32>
    %logistic3A_100 = arith.divf %logistic3A_98, %logistic3A_99 : vector<2000x64xf32>
    %slice3A_101 = vector.extract_strided_slice %add3A_86 {offsets = [0, 128], sizes = [2000, 64], strides = [1, 1]} : vector<2000x256xf32> to vector<2000x64xf32>
    %tanh3A_102 = math.tanh %slice3A_101 : vector<2000x64xf32>
    %slice3A_103 = vector.extract_strided_slice %add3A_86 {offsets = [0, 192], sizes = [2000, 64], strides = [1, 1]} : vector<2000x256xf32> to vector<2000x64xf32>
    %logistic3A_104 = arith.negf %slice3A_103 : vector<2000x64xf32>
    %logistic3A_105 = math.exp %logistic3A_104 : vector<2000x64xf32>
    %logistic3A_106 = arith.constant 1.000000e+00 : f32
    %logistic3A_107 = vector.broadcast %logistic3A_106 : f32 to vector<2000x64xf32>
    %logistic3A_108 = arith.addf %logistic3A_107, %logistic3A_105 : vector<2000x64xf32>
    %logistic3A_109 = arith.divf %logistic3A_107, %logistic3A_108 : vector<2000x64xf32>
    %mul3A_110 = arith.mulf %logistic3A_100, %add3A_45 : vector<2000x64xf32>
    %mul3A_111 = arith.mulf %logistic3A_93, %tanh3A_102 : vector<2000x64xf32>
    %add3A_112 = arith.addf %mul3A_110, %mul3A_111 : vector<2000x64xf32>
    %tanh3A_113 = math.tanh %add3A_112 : vector<2000x64xf32>
    %mul3A_114 = arith.mulf %logistic3A_109, %tanh3A_113 : vector<2000x64xf32>
    %concatenate3A_115 = tpu.concatenate %mul3A_114, %mul3A_80 in 1 : vector<2000x64xf32>, vector<2000x64xf32> -> vector<2000x128xf32>
    %dot_general3A_116 = arith.constant dense<0.000000e+00> : vector<2000x256xf32>
    %dot_general3A_117 = tpu.matmul %concatenate3A_115, %get3A_17, %dot_general3A_116 {dimension_numbers = #tpu.dot_dimension_numbers<[1], [0], [0], [1], [0, 0, 1, 1], [], []>, transpose_lhs_hint = false} : vector<2000x128xf32>, vector<128x256xf32>, vector<2000x256xf32> -> vector<2000x256xf32>
    %add3A_118 = vector.broadcast %get3A_20 : vector<1x256xf32> to vector<2000x256xf32>
    %add3A_119 = arith.addf %dot_general3A_117, %add3A_118 : vector<2000x256xf32>
    %slice3A_120 = vector.extract_strided_slice %add3A_119 {offsets = [0, 0], sizes = [2000, 64], strides = [1, 1]} : vector<2000x256xf32> to vector<2000x64xf32>
    %logistic3A_121 = arith.negf %slice3A_120 : vector<2000x64xf32>
    %logistic3A_122 = math.exp %logistic3A_121 : vector<2000x64xf32>
    %logistic3A_123 = arith.constant 1.000000e+00 : f32
    %logistic3A_124 = vector.broadcast %logistic3A_123 : f32 to vector<2000x64xf32>
    %logistic3A_125 = arith.addf %logistic3A_124, %logistic3A_122 : vector<2000x64xf32>
    %logistic3A_126 = arith.divf %logistic3A_124, %logistic3A_125 : vector<2000x64xf32>
    %slice3A_127 = vector.extract_strided_slice %add3A_119 {offsets = [0, 64], sizes = [2000, 64], strides = [1, 1]} : vector<2000x256xf32> to vector<2000x64xf32>
    %logistic3A_128 = arith.negf %slice3A_127 : vector<2000x64xf32>
    %logistic3A_129 = math.exp %logistic3A_128 : vector<2000x64xf32>
    %logistic3A_130 = arith.constant 1.000000e+00 : f32
    %logistic3A_131 = vector.broadcast %logistic3A_130 : f32 to vector<2000x64xf32>
    %logistic3A_132 = arith.addf %logistic3A_131, %logistic3A_129 : vector<2000x64xf32>
    %logistic3A_133 = arith.divf %logistic3A_131, %logistic3A_132 : vector<2000x64xf32>
    %slice3A_134 = vector.extract_strided_slice %add3A_119 {offsets = [0, 128], sizes = [2000, 64], strides = [1, 1]} : vector<2000x256xf32> to vector<2000x64xf32>
    %tanh3A_135 = math.tanh %slice3A_134 : vector<2000x64xf32>
    %slice3A_136 = vector.extract_strided_slice %add3A_119 {offsets = [0, 192], sizes = [2000, 64], strides = [1, 1]} : vector<2000x256xf32> to vector<2000x64xf32>
    %logistic3A_137 = arith.negf %slice3A_136 : vector<2000x64xf32>
    %logistic3A_138 = math.exp %logistic3A_137 : vector<2000x64xf32>
    %logistic3A_139 = arith.constant 1.000000e+00 : f32
    %logistic3A_140 = vector.broadcast %logistic3A_139 : f32 to vector<2000x64xf32>
    %logistic3A_141 = arith.addf %logistic3A_140, %logistic3A_138 : vector<2000x64xf32>
    %logistic3A_142 = arith.divf %logistic3A_140, %logistic3A_141 : vector<2000x64xf32>
    %mul3A_143 = arith.mulf %logistic3A_133, %add3A_78 : vector<2000x64xf32>
    %mul3A_144 = arith.mulf %logistic3A_126, %tanh3A_135 : vector<2000x64xf32>
    %add3A_145 = arith.addf %mul3A_143, %mul3A_144 : vector<2000x64xf32>
    %tanh3A_146 = math.tanh %add3A_145 : vector<2000x64xf32>
    %mul3A_147 = arith.mulf %logistic3A_142, %tanh3A_146 : vector<2000x64xf32>
    %slice3A_148 = vector.extract_strided_slice %get3A_1 {offsets = [0, 32], sizes = [2000, 16], strides = [1, 1]} : vector<2000x192xf32> to vector<2000x16xf32>
    %concatenate3A_149 = tpu.concatenate %slice3A_148, %mul3A_114 in 1 : vector<2000x16xf32>, vector<2000x64xf32> -> vector<2000x80xf32>
    %dot_general3A_150 = arith.constant dense<0.000000e+00> : vector<2000x256xf32>
    %dot_general3A_151 = tpu.matmul %concatenate3A_149, %get3A_11, %dot_general3A_150 {dimension_numbers = #tpu.dot_dimension_numbers<[1], [0], [0], [1], [0, 0, 1, 1], [], []>, transpose_lhs_hint = false} : vector<2000x80xf32>, vector<80x256xf32>, vector<2000x256xf32> -> vector<2000x256xf32>
    %add3A_152 = vector.broadcast %get3A_14 : vector<1x256xf32> to vector<2000x256xf32>
    %add3A_153 = arith.addf %dot_general3A_151, %add3A_152 : vector<2000x256xf32>
    %slice3A_154 = vector.extract_strided_slice %add3A_153 {offsets = [0, 0], sizes = [2000, 64], strides = [1, 1]} : vector<2000x256xf32> to vector<2000x64xf32>
    %logistic3A_155 = arith.negf %slice3A_154 : vector<2000x64xf32>
    %logistic3A_156 = math.exp %logistic3A_155 : vector<2000x64xf32>
    %logistic3A_157 = arith.constant 1.000000e+00 : f32
    %logistic3A_158 = vector.broadcast %logistic3A_157 : f32 to vector<2000x64xf32>
    %logistic3A_159 = arith.addf %logistic3A_158, %logistic3A_156 : vector<2000x64xf32>
    %logistic3A_160 = arith.divf %logistic3A_158, %logistic3A_159 : vector<2000x64xf32>
    %slice3A_161 = vector.extract_strided_slice %add3A_153 {offsets = [0, 64], sizes = [2000, 64], strides = [1, 1]} : vector<2000x256xf32> to vector<2000x64xf32>
    %logistic3A_162 = arith.negf %slice3A_161 : vector<2000x64xf32>
    %logistic3A_163 = math.exp %logistic3A_162 : vector<2000x64xf32>
    %logistic3A_164 = arith.constant 1.000000e+00 : f32
    %logistic3A_165 = vector.broadcast %logistic3A_164 : f32 to vector<2000x64xf32>
    %logistic3A_166 = arith.addf %logistic3A_165, %logistic3A_163 : vector<2000x64xf32>
    %logistic3A_167 = arith.divf %logistic3A_165, %logistic3A_166 : vector<2000x64xf32>
    %slice3A_168 = vector.extract_strided_slice %add3A_153 {offsets = [0, 128], sizes = [2000, 64], strides = [1, 1]} : vector<2000x256xf32> to vector<2000x64xf32>
    %tanh3A_169 = math.tanh %slice3A_168 : vector<2000x64xf32>
    %slice3A_170 = vector.extract_strided_slice %add3A_153 {offsets = [0, 192], sizes = [2000, 64], strides = [1, 1]} : vector<2000x256xf32> to vector<2000x64xf32>
    %logistic3A_171 = arith.negf %slice3A_170 : vector<2000x64xf32>
    %logistic3A_172 = math.exp %logistic3A_171 : vector<2000x64xf32>
    %logistic3A_173 = arith.constant 1.000000e+00 : f32
    %logistic3A_174 = vector.broadcast %logistic3A_173 : f32 to vector<2000x64xf32>
    %logistic3A_175 = arith.addf %logistic3A_174, %logistic3A_172 : vector<2000x64xf32>
    %logistic3A_176 = arith.divf %logistic3A_174, %logistic3A_175 : vector<2000x64xf32>
    %mul3A_177 = arith.mulf %logistic3A_167, %add3A_112 : vector<2000x64xf32>
    %mul3A_178 = arith.mulf %logistic3A_160, %tanh3A_169 : vector<2000x64xf32>
    %add3A_179 = arith.addf %mul3A_177, %mul3A_178 : vector<2000x64xf32>
    %tanh3A_180 = math.tanh %add3A_179 : vector<2000x64xf32>
    %mul3A_181 = arith.mulf %logistic3A_176, %tanh3A_180 : vector<2000x64xf32>
    %concatenate3A_182 = tpu.concatenate %mul3A_181, %mul3A_147 in 1 : vector<2000x64xf32>, vector<2000x64xf32> -> vector<2000x128xf32>
    %dot_general3A_183 = arith.constant dense<0.000000e+00> : vector<2000x256xf32>
    %dot_general3A_184 = tpu.matmul %concatenate3A_182, %get3A_17, %dot_general3A_183 {dimension_numbers = #tpu.dot_dimension_numbers<[1], [0], [0], [1], [0, 0, 1, 1], [], []>, transpose_lhs_hint = false} : vector<2000x128xf32>, vector<128x256xf32>, vector<2000x256xf32> -> vector<2000x256xf32>
    %add3A_185 = vector.broadcast %get3A_20 : vector<1x256xf32> to vector<2000x256xf32>
    %add3A_186 = arith.addf %dot_general3A_184, %add3A_185 : vector<2000x256xf32>
    %slice3A_187 = vector.extract_strided_slice %add3A_186 {offsets = [0, 0], sizes = [2000, 64], strides = [1, 1]} : vector<2000x256xf32> to vector<2000x64xf32>
    %logistic3A_188 = arith.negf %slice3A_187 : vector<2000x64xf32>
    %logistic3A_189 = math.exp %logistic3A_188 : vector<2000x64xf32>
    %logistic3A_190 = arith.constant 1.000000e+00 : f32
    %logistic3A_191 = vector.broadcast %logistic3A_190 : f32 to vector<2000x64xf32>
    %logistic3A_192 = arith.addf %logistic3A_191, %logistic3A_189 : vector<2000x64xf32>
    %logistic3A_193 = arith.divf %logistic3A_191, %logistic3A_192 : vector<2000x64xf32>
    %slice3A_194 = vector.extract_strided_slice %add3A_186 {offsets = [0, 64], sizes = [2000, 64], strides = [1, 1]} : vector<2000x256xf32> to vector<2000x64xf32>
    %logistic3A_195 = arith.negf %slice3A_194 : vector<2000x64xf32>
    %logistic3A_196 = math.exp %logistic3A_195 : vector<2000x64xf32>
    %logistic3A_197 = arith.constant 1.000000e+00 : f32
    %logistic3A_198 = vector.broadcast %logistic3A_197 : f32 to vector<2000x64xf32>
    %logistic3A_199 = arith.addf %logistic3A_198, %logistic3A_196 : vector<2000x64xf32>
    %logistic3A_200 = arith.divf %logistic3A_198, %logistic3A_199 : vector<2000x64xf32>
    %slice3A_201 = vector.extract_strided_slice %add3A_186 {offsets = [0, 128], sizes = [2000, 64], strides = [1, 1]} : vector<2000x256xf32> to vector<2000x64xf32>
    %tanh3A_202 = math.tanh %slice3A_201 : vector<2000x64xf32>
    %slice3A_203 = vector.extract_strided_slice %add3A_186 {offsets = [0, 192], sizes = [2000, 64], strides = [1, 1]} : vector<2000x256xf32> to vector<2000x64xf32>
    %logistic3A_204 = arith.negf %slice3A_203 : vector<2000x64xf32>
    %logistic3A_205 = math.exp %logistic3A_204 : vector<2000x64xf32>
    %logistic3A_206 = arith.constant 1.000000e+00 : f32
    %logistic3A_207 = vector.broadcast %logistic3A_206 : f32 to vector<2000x64xf32>
    %logistic3A_208 = arith.addf %logistic3A_207, %logistic3A_205 : vector<2000x64xf32>
    %logistic3A_209 = arith.divf %logistic3A_207, %logistic3A_208 : vector<2000x64xf32>
    %mul3A_210 = arith.mulf %logistic3A_200, %add3A_145 : vector<2000x64xf32>
    %mul3A_211 = arith.mulf %logistic3A_193, %tanh3A_202 : vector<2000x64xf32>
    %add3A_212 = arith.addf %mul3A_210, %mul3A_211 : vector<2000x64xf32>
    %tanh3A_213 = math.tanh %add3A_212 : vector<2000x64xf32>
    %mul3A_214 = arith.mulf %logistic3A_209, %tanh3A_213 : vector<2000x64xf32>
    %slice3A_215 = vector.extract_strided_slice %get3A_1 {offsets = [0, 48], sizes = [2000, 16], strides = [1, 1]} : vector<2000x192xf32> to vector<2000x16xf32>
    %concatenate3A_216 = tpu.concatenate %slice3A_215, %mul3A_181 in 1 : vector<2000x16xf32>, vector<2000x64xf32> -> vector<2000x80xf32>
    %dot_general3A_217 = arith.constant dense<0.000000e+00> : vector<2000x256xf32>
    %dot_general3A_218 = tpu.matmul %concatenate3A_216, %get3A_11, %dot_general3A_217 {dimension_numbers = #tpu.dot_dimension_numbers<[1], [0], [0], [1], [0, 0, 1, 1], [], []>, transpose_lhs_hint = false} : vector<2000x80xf32>, vector<80x256xf32>, vector<2000x256xf32> -> vector<2000x256xf32>
    %add3A_219 = vector.broadcast %get3A_14 : vector<1x256xf32> to vector<2000x256xf32>
    %add3A_220 = arith.addf %dot_general3A_218, %add3A_219 : vector<2000x256xf32>
    %slice3A_221 = vector.extract_strided_slice %add3A_220 {offsets = [0, 0], sizes = [2000, 64], strides = [1, 1]} : vector<2000x256xf32> to vector<2000x64xf32>
    %logistic3A_222 = arith.negf %slice3A_221 : vector<2000x64xf32>
    %logistic3A_223 = math.exp %logistic3A_222 : vector<2000x64xf32>
    %logistic3A_224 = arith.constant 1.000000e+00 : f32
    %logistic3A_225 = vector.broadcast %logistic3A_224 : f32 to vector<2000x64xf32>
    %logistic3A_226 = arith.addf %logistic3A_225, %logistic3A_223 : vector<2000x64xf32>
    %logistic3A_227 = arith.divf %logistic3A_225, %logistic3A_226 : vector<2000x64xf32>
    %slice3A_228 = vector.extract_strided_slice %add3A_220 {offsets = [0, 64], sizes = [2000, 64], strides = [1, 1]} : vector<2000x256xf32> to vector<2000x64xf32>
    %logistic3A_229 = arith.negf %slice3A_228 : vector<2000x64xf32>
    %logistic3A_230 = math.exp %logistic3A_229 : vector<2000x64xf32>
    %logistic3A_231 = arith.constant 1.000000e+00 : f32
    %logistic3A_232 = vector.broadcast %logistic3A_231 : f32 to vector<2000x64xf32>
    %logistic3A_233 = arith.addf %logistic3A_232, %logistic3A_230 : vector<2000x64xf32>
    %logistic3A_234 = arith.divf %logistic3A_232, %logistic3A_233 : vector<2000x64xf32>
    %slice3A_235 = vector.extract_strided_slice %add3A_220 {offsets = [0, 128], sizes = [2000, 64], strides = [1, 1]} : vector<2000x256xf32> to vector<2000x64xf32>
    %tanh3A_236 = math.tanh %slice3A_235 : vector<2000x64xf32>
    %slice3A_237 = vector.extract_strided_slice %add3A_220 {offsets = [0, 192], sizes = [2000, 64], strides = [1, 1]} : vector<2000x256xf32> to vector<2000x64xf32>
    %logistic3A_238 = arith.negf %slice3A_237 : vector<2000x64xf32>
    %logistic3A_239 = math.exp %logistic3A_238 : vector<2000x64xf32>
    %logistic3A_240 = arith.constant 1.000000e+00 : f32
    %logistic3A_241 = vector.broadcast %logistic3A_240 : f32 to vector<2000x64xf32>
    %logistic3A_242 = arith.addf %logistic3A_241, %logistic3A_239 : vector<2000x64xf32>
    %logistic3A_243 = arith.divf %logistic3A_241, %logistic3A_242 : vector<2000x64xf32>
    %mul3A_244 = arith.mulf %logistic3A_234, %add3A_179 : vector<2000x64xf32>
    %mul3A_245 = arith.mulf %logistic3A_227, %tanh3A_236 : vector<2000x64xf32>
    %add3A_246 = arith.addf %mul3A_244, %mul3A_245 : vector<2000x64xf32>
    %tanh3A_247 = math.tanh %add3A_246 : vector<2000x64xf32>
    %mul3A_248 = arith.mulf %logistic3A_243, %tanh3A_247 : vector<2000x64xf32>
    %concatenate3A_249 = tpu.concatenate %mul3A_248, %mul3A_214 in 1 : vector<2000x64xf32>, vector<2000x64xf32> -> vector<2000x128xf32>
    %dot_general3A_250 = arith.constant dense<0.000000e+00> : vector<2000x256xf32>
    %dot_general3A_251 = tpu.matmul %concatenate3A_249, %get3A_17, %dot_general3A_250 {dimension_numbers = #tpu.dot_dimension_numbers<[1], [0], [0], [1], [0, 0, 1, 1], [], []>, transpose_lhs_hint = false} : vector<2000x128xf32>, vector<128x256xf32>, vector<2000x256xf32> -> vector<2000x256xf32>
    %add3A_252 = vector.broadcast %get3A_20 : vector<1x256xf32> to vector<2000x256xf32>
    %add3A_253 = arith.addf %dot_general3A_251, %add3A_252 : vector<2000x256xf32>
    %slice3A_254 = vector.extract_strided_slice %add3A_253 {offsets = [0, 0], sizes = [2000, 64], strides = [1, 1]} : vector<2000x256xf32> to vector<2000x64xf32>
    %logistic3A_255 = arith.negf %slice3A_254 : vector<2000x64xf32>
    %logistic3A_256 = math.exp %logistic3A_255 : vector<2000x64xf32>
    %logistic3A_257 = arith.constant 1.000000e+00 : f32
    %logistic3A_258 = vector.broadcast %logistic3A_257 : f32 to vector<2000x64xf32>
    %logistic3A_259 = arith.addf %logistic3A_258, %logistic3A_256 : vector<2000x64xf32>
    %logistic3A_260 = arith.divf %logistic3A_258, %logistic3A_259 : vector<2000x64xf32>
    %slice3A_261 = vector.extract_strided_slice %add3A_253 {offsets = [0, 64], sizes = [2000, 64], strides = [1, 1]} : vector<2000x256xf32> to vector<2000x64xf32>
    %logistic3A_262 = arith.negf %slice3A_261 : vector<2000x64xf32>
    %logistic3A_263 = math.exp %logistic3A_262 : vector<2000x64xf32>
    %logistic3A_264 = arith.constant 1.000000e+00 : f32
    %logistic3A_265 = vector.broadcast %logistic3A_264 : f32 to vector<2000x64xf32>
    %logistic3A_266 = arith.addf %logistic3A_265, %logistic3A_263 : vector<2000x64xf32>
    %logistic3A_267 = arith.divf %logistic3A_265, %logistic3A_266 : vector<2000x64xf32>
    %slice3A_268 = vector.extract_strided_slice %add3A_253 {offsets = [0, 128], sizes = [2000, 64], strides = [1, 1]} : vector<2000x256xf32> to vector<2000x64xf32>
    %tanh3A_269 = math.tanh %slice3A_268 : vector<2000x64xf32>
    %slice3A_270 = vector.extract_strided_slice %add3A_253 {offsets = [0, 192], sizes = [2000, 64], strides = [1, 1]} : vector<2000x256xf32> to vector<2000x64xf32>
    %logistic3A_271 = arith.negf %slice3A_270 : vector<2000x64xf32>
    %logistic3A_272 = math.exp %logistic3A_271 : vector<2000x64xf32>
    %logistic3A_273 = arith.constant 1.000000e+00 : f32
    %logistic3A_274 = vector.broadcast %logistic3A_273 : f32 to vector<2000x64xf32>
    %logistic3A_275 = arith.addf %logistic3A_274, %logistic3A_272 : vector<2000x64xf32>
    %logistic3A_276 = arith.divf %logistic3A_274, %logistic3A_275 : vector<2000x64xf32>
    %mul3A_277 = arith.mulf %logistic3A_267, %add3A_212 : vector<2000x64xf32>
    %mul3A_278 = arith.mulf %logistic3A_260, %tanh3A_269 : vector<2000x64xf32>
    %add3A_279 = arith.addf %mul3A_277, %mul3A_278 : vector<2000x64xf32>
    %tanh3A_280 = math.tanh %add3A_279 : vector<2000x64xf32>
    %mul3A_281 = arith.mulf %logistic3A_276, %tanh3A_280 : vector<2000x64xf32>
    %slice3A_282 = vector.extract_strided_slice %get3A_1 {offsets = [0, 64], sizes = [2000, 16], strides = [1, 1]} : vector<2000x192xf32> to vector<2000x16xf32>
    %concatenate3A_283 = tpu.concatenate %slice3A_282, %mul3A_248 in 1 : vector<2000x16xf32>, vector<2000x64xf32> -> vector<2000x80xf32>
    %dot_general3A_284 = arith.constant dense<0.000000e+00> : vector<2000x256xf32>
    %dot_general3A_285 = tpu.matmul %concatenate3A_283, %get3A_11, %dot_general3A_284 {dimension_numbers = #tpu.dot_dimension_numbers<[1], [0], [0], [1], [0, 0, 1, 1], [], []>, transpose_lhs_hint = false} : vector<2000x80xf32>, vector<80x256xf32>, vector<2000x256xf32> -> vector<2000x256xf32>
    %add3A_286 = vector.broadcast %get3A_14 : vector<1x256xf32> to vector<2000x256xf32>
    %add3A_287 = arith.addf %dot_general3A_285, %add3A_286 : vector<2000x256xf32>
    %slice3A_288 = vector.extract_strided_slice %add3A_287 {offsets = [0, 0], sizes = [2000, 64], strides = [1, 1]} : vector<2000x256xf32> to vector<2000x64xf32>
    %logistic3A_289 = arith.negf %slice3A_288 : vector<2000x64xf32>
    %logistic3A_290 = math.exp %logistic3A_289 : vector<2000x64xf32>
    %logistic3A_291 = arith.constant 1.000000e+00 : f32
    %logistic3A_292 = vector.broadcast %logistic3A_291 : f32 to vector<2000x64xf32>
    %logistic3A_293 = arith.addf %logistic3A_292, %logistic3A_290 : vector<2000x64xf32>
    %logistic3A_294 = arith.divf %logistic3A_292, %logistic3A_293 : vector<2000x64xf32>
    %slice3A_295 = vector.extract_strided_slice %add3A_287 {offsets = [0, 64], sizes = [2000, 64], strides = [1, 1]} : vector<2000x256xf32> to vector<2000x64xf32>
    %logistic3A_296 = arith.negf %slice3A_295 : vector<2000x64xf32>
    %logistic3A_297 = math.exp %logistic3A_296 : vector<2000x64xf32>
    %logistic3A_298 = arith.constant 1.000000e+00 : f32
    %logistic3A_299 = vector.broadcast %logistic3A_298 : f32 to vector<2000x64xf32>
    %logistic3A_300 = arith.addf %logistic3A_299, %logistic3A_297 : vector<2000x64xf32>
    %logistic3A_301 = arith.divf %logistic3A_299, %logistic3A_300 : vector<2000x64xf32>
    %slice3A_302 = vector.extract_strided_slice %add3A_287 {offsets = [0, 128], sizes = [2000, 64], strides = [1, 1]} : vector<2000x256xf32> to vector<2000x64xf32>
    %tanh3A_303 = math.tanh %slice3A_302 : vector<2000x64xf32>
    %slice3A_304 = vector.extract_strided_slice %add3A_287 {offsets = [0, 192], sizes = [2000, 64], strides = [1, 1]} : vector<2000x256xf32> to vector<2000x64xf32>
    %logistic3A_305 = arith.negf %slice3A_304 : vector<2000x64xf32>
    %logistic3A_306 = math.exp %logistic3A_305 : vector<2000x64xf32>
    %logistic3A_307 = arith.constant 1.000000e+00 : f32
    %logistic3A_308 = vector.broadcast %logistic3A_307 : f32 to vector<2000x64xf32>
    %logistic3A_309 = arith.addf %logistic3A_308, %logistic3A_306 : vector<2000x64xf32>
    %logistic3A_310 = arith.divf %logistic3A_308, %logistic3A_309 : vector<2000x64xf32>
    %mul3A_311 = arith.mulf %logistic3A_301, %add3A_246 : vector<2000x64xf32>
    %mul3A_312 = arith.mulf %logistic3A_294, %tanh3A_303 : vector<2000x64xf32>
    %add3A_313 = arith.addf %mul3A_311, %mul3A_312 : vector<2000x64xf32>
    %tanh3A_314 = math.tanh %add3A_313 : vector<2000x64xf32>
    %mul3A_315 = arith.mulf %logistic3A_310, %tanh3A_314 : vector<2000x64xf32>
    %concatenate3A_316 = tpu.concatenate %mul3A_315, %mul3A_281 in 1 : vector<2000x64xf32>, vector<2000x64xf32> -> vector<2000x128xf32>
    %dot_general3A_317 = arith.constant dense<0.000000e+00> : vector<2000x256xf32>
    %dot_general3A_318 = tpu.matmul %concatenate3A_316, %get3A_17, %dot_general3A_317 {dimension_numbers = #tpu.dot_dimension_numbers<[1], [0], [0], [1], [0, 0, 1, 1], [], []>, transpose_lhs_hint = false} : vector<2000x128xf32>, vector<128x256xf32>, vector<2000x256xf32> -> vector<2000x256xf32>
    %add3A_319 = vector.broadcast %get3A_20 : vector<1x256xf32> to vector<2000x256xf32>
    %add3A_320 = arith.addf %dot_general3A_318, %add3A_319 : vector<2000x256xf32>
    %slice3A_321 = vector.extract_strided_slice %add3A_320 {offsets = [0, 0], sizes = [2000, 64], strides = [1, 1]} : vector<2000x256xf32> to vector<2000x64xf32>
    %logistic3A_322 = arith.negf %slice3A_321 : vector<2000x64xf32>
    %logistic3A_323 = math.exp %logistic3A_322 : vector<2000x64xf32>
    %logistic3A_324 = arith.constant 1.000000e+00 : f32
    %logistic3A_325 = vector.broadcast %logistic3A_324 : f32 to vector<2000x64xf32>
    %logistic3A_326 = arith.addf %logistic3A_325, %logistic3A_323 : vector<2000x64xf32>
    %logistic3A_327 = arith.divf %logistic3A_325, %logistic3A_326 : vector<2000x64xf32>
    %slice3A_328 = vector.extract_strided_slice %add3A_320 {offsets = [0, 64], sizes = [2000, 64], strides = [1, 1]} : vector<2000x256xf32> to vector<2000x64xf32>
    %logistic3A_329 = arith.negf %slice3A_328 : vector<2000x64xf32>
    %logistic3A_330 = math.exp %logistic3A_329 : vector<2000x64xf32>
    %logistic3A_331 = arith.constant 1.000000e+00 : f32
    %logistic3A_332 = vector.broadcast %logistic3A_331 : f32 to vector<2000x64xf32>
    %logistic3A_333 = arith.addf %logistic3A_332, %logistic3A_330 : vector<2000x64xf32>
    %logistic3A_334 = arith.divf %logistic3A_332, %logistic3A_333 : vector<2000x64xf32>
    %slice3A_335 = vector.extract_strided_slice %add3A_320 {offsets = [0, 128], sizes = [2000, 64], strides = [1, 1]} : vector<2000x256xf32> to vector<2000x64xf32>
    %tanh3A_336 = math.tanh %slice3A_335 : vector<2000x64xf32>
    %slice3A_337 = vector.extract_strided_slice %add3A_320 {offsets = [0, 192], sizes = [2000, 64], strides = [1, 1]} : vector<2000x256xf32> to vector<2000x64xf32>
    %logistic3A_338 = arith.negf %slice3A_337 : vector<2000x64xf32>
    %logistic3A_339 = math.exp %logistic3A_338 : vector<2000x64xf32>
    %logistic3A_340 = arith.constant 1.000000e+00 : f32
    %logistic3A_341 = vector.broadcast %logistic3A_340 : f32 to vector<2000x64xf32>
    %logistic3A_342 = arith.addf %logistic3A_341, %logistic3A_339 : vector<2000x64xf32>
    %logistic3A_343 = arith.divf %logistic3A_341, %logistic3A_342 : vector<2000x64xf32>
    %mul3A_344 = arith.mulf %logistic3A_334, %add3A_279 : vector<2000x64xf32>
    %mul3A_345 = arith.mulf %logistic3A_327, %tanh3A_336 : vector<2000x64xf32>
    %add3A_346 = arith.addf %mul3A_344, %mul3A_345 : vector<2000x64xf32>
    %tanh3A_347 = math.tanh %add3A_346 : vector<2000x64xf32>
    %mul3A_348 = arith.mulf %logistic3A_343, %tanh3A_347 : vector<2000x64xf32>
    %slice3A_349 = vector.extract_strided_slice %get3A_1 {offsets = [0, 80], sizes = [2000, 16], strides = [1, 1]} : vector<2000x192xf32> to vector<2000x16xf32>
    %concatenate3A_350 = tpu.concatenate %slice3A_349, %mul3A_315 in 1 : vector<2000x16xf32>, vector<2000x64xf32> -> vector<2000x80xf32>
    %dot_general3A_351 = arith.constant dense<0.000000e+00> : vector<2000x256xf32>
    %dot_general3A_352 = tpu.matmul %concatenate3A_350, %get3A_11, %dot_general3A_351 {dimension_numbers = #tpu.dot_dimension_numbers<[1], [0], [0], [1], [0, 0, 1, 1], [], []>, transpose_lhs_hint = false} : vector<2000x80xf32>, vector<80x256xf32>, vector<2000x256xf32> -> vector<2000x256xf32>
    %add3A_353 = vector.broadcast %get3A_14 : vector<1x256xf32> to vector<2000x256xf32>
    %add3A_354 = arith.addf %dot_general3A_352, %add3A_353 : vector<2000x256xf32>
    %slice3A_355 = vector.extract_strided_slice %add3A_354 {offsets = [0, 0], sizes = [2000, 64], strides = [1, 1]} : vector<2000x256xf32> to vector<2000x64xf32>
    %logistic3A_356 = arith.negf %slice3A_355 : vector<2000x64xf32>
    %logistic3A_357 = math.exp %logistic3A_356 : vector<2000x64xf32>
    %logistic3A_358 = arith.constant 1.000000e+00 : f32
    %logistic3A_359 = vector.broadcast %logistic3A_358 : f32 to vector<2000x64xf32>
    %logistic3A_360 = arith.addf %logistic3A_359, %logistic3A_357 : vector<2000x64xf32>
    %logistic3A_361 = arith.divf %logistic3A_359, %logistic3A_360 : vector<2000x64xf32>
    %slice3A_362 = vector.extract_strided_slice %add3A_354 {offsets = [0, 64], sizes = [2000, 64], strides = [1, 1]} : vector<2000x256xf32> to vector<2000x64xf32>
    %logistic3A_363 = arith.negf %slice3A_362 : vector<2000x64xf32>
    %logistic3A_364 = math.exp %logistic3A_363 : vector<2000x64xf32>
    %logistic3A_365 = arith.constant 1.000000e+00 : f32
    %logistic3A_366 = vector.broadcast %logistic3A_365 : f32 to vector<2000x64xf32>
    %logistic3A_367 = arith.addf %logistic3A_366, %logistic3A_364 : vector<2000x64xf32>
    %logistic3A_368 = arith.divf %logistic3A_366, %logistic3A_367 : vector<2000x64xf32>
    %slice3A_369 = vector.extract_strided_slice %add3A_354 {offsets = [0, 128], sizes = [2000, 64], strides = [1, 1]} : vector<2000x256xf32> to vector<2000x64xf32>
    %tanh3A_370 = math.tanh %slice3A_369 : vector<2000x64xf32>
    %slice3A_371 = vector.extract_strided_slice %add3A_354 {offsets = [0, 192], sizes = [2000, 64], strides = [1, 1]} : vector<2000x256xf32> to vector<2000x64xf32>
    %logistic3A_372 = arith.negf %slice3A_371 : vector<2000x64xf32>
    %logistic3A_373 = math.exp %logistic3A_372 : vector<2000x64xf32>
    %logistic3A_374 = arith.constant 1.000000e+00 : f32
    %logistic3A_375 = vector.broadcast %logistic3A_374 : f32 to vector<2000x64xf32>
    %logistic3A_376 = arith.addf %logistic3A_375, %logistic3A_373 : vector<2000x64xf32>
    %logistic3A_377 = arith.divf %logistic3A_375, %logistic3A_376 : vector<2000x64xf32>
    %mul3A_378 = arith.mulf %logistic3A_368, %add3A_313 : vector<2000x64xf32>
    %mul3A_379 = arith.mulf %logistic3A_361, %tanh3A_370 : vector<2000x64xf32>
    %add3A_380 = arith.addf %mul3A_378, %mul3A_379 : vector<2000x64xf32>
    %tanh3A_381 = math.tanh %add3A_380 : vector<2000x64xf32>
    %mul3A_382 = arith.mulf %logistic3A_377, %tanh3A_381 : vector<2000x64xf32>
    %concatenate3A_383 = tpu.concatenate %mul3A_382, %mul3A_348 in 1 : vector<2000x64xf32>, vector<2000x64xf32> -> vector<2000x128xf32>
    %dot_general3A_384 = arith.constant dense<0.000000e+00> : vector<2000x256xf32>
    %dot_general3A_385 = tpu.matmul %concatenate3A_383, %get3A_17, %dot_general3A_384 {dimension_numbers = #tpu.dot_dimension_numbers<[1], [0], [0], [1], [0, 0, 1, 1], [], []>, transpose_lhs_hint = false} : vector<2000x128xf32>, vector<128x256xf32>, vector<2000x256xf32> -> vector<2000x256xf32>
    %add3A_386 = vector.broadcast %get3A_20 : vector<1x256xf32> to vector<2000x256xf32>
    %add3A_387 = arith.addf %dot_general3A_385, %add3A_386 : vector<2000x256xf32>
    %slice3A_388 = vector.extract_strided_slice %add3A_387 {offsets = [0, 0], sizes = [2000, 64], strides = [1, 1]} : vector<2000x256xf32> to vector<2000x64xf32>
    %logistic3A_389 = arith.negf %slice3A_388 : vector<2000x64xf32>
    %logistic3A_390 = math.exp %logistic3A_389 : vector<2000x64xf32>
    %logistic3A_391 = arith.constant 1.000000e+00 : f32
    %logistic3A_392 = vector.broadcast %logistic3A_391 : f32 to vector<2000x64xf32>
    %logistic3A_393 = arith.addf %logistic3A_392, %logistic3A_390 : vector<2000x64xf32>
    %logistic3A_394 = arith.divf %logistic3A_392, %logistic3A_393 : vector<2000x64xf32>
    %slice3A_395 = vector.extract_strided_slice %add3A_387 {offsets = [0, 64], sizes = [2000, 64], strides = [1, 1]} : vector<2000x256xf32> to vector<2000x64xf32>
    %logistic3A_396 = arith.negf %slice3A_395 : vector<2000x64xf32>
    %logistic3A_397 = math.exp %logistic3A_396 : vector<2000x64xf32>
    %logistic3A_398 = arith.constant 1.000000e+00 : f32
    %logistic3A_399 = vector.broadcast %logistic3A_398 : f32 to vector<2000x64xf32>
    %logistic3A_400 = arith.addf %logistic3A_399, %logistic3A_397 : vector<2000x64xf32>
    %logistic3A_401 = arith.divf %logistic3A_399, %logistic3A_400 : vector<2000x64xf32>
    %slice3A_402 = vector.extract_strided_slice %add3A_387 {offsets = [0, 128], sizes = [2000, 64], strides = [1, 1]} : vector<2000x256xf32> to vector<2000x64xf32>
    %tanh3A_403 = math.tanh %slice3A_402 : vector<2000x64xf32>
    %slice3A_404 = vector.extract_strided_slice %add3A_387 {offsets = [0, 192], sizes = [2000, 64], strides = [1, 1]} : vector<2000x256xf32> to vector<2000x64xf32>
    %logistic3A_405 = arith.negf %slice3A_404 : vector<2000x64xf32>
    %logistic3A_406 = math.exp %logistic3A_405 : vector<2000x64xf32>
    %logistic3A_407 = arith.constant 1.000000e+00 : f32
    %logistic3A_408 = vector.broadcast %logistic3A_407 : f32 to vector<2000x64xf32>
    %logistic3A_409 = arith.addf %logistic3A_408, %logistic3A_406 : vector<2000x64xf32>
    %logistic3A_410 = arith.divf %logistic3A_408, %logistic3A_409 : vector<2000x64xf32>
    %mul3A_411 = arith.mulf %logistic3A_401, %add3A_346 : vector<2000x64xf32>
    %mul3A_412 = arith.mulf %logistic3A_394, %tanh3A_403 : vector<2000x64xf32>
    %add3A_413 = arith.addf %mul3A_411, %mul3A_412 : vector<2000x64xf32>
    %tanh3A_414 = math.tanh %add3A_413 : vector<2000x64xf32>
    %mul3A_415 = arith.mulf %logistic3A_410, %tanh3A_414 : vector<2000x64xf32>
    %slice3A_416 = vector.extract_strided_slice %get3A_1 {offsets = [0, 96], sizes = [2000, 16], strides = [1, 1]} : vector<2000x192xf32> to vector<2000x16xf32>
    %concatenate3A_417 = tpu.concatenate %slice3A_416, %mul3A_382 in 1 : vector<2000x16xf32>, vector<2000x64xf32> -> vector<2000x80xf32>
    %dot_general3A_418 = arith.constant dense<0.000000e+00> : vector<2000x256xf32>
    %dot_general3A_419 = tpu.matmul %concatenate3A_417, %get3A_11, %dot_general3A_418 {dimension_numbers = #tpu.dot_dimension_numbers<[1], [0], [0], [1], [0, 0, 1, 1], [], []>, transpose_lhs_hint = false} : vector<2000x80xf32>, vector<80x256xf32>, vector<2000x256xf32> -> vector<2000x256xf32>
    %add3A_420 = vector.broadcast %get3A_14 : vector<1x256xf32> to vector<2000x256xf32>
    %add3A_421 = arith.addf %dot_general3A_419, %add3A_420 : vector<2000x256xf32>
    %slice3A_422 = vector.extract_strided_slice %add3A_421 {offsets = [0, 0], sizes = [2000, 64], strides = [1, 1]} : vector<2000x256xf32> to vector<2000x64xf32>
    %logistic3A_423 = arith.negf %slice3A_422 : vector<2000x64xf32>
    %logistic3A_424 = math.exp %logistic3A_423 : vector<2000x64xf32>
    %logistic3A_425 = arith.constant 1.000000e+00 : f32
    %logistic3A_426 = vector.broadcast %logistic3A_425 : f32 to vector<2000x64xf32>
    %logistic3A_427 = arith.addf %logistic3A_426, %logistic3A_424 : vector<2000x64xf32>
    %logistic3A_428 = arith.divf %logistic3A_426, %logistic3A_427 : vector<2000x64xf32>
    %slice3A_429 = vector.extract_strided_slice %add3A_421 {offsets = [0, 64], sizes = [2000, 64], strides = [1, 1]} : vector<2000x256xf32> to vector<2000x64xf32>
    %logistic3A_430 = arith.negf %slice3A_429 : vector<2000x64xf32>
    %logistic3A_431 = math.exp %logistic3A_430 : vector<2000x64xf32>
    %logistic3A_432 = arith.constant 1.000000e+00 : f32
    %logistic3A_433 = vector.broadcast %logistic3A_432 : f32 to vector<2000x64xf32>
    %logistic3A_434 = arith.addf %logistic3A_433, %logistic3A_431 : vector<2000x64xf32>
    %logistic3A_435 = arith.divf %logistic3A_433, %logistic3A_434 : vector<2000x64xf32>
    %slice3A_436 = vector.extract_strided_slice %add3A_421 {offsets = [0, 128], sizes = [2000, 64], strides = [1, 1]} : vector<2000x256xf32> to vector<2000x64xf32>
    %tanh3A_437 = math.tanh %slice3A_436 : vector<2000x64xf32>
    %slice3A_438 = vector.extract_strided_slice %add3A_421 {offsets = [0, 192], sizes = [2000, 64], strides = [1, 1]} : vector<2000x256xf32> to vector<2000x64xf32>
    %logistic3A_439 = arith.negf %slice3A_438 : vector<2000x64xf32>
    %logistic3A_440 = math.exp %logistic3A_439 : vector<2000x64xf32>
    %logistic3A_441 = arith.constant 1.000000e+00 : f32
    %logistic3A_442 = vector.broadcast %logistic3A_441 : f32 to vector<2000x64xf32>
    %logistic3A_443 = arith.addf %logistic3A_442, %logistic3A_440 : vector<2000x64xf32>
    %logistic3A_444 = arith.divf %logistic3A_442, %logistic3A_443 : vector<2000x64xf32>
    %mul3A_445 = arith.mulf %logistic3A_435, %add3A_380 : vector<2000x64xf32>
    %mul3A_446 = arith.mulf %logistic3A_428, %tanh3A_437 : vector<2000x64xf32>
    %add3A_447 = arith.addf %mul3A_445, %mul3A_446 : vector<2000x64xf32>
    %tanh3A_448 = math.tanh %add3A_447 : vector<2000x64xf32>
    %mul3A_449 = arith.mulf %logistic3A_444, %tanh3A_448 : vector<2000x64xf32>
    %concatenate3A_450 = tpu.concatenate %mul3A_449, %mul3A_415 in 1 : vector<2000x64xf32>, vector<2000x64xf32> -> vector<2000x128xf32>
    %dot_general3A_451 = arith.constant dense<0.000000e+00> : vector<2000x256xf32>
    %dot_general3A_452 = tpu.matmul %concatenate3A_450, %get3A_17, %dot_general3A_451 {dimension_numbers = #tpu.dot_dimension_numbers<[1], [0], [0], [1], [0, 0, 1, 1], [], []>, transpose_lhs_hint = false} : vector<2000x128xf32>, vector<128x256xf32>, vector<2000x256xf32> -> vector<2000x256xf32>
    %add3A_453 = vector.broadcast %get3A_20 : vector<1x256xf32> to vector<2000x256xf32>
    %add3A_454 = arith.addf %dot_general3A_452, %add3A_453 : vector<2000x256xf32>
    %slice3A_455 = vector.extract_strided_slice %add3A_454 {offsets = [0, 0], sizes = [2000, 64], strides = [1, 1]} : vector<2000x256xf32> to vector<2000x64xf32>
    %logistic3A_456 = arith.negf %slice3A_455 : vector<2000x64xf32>
    %logistic3A_457 = math.exp %logistic3A_456 : vector<2000x64xf32>
    %logistic3A_458 = arith.constant 1.000000e+00 : f32
    %logistic3A_459 = vector.broadcast %logistic3A_458 : f32 to vector<2000x64xf32>
    %logistic3A_460 = arith.addf %logistic3A_459, %logistic3A_457 : vector<2000x64xf32>
    %logistic3A_461 = arith.divf %logistic3A_459, %logistic3A_460 : vector<2000x64xf32>
    %slice3A_462 = vector.extract_strided_slice %add3A_454 {offsets = [0, 64], sizes = [2000, 64], strides = [1, 1]} : vector<2000x256xf32> to vector<2000x64xf32>
    %logistic3A_463 = arith.negf %slice3A_462 : vector<2000x64xf32>
    %logistic3A_464 = math.exp %logistic3A_463 : vector<2000x64xf32>
    %logistic3A_465 = arith.constant 1.000000e+00 : f32
    %logistic3A_466 = vector.broadcast %logistic3A_465 : f32 to vector<2000x64xf32>
    %logistic3A_467 = arith.addf %logistic3A_466, %logistic3A_464 : vector<2000x64xf32>
    %logistic3A_468 = arith.divf %logistic3A_466, %logistic3A_467 : vector<2000x64xf32>
    %slice3A_469 = vector.extract_strided_slice %add3A_454 {offsets = [0, 128], sizes = [2000, 64], strides = [1, 1]} : vector<2000x256xf32> to vector<2000x64xf32>
    %tanh3A_470 = math.tanh %slice3A_469 : vector<2000x64xf32>
    %slice3A_471 = vector.extract_strided_slice %add3A_454 {offsets = [0, 192], sizes = [2000, 64], strides = [1, 1]} : vector<2000x256xf32> to vector<2000x64xf32>
    %logistic3A_472 = arith.negf %slice3A_471 : vector<2000x64xf32>
    %logistic3A_473 = math.exp %logistic3A_472 : vector<2000x64xf32>
    %logistic3A_474 = arith.constant 1.000000e+00 : f32
    %logistic3A_475 = vector.broadcast %logistic3A_474 : f32 to vector<2000x64xf32>
    %logistic3A_476 = arith.addf %logistic3A_475, %logistic3A_473 : vector<2000x64xf32>
    %logistic3A_477 = arith.divf %logistic3A_475, %logistic3A_476 : vector<2000x64xf32>
    %mul3A_478 = arith.mulf %logistic3A_468, %add3A_413 : vector<2000x64xf32>
    %mul3A_479 = arith.mulf %logistic3A_461, %tanh3A_470 : vector<2000x64xf32>
    %add3A_480 = arith.addf %mul3A_478, %mul3A_479 : vector<2000x64xf32>
    %tanh3A_481 = math.tanh %add3A_480 : vector<2000x64xf32>
    %mul3A_482 = arith.mulf %logistic3A_477, %tanh3A_481 : vector<2000x64xf32>
    %slice3A_483 = vector.extract_strided_slice %get3A_1 {offsets = [0, 112], sizes = [2000, 16], strides = [1, 1]} : vector<2000x192xf32> to vector<2000x16xf32>
    %concatenate3A_484 = tpu.concatenate %slice3A_483, %mul3A_449 in 1 : vector<2000x16xf32>, vector<2000x64xf32> -> vector<2000x80xf32>
    %dot_general3A_485 = arith.constant dense<0.000000e+00> : vector<2000x256xf32>
    %dot_general3A_486 = tpu.matmul %concatenate3A_484, %get3A_11, %dot_general3A_485 {dimension_numbers = #tpu.dot_dimension_numbers<[1], [0], [0], [1], [0, 0, 1, 1], [], []>, transpose_lhs_hint = false} : vector<2000x80xf32>, vector<80x256xf32>, vector<2000x256xf32> -> vector<2000x256xf32>
    %add3A_487 = vector.broadcast %get3A_14 : vector<1x256xf32> to vector<2000x256xf32>
    %add3A_488 = arith.addf %dot_general3A_486, %add3A_487 : vector<2000x256xf32>
    %slice3A_489 = vector.extract_strided_slice %add3A_488 {offsets = [0, 0], sizes = [2000, 64], strides = [1, 1]} : vector<2000x256xf32> to vector<2000x64xf32>
    %logistic3A_490 = arith.negf %slice3A_489 : vector<2000x64xf32>
    %logistic3A_491 = math.exp %logistic3A_490 : vector<2000x64xf32>
    %logistic3A_492 = arith.constant 1.000000e+00 : f32
    %logistic3A_493 = vector.broadcast %logistic3A_492 : f32 to vector<2000x64xf32>
    %logistic3A_494 = arith.addf %logistic3A_493, %logistic3A_491 : vector<2000x64xf32>
    %logistic3A_495 = arith.divf %logistic3A_493, %logistic3A_494 : vector<2000x64xf32>
    %slice3A_496 = vector.extract_strided_slice %add3A_488 {offsets = [0, 64], sizes = [2000, 64], strides = [1, 1]} : vector<2000x256xf32> to vector<2000x64xf32>
    %logistic3A_497 = arith.negf %slice3A_496 : vector<2000x64xf32>
    %logistic3A_498 = math.exp %logistic3A_497 : vector<2000x64xf32>
    %logistic3A_499 = arith.constant 1.000000e+00 : f32
    %logistic3A_500 = vector.broadcast %logistic3A_499 : f32 to vector<2000x64xf32>
    %logistic3A_501 = arith.addf %logistic3A_500, %logistic3A_498 : vector<2000x64xf32>
    %logistic3A_502 = arith.divf %logistic3A_500, %logistic3A_501 : vector<2000x64xf32>
    %slice3A_503 = vector.extract_strided_slice %add3A_488 {offsets = [0, 128], sizes = [2000, 64], strides = [1, 1]} : vector<2000x256xf32> to vector<2000x64xf32>
    %tanh3A_504 = math.tanh %slice3A_503 : vector<2000x64xf32>
    %slice3A_505 = vector.extract_strided_slice %add3A_488 {offsets = [0, 192], sizes = [2000, 64], strides = [1, 1]} : vector<2000x256xf32> to vector<2000x64xf32>
    %logistic3A_506 = arith.negf %slice3A_505 : vector<2000x64xf32>
    %logistic3A_507 = math.exp %logistic3A_506 : vector<2000x64xf32>
    %logistic3A_508 = arith.constant 1.000000e+00 : f32
    %logistic3A_509 = vector.broadcast %logistic3A_508 : f32 to vector<2000x64xf32>
    %logistic3A_510 = arith.addf %logistic3A_509, %logistic3A_507 : vector<2000x64xf32>
    %logistic3A_511 = arith.divf %logistic3A_509, %logistic3A_510 : vector<2000x64xf32>
    %mul3A_512 = arith.mulf %logistic3A_502, %add3A_447 : vector<2000x64xf32>
    %mul3A_513 = arith.mulf %logistic3A_495, %tanh3A_504 : vector<2000x64xf32>
    %add3A_514 = arith.addf %mul3A_512, %mul3A_513 : vector<2000x64xf32>
    %tanh3A_515 = math.tanh %add3A_514 : vector<2000x64xf32>
    %mul3A_516 = arith.mulf %logistic3A_511, %tanh3A_515 : vector<2000x64xf32>
    %concatenate3A_517 = tpu.concatenate %mul3A_516, %mul3A_482 in 1 : vector<2000x64xf32>, vector<2000x64xf32> -> vector<2000x128xf32>
    %dot_general3A_518 = arith.constant dense<0.000000e+00> : vector<2000x256xf32>
    %dot_general3A_519 = tpu.matmul %concatenate3A_517, %get3A_17, %dot_general3A_518 {dimension_numbers = #tpu.dot_dimension_numbers<[1], [0], [0], [1], [0, 0, 1, 1], [], []>, transpose_lhs_hint = false} : vector<2000x128xf32>, vector<128x256xf32>, vector<2000x256xf32> -> vector<2000x256xf32>
    %add3A_520 = vector.broadcast %get3A_20 : vector<1x256xf32> to vector<2000x256xf32>
    %add3A_521 = arith.addf %dot_general3A_519, %add3A_520 : vector<2000x256xf32>
    %slice3A_522 = vector.extract_strided_slice %add3A_521 {offsets = [0, 0], sizes = [2000, 64], strides = [1, 1]} : vector<2000x256xf32> to vector<2000x64xf32>
    %logistic3A_523 = arith.negf %slice3A_522 : vector<2000x64xf32>
    %logistic3A_524 = math.exp %logistic3A_523 : vector<2000x64xf32>
    %logistic3A_525 = arith.constant 1.000000e+00 : f32
    %logistic3A_526 = vector.broadcast %logistic3A_525 : f32 to vector<2000x64xf32>
    %logistic3A_527 = arith.addf %logistic3A_526, %logistic3A_524 : vector<2000x64xf32>
    %logistic3A_528 = arith.divf %logistic3A_526, %logistic3A_527 : vector<2000x64xf32>
    %slice3A_529 = vector.extract_strided_slice %add3A_521 {offsets = [0, 64], sizes = [2000, 64], strides = [1, 1]} : vector<2000x256xf32> to vector<2000x64xf32>
    %logistic3A_530 = arith.negf %slice3A_529 : vector<2000x64xf32>
    %logistic3A_531 = math.exp %logistic3A_530 : vector<2000x64xf32>
    %logistic3A_532 = arith.constant 1.000000e+00 : f32
    %logistic3A_533 = vector.broadcast %logistic3A_532 : f32 to vector<2000x64xf32>
    %logistic3A_534 = arith.addf %logistic3A_533, %logistic3A_531 : vector<2000x64xf32>
    %logistic3A_535 = arith.divf %logistic3A_533, %logistic3A_534 : vector<2000x64xf32>
    %slice3A_536 = vector.extract_strided_slice %add3A_521 {offsets = [0, 128], sizes = [2000, 64], strides = [1, 1]} : vector<2000x256xf32> to vector<2000x64xf32>
    %tanh3A_537 = math.tanh %slice3A_536 : vector<2000x64xf32>
    %slice3A_538 = vector.extract_strided_slice %add3A_521 {offsets = [0, 192], sizes = [2000, 64], strides = [1, 1]} : vector<2000x256xf32> to vector<2000x64xf32>
    %logistic3A_539 = arith.negf %slice3A_538 : vector<2000x64xf32>
    %logistic3A_540 = math.exp %logistic3A_539 : vector<2000x64xf32>
    %logistic3A_541 = arith.constant 1.000000e+00 : f32
    %logistic3A_542 = vector.broadcast %logistic3A_541 : f32 to vector<2000x64xf32>
    %logistic3A_543 = arith.addf %logistic3A_542, %logistic3A_540 : vector<2000x64xf32>
    %logistic3A_544 = arith.divf %logistic3A_542, %logistic3A_543 : vector<2000x64xf32>
    %mul3A_545 = arith.mulf %logistic3A_535, %add3A_480 : vector<2000x64xf32>
    %mul3A_546 = arith.mulf %logistic3A_528, %tanh3A_537 : vector<2000x64xf32>
    %add3A_547 = arith.addf %mul3A_545, %mul3A_546 : vector<2000x64xf32>
    %tanh3A_548 = math.tanh %add3A_547 : vector<2000x64xf32>
    %mul3A_549 = arith.mulf %logistic3A_544, %tanh3A_548 : vector<2000x64xf32>
    %slice3A_550 = vector.extract_strided_slice %get3A_1 {offsets = [0, 128], sizes = [2000, 16], strides = [1, 1]} : vector<2000x192xf32> to vector<2000x16xf32>
    %concatenate3A_551 = tpu.concatenate %slice3A_550, %mul3A_516 in 1 : vector<2000x16xf32>, vector<2000x64xf32> -> vector<2000x80xf32>
    %dot_general3A_552 = arith.constant dense<0.000000e+00> : vector<2000x256xf32>
    %dot_general3A_553 = tpu.matmul %concatenate3A_551, %get3A_11, %dot_general3A_552 {dimension_numbers = #tpu.dot_dimension_numbers<[1], [0], [0], [1], [0, 0, 1, 1], [], []>, transpose_lhs_hint = false} : vector<2000x80xf32>, vector<80x256xf32>, vector<2000x256xf32> -> vector<2000x256xf32>
    %add3A_554 = vector.broadcast %get3A_14 : vector<1x256xf32> to vector<2000x256xf32>
    %add3A_555 = arith.addf %dot_general3A_553, %add3A_554 : vector<2000x256xf32>
    %slice3A_556 = vector.extract_strided_slice %add3A_555 {offsets = [0, 0], sizes = [2000, 64], strides = [1, 1]} : vector<2000x256xf32> to vector<2000x64xf32>
    %logistic3A_557 = arith.negf %slice3A_556 : vector<2000x64xf32>
    %logistic3A_558 = math.exp %logistic3A_557 : vector<2000x64xf32>
    %logistic3A_559 = arith.constant 1.000000e+00 : f32
    %logistic3A_560 = vector.broadcast %logistic3A_559 : f32 to vector<2000x64xf32>
    %logistic3A_561 = arith.addf %logistic3A_560, %logistic3A_558 : vector<2000x64xf32>
    %logistic3A_562 = arith.divf %logistic3A_560, %logistic3A_561 : vector<2000x64xf32>
    %slice3A_563 = vector.extract_strided_slice %add3A_555 {offsets = [0, 64], sizes = [2000, 64], strides = [1, 1]} : vector<2000x256xf32> to vector<2000x64xf32>
    %logistic3A_564 = arith.negf %slice3A_563 : vector<2000x64xf32>
    %logistic3A_565 = math.exp %logistic3A_564 : vector<2000x64xf32>
    %logistic3A_566 = arith.constant 1.000000e+00 : f32
    %logistic3A_567 = vector.broadcast %logistic3A_566 : f32 to vector<2000x64xf32>
    %logistic3A_568 = arith.addf %logistic3A_567, %logistic3A_565 : vector<2000x64xf32>
    %logistic3A_569 = arith.divf %logistic3A_567, %logistic3A_568 : vector<2000x64xf32>
    %slice3A_570 = vector.extract_strided_slice %add3A_555 {offsets = [0, 128], sizes = [2000, 64], strides = [1, 1]} : vector<2000x256xf32> to vector<2000x64xf32>
    %tanh3A_571 = math.tanh %slice3A_570 : vector<2000x64xf32>
    %slice3A_572 = vector.extract_strided_slice %add3A_555 {offsets = [0, 192], sizes = [2000, 64], strides = [1, 1]} : vector<2000x256xf32> to vector<2000x64xf32>
    %logistic3A_573 = arith.negf %slice3A_572 : vector<2000x64xf32>
    %logistic3A_574 = math.exp %logistic3A_573 : vector<2000x64xf32>
    %logistic3A_575 = arith.constant 1.000000e+00 : f32
    %logistic3A_576 = vector.broadcast %logistic3A_575 : f32 to vector<2000x64xf32>
    %logistic3A_577 = arith.addf %logistic3A_576, %logistic3A_574 : vector<2000x64xf32>
    %logistic3A_578 = arith.divf %logistic3A_576, %logistic3A_577 : vector<2000x64xf32>
    %mul3A_579 = arith.mulf %logistic3A_569, %add3A_514 : vector<2000x64xf32>
    %mul3A_580 = arith.mulf %logistic3A_562, %tanh3A_571 : vector<2000x64xf32>
    %add3A_581 = arith.addf %mul3A_579, %mul3A_580 : vector<2000x64xf32>
    %tanh3A_582 = math.tanh %add3A_581 : vector<2000x64xf32>
    %mul3A_583 = arith.mulf %logistic3A_578, %tanh3A_582 : vector<2000x64xf32>
    %concatenate3A_584 = tpu.concatenate %mul3A_583, %mul3A_549 in 1 : vector<2000x64xf32>, vector<2000x64xf32> -> vector<2000x128xf32>
    %dot_general3A_585 = arith.constant dense<0.000000e+00> : vector<2000x256xf32>
    %dot_general3A_586 = tpu.matmul %concatenate3A_584, %get3A_17, %dot_general3A_585 {dimension_numbers = #tpu.dot_dimension_numbers<[1], [0], [0], [1], [0, 0, 1, 1], [], []>, transpose_lhs_hint = false} : vector<2000x128xf32>, vector<128x256xf32>, vector<2000x256xf32> -> vector<2000x256xf32>
    %add3A_587 = vector.broadcast %get3A_20 : vector<1x256xf32> to vector<2000x256xf32>
    %add3A_588 = arith.addf %dot_general3A_586, %add3A_587 : vector<2000x256xf32>
    %slice3A_589 = vector.extract_strided_slice %add3A_588 {offsets = [0, 0], sizes = [2000, 64], strides = [1, 1]} : vector<2000x256xf32> to vector<2000x64xf32>
    %logistic3A_590 = arith.negf %slice3A_589 : vector<2000x64xf32>
    %logistic3A_591 = math.exp %logistic3A_590 : vector<2000x64xf32>
    %logistic3A_592 = arith.constant 1.000000e+00 : f32
    %logistic3A_593 = vector.broadcast %logistic3A_592 : f32 to vector<2000x64xf32>
    %logistic3A_594 = arith.addf %logistic3A_593, %logistic3A_591 : vector<2000x64xf32>
    %logistic3A_595 = arith.divf %logistic3A_593, %logistic3A_594 : vector<2000x64xf32>
    %slice3A_596 = vector.extract_strided_slice %add3A_588 {offsets = [0, 64], sizes = [2000, 64], strides = [1, 1]} : vector<2000x256xf32> to vector<2000x64xf32>
    %logistic3A_597 = arith.negf %slice3A_596 : vector<2000x64xf32>
    %logistic3A_598 = math.exp %logistic3A_597 : vector<2000x64xf32>
    %logistic3A_599 = arith.constant 1.000000e+00 : f32
    %logistic3A_600 = vector.broadcast %logistic3A_599 : f32 to vector<2000x64xf32>
    %logistic3A_601 = arith.addf %logistic3A_600, %logistic3A_598 : vector<2000x64xf32>
    %logistic3A_602 = arith.divf %logistic3A_600, %logistic3A_601 : vector<2000x64xf32>
    %slice3A_603 = vector.extract_strided_slice %add3A_588 {offsets = [0, 128], sizes = [2000, 64], strides = [1, 1]} : vector<2000x256xf32> to vector<2000x64xf32>
    %tanh3A_604 = math.tanh %slice3A_603 : vector<2000x64xf32>
    %slice3A_605 = vector.extract_strided_slice %add3A_588 {offsets = [0, 192], sizes = [2000, 64], strides = [1, 1]} : vector<2000x256xf32> to vector<2000x64xf32>
    %logistic3A_606 = arith.negf %slice3A_605 : vector<2000x64xf32>
    %logistic3A_607 = math.exp %logistic3A_606 : vector<2000x64xf32>
    %logistic3A_608 = arith.constant 1.000000e+00 : f32
    %logistic3A_609 = vector.broadcast %logistic3A_608 : f32 to vector<2000x64xf32>
    %logistic3A_610 = arith.addf %logistic3A_609, %logistic3A_607 : vector<2000x64xf32>
    %logistic3A_611 = arith.divf %logistic3A_609, %logistic3A_610 : vector<2000x64xf32>
    %mul3A_612 = arith.mulf %logistic3A_602, %add3A_547 : vector<2000x64xf32>
    %mul3A_613 = arith.mulf %logistic3A_595, %tanh3A_604 : vector<2000x64xf32>
    %add3A_614 = arith.addf %mul3A_612, %mul3A_613 : vector<2000x64xf32>
    %tanh3A_615 = math.tanh %add3A_614 : vector<2000x64xf32>
    %mul3A_616 = arith.mulf %logistic3A_611, %tanh3A_615 : vector<2000x64xf32>
    %slice3A_617 = vector.extract_strided_slice %get3A_1 {offsets = [0, 144], sizes = [2000, 16], strides = [1, 1]} : vector<2000x192xf32> to vector<2000x16xf32>
    %concatenate3A_618 = tpu.concatenate %slice3A_617, %mul3A_583 in 1 : vector<2000x16xf32>, vector<2000x64xf32> -> vector<2000x80xf32>
    %dot_general3A_619 = arith.constant dense<0.000000e+00> : vector<2000x256xf32>
    %dot_general3A_620 = tpu.matmul %concatenate3A_618, %get3A_11, %dot_general3A_619 {dimension_numbers = #tpu.dot_dimension_numbers<[1], [0], [0], [1], [0, 0, 1, 1], [], []>, transpose_lhs_hint = false} : vector<2000x80xf32>, vector<80x256xf32>, vector<2000x256xf32> -> vector<2000x256xf32>
    %add3A_621 = vector.broadcast %get3A_14 : vector<1x256xf32> to vector<2000x256xf32>
    %add3A_622 = arith.addf %dot_general3A_620, %add3A_621 : vector<2000x256xf32>
    %slice3A_623 = vector.extract_strided_slice %add3A_622 {offsets = [0, 0], sizes = [2000, 64], strides = [1, 1]} : vector<2000x256xf32> to vector<2000x64xf32>
    %logistic3A_624 = arith.negf %slice3A_623 : vector<2000x64xf32>
    %logistic3A_625 = math.exp %logistic3A_624 : vector<2000x64xf32>
    %logistic3A_626 = arith.constant 1.000000e+00 : f32
    %logistic3A_627 = vector.broadcast %logistic3A_626 : f32 to vector<2000x64xf32>
    %logistic3A_628 = arith.addf %logistic3A_627, %logistic3A_625 : vector<2000x64xf32>
    %logistic3A_629 = arith.divf %logistic3A_627, %logistic3A_628 : vector<2000x64xf32>
    %slice3A_630 = vector.extract_strided_slice %add3A_622 {offsets = [0, 64], sizes = [2000, 64], strides = [1, 1]} : vector<2000x256xf32> to vector<2000x64xf32>
    %logistic3A_631 = arith.negf %slice3A_630 : vector<2000x64xf32>
    %logistic3A_632 = math.exp %logistic3A_631 : vector<2000x64xf32>
    %logistic3A_633 = arith.constant 1.000000e+00 : f32
    %logistic3A_634 = vector.broadcast %logistic3A_633 : f32 to vector<2000x64xf32>
    %logistic3A_635 = arith.addf %logistic3A_634, %logistic3A_632 : vector<2000x64xf32>
    %logistic3A_636 = arith.divf %logistic3A_634, %logistic3A_635 : vector<2000x64xf32>
    %slice3A_637 = vector.extract_strided_slice %add3A_622 {offsets = [0, 128], sizes = [2000, 64], strides = [1, 1]} : vector<2000x256xf32> to vector<2000x64xf32>
    %tanh3A_638 = math.tanh %slice3A_637 : vector<2000x64xf32>
    %slice3A_639 = vector.extract_strided_slice %add3A_622 {offsets = [0, 192], sizes = [2000, 64], strides = [1, 1]} : vector<2000x256xf32> to vector<2000x64xf32>
    %logistic3A_640 = arith.negf %slice3A_639 : vector<2000x64xf32>
    %logistic3A_641 = math.exp %logistic3A_640 : vector<2000x64xf32>
    %logistic3A_642 = arith.constant 1.000000e+00 : f32
    %logistic3A_643 = vector.broadcast %logistic3A_642 : f32 to vector<2000x64xf32>
    %logistic3A_644 = arith.addf %logistic3A_643, %logistic3A_641 : vector<2000x64xf32>
    %logistic3A_645 = arith.divf %logistic3A_643, %logistic3A_644 : vector<2000x64xf32>
    %mul3A_646 = arith.mulf %logistic3A_636, %add3A_581 : vector<2000x64xf32>
    %mul3A_647 = arith.mulf %logistic3A_629, %tanh3A_638 : vector<2000x64xf32>
    %add3A_648 = arith.addf %mul3A_646, %mul3A_647 : vector<2000x64xf32>
    %tanh3A_649 = math.tanh %add3A_648 : vector<2000x64xf32>
    %mul3A_650 = arith.mulf %logistic3A_645, %tanh3A_649 : vector<2000x64xf32>
    %concatenate3A_651 = tpu.concatenate %mul3A_650, %mul3A_616 in 1 : vector<2000x64xf32>, vector<2000x64xf32> -> vector<2000x128xf32>
    %dot_general3A_652 = arith.constant dense<0.000000e+00> : vector<2000x256xf32>
    %dot_general3A_653 = tpu.matmul %concatenate3A_651, %get3A_17, %dot_general3A_652 {dimension_numbers = #tpu.dot_dimension_numbers<[1], [0], [0], [1], [0, 0, 1, 1], [], []>, transpose_lhs_hint = false} : vector<2000x128xf32>, vector<128x256xf32>, vector<2000x256xf32> -> vector<2000x256xf32>
    %add3A_654 = vector.broadcast %get3A_20 : vector<1x256xf32> to vector<2000x256xf32>
    %add3A_655 = arith.addf %dot_general3A_653, %add3A_654 : vector<2000x256xf32>
    %slice3A_656 = vector.extract_strided_slice %add3A_655 {offsets = [0, 0], sizes = [2000, 64], strides = [1, 1]} : vector<2000x256xf32> to vector<2000x64xf32>
    %logistic3A_657 = arith.negf %slice3A_656 : vector<2000x64xf32>
    %logistic3A_658 = math.exp %logistic3A_657 : vector<2000x64xf32>
    %logistic3A_659 = arith.constant 1.000000e+00 : f32
    %logistic3A_660 = vector.broadcast %logistic3A_659 : f32 to vector<2000x64xf32>
    %logistic3A_661 = arith.addf %logistic3A_660, %logistic3A_658 : vector<2000x64xf32>
    %logistic3A_662 = arith.divf %logistic3A_660, %logistic3A_661 : vector<2000x64xf32>
    %slice3A_663 = vector.extract_strided_slice %add3A_655 {offsets = [0, 64], sizes = [2000, 64], strides = [1, 1]} : vector<2000x256xf32> to vector<2000x64xf32>
    %logistic3A_664 = arith.negf %slice3A_663 : vector<2000x64xf32>
    %logistic3A_665 = math.exp %logistic3A_664 : vector<2000x64xf32>
    %logistic3A_666 = arith.constant 1.000000e+00 : f32
    %logistic3A_667 = vector.broadcast %logistic3A_666 : f32 to vector<2000x64xf32>
    %logistic3A_668 = arith.addf %logistic3A_667, %logistic3A_665 : vector<2000x64xf32>
    %logistic3A_669 = arith.divf %logistic3A_667, %logistic3A_668 : vector<2000x64xf32>
    %slice3A_670 = vector.extract_strided_slice %add3A_655 {offsets = [0, 128], sizes = [2000, 64], strides = [1, 1]} : vector<2000x256xf32> to vector<2000x64xf32>
    %tanh3A_671 = math.tanh %slice3A_670 : vector<2000x64xf32>
    %slice3A_672 = vector.extract_strided_slice %add3A_655 {offsets = [0, 192], sizes = [2000, 64], strides = [1, 1]} : vector<2000x256xf32> to vector<2000x64xf32>
    %logistic3A_673 = arith.negf %slice3A_672 : vector<2000x64xf32>
    %logistic3A_674 = math.exp %logistic3A_673 : vector<2000x64xf32>
    %logistic3A_675 = arith.constant 1.000000e+00 : f32
    %logistic3A_676 = vector.broadcast %logistic3A_675 : f32 to vector<2000x64xf32>
    %logistic3A_677 = arith.addf %logistic3A_676, %logistic3A_674 : vector<2000x64xf32>
    %logistic3A_678 = arith.divf %logistic3A_676, %logistic3A_677 : vector<2000x64xf32>
    %mul3A_679 = arith.mulf %logistic3A_669, %add3A_614 : vector<2000x64xf32>
    %mul3A_680 = arith.mulf %logistic3A_662, %tanh3A_671 : vector<2000x64xf32>
    %add3A_681 = arith.addf %mul3A_679, %mul3A_680 : vector<2000x64xf32>
    %tanh3A_682 = math.tanh %add3A_681 : vector<2000x64xf32>
    %mul3A_683 = arith.mulf %logistic3A_678, %tanh3A_682 : vector<2000x64xf32>
    %slice3A_684 = vector.extract_strided_slice %get3A_1 {offsets = [0, 160], sizes = [2000, 16], strides = [1, 1]} : vector<2000x192xf32> to vector<2000x16xf32>
    %concatenate3A_685 = tpu.concatenate %slice3A_684, %mul3A_650 in 1 : vector<2000x16xf32>, vector<2000x64xf32> -> vector<2000x80xf32>
    %dot_general3A_686 = arith.constant dense<0.000000e+00> : vector<2000x256xf32>
    %dot_general3A_687 = tpu.matmul %concatenate3A_685, %get3A_11, %dot_general3A_686 {dimension_numbers = #tpu.dot_dimension_numbers<[1], [0], [0], [1], [0, 0, 1, 1], [], []>, transpose_lhs_hint = false} : vector<2000x80xf32>, vector<80x256xf32>, vector<2000x256xf32> -> vector<2000x256xf32>
    %add3A_688 = vector.broadcast %get3A_14 : vector<1x256xf32> to vector<2000x256xf32>
    %add3A_689 = arith.addf %dot_general3A_687, %add3A_688 : vector<2000x256xf32>
    %slice3A_690 = vector.extract_strided_slice %add3A_689 {offsets = [0, 0], sizes = [2000, 64], strides = [1, 1]} : vector<2000x256xf32> to vector<2000x64xf32>
    %logistic3A_691 = arith.negf %slice3A_690 : vector<2000x64xf32>
    %logistic3A_692 = math.exp %logistic3A_691 : vector<2000x64xf32>
    %logistic3A_693 = arith.constant 1.000000e+00 : f32
    %logistic3A_694 = vector.broadcast %logistic3A_693 : f32 to vector<2000x64xf32>
    %logistic3A_695 = arith.addf %logistic3A_694, %logistic3A_692 : vector<2000x64xf32>
    %logistic3A_696 = arith.divf %logistic3A_694, %logistic3A_695 : vector<2000x64xf32>
    %slice3A_697 = vector.extract_strided_slice %add3A_689 {offsets = [0, 64], sizes = [2000, 64], strides = [1, 1]} : vector<2000x256xf32> to vector<2000x64xf32>
    %logistic3A_698 = arith.negf %slice3A_697 : vector<2000x64xf32>
    %logistic3A_699 = math.exp %logistic3A_698 : vector<2000x64xf32>
    %logistic3A_700 = arith.constant 1.000000e+00 : f32
    %logistic3A_701 = vector.broadcast %logistic3A_700 : f32 to vector<2000x64xf32>
    %logistic3A_702 = arith.addf %logistic3A_701, %logistic3A_699 : vector<2000x64xf32>
    %logistic3A_703 = arith.divf %logistic3A_701, %logistic3A_702 : vector<2000x64xf32>
    %slice3A_704 = vector.extract_strided_slice %add3A_689 {offsets = [0, 128], sizes = [2000, 64], strides = [1, 1]} : vector<2000x256xf32> to vector<2000x64xf32>
    %tanh3A_705 = math.tanh %slice3A_704 : vector<2000x64xf32>
    %slice3A_706 = vector.extract_strided_slice %add3A_689 {offsets = [0, 192], sizes = [2000, 64], strides = [1, 1]} : vector<2000x256xf32> to vector<2000x64xf32>
    %logistic3A_707 = arith.negf %slice3A_706 : vector<2000x64xf32>
    %logistic3A_708 = math.exp %logistic3A_707 : vector<2000x64xf32>
    %logistic3A_709 = arith.constant 1.000000e+00 : f32
    %logistic3A_710 = vector.broadcast %logistic3A_709 : f32 to vector<2000x64xf32>
    %logistic3A_711 = arith.addf %logistic3A_710, %logistic3A_708 : vector<2000x64xf32>
    %logistic3A_712 = arith.divf %logistic3A_710, %logistic3A_711 : vector<2000x64xf32>
    %mul3A_713 = arith.mulf %logistic3A_703, %add3A_648 : vector<2000x64xf32>
    %mul3A_714 = arith.mulf %logistic3A_696, %tanh3A_705 : vector<2000x64xf32>
    %add3A_715 = arith.addf %mul3A_713, %mul3A_714 : vector<2000x64xf32>
    %tanh3A_716 = math.tanh %add3A_715 : vector<2000x64xf32>
    %mul3A_717 = arith.mulf %logistic3A_712, %tanh3A_716 : vector<2000x64xf32>
    %concatenate3A_718 = tpu.concatenate %mul3A_717, %mul3A_683 in 1 : vector<2000x64xf32>, vector<2000x64xf32> -> vector<2000x128xf32>
    %dot_general3A_719 = arith.constant dense<0.000000e+00> : vector<2000x256xf32>
    %dot_general3A_720 = tpu.matmul %concatenate3A_718, %get3A_17, %dot_general3A_719 {dimension_numbers = #tpu.dot_dimension_numbers<[1], [0], [0], [1], [0, 0, 1, 1], [], []>, transpose_lhs_hint = false} : vector<2000x128xf32>, vector<128x256xf32>, vector<2000x256xf32> -> vector<2000x256xf32>
    %add3A_721 = vector.broadcast %get3A_20 : vector<1x256xf32> to vector<2000x256xf32>
    %add3A_722 = arith.addf %dot_general3A_720, %add3A_721 : vector<2000x256xf32>
    %slice3A_723 = vector.extract_strided_slice %add3A_722 {offsets = [0, 0], sizes = [2000, 64], strides = [1, 1]} : vector<2000x256xf32> to vector<2000x64xf32>
    %logistic3A_724 = arith.negf %slice3A_723 : vector<2000x64xf32>
    %logistic3A_725 = math.exp %logistic3A_724 : vector<2000x64xf32>
    %logistic3A_726 = arith.constant 1.000000e+00 : f32
    %logistic3A_727 = vector.broadcast %logistic3A_726 : f32 to vector<2000x64xf32>
    %logistic3A_728 = arith.addf %logistic3A_727, %logistic3A_725 : vector<2000x64xf32>
    %logistic3A_729 = arith.divf %logistic3A_727, %logistic3A_728 : vector<2000x64xf32>
    %slice3A_730 = vector.extract_strided_slice %add3A_722 {offsets = [0, 64], sizes = [2000, 64], strides = [1, 1]} : vector<2000x256xf32> to vector<2000x64xf32>
    %logistic3A_731 = arith.negf %slice3A_730 : vector<2000x64xf32>
    %logistic3A_732 = math.exp %logistic3A_731 : vector<2000x64xf32>
    %logistic3A_733 = arith.constant 1.000000e+00 : f32
    %logistic3A_734 = vector.broadcast %logistic3A_733 : f32 to vector<2000x64xf32>
    %logistic3A_735 = arith.addf %logistic3A_734, %logistic3A_732 : vector<2000x64xf32>
    %logistic3A_736 = arith.divf %logistic3A_734, %logistic3A_735 : vector<2000x64xf32>
    %slice3A_737 = vector.extract_strided_slice %add3A_722 {offsets = [0, 128], sizes = [2000, 64], strides = [1, 1]} : vector<2000x256xf32> to vector<2000x64xf32>
    %tanh3A_738 = math.tanh %slice3A_737 : vector<2000x64xf32>
    %slice3A_739 = vector.extract_strided_slice %add3A_722 {offsets = [0, 192], sizes = [2000, 64], strides = [1, 1]} : vector<2000x256xf32> to vector<2000x64xf32>
    %logistic3A_740 = arith.negf %slice3A_739 : vector<2000x64xf32>
    %logistic3A_741 = math.exp %logistic3A_740 : vector<2000x64xf32>
    %logistic3A_742 = arith.constant 1.000000e+00 : f32
    %logistic3A_743 = vector.broadcast %logistic3A_742 : f32 to vector<2000x64xf32>
    %logistic3A_744 = arith.addf %logistic3A_743, %logistic3A_741 : vector<2000x64xf32>
    %logistic3A_745 = arith.divf %logistic3A_743, %logistic3A_744 : vector<2000x64xf32>
    %mul3A_746 = arith.mulf %logistic3A_736, %add3A_681 : vector<2000x64xf32>
    %mul3A_747 = arith.mulf %logistic3A_729, %tanh3A_738 : vector<2000x64xf32>
    %add3A_748 = arith.addf %mul3A_746, %mul3A_747 : vector<2000x64xf32>
    %tanh3A_749 = math.tanh %add3A_748 : vector<2000x64xf32>
    %mul3A_750 = arith.mulf %logistic3A_745, %tanh3A_749 : vector<2000x64xf32>
    %slice3A_751 = vector.extract_strided_slice %get3A_1 {offsets = [0, 176], sizes = [2000, 16], strides = [1, 1]} : vector<2000x192xf32> to vector<2000x16xf32>
    %concatenate3A_752 = tpu.concatenate %slice3A_751, %mul3A_717 in 1 : vector<2000x16xf32>, vector<2000x64xf32> -> vector<2000x80xf32>
    %dot_general3A_753 = arith.constant dense<0.000000e+00> : vector<2000x256xf32>
    %dot_general3A_754 = tpu.matmul %concatenate3A_752, %get3A_11, %dot_general3A_753 {dimension_numbers = #tpu.dot_dimension_numbers<[1], [0], [0], [1], [0, 0, 1, 1], [], []>, transpose_lhs_hint = false} : vector<2000x80xf32>, vector<80x256xf32>, vector<2000x256xf32> -> vector<2000x256xf32>
    %add3A_755 = vector.broadcast %get3A_14 : vector<1x256xf32> to vector<2000x256xf32>
    %add3A_756 = arith.addf %dot_general3A_754, %add3A_755 : vector<2000x256xf32>
    %slice3A_757 = vector.extract_strided_slice %add3A_756 {offsets = [0, 0], sizes = [2000, 64], strides = [1, 1]} : vector<2000x256xf32> to vector<2000x64xf32>
    %logistic3A_758 = arith.negf %slice3A_757 : vector<2000x64xf32>
    %logistic3A_759 = math.exp %logistic3A_758 : vector<2000x64xf32>
    %logistic3A_760 = arith.constant 1.000000e+00 : f32
    %logistic3A_761 = vector.broadcast %logistic3A_760 : f32 to vector<2000x64xf32>
    %logistic3A_762 = arith.addf %logistic3A_761, %logistic3A_759 : vector<2000x64xf32>
    %logistic3A_763 = arith.divf %logistic3A_761, %logistic3A_762 : vector<2000x64xf32>
    %slice3A_764 = vector.extract_strided_slice %add3A_756 {offsets = [0, 64], sizes = [2000, 64], strides = [1, 1]} : vector<2000x256xf32> to vector<2000x64xf32>
    %logistic3A_765 = arith.negf %slice3A_764 : vector<2000x64xf32>
    %logistic3A_766 = math.exp %logistic3A_765 : vector<2000x64xf32>
    %logistic3A_767 = arith.constant 1.000000e+00 : f32
    %logistic3A_768 = vector.broadcast %logistic3A_767 : f32 to vector<2000x64xf32>
    %logistic3A_769 = arith.addf %logistic3A_768, %logistic3A_766 : vector<2000x64xf32>
    %logistic3A_770 = arith.divf %logistic3A_768, %logistic3A_769 : vector<2000x64xf32>
    %slice3A_771 = vector.extract_strided_slice %add3A_756 {offsets = [0, 128], sizes = [2000, 64], strides = [1, 1]} : vector<2000x256xf32> to vector<2000x64xf32>
    %tanh3A_772 = math.tanh %slice3A_771 : vector<2000x64xf32>
    %slice3A_773 = vector.extract_strided_slice %add3A_756 {offsets = [0, 192], sizes = [2000, 64], strides = [1, 1]} : vector<2000x256xf32> to vector<2000x64xf32>
    %logistic3A_774 = arith.negf %slice3A_773 : vector<2000x64xf32>
    %logistic3A_775 = math.exp %logistic3A_774 : vector<2000x64xf32>
    %logistic3A_776 = arith.constant 1.000000e+00 : f32
    %logistic3A_777 = vector.broadcast %logistic3A_776 : f32 to vector<2000x64xf32>
    %logistic3A_778 = arith.addf %logistic3A_777, %logistic3A_775 : vector<2000x64xf32>
    %logistic3A_779 = arith.divf %logistic3A_777, %logistic3A_778 : vector<2000x64xf32>
    %mul3A_780 = arith.mulf %logistic3A_770, %add3A_715 : vector<2000x64xf32>
    %mul3A_781 = arith.mulf %logistic3A_763, %tanh3A_772 : vector<2000x64xf32>
    %add3A_782 = arith.addf %mul3A_780, %mul3A_781 : vector<2000x64xf32>
    %tanh3A_783 = math.tanh %add3A_782 : vector<2000x64xf32>
    %mul3A_784 = arith.mulf %logistic3A_779, %tanh3A_783 : vector<2000x64xf32>
    %concatenate3A_785 = tpu.concatenate %mul3A_784, %mul3A_750 in 1 : vector<2000x64xf32>, vector<2000x64xf32> -> vector<2000x128xf32>
    %dot_general3A_786 = arith.constant dense<0.000000e+00> : vector<2000x256xf32>
    %dot_general3A_787 = tpu.matmul %concatenate3A_785, %get3A_17, %dot_general3A_786 {dimension_numbers = #tpu.dot_dimension_numbers<[1], [0], [0], [1], [0, 0, 1, 1], [], []>, transpose_lhs_hint = false} : vector<2000x128xf32>, vector<128x256xf32>, vector<2000x256xf32> -> vector<2000x256xf32>
    %add3A_788 = vector.broadcast %get3A_20 : vector<1x256xf32> to vector<2000x256xf32>
    %add3A_789 = arith.addf %dot_general3A_787, %add3A_788 : vector<2000x256xf32>
    %slice3A_790 = vector.extract_strided_slice %add3A_789 {offsets = [0, 0], sizes = [2000, 64], strides = [1, 1]} : vector<2000x256xf32> to vector<2000x64xf32>
    %logistic3A_791 = arith.negf %slice3A_790 : vector<2000x64xf32>
    %logistic3A_792 = math.exp %logistic3A_791 : vector<2000x64xf32>
    %logistic3A_793 = arith.constant 1.000000e+00 : f32
    %logistic3A_794 = vector.broadcast %logistic3A_793 : f32 to vector<2000x64xf32>
    %logistic3A_795 = arith.addf %logistic3A_794, %logistic3A_792 : vector<2000x64xf32>
    %logistic3A_796 = arith.divf %logistic3A_794, %logistic3A_795 : vector<2000x64xf32>
    %slice3A_797 = vector.extract_strided_slice %add3A_789 {offsets = [0, 64], sizes = [2000, 64], strides = [1, 1]} : vector<2000x256xf32> to vector<2000x64xf32>
    %logistic3A_798 = arith.negf %slice3A_797 : vector<2000x64xf32>
    %logistic3A_799 = math.exp %logistic3A_798 : vector<2000x64xf32>
    %logistic3A_800 = arith.constant 1.000000e+00 : f32
    %logistic3A_801 = vector.broadcast %logistic3A_800 : f32 to vector<2000x64xf32>
    %logistic3A_802 = arith.addf %logistic3A_801, %logistic3A_799 : vector<2000x64xf32>
    %logistic3A_803 = arith.divf %logistic3A_801, %logistic3A_802 : vector<2000x64xf32>
    %slice3A_804 = vector.extract_strided_slice %add3A_789 {offsets = [0, 128], sizes = [2000, 64], strides = [1, 1]} : vector<2000x256xf32> to vector<2000x64xf32>
    %tanh3A_805 = math.tanh %slice3A_804 : vector<2000x64xf32>
    %slice3A_806 = vector.extract_strided_slice %add3A_789 {offsets = [0, 192], sizes = [2000, 64], strides = [1, 1]} : vector<2000x256xf32> to vector<2000x64xf32>
    %logistic3A_807 = arith.negf %slice3A_806 : vector<2000x64xf32>
    %logistic3A_808 = math.exp %logistic3A_807 : vector<2000x64xf32>
    %logistic3A_809 = arith.constant 1.000000e+00 : f32
    %logistic3A_810 = vector.broadcast %logistic3A_809 : f32 to vector<2000x64xf32>
    %logistic3A_811 = arith.addf %logistic3A_810, %logistic3A_808 : vector<2000x64xf32>
    %logistic3A_812 = arith.divf %logistic3A_810, %logistic3A_811 : vector<2000x64xf32>
    %mul3A_813 = arith.mulf %logistic3A_803, %add3A_748 : vector<2000x64xf32>
    %mul3A_814 = arith.mulf %logistic3A_796, %tanh3A_805 : vector<2000x64xf32>
    %add3A_815 = arith.addf %mul3A_813, %mul3A_814 : vector<2000x64xf32>
    %tanh3A_816 = math.tanh %add3A_815 : vector<2000x64xf32>
    %mul3A_817 = arith.mulf %logistic3A_812, %tanh3A_816 : vector<2000x64xf32>
    %get3A_818 = arith.constant 0 : index
    %get3A_819 = arith.constant 0 : index
    %get3A_820 = vector.load %arg6[%get3A_818, %get3A_819] : memref<64x64xf32, #tpu.memory_space<vmem>>, vector<64x64xf32>
    %dot_general3A_821 = arith.constant dense<0.000000e+00> : vector<2000x64xf32>
    %dot_general3A_822 = tpu.matmul %mul3A_817, %get3A_820, %dot_general3A_821 {dimension_numbers = #tpu.dot_dimension_numbers<[1], [0], [0], [1], [0, 0, 1, 1], [], []>, transpose_lhs_hint = false} : vector<2000x64xf32>, vector<64x64xf32>, vector<2000x64xf32> -> vector<2000x64xf32>
    %get3A_823 = arith.constant 0 : index
    %get3A_824 = arith.constant 0 : index
    %get3A_825 = vector.load %arg7[%get3A_823, %get3A_824] : memref<1x64xf32, #tpu.memory_space<vmem>>, vector<1x64xf32>
    %add3A_826 = vector.broadcast %get3A_825 : vector<1x64xf32> to vector<2000x64xf32>
    %add3A_827 = arith.addf %dot_general3A_822, %add3A_826 : vector<2000x64xf32>
    %max3A = arith.constant 0.000000e+00 : f32
    %max3A_828 = vector.broadcast %max3A : f32 to vector<2000x64xf32>
    %max3A_829 = arith.maximumf %add3A_827, %max3A_828 : vector<2000x64xf32>
    %get3A_830 = arith.constant 0 : index
    %get3A_831 = arith.constant 0 : index
    %get3A_832 = vector.load %arg8[%get3A_830, %get3A_831] : memref<64x64xf32, #tpu.memory_space<vmem>>, vector<64x64xf32>
    %dot_general3A_833 = arith.constant dense<0.000000e+00> : vector<2000x64xf32>
    %dot_general3A_834 = tpu.matmul %max3A_829, %get3A_832, %dot_general3A_833 {dimension_numbers = #tpu.dot_dimension_numbers<[1], [0], [0], [1], [0, 0, 1, 1], [], []>, transpose_lhs_hint = false} : vector<2000x64xf32>, vector<64x64xf32>, vector<2000x64xf32> -> vector<2000x64xf32>
    %get3A_835 = arith.constant 0 : index
    %get3A_836 = arith.constant 0 : index
    %get3A_837 = vector.load %arg9[%get3A_835, %get3A_836] : memref<1x64xf32, #tpu.memory_space<vmem>>, vector<1x64xf32>
    %add3A_838 = vector.broadcast %get3A_837 : vector<1x64xf32> to vector<2000x64xf32>
    %add3A_839 = arith.addf %dot_general3A_834, %add3A_838 : vector<2000x64xf32>
    %max3A_840 = arith.constant 0.000000e+00 : f32
    %max3A_841 = vector.broadcast %max3A_840 : f32 to vector<2000x64xf32>
    %max3A_842 = arith.maximumf %add3A_839, %max3A_841 : vector<2000x64xf32>
    %swap3A = arith.constant 0 : index
    %swap3A_843 = arith.constant 0 : index
    %swap3A_844 = vector.load %arg11[%swap3A, %swap3A_843] : memref<2000x64xf32, #tpu.memory_space<vmem>>, vector<2000x64xf32>
    tpu.vector_store %arg11[%swap3A, %swap3A_843], %max3A_842 {strides = array<i32>} : memref<2000x64xf32, #tpu.memory_space<vmem>>, vector<2000x64xf32>,
    %get3A_845 = arith.constant 0 : index
    %get3A_846 = arith.constant 0 : index
    %get3A_847 = vector.load %arg10[%get3A_845, %get3A_846] : memref<64x64xf32, #tpu.memory_space<vmem>>, vector<64x64xf32>
    %dot_general3A_848 = arith.constant dense<0.000000e+00> : vector<2000x64xf32>
    %dot_general3A_849 = tpu.matmul %max3A_842, %get3A_847, %dot_general3A_848 {dimension_numbers = #tpu.dot_dimension_numbers<[1], [0], [0], [1], [0, 0, 1, 1], [], []>, transpose_lhs_hint = false} : vector<2000x64xf32>, vector<64x64xf32>, vector<2000x64xf32> -> vector<2000x64xf32>
    %slice3A_850 = vector.extract_strided_slice %dot_general3A_849 {offsets = [0, 0], sizes = [2000, 32], strides = [1, 1]} : vector<2000x64xf32> to vector<2000x32xf32>
    %swap3A_851 = arith.constant 0 : index
    %swap3A_852 = arith.constant 0 : index
    %swap3A_853 = arith.constant 0 : index
    %swap3A_854 = vector.load %arg12[%swap3A_851, %swap3A_852, %swap3A_853] : memref<2x2000x32xf32, #tpu.memory_space<vmem>>, vector<1x2000x32xf32>
    %swap3A_855 = vector.shape_cast %swap3A_854 : vector<1x2000x32xf32> to vector<2000x32xf32>
    %swap3A_856 = vector.shape_cast %slice3A_850 : vector<2000x32xf32> to vector<1x2000x32xf32>
    tpu.vector_store %arg12[%swap3A_851, %swap3A_852, %swap3A_853], %swap3A_856 {strides = array<i32>} : memref<2x2000x32xf32, #tpu.memory_space<vmem>>, vector<1x2000x32xf32>,
    %slice3A_857 = vector.extract_strided_slice %dot_general3A_849 {offsets = [0, 32], sizes = [2000, 32], strides = [1, 1]} : vector<2000x64xf32> to vector<2000x32xf32>
    %swap3A_858 = arith.constant 1 : index
    %swap3A_859 = arith.constant 0 : index
    %swap3A_860 = arith.constant 0 : index
    %swap3A_861 = vector.load %arg12[%swap3A_858, %swap3A_859, %swap3A_860] : memref<2x2000x32xf32, #tpu.memory_space<vmem>>, vector<1x2000x32xf32>
    %swap3A_862 = vector.shape_cast %swap3A_861 : vector<1x2000x32xf32> to vector<2000x32xf32>
    %swap3A_863 = vector.shape_cast %slice3A_857 : vector<2000x32xf32> to vector<1x2000x32xf32>
    tpu.vector_store %arg12[%swap3A_858, %swap3A_859, %swap3A_860], %swap3A_863 {strides = array<i32>} : memref<2x2000x32xf32, #tpu.memory_space<vmem>>, vector<1x2000x32xf32>,
    return
  }
  func.func @transform_0(%arg0: i32) -> (i32, i32) {
    %c0_i32 = arith.constant 0 : i32
    %c0_i32_0 = arith.constant 0 : i32
    return %arg0, %c0_i32 : i32, i32
  }
  func.func @transform_1(%arg0: i32) -> (i32, i32) {
    %c0_i32 = arith.constant 0 : i32
    %c0_i32_0 = arith.constant 0 : i32
    %c0_i32_1 = arith.constant 0 : i32
    return %c0_i32, %c0_i32_0 : i32, i32
  }
  func.func @transform_2(%arg0: i32) -> (i32, i32) {
    %c0_i32 = arith.constant 0 : i32
    %c0_i32_0 = arith.constant 0 : i32
    %c0_i32_1 = arith.constant 0 : i32
    return %c0_i32, %c0_i32_0 : i32, i32
  }
  func.func @transform_3(%arg0: i32) -> (i32, i32) {
    %c0_i32 = arith.constant 0 : i32
    %c0_i32_0 = arith.constant 0 : i32
    %c0_i32_1 = arith.constant 0 : i32
    return %c0_i32, %c0_i32_0 : i32, i32
  }
  func.func @transform_4(%arg0: i32) -> (i32, i32) {
    %c0_i32 = arith.constant 0 : i32
    %c0_i32_0 = arith.constant 0 : i32
    %c0_i32_1 = arith.constant 0 : i32
    return %c0_i32, %c0_i32_0 : i32, i32
  }
  func.func @transform_5(%arg0: i32) -> (i32, i32) {
    %c0_i32 = arith.constant 0 : i32
    %c0_i32_0 = arith.constant 0 : i32
    %c0_i32_1 = arith.constant 0 : i32
    return %c0_i32, %c0_i32_0 : i32, i32
  }
  func.func @transform_6(%arg0: i32) -> (i32, i32) {
    %c0_i32 = arith.constant 0 : i32
    %c0_i32_0 = arith.constant 0 : i32
    %c0_i32_1 = arith.constant 0 : i32
    return %c0_i32, %c0_i32_0 : i32, i32
  }
  func.func @transform_7(%arg0: i32) -> (i32, i32) {
    %c0_i32 = arith.constant 0 : i32
    %c0_i32_0 = arith.constant 0 : i32
    %c0_i32_1 = arith.constant 0 : i32
    return %c0_i32, %c0_i32_0 : i32, i32
  }
  func.func @transform_8(%arg0: i32) -> (i32, i32) {
    %c0_i32 = arith.constant 0 : i32
    %c0_i32_0 = arith.constant 0 : i32
    %c0_i32_1 = arith.constant 0 : i32
    return %c0_i32, %c0_i32_0 : i32, i32
  }
  func.func @transform_9(%arg0: i32) -> (i32, i32) {
    %c0_i32 = arith.constant 0 : i32
    %c0_i32_0 = arith.constant 0 : i32
    %c0_i32_1 = arith.constant 0 : i32
    return %c0_i32, %c0_i32_0 : i32, i32
  }
  func.func @transform_10(%arg0: i32) -> (i32, i32) {
    %c0_i32 = arith.constant 0 : i32
    %c0_i32_0 = arith.constant 0 : i32
    return %arg0, %c0_i32 : i32, i32
  }
  func.func @transform_11(%arg0: i32) -> (i32, i32, i32) {
    %c0_i32 = arith.constant 0 : i32
    %c0_i32_0 = arith.constant 0 : i32
    %c0_i32_1 = arith.constant 0 : i32
    return %c0_i32, %arg0, %c0_i32_0 : i32, i32, i32
  }
}

module attributes {stable_mosaic.version = 14 : i64} {
  func.func @_edge_body(%arg0: i32, %arg1: memref<8x3200xf32, #tpu.memory_space<vmem>>, %arg2: memref<64x8xf32, #tpu.memory_space<vmem>>, %arg3: memref<64x1xf32, #tpu.memory_space<vmem>>, %arg4: memref<64x64xf32, #tpu.memory_space<vmem>>, %arg5: memref<1x64xf32, #tpu.memory_space<vmem>>, %arg6: memref<64x64xf32, #tpu.memory_space<vmem>>, %arg7: memref<1x64xf32, #tpu.memory_space<vmem>>, %arg8: memref<3200x128xf32, #tpu.memory_space<vmem>>) attributes {dimension_semantics = [#tpu.dimension_semantics<arbitrary>], iteration_bounds = array<i64: 250>, scalar_prefetch = 0 : i64, scratch_operands = 0 : i64, tpu.core_type = #tpu.core_type<tc>, window_params = [{transform_indices = @transform_0, window_bounds = array<i64: 8, 3200>}, {pipeline_mode = #tpu.pipeline_mode<synchronous>, transform_indices = @transform_1, window_bounds = array<i64: 64, 8>}, {pipeline_mode = #tpu.pipeline_mode<synchronous>, transform_indices = @transform_2, window_bounds = array<i64: 64, 1>}, {pipeline_mode = #tpu.pipeline_mode<synchronous>, transform_indices = @transform_3, window_bounds = array<i64: 64, 64>}, {pipeline_mode = #tpu.pipeline_mode<synchronous>, transform_indices = @transform_4, window_bounds = array<i64: 1, 64>}, {pipeline_mode = #tpu.pipeline_mode<synchronous>, transform_indices = @transform_5, window_bounds = array<i64: 64, 64>}, {pipeline_mode = #tpu.pipeline_mode<synchronous>, transform_indices = @transform_6, window_bounds = array<i64: 1, 64>}, {transform_indices = @transform_7, window_bounds = array<i64: 3200, 128>}]} {
    %get3A = arith.constant 0 : index
    %get3A_0 = arith.constant 0 : index
    %get3A_1 = vector.load %arg2[%get3A, %get3A_0] : memref<64x8xf32, #tpu.memory_space<vmem>>, vector<64x8xf32>
    %get3A_2 = arith.constant 0 : index
    %get3A_3 = arith.constant 0 : index
    %get3A_4 = vector.load %arg1[%get3A_2, %get3A_3] : memref<8x3200xf32, #tpu.memory_space<vmem>>, vector<8x3200xf32>
    %dot_general3A = arith.constant dense<0.000000e+00> : vector<64x3200xf32>
    %dot_general3A_5 = tpu.matmul %get3A_1, %get3A_4, %dot_general3A {dimension_numbers = #tpu.dot_dimension_numbers<[1], [0], [0], [1], [0, 0, 1, 1], [], []>, transpose_lhs_hint = false} : vector<64x8xf32>, vector<8x3200xf32>, vector<64x3200xf32> -> vector<64x3200xf32>
    %get3A_6 = arith.constant 0 : index
    %get3A_7 = arith.constant 0 : index
    %get3A_8 = vector.load %arg3[%get3A_6, %get3A_7] : memref<64x1xf32, #tpu.memory_space<vmem>>, vector<64x1xf32>
    %add3A = vector.broadcast %get3A_8 : vector<64x1xf32> to vector<64x3200xf32>
    %add3A_9 = arith.addf %dot_general3A_5, %add3A : vector<64x3200xf32>
    %max3A = arith.constant 0.000000e+00 : f32
    %max3A_10 = vector.broadcast %max3A : f32 to vector<64x3200xf32>
    %max3A_11 = arith.maximumf %add3A_9, %max3A_10 : vector<64x3200xf32>
    %get3A_12 = arith.constant 0 : index
    %get3A_13 = arith.constant 0 : index
    %get3A_14 = vector.load %arg4[%get3A_12, %get3A_13] : memref<64x64xf32, #tpu.memory_space<vmem>>, vector<64x64xf32>
    %dot_general3A_15 = arith.constant dense<0.000000e+00> : vector<3200x64xf32>
    %dot_general3A_16 = tpu.matmul %max3A_11, %get3A_14, %dot_general3A_15 {dimension_numbers = #tpu.dot_dimension_numbers<[0], [0], [1], [1], [0, 1, 1, 1], [], []>, transpose_lhs_hint = false} : vector<64x3200xf32>, vector<64x64xf32>, vector<3200x64xf32> -> vector<3200x64xf32>
    %get3A_17 = arith.constant 0 : index
    %get3A_18 = arith.constant 0 : index
    %get3A_19 = vector.load %arg5[%get3A_17, %get3A_18] : memref<1x64xf32, #tpu.memory_space<vmem>>, vector<1x64xf32>
    %add3A_20 = vector.broadcast %get3A_19 : vector<1x64xf32> to vector<3200x64xf32>
    %add3A_21 = arith.addf %dot_general3A_16, %add3A_20 : vector<3200x64xf32>
    %get3A_22 = arith.constant 0 : index
    %get3A_23 = arith.constant 0 : index
    %get3A_24 = vector.load %arg6[%get3A_22, %get3A_23] : memref<64x64xf32, #tpu.memory_space<vmem>>, vector<64x64xf32>
    %dot_general3A_25 = arith.constant dense<0.000000e+00> : vector<3200x64xf32>
    %dot_general3A_26 = tpu.matmul %max3A_11, %get3A_24, %dot_general3A_25 {dimension_numbers = #tpu.dot_dimension_numbers<[0], [0], [1], [1], [0, 1, 1, 1], [], []>, transpose_lhs_hint = false} : vector<64x3200xf32>, vector<64x64xf32>, vector<3200x64xf32> -> vector<3200x64xf32>
    %get3A_27 = arith.constant 0 : index
    %get3A_28 = arith.constant 0 : index
    %get3A_29 = vector.load %arg7[%get3A_27, %get3A_28] : memref<1x64xf32, #tpu.memory_space<vmem>>, vector<1x64xf32>
    %add3A_30 = vector.broadcast %get3A_29 : vector<1x64xf32> to vector<3200x64xf32>
    %add3A_31 = arith.addf %dot_general3A_26, %add3A_30 : vector<3200x64xf32>
    %swap3A = arith.constant 0 : index
    %swap3A_32 = arith.constant 0 : index
    %swap3A_33 = vector.load %arg8[%swap3A, %swap3A_32] : memref<3200x128xf32, #tpu.memory_space<vmem>>, vector<3200x64xf32>
    tpu.vector_store %arg8[%swap3A, %swap3A_32], %add3A_21 {strides = array<i32>} : memref<3200x128xf32, #tpu.memory_space<vmem>>, vector<3200x64xf32>,
    %swap3A_34 = arith.constant 0 : index
    %swap3A_35 = arith.constant 64 : index
    %swap3A_36 = vector.load %arg8[%swap3A_34, %swap3A_35] : memref<3200x128xf32, #tpu.memory_space<vmem>>, vector<3200x64xf32>
    tpu.vector_store %arg8[%swap3A_34, %swap3A_35], %add3A_31 {strides = array<i32>} : memref<3200x128xf32, #tpu.memory_space<vmem>>, vector<3200x64xf32>,
    return
  }
  func.func @transform_0(%arg0: i32) -> (i32, i32) {
    %c0_i32 = arith.constant 0 : i32
    %c0_i32_0 = arith.constant 0 : i32
    return %c0_i32, %arg0 : i32, i32
  }
  func.func @transform_1(%arg0: i32) -> (i32, i32) {
    %c0_i32 = arith.constant 0 : i32
    %c0_i32_0 = arith.constant 0 : i32
    %c0_i32_1 = arith.constant 0 : i32
    return %c0_i32, %c0_i32_0 : i32, i32
  }
  func.func @transform_2(%arg0: i32) -> (i32, i32) {
    %c0_i32 = arith.constant 0 : i32
    %c0_i32_0 = arith.constant 0 : i32
    %c0_i32_1 = arith.constant 0 : i32
    return %c0_i32, %c0_i32_0 : i32, i32
  }
  func.func @transform_3(%arg0: i32) -> (i32, i32) {
    %c0_i32 = arith.constant 0 : i32
    %c0_i32_0 = arith.constant 0 : i32
    %c0_i32_1 = arith.constant 0 : i32
    return %c0_i32, %c0_i32_0 : i32, i32
  }
  func.func @transform_4(%arg0: i32) -> (i32, i32) {
    %c0_i32 = arith.constant 0 : i32
    %c0_i32_0 = arith.constant 0 : i32
    %c0_i32_1 = arith.constant 0 : i32
    return %c0_i32, %c0_i32_0 : i32, i32
  }
  func.func @transform_5(%arg0: i32) -> (i32, i32) {
    %c0_i32 = arith.constant 0 : i32
    %c0_i32_0 = arith.constant 0 : i32
    %c0_i32_1 = arith.constant 0 : i32
    return %c0_i32, %c0_i32_0 : i32, i32
  }
  func.func @transform_6(%arg0: i32) -> (i32, i32) {
    %c0_i32 = arith.constant 0 : i32
    %c0_i32_0 = arith.constant 0 : i32
    %c0_i32_1 = arith.constant 0 : i32
    return %c0_i32, %c0_i32_0 : i32, i32
  }
  func.func @transform_7(%arg0: i32) -> (i32, i32) {
    %c0_i32 = arith.constant 0 : i32
    %c0_i32_0 = arith.constant 0 : i32
    return %arg0, %c0_i32 : i32, i32
  }
}

module attributes {stable_mosaic.version = 14 : i64} {
  func.func @_update_body(%arg0: i32, %arg1: memref<2000x64xf32, #tpu.memory_space<vmem>>, %arg2: memref<2000x32xf32, #tpu.memory_space<vmem>>, %arg3: memref<2000x32xf32, #tpu.memory_space<vmem>>, %arg4: memref<2000x8xf32, #tpu.memory_space<vmem>>, %arg5: memref<2000x8xf32, #tpu.memory_space<vmem>>, %arg6: memref<64x64xf32, #tpu.memory_space<vmem>>, %arg7: memref<1x64xf32, #tpu.memory_space<vmem>>, %arg8: memref<64x64xf32, #tpu.memory_space<vmem>>, %arg9: memref<64x64xf32, #tpu.memory_space<vmem>>, %arg10: memref<1x64xf32, #tpu.memory_space<vmem>>, %arg11: memref<64x64xf32, #tpu.memory_space<vmem>>, %arg12: memref<1x64xf32, #tpu.memory_space<vmem>>, %arg13: memref<64x64xf32, #tpu.memory_space<vmem>>, %arg14: memref<2000x64xf32, #tpu.memory_space<vmem>>, %arg15: memref<2x2000x32xf32, #tpu.memory_space<vmem>>) attributes {dimension_semantics = [#tpu.dimension_semantics<arbitrary>], iteration_bounds = array<i64: 25>, scalar_prefetch = 0 : i64, scratch_operands = 0 : i64, tpu.core_type = #tpu.core_type<tc>, window_params = [{transform_indices = @transform_0, window_bounds = array<i64: 2000, 64>}, {transform_indices = @transform_1, window_bounds = array<i64: 2000, 32>}, {transform_indices = @transform_2, window_bounds = array<i64: 2000, 32>}, {transform_indices = @transform_3, window_bounds = array<i64: 2000, 8>}, {transform_indices = @transform_4, window_bounds = array<i64: 2000, 8>}, {pipeline_mode = #tpu.pipeline_mode<synchronous>, transform_indices = @transform_5, window_bounds = array<i64: 64, 64>}, {pipeline_mode = #tpu.pipeline_mode<synchronous>, transform_indices = @transform_6, window_bounds = array<i64: 1, 64>}, {pipeline_mode = #tpu.pipeline_mode<synchronous>, transform_indices = @transform_7, window_bounds = array<i64: 64, 64>}, {pipeline_mode = #tpu.pipeline_mode<synchronous>, transform_indices = @transform_8, window_bounds = array<i64: 64, 64>}, {pipeline_mode = #tpu.pipeline_mode<synchronous>, transform_indices = @transform_9, window_bounds = array<i64: 1, 64>}, {pipeline_mode = #tpu.pipeline_mode<synchronous>, transform_indices = @transform_10, window_bounds = array<i64: 64, 64>}, {pipeline_mode = #tpu.pipeline_mode<synchronous>, transform_indices = @transform_11, window_bounds = array<i64: 1, 64>}, {pipeline_mode = #tpu.pipeline_mode<synchronous>, transform_indices = @transform_12, window_bounds = array<i64: 64, 64>}, {transform_indices = @transform_13, window_bounds = array<i64: 2000, 64>}, {transform_indices = @transform_14, window_bounds = array<i64: 2, 2000, 32>}]} {
    %get3A = arith.constant 0 : index
    %get3A_0 = arith.constant 0 : index
    %get3A_1 = vector.load %arg1[%get3A, %get3A_0] : memref<2000x64xf32, #tpu.memory_space<vmem>>, vector<2000x64xf32>
    %get3A_2 = arith.constant 0 : index
    %get3A_3 = arith.constant 0 : index
    %get3A_4 = vector.load %arg4[%get3A_2, %get3A_3] : memref<2000x8xf32, #tpu.memory_space<vmem>>, vector<2000x8xf32>
    %get3A_5 = arith.constant 0 : index
    %get3A_6 = arith.constant 0 : index
    %get3A_7 = vector.load %arg5[%get3A_5, %get3A_6] : memref<2000x8xf32, #tpu.memory_space<vmem>>, vector<2000x8xf32>
    %add3A = arith.addf %get3A_4, %get3A_7 : vector<2000x8xf32>
    %slice3A = vector.extract_strided_slice %add3A {offsets = [0, 0], sizes = [2000, 1], strides = [1, 1]} : vector<2000x8xf32> to vector<2000x1xf32>
    %get3A_8 = arith.constant 0 : index
    %get3A_9 = arith.constant 0 : index
    %get3A_10 = vector.load %arg2[%get3A_8, %get3A_9] : memref<2000x32xf32, #tpu.memory_space<vmem>>, vector<2000x32xf32>
    %get3A_11 = arith.constant 0 : index
    %get3A_12 = arith.constant 0 : index
    %get3A_13 = vector.load %arg3[%get3A_11, %get3A_12] : memref<2000x32xf32, #tpu.memory_space<vmem>>, vector<2000x32xf32>
    %concatenate3A = tpu.concatenate %get3A_10, %get3A_13 in 1 : vector<2000x32xf32>, vector<2000x32xf32> -> vector<2000x64xf32>
    %max3A = arith.constant 1.000000e+00 : f32
    %max3A_14 = vector.broadcast %max3A : f32 to vector<2000x1xf32>
    %max3A_15 = arith.maximumf %slice3A, %max3A_14 : vector<2000x1xf32>
    %div3A = arith.constant 1.000000e+00 : f32
    %div3A_16 = vector.broadcast %div3A : f32 to vector<2000x1xf32>
    %div3A_17 = arith.divf %div3A_16, %max3A_15 : vector<2000x1xf32>
    %gt3A = arith.constant 0.000000e+00 : f32
    %gt3A_18 = vector.broadcast %gt3A : f32 to vector<2000x1xf32>
    %gt3A_19 = arith.cmpf ogt, %slice3A, %gt3A_18 : vector<2000x1xf32>
    %convert_element_type3A = arith.extui %gt3A_19 : vector<2000x1xi1> to vector<2000x1xi32>
    %convert_element_type3A_20 = arith.sitofp %convert_element_type3A : vector<2000x1xi32> to vector<2000x1xf32>
    %mul3A = vector.broadcast %div3A_17 : vector<2000x1xf32> to vector<2000x64xf32>
    %mul3A_21 = arith.mulf %concatenate3A, %mul3A : vector<2000x64xf32>
    %get3A_22 = arith.constant 0 : index
    %get3A_23 = arith.constant 0 : index
    %get3A_24 = vector.load %arg6[%get3A_22, %get3A_23] : memref<64x64xf32, #tpu.memory_space<vmem>>, vector<64x64xf32>
    %dot_general3A = arith.constant dense<0.000000e+00> : vector<2000x64xf32>
    %dot_general3A_25 = tpu.matmul %mul3A_21, %get3A_24, %dot_general3A {dimension_numbers = #tpu.dot_dimension_numbers<[1], [0], [0], [1], [0, 0, 1, 1], [], []>, transpose_lhs_hint = false} : vector<2000x64xf32>, vector<64x64xf32>, vector<2000x64xf32> -> vector<2000x64xf32>
    %get3A_26 = arith.constant 0 : index
    %get3A_27 = arith.constant 0 : index
    %get3A_28 = vector.load %arg7[%get3A_26, %get3A_27] : memref<1x64xf32, #tpu.memory_space<vmem>>, vector<1x64xf32>
    %mul3A_29 = vector.broadcast %get3A_28 : vector<1x64xf32> to vector<2000x64xf32>
    %mul3A_30 = vector.broadcast %convert_element_type3A_20 : vector<2000x1xf32> to vector<2000x64xf32>
    %mul3A_31 = arith.mulf %mul3A_29, %mul3A_30 : vector<2000x64xf32>
    %add3A_32 = arith.addf %dot_general3A_25, %mul3A_31 : vector<2000x64xf32>
    %get3A_33 = arith.constant 0 : index
    %get3A_34 = arith.constant 0 : index
    %get3A_35 = vector.load %arg8[%get3A_33, %get3A_34] : memref<64x64xf32, #tpu.memory_space<vmem>>, vector<64x64xf32>
    %dot_general3A_36 = arith.constant dense<0.000000e+00> : vector<2000x64xf32>
    %dot_general3A_37 = tpu.matmul %get3A_1, %get3A_35, %dot_general3A_36 {dimension_numbers = #tpu.dot_dimension_numbers<[1], [0], [0], [1], [0, 0, 1, 1], [], []>, transpose_lhs_hint = false} : vector<2000x64xf32>, vector<64x64xf32>, vector<2000x64xf32> -> vector<2000x64xf32>
    %get3A_38 = arith.constant 0 : index
    %get3A_39 = arith.constant 0 : index
    %get3A_40 = vector.load %arg9[%get3A_38, %get3A_39] : memref<64x64xf32, #tpu.memory_space<vmem>>, vector<64x64xf32>
    %dot_general3A_41 = arith.constant dense<0.000000e+00> : vector<2000x64xf32>
    %dot_general3A_42 = tpu.matmul %add3A_32, %get3A_40, %dot_general3A_41 {dimension_numbers = #tpu.dot_dimension_numbers<[1], [0], [0], [1], [0, 0, 1, 1], [], []>, transpose_lhs_hint = false} : vector<2000x64xf32>, vector<64x64xf32>, vector<2000x64xf32> -> vector<2000x64xf32>
    %add3A_43 = arith.addf %dot_general3A_37, %dot_general3A_42 : vector<2000x64xf32>
    %get3A_44 = arith.constant 0 : index
    %get3A_45 = arith.constant 0 : index
    %get3A_46 = vector.load %arg10[%get3A_44, %get3A_45] : memref<1x64xf32, #tpu.memory_space<vmem>>, vector<1x64xf32>
    %add3A_47 = vector.broadcast %get3A_46 : vector<1x64xf32> to vector<2000x64xf32>
    %add3A_48 = arith.addf %add3A_43, %add3A_47 : vector<2000x64xf32>
    %max3A_49 = arith.constant 0.000000e+00 : f32
    %max3A_50 = vector.broadcast %max3A_49 : f32 to vector<2000x64xf32>
    %max3A_51 = arith.maximumf %add3A_48, %max3A_50 : vector<2000x64xf32>
    %get3A_52 = arith.constant 0 : index
    %get3A_53 = arith.constant 0 : index
    %get3A_54 = vector.load %arg11[%get3A_52, %get3A_53] : memref<64x64xf32, #tpu.memory_space<vmem>>, vector<64x64xf32>
    %dot_general3A_55 = arith.constant dense<0.000000e+00> : vector<2000x64xf32>
    %dot_general3A_56 = tpu.matmul %max3A_51, %get3A_54, %dot_general3A_55 {dimension_numbers = #tpu.dot_dimension_numbers<[1], [0], [0], [1], [0, 0, 1, 1], [], []>, transpose_lhs_hint = false} : vector<2000x64xf32>, vector<64x64xf32>, vector<2000x64xf32> -> vector<2000x64xf32>
    %get3A_57 = arith.constant 0 : index
    %get3A_58 = arith.constant 0 : index
    %get3A_59 = vector.load %arg12[%get3A_57, %get3A_58] : memref<1x64xf32, #tpu.memory_space<vmem>>, vector<1x64xf32>
    %add3A_60 = vector.broadcast %get3A_59 : vector<1x64xf32> to vector<2000x64xf32>
    %add3A_61 = arith.addf %dot_general3A_56, %add3A_60 : vector<2000x64xf32>
    %add3A_62 = arith.addf %get3A_1, %add3A_61 : vector<2000x64xf32>
    %swap3A = arith.constant 0 : index
    %swap3A_63 = arith.constant 0 : index
    %swap3A_64 = vector.load %arg14[%swap3A, %swap3A_63] : memref<2000x64xf32, #tpu.memory_space<vmem>>, vector<2000x64xf32>
    tpu.vector_store %arg14[%swap3A, %swap3A_63], %add3A_62 {strides = array<i32>} : memref<2000x64xf32, #tpu.memory_space<vmem>>, vector<2000x64xf32>,
    %get3A_65 = arith.constant 0 : index
    %get3A_66 = arith.constant 0 : index
    %get3A_67 = vector.load %arg13[%get3A_65, %get3A_66] : memref<64x64xf32, #tpu.memory_space<vmem>>, vector<64x64xf32>
    %dot_general3A_68 = arith.constant dense<0.000000e+00> : vector<2000x64xf32>
    %dot_general3A_69 = tpu.matmul %add3A_62, %get3A_67, %dot_general3A_68 {dimension_numbers = #tpu.dot_dimension_numbers<[1], [0], [0], [1], [0, 0, 1, 1], [], []>, transpose_lhs_hint = false} : vector<2000x64xf32>, vector<64x64xf32>, vector<2000x64xf32> -> vector<2000x64xf32>
    %slice3A_70 = vector.extract_strided_slice %dot_general3A_69 {offsets = [0, 0], sizes = [2000, 32], strides = [1, 1]} : vector<2000x64xf32> to vector<2000x32xf32>
    %swap3A_71 = arith.constant 0 : index
    %swap3A_72 = arith.constant 0 : index
    %swap3A_73 = arith.constant 0 : index
    %swap3A_74 = vector.load %arg15[%swap3A_71, %swap3A_72, %swap3A_73] : memref<2x2000x32xf32, #tpu.memory_space<vmem>>, vector<1x2000x32xf32>
    %swap3A_75 = vector.shape_cast %swap3A_74 : vector<1x2000x32xf32> to vector<2000x32xf32>
    %swap3A_76 = vector.shape_cast %slice3A_70 : vector<2000x32xf32> to vector<1x2000x32xf32>
    tpu.vector_store %arg15[%swap3A_71, %swap3A_72, %swap3A_73], %swap3A_76 {strides = array<i32>} : memref<2x2000x32xf32, #tpu.memory_space<vmem>>, vector<1x2000x32xf32>,
    %slice3A_77 = vector.extract_strided_slice %dot_general3A_69 {offsets = [0, 32], sizes = [2000, 32], strides = [1, 1]} : vector<2000x64xf32> to vector<2000x32xf32>
    %swap3A_78 = arith.constant 1 : index
    %swap3A_79 = arith.constant 0 : index
    %swap3A_80 = arith.constant 0 : index
    %swap3A_81 = vector.load %arg15[%swap3A_78, %swap3A_79, %swap3A_80] : memref<2x2000x32xf32, #tpu.memory_space<vmem>>, vector<1x2000x32xf32>
    %swap3A_82 = vector.shape_cast %swap3A_81 : vector<1x2000x32xf32> to vector<2000x32xf32>
    %swap3A_83 = vector.shape_cast %slice3A_77 : vector<2000x32xf32> to vector<1x2000x32xf32>
    tpu.vector_store %arg15[%swap3A_78, %swap3A_79, %swap3A_80], %swap3A_83 {strides = array<i32>} : memref<2x2000x32xf32, #tpu.memory_space<vmem>>, vector<1x2000x32xf32>,
    return
  }
  func.func @transform_0(%arg0: i32) -> (i32, i32) {
    %c0_i32 = arith.constant 0 : i32
    %c0_i32_0 = arith.constant 0 : i32
    return %arg0, %c0_i32 : i32, i32
  }
  func.func @transform_1(%arg0: i32) -> (i32, i32) {
    %c0_i32 = arith.constant 0 : i32
    %c0_i32_0 = arith.constant 0 : i32
    return %arg0, %c0_i32 : i32, i32
  }
  func.func @transform_2(%arg0: i32) -> (i32, i32) {
    %add3A = arith.constant 25 : i32
    %add3A_0 = arith.addi %arg0, %add3A : i32
    %c0_i32 = arith.constant 0 : i32
    %c0_i32_1 = arith.constant 0 : i32
    return %add3A_0, %c0_i32 : i32, i32
  }
  func.func @transform_3(%arg0: i32) -> (i32, i32) {
    %c0_i32 = arith.constant 0 : i32
    %c0_i32_0 = arith.constant 0 : i32
    return %arg0, %c0_i32 : i32, i32
  }
  func.func @transform_4(%arg0: i32) -> (i32, i32) {
    %add3A = arith.constant 25 : i32
    %add3A_0 = arith.addi %arg0, %add3A : i32
    %c0_i32 = arith.constant 0 : i32
    %c0_i32_1 = arith.constant 0 : i32
    return %add3A_0, %c0_i32 : i32, i32
  }
  func.func @transform_5(%arg0: i32) -> (i32, i32) {
    %c0_i32 = arith.constant 0 : i32
    %c0_i32_0 = arith.constant 0 : i32
    %c0_i32_1 = arith.constant 0 : i32
    return %c0_i32, %c0_i32_0 : i32, i32
  }
  func.func @transform_6(%arg0: i32) -> (i32, i32) {
    %c0_i32 = arith.constant 0 : i32
    %c0_i32_0 = arith.constant 0 : i32
    %c0_i32_1 = arith.constant 0 : i32
    return %c0_i32, %c0_i32_0 : i32, i32
  }
  func.func @transform_7(%arg0: i32) -> (i32, i32) {
    %c0_i32 = arith.constant 0 : i32
    %c0_i32_0 = arith.constant 0 : i32
    %c0_i32_1 = arith.constant 0 : i32
    return %c0_i32, %c0_i32_0 : i32, i32
  }
  func.func @transform_8(%arg0: i32) -> (i32, i32) {
    %c0_i32 = arith.constant 0 : i32
    %c0_i32_0 = arith.constant 0 : i32
    %c0_i32_1 = arith.constant 0 : i32
    return %c0_i32, %c0_i32_0 : i32, i32
  }
  func.func @transform_9(%arg0: i32) -> (i32, i32) {
    %c0_i32 = arith.constant 0 : i32
    %c0_i32_0 = arith.constant 0 : i32
    %c0_i32_1 = arith.constant 0 : i32
    return %c0_i32, %c0_i32_0 : i32, i32
  }
  func.func @transform_10(%arg0: i32) -> (i32, i32) {
    %c0_i32 = arith.constant 0 : i32
    %c0_i32_0 = arith.constant 0 : i32
    %c0_i32_1 = arith.constant 0 : i32
    return %c0_i32, %c0_i32_0 : i32, i32
  }
  func.func @transform_11(%arg0: i32) -> (i32, i32) {
    %c0_i32 = arith.constant 0 : i32
    %c0_i32_0 = arith.constant 0 : i32
    %c0_i32_1 = arith.constant 0 : i32
    return %c0_i32, %c0_i32_0 : i32, i32
  }
  func.func @transform_12(%arg0: i32) -> (i32, i32) {
    %c0_i32 = arith.constant 0 : i32
    %c0_i32_0 = arith.constant 0 : i32
    %c0_i32_1 = arith.constant 0 : i32
    return %c0_i32, %c0_i32_0 : i32, i32
  }
  func.func @transform_13(%arg0: i32) -> (i32, i32) {
    %c0_i32 = arith.constant 0 : i32
    %c0_i32_0 = arith.constant 0 : i32
    return %arg0, %c0_i32 : i32, i32
  }
  func.func @transform_14(%arg0: i32) -> (i32, i32, i32) {
    %c0_i32 = arith.constant 0 : i32
    %c0_i32_0 = arith.constant 0 : i32
    %c0_i32_1 = arith.constant 0 : i32
    return %c0_i32, %arg0, %c0_i32_0 : i32, i32, i32
  }
}

module attributes {stable_mosaic.version = 14 : i64} {
  func.func @_update_dec_body(%arg0: i32, %arg1: memref<2000x64xf32, #tpu.memory_space<vmem>>, %arg2: memref<2000x32xf32, #tpu.memory_space<vmem>>, %arg3: memref<2000x32xf32, #tpu.memory_space<vmem>>, %arg4: memref<2000x8xf32, #tpu.memory_space<vmem>>, %arg5: memref<2000x8xf32, #tpu.memory_space<vmem>>, %arg6: memref<64x64xf32, #tpu.memory_space<vmem>>, %arg7: memref<1x64xf32, #tpu.memory_space<vmem>>, %arg8: memref<64x64xf32, #tpu.memory_space<vmem>>, %arg9: memref<64x64xf32, #tpu.memory_space<vmem>>, %arg10: memref<1x64xf32, #tpu.memory_space<vmem>>, %arg11: memref<64x64xf32, #tpu.memory_space<vmem>>, %arg12: memref<1x64xf32, #tpu.memory_space<vmem>>, %arg13: memref<64x64xf32, #tpu.memory_space<vmem>>, %arg14: memref<1x64xf32, #tpu.memory_space<vmem>>, %arg15: memref<64x1xf32, #tpu.memory_space<vmem>>, %arg16: memref<1x1xf32, #tpu.memory_space<vmem>>, %arg17: memref<2000x1xf32, #tpu.memory_space<vmem>>) attributes {dimension_semantics = [#tpu.dimension_semantics<arbitrary>], iteration_bounds = array<i64: 25>, scalar_prefetch = 0 : i64, scratch_operands = 0 : i64, tpu.core_type = #tpu.core_type<tc>, window_params = [{transform_indices = @transform_0, window_bounds = array<i64: 2000, 64>}, {transform_indices = @transform_1, window_bounds = array<i64: 2000, 32>}, {transform_indices = @transform_2, window_bounds = array<i64: 2000, 32>}, {transform_indices = @transform_3, window_bounds = array<i64: 2000, 8>}, {transform_indices = @transform_4, window_bounds = array<i64: 2000, 8>}, {pipeline_mode = #tpu.pipeline_mode<synchronous>, transform_indices = @transform_5, window_bounds = array<i64: 64, 64>}, {pipeline_mode = #tpu.pipeline_mode<synchronous>, transform_indices = @transform_6, window_bounds = array<i64: 1, 64>}, {pipeline_mode = #tpu.pipeline_mode<synchronous>, transform_indices = @transform_7, window_bounds = array<i64: 64, 64>}, {pipeline_mode = #tpu.pipeline_mode<synchronous>, transform_indices = @transform_8, window_bounds = array<i64: 64, 64>}, {pipeline_mode = #tpu.pipeline_mode<synchronous>, transform_indices = @transform_9, window_bounds = array<i64: 1, 64>}, {pipeline_mode = #tpu.pipeline_mode<synchronous>, transform_indices = @transform_10, window_bounds = array<i64: 64, 64>}, {pipeline_mode = #tpu.pipeline_mode<synchronous>, transform_indices = @transform_11, window_bounds = array<i64: 1, 64>}, {pipeline_mode = #tpu.pipeline_mode<synchronous>, transform_indices = @transform_12, window_bounds = array<i64: 64, 64>}, {pipeline_mode = #tpu.pipeline_mode<synchronous>, transform_indices = @transform_13, window_bounds = array<i64: 1, 64>}, {pipeline_mode = #tpu.pipeline_mode<synchronous>, transform_indices = @transform_14, window_bounds = array<i64: 64, 1>}, {pipeline_mode = #tpu.pipeline_mode<synchronous>, transform_indices = @transform_15, window_bounds = array<i64: 1, 1>}, {transform_indices = @transform_16, window_bounds = array<i64: 2000, 1>}]} {
    %get3A = arith.constant 0 : index
    %get3A_0 = arith.constant 0 : index
    %get3A_1 = vector.load %arg1[%get3A, %get3A_0] : memref<2000x64xf32, #tpu.memory_space<vmem>>, vector<2000x64xf32>
    %get3A_2 = arith.constant 0 : index
    %get3A_3 = arith.constant 0 : index
    %get3A_4 = vector.load %arg4[%get3A_2, %get3A_3] : memref<2000x8xf32, #tpu.memory_space<vmem>>, vector<2000x8xf32>
    %get3A_5 = arith.constant 0 : index
    %get3A_6 = arith.constant 0 : index
    %get3A_7 = vector.load %arg5[%get3A_5, %get3A_6] : memref<2000x8xf32, #tpu.memory_space<vmem>>, vector<2000x8xf32>
    %add3A = arith.addf %get3A_4, %get3A_7 : vector<2000x8xf32>
    %slice3A = vector.extract_strided_slice %add3A {offsets = [0, 0], sizes = [2000, 1], strides = [1, 1]} : vector<2000x8xf32> to vector<2000x1xf32>
    %get3A_8 = arith.constant 0 : index
    %get3A_9 = arith.constant 0 : index
    %get3A_10 = vector.load %arg2[%get3A_8, %get3A_9] : memref<2000x32xf32, #tpu.memory_space<vmem>>, vector<2000x32xf32>
    %get3A_11 = arith.constant 0 : index
    %get3A_12 = arith.constant 0 : index
    %get3A_13 = vector.load %arg3[%get3A_11, %get3A_12] : memref<2000x32xf32, #tpu.memory_space<vmem>>, vector<2000x32xf32>
    %concatenate3A = tpu.concatenate %get3A_10, %get3A_13 in 1 : vector<2000x32xf32>, vector<2000x32xf32> -> vector<2000x64xf32>
    %max3A = arith.constant 1.000000e+00 : f32
    %max3A_14 = vector.broadcast %max3A : f32 to vector<2000x1xf32>
    %max3A_15 = arith.maximumf %slice3A, %max3A_14 : vector<2000x1xf32>
    %div3A = arith.constant 1.000000e+00 : f32
    %div3A_16 = vector.broadcast %div3A : f32 to vector<2000x1xf32>
    %div3A_17 = arith.divf %div3A_16, %max3A_15 : vector<2000x1xf32>
    %gt3A = arith.constant 0.000000e+00 : f32
    %gt3A_18 = vector.broadcast %gt3A : f32 to vector<2000x1xf32>
    %gt3A_19 = arith.cmpf ogt, %slice3A, %gt3A_18 : vector<2000x1xf32>
    %convert_element_type3A = arith.extui %gt3A_19 : vector<2000x1xi1> to vector<2000x1xi32>
    %convert_element_type3A_20 = arith.sitofp %convert_element_type3A : vector<2000x1xi32> to vector<2000x1xf32>
    %mul3A = vector.broadcast %div3A_17 : vector<2000x1xf32> to vector<2000x64xf32>
    %mul3A_21 = arith.mulf %concatenate3A, %mul3A : vector<2000x64xf32>
    %get3A_22 = arith.constant 0 : index
    %get3A_23 = arith.constant 0 : index
    %get3A_24 = vector.load %arg6[%get3A_22, %get3A_23] : memref<64x64xf32, #tpu.memory_space<vmem>>, vector<64x64xf32>
    %dot_general3A = arith.constant dense<0.000000e+00> : vector<2000x64xf32>
    %dot_general3A_25 = tpu.matmul %mul3A_21, %get3A_24, %dot_general3A {dimension_numbers = #tpu.dot_dimension_numbers<[1], [0], [0], [1], [0, 0, 1, 1], [], []>, transpose_lhs_hint = false} : vector<2000x64xf32>, vector<64x64xf32>, vector<2000x64xf32> -> vector<2000x64xf32>
    %get3A_26 = arith.constant 0 : index
    %get3A_27 = arith.constant 0 : index
    %get3A_28 = vector.load %arg7[%get3A_26, %get3A_27] : memref<1x64xf32, #tpu.memory_space<vmem>>, vector<1x64xf32>
    %mul3A_29 = vector.broadcast %get3A_28 : vector<1x64xf32> to vector<2000x64xf32>
    %mul3A_30 = vector.broadcast %convert_element_type3A_20 : vector<2000x1xf32> to vector<2000x64xf32>
    %mul3A_31 = arith.mulf %mul3A_29, %mul3A_30 : vector<2000x64xf32>
    %add3A_32 = arith.addf %dot_general3A_25, %mul3A_31 : vector<2000x64xf32>
    %get3A_33 = arith.constant 0 : index
    %get3A_34 = arith.constant 0 : index
    %get3A_35 = vector.load %arg8[%get3A_33, %get3A_34] : memref<64x64xf32, #tpu.memory_space<vmem>>, vector<64x64xf32>
    %dot_general3A_36 = arith.constant dense<0.000000e+00> : vector<2000x64xf32>
    %dot_general3A_37 = tpu.matmul %get3A_1, %get3A_35, %dot_general3A_36 {dimension_numbers = #tpu.dot_dimension_numbers<[1], [0], [0], [1], [0, 0, 1, 1], [], []>, transpose_lhs_hint = false} : vector<2000x64xf32>, vector<64x64xf32>, vector<2000x64xf32> -> vector<2000x64xf32>
    %get3A_38 = arith.constant 0 : index
    %get3A_39 = arith.constant 0 : index
    %get3A_40 = vector.load %arg9[%get3A_38, %get3A_39] : memref<64x64xf32, #tpu.memory_space<vmem>>, vector<64x64xf32>
    %dot_general3A_41 = arith.constant dense<0.000000e+00> : vector<2000x64xf32>
    %dot_general3A_42 = tpu.matmul %add3A_32, %get3A_40, %dot_general3A_41 {dimension_numbers = #tpu.dot_dimension_numbers<[1], [0], [0], [1], [0, 0, 1, 1], [], []>, transpose_lhs_hint = false} : vector<2000x64xf32>, vector<64x64xf32>, vector<2000x64xf32> -> vector<2000x64xf32>
    %add3A_43 = arith.addf %dot_general3A_37, %dot_general3A_42 : vector<2000x64xf32>
    %get3A_44 = arith.constant 0 : index
    %get3A_45 = arith.constant 0 : index
    %get3A_46 = vector.load %arg10[%get3A_44, %get3A_45] : memref<1x64xf32, #tpu.memory_space<vmem>>, vector<1x64xf32>
    %add3A_47 = vector.broadcast %get3A_46 : vector<1x64xf32> to vector<2000x64xf32>
    %add3A_48 = arith.addf %add3A_43, %add3A_47 : vector<2000x64xf32>
    %max3A_49 = arith.constant 0.000000e+00 : f32
    %max3A_50 = vector.broadcast %max3A_49 : f32 to vector<2000x64xf32>
    %max3A_51 = arith.maximumf %add3A_48, %max3A_50 : vector<2000x64xf32>
    %get3A_52 = arith.constant 0 : index
    %get3A_53 = arith.constant 0 : index
    %get3A_54 = vector.load %arg11[%get3A_52, %get3A_53] : memref<64x64xf32, #tpu.memory_space<vmem>>, vector<64x64xf32>
    %dot_general3A_55 = arith.constant dense<0.000000e+00> : vector<2000x64xf32>
    %dot_general3A_56 = tpu.matmul %max3A_51, %get3A_54, %dot_general3A_55 {dimension_numbers = #tpu.dot_dimension_numbers<[1], [0], [0], [1], [0, 0, 1, 1], [], []>, transpose_lhs_hint = false} : vector<2000x64xf32>, vector<64x64xf32>, vector<2000x64xf32> -> vector<2000x64xf32>
    %get3A_57 = arith.constant 0 : index
    %get3A_58 = arith.constant 0 : index
    %get3A_59 = vector.load %arg12[%get3A_57, %get3A_58] : memref<1x64xf32, #tpu.memory_space<vmem>>, vector<1x64xf32>
    %add3A_60 = vector.broadcast %get3A_59 : vector<1x64xf32> to vector<2000x64xf32>
    %add3A_61 = arith.addf %dot_general3A_56, %add3A_60 : vector<2000x64xf32>
    %add3A_62 = arith.addf %get3A_1, %add3A_61 : vector<2000x64xf32>
    %get3A_63 = arith.constant 0 : index
    %get3A_64 = arith.constant 0 : index
    %get3A_65 = vector.load %arg13[%get3A_63, %get3A_64] : memref<64x64xf32, #tpu.memory_space<vmem>>, vector<64x64xf32>
    %dot_general3A_66 = arith.constant dense<0.000000e+00> : vector<2000x64xf32>
    %dot_general3A_67 = tpu.matmul %add3A_62, %get3A_65, %dot_general3A_66 {dimension_numbers = #tpu.dot_dimension_numbers<[1], [0], [0], [1], [0, 0, 1, 1], [], []>, transpose_lhs_hint = false} : vector<2000x64xf32>, vector<64x64xf32>, vector<2000x64xf32> -> vector<2000x64xf32>
    %get3A_68 = arith.constant 0 : index
    %get3A_69 = arith.constant 0 : index
    %get3A_70 = vector.load %arg14[%get3A_68, %get3A_69] : memref<1x64xf32, #tpu.memory_space<vmem>>, vector<1x64xf32>
    %add3A_71 = vector.broadcast %get3A_70 : vector<1x64xf32> to vector<2000x64xf32>
    %add3A_72 = arith.addf %dot_general3A_67, %add3A_71 : vector<2000x64xf32>
    %max3A_73 = arith.constant 0.000000e+00 : f32
    %max3A_74 = vector.broadcast %max3A_73 : f32 to vector<2000x64xf32>
    %max3A_75 = arith.maximumf %add3A_72, %max3A_74 : vector<2000x64xf32>
    %get3A_76 = arith.constant 0 : index
    %get3A_77 = arith.constant 0 : index
    %get3A_78 = vector.load %arg15[%get3A_76, %get3A_77] : memref<64x1xf32, #tpu.memory_space<vmem>>, vector<64x1xf32>
    %dot_general3A_79 = arith.constant dense<0.000000e+00> : vector<2000x1xf32>
    %dot_general3A_80 = tpu.matmul %max3A_75, %get3A_78, %dot_general3A_79 {dimension_numbers = #tpu.dot_dimension_numbers<[1], [0], [0], [1], [0, 0, 1, 1], [], []>, transpose_lhs_hint = false} : vector<2000x64xf32>, vector<64x1xf32>, vector<2000x1xf32> -> vector<2000x1xf32>
    %get3A_81 = arith.constant 0 : index
    %get3A_82 = arith.constant 0 : index
    %get3A_83 = vector.load %arg16[%get3A_81, %get3A_82] : memref<1x1xf32, #tpu.memory_space<vmem>>, vector<1x1xf32>
    %add3A_84 = vector.broadcast %get3A_83 : vector<1x1xf32> to vector<2000x1xf32>
    %add3A_85 = arith.addf %dot_general3A_80, %add3A_84 : vector<2000x1xf32>
    %logistic3A = arith.negf %add3A_85 : vector<2000x1xf32>
    %logistic3A_86 = math.exp %logistic3A : vector<2000x1xf32>
    %logistic3A_87 = arith.constant 1.000000e+00 : f32
    %logistic3A_88 = vector.broadcast %logistic3A_87 : f32 to vector<2000x1xf32>
    %logistic3A_89 = arith.addf %logistic3A_88, %logistic3A_86 : vector<2000x1xf32>
    %logistic3A_90 = arith.divf %logistic3A_88, %logistic3A_89 : vector<2000x1xf32>
    %swap3A = arith.constant 0 : index
    %swap3A_91 = arith.constant 0 : index
    %swap3A_92 = vector.load %arg17[%swap3A, %swap3A_91] : memref<2000x1xf32, #tpu.memory_space<vmem>>, vector<2000x1xf32>
    tpu.vector_store %arg17[%swap3A, %swap3A_91], %logistic3A_90 {strides = array<i32>} : memref<2000x1xf32, #tpu.memory_space<vmem>>, vector<2000x1xf32>,
    return
  }
  func.func @transform_0(%arg0: i32) -> (i32, i32) {
    %c0_i32 = arith.constant 0 : i32
    %c0_i32_0 = arith.constant 0 : i32
    return %arg0, %c0_i32 : i32, i32
  }
  func.func @transform_1(%arg0: i32) -> (i32, i32) {
    %c0_i32 = arith.constant 0 : i32
    %c0_i32_0 = arith.constant 0 : i32
    return %arg0, %c0_i32 : i32, i32
  }
  func.func @transform_2(%arg0: i32) -> (i32, i32) {
    %add3A = arith.constant 25 : i32
    %add3A_0 = arith.addi %arg0, %add3A : i32
    %c0_i32 = arith.constant 0 : i32
    %c0_i32_1 = arith.constant 0 : i32
    return %add3A_0, %c0_i32 : i32, i32
  }
  func.func @transform_3(%arg0: i32) -> (i32, i32) {
    %c0_i32 = arith.constant 0 : i32
    %c0_i32_0 = arith.constant 0 : i32
    return %arg0, %c0_i32 : i32, i32
  }
  func.func @transform_4(%arg0: i32) -> (i32, i32) {
    %add3A = arith.constant 25 : i32
    %add3A_0 = arith.addi %arg0, %add3A : i32
    %c0_i32 = arith.constant 0 : i32
    %c0_i32_1 = arith.constant 0 : i32
    return %add3A_0, %c0_i32 : i32, i32
  }
  func.func @transform_5(%arg0: i32) -> (i32, i32) {
    %c0_i32 = arith.constant 0 : i32
    %c0_i32_0 = arith.constant 0 : i32
    %c0_i32_1 = arith.constant 0 : i32
    return %c0_i32, %c0_i32_0 : i32, i32
  }
  func.func @transform_6(%arg0: i32) -> (i32, i32) {
    %c0_i32 = arith.constant 0 : i32
    %c0_i32_0 = arith.constant 0 : i32
    %c0_i32_1 = arith.constant 0 : i32
    return %c0_i32, %c0_i32_0 : i32, i32
  }
  func.func @transform_7(%arg0: i32) -> (i32, i32) {
    %c0_i32 = arith.constant 0 : i32
    %c0_i32_0 = arith.constant 0 : i32
    %c0_i32_1 = arith.constant 0 : i32
    return %c0_i32, %c0_i32_0 : i32, i32
  }
  func.func @transform_8(%arg0: i32) -> (i32, i32) {
    %c0_i32 = arith.constant 0 : i32
    %c0_i32_0 = arith.constant 0 : i32
    %c0_i32_1 = arith.constant 0 : i32
    return %c0_i32, %c0_i32_0 : i32, i32
  }
  func.func @transform_9(%arg0: i32) -> (i32, i32) {
    %c0_i32 = arith.constant 0 : i32
    %c0_i32_0 = arith.constant 0 : i32
    %c0_i32_1 = arith.constant 0 : i32
    return %c0_i32, %c0_i32_0 : i32, i32
  }
  func.func @transform_10(%arg0: i32) -> (i32, i32) {
    %c0_i32 = arith.constant 0 : i32
    %c0_i32_0 = arith.constant 0 : i32
    %c0_i32_1 = arith.constant 0 : i32
    return %c0_i32, %c0_i32_0 : i32, i32
  }
  func.func @transform_11(%arg0: i32) -> (i32, i32) {
    %c0_i32 = arith.constant 0 : i32
    %c0_i32_0 = arith.constant 0 : i32
    %c0_i32_1 = arith.constant 0 : i32
    return %c0_i32, %c0_i32_0 : i32, i32
  }
  func.func @transform_12(%arg0: i32) -> (i32, i32) {
    %c0_i32 = arith.constant 0 : i32
    %c0_i32_0 = arith.constant 0 : i32
    %c0_i32_1 = arith.constant 0 : i32
    return %c0_i32, %c0_i32_0 : i32, i32
  }
  func.func @transform_13(%arg0: i32) -> (i32, i32) {
    %c0_i32 = arith.constant 0 : i32
    %c0_i32_0 = arith.constant 0 : i32
    %c0_i32_1 = arith.constant 0 : i32
    return %c0_i32, %c0_i32_0 : i32, i32
  }
  func.func @transform_14(%arg0: i32) -> (i32, i32) {
    %c0_i32 = arith.constant 0 : i32
    %c0_i32_0 = arith.constant 0 : i32
    %c0_i32_1 = arith.constant 0 : i32
    return %c0_i32, %c0_i32_0 : i32, i32
  }
  func.func @transform_15(%arg0: i32) -> (i32, i32) {
    %c0_i32 = arith.constant 0 : i32
    %c0_i32_0 = arith.constant 0 : i32
    %c0_i32_1 = arith.constant 0 : i32
    return %c0_i32, %c0_i32_0 : i32, i32
  }
  func.func @transform_16(%arg0: i32) -> (i32, i32) {
    %c0_i32 = arith.constant 0 : i32
    %c0_i32_0 = arith.constant 0 : i32
    return %arg0, %c0_i32 : i32, i32
  }
}

</mosaic_0001>

<sc_bundles>
// kernel: kernel.12.cloned.1.call-start
scs
__scs_entry_jumppad:
0x0: {  	(pc) =	sbr.rel $0x88, $3  }
0x1: {  	(tag) =	ssettag $0x0;
	lr =	simm.s32 $0x1  }
0x2: {  	[smem:$0x3F7A] =	sst lr;
	_ =	strace $0xD0000000  }
0x3: {  	_ = 	snop  }
0x4: {  	_ = 	snop  }
0x5: {  	_ = 	snop  }
0x6: {  	_ = 	snop  }
0x7: {  	_ = 	snop  }
__scs_overlays_trampoline_lowered:
0x8: {  	[smem:$0x3F89] =	sst s0  }
0x9: {  	[smem:$0x3F8A] =	sst s1  }
0xa: {  	[smem:$0x3F8B] =	sst s2  }
0xb: {  	[smem:$0x3F8C] =	sst s3  }
0xc: {  	[smem:$0x3F8D] =	sst s4  }
0xd: {  	[smem:$0x3F8E] =	sst s5  }
0xe: {  	[smem:$0x3F8F] =	sst s6  }
0xf: {  	[smem:$0x3F90] =	sst s7  }
0x10: {  	[smem:$0x3F91] =	sst s8  }
0x11: {  	[smem:$0x3F92] =	sst s9;
	s0 =	simm.s32 @!p0 $0x0  }
0x12: {  	s1 =	sld [smem:$0x3F78];
	s0 =	simm.s32 @p0 $0x1  }
0x13: {  	[smem:$0x3F93] =	sst s0;
	s0 =	simm.s32 @!p1 $0x0  }
0x14: {  	s2 =	sld [smem:$0x3F77];
	s0 =	simm.s32 @p1 $0x1  }
0x15: {  	[smem:$0x3F94] =	sst s0;
	s0 =	simm.s32 @!p2 $0x0  }
0x16: {  	s3 =	sld [smem:$0x3FDB];
	s0 =	simm.s32 @p2 $0x1  }
0x17: {  	s4 =	simm.s32 $0x1BF5;
	[smem:$0x3F96] =	sst s0  }
0x18: {  	s0 =	sld [smem:$0x3F79];
	_ =	swait.ge [sflag:s4], $0x0  }
0x19: {  	s7 =	sld [smem:$0x3F7A]  }
0x1a: {  	s8 =	sadd.s32 $0xFFFFE003, lr  }
0x1b: {  	s9 =	sadd.s32 $0xFFFFFEF7, lr;
	s5 =	simm.s32 $0xFFFFFFFF;
	p2 =	slt.u32 s8, $0xFFFFF086  }
0x1c: {  	p1 =	slt.u32 s9, $0xF7A;
	s5 =	simm.s32 @!p2 $0x0  }
0x1d: {  	s5 =	simm.s32 @p1 $0x1;
	p0 =	seq.s32 s7, s2  }
0x1e: {  	s7 =	smul.u32 @!p0 $0xF7A, s2;
	p2 =	seq.s32 @!p0 s5, $0x0  }
0x1f: {  	s9 =	smul.u32 $0xF7A, s1;
	s8 =	simm.s32 @!p0 $0x1BF5;
	p2 =	por !p2, p0  }
0x20: {  	[sflag:s8] =	ssyncset.s32 @!p0 $0xFFFFF086;
	s6 =	sadd.s32 @!p0 s3, s7;
	s7 =	simm.s32 @!p0 $0x108  }
0x21: {  	s3 =	sadd.s32 s3, s9;
	s6 =	sadd.s32 @!p0 $0x88, s6;
	s7 =	simm.s32 @p2 $0x1082  }
0x22: {  	[simem:s7], [sflag:s8] =	dma.local @!p0 [hbm:s6], $0xF7A  }
0x23: {  	s9 =	sor.u32 $0xD0000000, s2;
	s6 =	simm.s32 $0x108;
	_ =	swait.ge @!p0 [sflag:s8], $0x0  }
0x24: {  	s3 =	sadd.s32 $0x88, s3;
	s6 =	simm.s32 @!p1 $0x1082;
	[sflag:s4] =	ssyncset.s32 $0xFFFFF086  }
0x25: {  	[simem:s6], [sflag:s4] =	dma.local [hbm:s3], $0xF7A  }
0x26: {  	[smem:$0x3F7A] =	sst s1;
	(tag) =	ssettag s2;
	_ =	strace s9  }
0x27: {  	s1 =	sld [smem:$0x3F8A]  }
0x28: {  	s2 =	sld [smem:$0x3F8B]  }
0x29: {  	s4 =	sld [smem:$0x3F8D]  }
0x2a: {  	p0 =	seq.s32 s5, $0x0;
	s5 =	sld [smem:$0x3F8E]  }
0x2b: {  	s6 =	sld [smem:$0x3F8F]  }
0x2c: {  	s7 =	sld [smem:$0x3F90]  }
0x2d: {  	s3 =	simm.s32 $0x108;
	s8 =	sld [smem:$0x3F91]  }
0x2e: {  	s3 =	simm.s32 @!p0 $0x1082;
	s9 =	sld [smem:$0x3F92]  }
0x2f: {  	lr =	sadd.s32 s0, s3;
	s0 =	sld [smem:$0x3F89]  }
0x30: {  	s3 =	sld [smem:$0x3F8C]  }
0x31: {  	[smem:$0x3F95] =	sst s10  }
0x32: {  	s10 =	sld [smem:$0x3F93];
	_ =	sdelay $0x3  }
0x33: {  	p0 =	seq.s32 s10, $0x1;
	s10 =	sld [smem:$0x3F95];
	_ =	sdelay $0x3  }
0x34: {  	[smem:$0x3F95] =	sst s10  }
0x35: {  	s10 =	sld [smem:$0x3F94];
	_ =	sdelay $0x3  }
0x36: {  	p1 =	seq.s32 s10, $0x1;
	s10 =	sld [smem:$0x3F95];
	_ =	sdelay $0x3  }
0x37: {  	[smem:$0x3F95] =	sst s10  }
0x38: {  	s10 =	sld [smem:$0x3F96]  }
0x39: {  	_ = 	snop;
	(pc) =	sbr.ind lr, $3  }
0x3a: {  	_ = 	snop  }
0x3b: {  	_ = 	snop  }
0x3c: {  	p2 =	seq.s32 s10, $0x1;
	s10 =	sld [smem:$0x3F95]  }
0x3d: {  	_ =	shalt  }
0x3e: {  	_ =	shalt  }
0x3f: {  	_ =	shalt  }
0x40: {  	_ =	shalt  }
0x41: {  	_ =	shalt  }
0x42: {  	_ =	shalt  }
0x43: {  	_ =	shalt  }
0x44: {  	_ =	shalt  }
0x45: {  	_ =	shalt  }
0x46: {  	_ =	shalt  }
0x47: {  	_ =	shalt  }
0x48: {  	_ =	shalt  }
0x49: {  	_ =	shalt  }
0x4a: {  	_ =	shalt  }
0x4b: {  	_ =	shalt  }
0x4c: {  	_ =	shalt  }
0x4d: {  	_ =	shalt  }
0x4e: {  	_ =	shalt  }
0x4f: {  	_ =	shalt  }
0x50: {  	_ =	shalt  }
0x51: {  	_ =	shalt  }
0x52: {  	_ =	shalt  }
0x53: {  	_ =	shalt  }
0x54: {  	_ =	shalt  }
0x55: {  	_ =	shalt  }
0x56: {  	_ =	shalt  }
0x57: {  	_ =	shalt  }
0x58: {  	_ =	shalt  }
0x59: {  	_ =	shalt  }
0x5a: {  	_ =	shalt  }
0x5b: {  	_ =	shalt  }
0x5c: {  	_ =	shalt  }
0x5d: {  	_ =	shalt  }
0x5e: {  	_ =	shalt  }
0x5f: {  	_ =	shalt  }
0x60: {  	_ =	shalt  }
0x61: {  	_ =	shalt  }
0x62: {  	_ =	shalt  }
0x63: {  	_ =	shalt  }
0x64: {  	_ =	shalt  }
0x65: {  	_ =	shalt  }
0x66: {  	_ =	shalt  }
0x67: {  	_ =	shalt  }
0x68: {  	_ =	shalt  }
0x69: {  	_ =	shalt  }
0x6a: {  	_ =	shalt  }
0x6b: {  	_ =	shalt  }
0x6c: {  	_ =	shalt  }
0x6d: {  	_ =	shalt  }
0x6e: {  	_ =	shalt  }
0x6f: {  	_ =	shalt  }
0x70: {  	_ =	shalt  }
0x71: {  	_ =	shalt  }
0x72: {  	_ =	shalt  }
0x73: {  	_ =	shalt  }
0x74: {  	_ =	shalt  }
0x75: {  	_ =	shalt  }
0x76: {  	_ =	shalt  }
0x77: {  	_ =	shalt  }
0x78: {  	_ =	shalt  }
0x79: {  	_ =	shalt  }
0x7a: {  	_ =	shalt  }
0x7b: {  	_ =	shalt  }
0x7c: {  	_ =	shalt  }
0x7d: {  	_ =	shalt  }
0x7e: {  	_ =	shalt  }
0x7f: {  	_ =	shalt  }
0x80: {  	_ =	shalt  }
0x81: {  	_ =	shalt  }
0x82: {  	_ =	shalt  }
0x83: {  	_ =	shalt  }
0x84: {  	_ =	shalt  }
0x85: {  	_ =	shalt  }
0x86: {  	_ =	shalt  }
0x87: {  	_ =	shalt  }
.Lfunc_end0:
.L_simem_size_0:
called_computation.1_lowered:
.L_overlay_start_0:
0x88: {  	s2 =	sld [smem:$0x3FD9]  }
0x89: {  	s3 =	sld [smem:$0x3FFE];
	_ =	sdelay $0x1  }
0x8a: {  	s1 =	srdreg.scid  }
0x8b: {  	s0 =	sand.u32 $0x1, s1  }
0x8c: {  	s16 =	sshll.u32 s0, $0xA;
	s2 =	sadd.s32 s3, s2  }
0x8d: {  	s2 =	sadd.s32 s2, s16  }
0x8e: {  	[smem:$0x3FA1] =	sst s2  }
0x8f: {  	_ = 	snop  }
0x90: {  	(tm) =	ssettm $0x1  }
0x91: {  	s17 =	sld [smem:$0x3FFB];
	_ =	sdelay $0x3  }
0x92: {  	_ =	strace s17  }
0x93: {  	s2 =	sld [smem:$0x3FFC];
	_ =	sdelay $0x3  }
0x94: {  	_ =	strace s2  }
0x95: {  	s2 =	sld [smem:$0x3FFD];
	_ =	sdelay $0x3  }
0x96: {  	_ =	strace s2  }
0x97: {  	_ =	strace $0x8FFFFFFF  }
0x98: {  	s18 =	sld [smem:$0x3FDB];
	_ =	sdelay $0x1  }
0x99: {  	s19 =	simm.s32 $_scs_section_size  }
0x9a: {  	s4 =	simm.s32 $_size__tile_overlayer_lowered;
	s5 =	simm.s32 $_tile_overlayer_lowered  }
0x9b: {  	s22 =	simm.s32 $0x1BFF;
	s21 =	sshll.u32 s5, $0x1;
	s2 =	sadd.s32 s19, s18  }
0x9c: {  	s6 =	simm.s32 $0x0;
	s20 =	sshll.u32 s4, $0x1;
	s4 =	sadd.s32 s21, s2  }
0x9d: {  	[timem:s6], [sflag:s22] =	dma.local [hbm:s4], s20  }
0x9e: {  	_ =	swait.ge [sflag:s22], s20  }
0x9f: {  	s3 =	ssub.s32 $0x0, s20;
	[sflag:s22] =	ssyncset.done $0x0  }
0xa0: {  	[sflag:s22] =	ssyncadd.s32 s3;
	_ =	sdelay $0x1  }
0xa1: {  	s23 =	simm.s32 $0x1B8B  }
0xa2: {  	_ =	swait.ge [sflag:s23], $0x1  }
0xa3: {  	[sflag:s23] =	ssyncset.done $0x0  }
0xa4: {  	s25 =	simm.s32 $0x1B8E;
	s24 =	sld [smem:$0x3FFE];
	[sflag:s23] =	ssyncadd.s32 $0xFFFFFFFF  }
0xa5: {  	s26 =	simm.s32 $execute0_lowered;
	[smem:$0x3FD2] =	sst s25  }
0xa6: {  	s4 =	sshll.u32 s26, $0x1;
	_ =	strace $0x80000046;
	[dreg:$0x1] =	wrdreg $0xFFFFFFFF  }
0xa7: {  	s28 =	simm.s32 $_size_execute0_lowered;
	s2 =	sadd.s32 s2, s4;
	[dreg:$0x0] =	wrdreg $0x0  }
0xa8: {  	s4 =	sshll.u32 s28, $0x1;
	[dreg:$0x2] =	wrdreg s2  }
0xa9: {  	[dreg:$0x3] =	wrdreg s4  }
0xaa: {  	[dreg:$0x4] =	wrdreg $0xC0  }
0xab: {  	_ =	task [dreg:s6], $0x5FFFF  }
0xac: {  	[dreg:$0x1] =	wrdreg $0xFFFFFFFF  }
0xad: {  	[dreg:$0x0] =	wrdreg $0x60  }
0xae: {  	[dreg:$0x2] =	wrdreg s24  }
0xaf: {  	[dreg:$0x3] =	wrdreg $0x0  }
0xb0: {  	[dreg:$0x4] =	wrdreg $0xA  }
0xb1: {  	_ =	task.clear_ibuf [dreg:s6], $0x5FFFF;
	_ =	strace $0x90000046  }
0xb2: {  	s29 =	simm.s32 $0xA;
	_ =	strace $0x80000048  }
0xb3: {  	_ =	swait.ge [sflag:s29], $0x1  }
0xb4: {  	[sflag:s29] =	ssyncadd.s32 $0xFFFFFFFF  }
0xb5: {  	_ =	strace $0x90000048  }
0xb6: {  	_ =	sfence  }
0xb7: {  	s30 =	sld [smem:$0x0];
	_ =	sdelay $0x2  }
0xb8: {  	s31 =	sshll.u32 s1, $0xD;
	s1 =	sshrl.u32 s1, $0x2  }
0xb9: {  	s3 =	sand.u32 $0x4000, s31;
	s1 =	sadd.s32 s1, s30  }
0xba: {  	s0 =	sor.u32 s3, s0;
	s1 =	sshll.u32 s1, $0x11  }
0xbb: {  	s0 =	sor.u32 s1, s0  }
0xbc: {  	s0 =	sadd.s32 $0x8F2B, s0  }
0xbd: {  	[sflag:s0] =	ssyncadd.remote.s32 $0x1  }
0xbe: {  	_ =	sfence.sel $0xFFFF  }
0xbf: {  	[dreg:$0x0] =	wrdreg $0xFFFFFFFF;
	(pc) =	sbr.abs _section_cstart, $3  }
0xc0: {  	[dreg:$0x1] =	wrdreg $0xFFFFFFFF  }
0xc1: {  	_ =	task.clear_ibuf [dreg:s6], $0x2FFFF;
	_ =	strace $0x9FFFFFFF  }
0xc2: {  	(tm) =	ssettm $0x7FFFFFFF  }
0xc3: {  	_ =	shalt  }
tec
execute0_lowered:
.L_overlay_start_1:
0x0: {  	(tag) =	ssettag $0x1  }
0x1: {  	s0 =	rddreg [dreg:$0x0]  }
0x2: {  	s2 =	rddreg [dreg:$0x1]  }
0x3: {  	s3 =	simm.s32 $0x0;
	s1 =	srdreg.scid;
	s13 =	stileid.u32  }
0x4: {  	s16 =	simm.s32 $0x2;
	s17 =	simm.s32 $0x186A0;
	s18 =	simm.s32 $0x187A0  }
0x5: {  	s19 =	simm.s32 $0x80;
	s20 =	simm.s32 $0x188A0;
	s21 =	simm.s32 $0x189A0  }
0x6: {  	s22 =	simm.s32 $0x18920;
	s23 =	simm.s32 $0x199A0;
	s28 =	simm.s32 $0x18820  }
0x7: {  	s29 =	simm.s32 $0x1B9A0;
	[smem:$0x7FF] =	sst s3;
	s1 =	sand.u32 $0x1, s1  }
0x8: {  	s8 =	smul.u32 $0xC35, s13;
	s4 =	sadd.s32 $0x1DA00, s0;
	s5 =	sadd.s32 $0x5200, s0  }
0x9: {  	s6 =	sadd.s32 $0xF9800, s0;
	s7 =	sadd.s32 $0x4CA200, s0;
	s12 =	smul.u32 $0x61A80, s13  }
0xa: {  	s24 =	sadd.s32 $0x36200, s0;
	s30 =	sshll.u32 s13, $0x6;
	s31 =	ssub.s32 $0xC44, s13  }
0xb: {  	_ =	strace $0x80000047;
	s26 =	smul.u32 $0xC350, s1;
	s9 =	ssub.s32 $0x2, s1  }
0xc: {  	[dreg:$0x3] =	wrdreg s24;
	s24 =	simm.s32 $0x20;
	s11 =	sshrl.u32 s9, $0x1  }
0xd: {  	s25 =	sshrl.u32 s12, $0x2;
	s12 =	sshll.u32 s1, $0x5;
	s8 =	sadd.s32 s8, s26  }
0xe: {  	s14 =	ssub.s32 s9, s11;
	s15 =	sadd.s32 s25, s2;
	s9 =	sor.u32 $0x1C02, s30  }
0xf: {  	s11 =	sshll.u32 s13, $0x1;
	s25 =	simm.s32 $0x1A9A0;
	s10 =	sshll.u32 s8, $0x2  }
0x10: {  	v0 =	vmov s26;
	s26 =	simm.s32 $0x1;
	s14 =	smax.u32 s14, $0x1;
	s0 =	sadd.s32 s10, s0  }
0x11: {  	s15 =	sshrl.u32 s15, $0x3;
	s10 =	sshrl.u32 s31, $0x4;
	s13 =	sadd.s32 $0x39400, s0  }
.LBB2_1:
0x12: {  	s0 =	rddreg [dreg:$0x3]  }
0x13: {  	[spmem:s15], [sflag:s9] =	dma.local [hbm:s0], $0x30D4  }
0x14: {  	_ =	swait.ge [sflag:s16], $0x30D4  }
0x15: {  	[sflag:s16] =	ssyncset.done $0x0  }
0x16: {  	[sflag:s16] =	ssyncadd.s32 $0xFFFFCF2C  }
0x17: {  	s30 =	simm.s32 $0x0;
	[bflag:$0x0] =	sbarrier.arrive $0xFFFF  }
.LBB2_2:
0x18: {  	s0 =	sshll.u32 s30, $0x5  }
0x19: {  	s0 =	sor.u32 s11, s0  }
0x1a: {  	s1 =	sshll.u32 s0, $0x4  }
0x1b: {  	s8 =	simm.s32 $0x0;
	s31 =	sadd.s32 s4, s1  }
0x1c: {  	[tilespmem:s17], [sflag:$0x2] =	stream.linear.gather [hbm4b:s31+s8], $0x100, $0x38;
	[tilespmem:$0x1C9A0] =	vst v63  }
0x1d: {  	_ =	swait.ge [sflag:s16], $0x100  }
0x1e: {  	[sflag:s16] =	ssyncset.done $0x0  }
0x1f: {  	s1 =	sadd.s32 s5, s1;
	[sflag:s16] =	ssyncadd.s32 $0xFFFFFF00  }
0x20: {  	[tilespmem:s18], [sflag:$0x2] =	stream.linear.gather [hbm4b:s1+s8], $0x100, $0x38;
	[tilespmem:$0x1C9A0] =	vst v63  }
0x21: {  	_ =	swait.ge [sflag:s16], $0x100  }
0x22: {  	[sflag:s16] =	ssyncset.done $0x0  }
0x23: {  	[sflag:s16] =	ssyncadd.s32 $0xFFFFFF00  }
0x24: {  	v1 =	vld [tilespmem:$0x186A0]  }
0x25: {  	v2 =	vld [tilespmem:$0x186B0]  }
0x26: {  	v3 =	vld [tilespmem:$0x186C0]  }
0x27: {  	v4 =	vld [tilespmem:$0x186D0]  }
0x28: {  	v5 =	vld [tilespmem:$0x186E0]  }
0x29: {  	v6 =	vld [tilespmem:$0x186F0];
	v1 =	vadd.s32 v0, v1  }
0x2a: {  	[tilespmem:$0x188A0] =	vst v1;
	v1 =	vadd.s32 v0, v2;
	v2 =	vld [tilespmem:$0x18700]  }
0x2b: {  	[tilespmem:$0x188B0] =	vst v1;
	v1 =	vadd.s32 v0, v3;
	v3 =	vld [tilespmem:$0x18710]  }
0x2c: {  	[tilespmem:$0x188C0] =	vst v1;
	v1 =	vadd.s32 v0, v4;
	v4 =	vld [tilespmem:$0x18720]  }
0x2d: {  	[tilespmem:$0x188D0] =	vst v1;
	v1 =	vadd.s32 v0, v5;
	v5 =	vld [tilespmem:$0x18730]  }
0x2e: {  	[tilespmem:$0x188E0] =	vst v1;
	v1 =	vadd.s32 v0, v6;
	v6 =	vld [tilespmem:$0x18740]  }
0x2f: {  	[tilespmem:$0x188F0] =	vst v1;
	v1 =	vadd.s32 v0, v2;
	v2 =	vld [tilespmem:$0x18750]  }
0x30: {  	[tilespmem:$0x18900] =	vst v1;
	v1 =	vadd.s32 v0, v3;
	v3 =	vld [tilespmem:$0x18760]  }
0x31: {  	[tilespmem:$0x18910] =	vst v1;
	v1 =	vadd.s32 v0, v4;
	v4 =	vld [tilespmem:$0x18770]  }
0x32: {  	[tilespmem:$0x18920] =	vst v1;
	v1 =	vadd.s32 v0, v5;
	v5 =	vld [tilespmem:$0x18780]  }
0x33: {  	[tilespmem:$0x18930] =	vst v1;
	v1 =	vadd.s32 v0, v6;
	v6 =	vld [tilespmem:$0x18790]  }
0x34: {  	[tilespmem:$0x18940] =	vst v1;
	v1 =	vadd.s32 v0, v2  }
0x35: {  	[tilespmem:$0x18950] =	vst v1;
	v1 =	vadd.s32 v0, v3  }
0x36: {  	[tilespmem:$0x18960] =	vst v1;
	v1 =	vadd.s32 v0, v4  }
0x37: {  	[tilespmem:$0x18970] =	vst v1;
	v1 =	vadd.s32 v0, v5  }
0x38: {  	s0 =	sshll.u32 s0, $0xE;
	[tilespmem:$0x18980] =	vst v1;
	v1 =	vadd.s32 v0, v6  }
0x39: {  	s0 =	sor.u32 s12, s0;
	[tilespmem:$0x18990] =	vst v1  }
0x3a: {  	[tilespmem:s21], [sflag:$0x1] =	stream.indirect.gather [hbm4b:s6+s19], $0x20, s20, s19, $0xb8;
	[tilespmem:$0x1C9A0] =	vst v63  }
0x3b: {  	s0 =	sshrl.u32 s0, $0x3  }
0x3c: {  	[tilespmem:s23], [sflag:$0x1] =	stream.indirect.gather [hbm4b:s6+s19], $0x20, s22, s19, $0xb8;
	[tilespmem:$0x1C9A0] =	vst v63  }
0x3d: {  	s0 =	sadd.s32 s7, s0  }
0x3e: {  	[tilespmem:s25], [sflag:$0x2] =	stream.strided.gather [hbm4b:s0+s24], $0x2000, s19, s24, $0x38;
	[tilespmem:$0x1C9A0] =	vst v63  }
0x3f: {  	_ =	swait.ge [sflag:s16], $0x2000  }
0x40: {  	[sflag:s16] =	ssyncset.done $0x0  }
0x41: {  	[sflag:s16] =	ssyncadd.s32 $0xFFFFE000  }
0x42: {  	_ =	swait.ge [sflag:s26], $0x1000  }
0x43: {  	[sflag:s26] =	ssyncset.done $0x0  }
0x44: {  	[sflag:s26] =	ssyncadd.s32 $0xFFFFF000  }
0x45: {  	_ =	swait.ge [sflag:s26], $0x1000  }
0x46: {  	[sflag:s26] =	ssyncset.done $0x0  }
0x47: {  	s31 =	simm.s32 $0x0;
	[sflag:s26] =	ssyncadd.s32 $0xFFFFF000  }
0x48: {  	v7 =	vld [tilespmem:s31+$0x189A0]  }
0x49: {  	v12 =	vld [tilespmem:s31+$0x189B0]  }
0x4a: {  	v6 =	vld [tilespmem:s31+$0x189C0]  }
0x4b: {  	v5 =	vld [tilespmem:s31+$0x189D0]  }
0x4c: {  	v4 =	vld [tilespmem:s31+$0x189E0]  }
0x4d: {  	v3 =	vld [tilespmem:s31+$0x189F0]  }
0x4e: {  	v2 =	vld [tilespmem:s31+$0x18A00]  }
0x4f: {  	v1 =	vld [tilespmem:s31+$0x18A10]  }
0x50: {  	v13 =	vld [tilespmem:s31+$0x1A9A0]  }
0x51: {  	v14 =	vld [tilespmem:s31+$0x1A9B0]  }
0x52: {  	v11 =	vld [tilespmem:s31+$0x1A9C0]  }
0x53: {  	v10 =	vld [tilespmem:s31+$0x1A9D0]  }
0x54: {  	v9 =	vld [tilespmem:s31+$0x1A9E0]  }
0x55: {  	v8 =	vld [tilespmem:s31+$0x1A9F0];
	v13 =	vadd.f32 v13, v7  }
0x56: {  	s1 =	simm.s32 $0x200;
	s0 =	simm.s32 $0x0;
	v12 =	vadd.f32 v14, v12;
	v7 =	vld [tilespmem:s31+$0x1AA00]  }
.LBB2_3:
0x57: {  	s8 =	sshra.s32 s1, $0x2;
	p0 =	sne.s32 s1, $0x3E00;
	v13 =	vmax.f32 v13, $0.0e+00;
	v6 =	vadd.f32 v11, v6;
	v11 =	vld [tilespmem:s0+$0x1AA10]  }
0x58: {  	v14 =	vld [tilespmem:s8+$0x189A0];
	[tilespmem:s0+$0x1A9A0] =	vst v13;
	v12 =	vmax.f32 v12, $0.0e+00;
	v5 =	vadd.f32 v10, v5  }
0x59: {  	v15 =	vld [tilespmem:s8+$0x189B0];
	[tilespmem:s0+$0x1A9B0] =	vst v12;
	v10 =	vmax.f32 v6, $0.0e+00;
	v4 =	vadd.f32 v9, v4  }
0x5a: {  	v6 =	vld [tilespmem:s8+$0x189C0];
	[tilespmem:s0+$0x1A9C0] =	vst v10;
	v9 =	vmax.f32 v5, $0.0e+00;
	v3 =	vadd.f32 v8, v3  }
0x5b: {  	v5 =	vld [tilespmem:s8+$0x189D0];
	[tilespmem:s0+$0x1A9D0] =	vst v9;
	v8 =	vmax.f32 v4, $0.0e+00;
	v2 =	vadd.f32 v7, v2  }
0x5c: {  	v4 =	vld [tilespmem:s8+$0x189E0];
	[tilespmem:s0+$0x1A9E0] =	vst v8;
	v7 =	vmax.f32 v3, $0.0e+00;
	v1 =	vadd.f32 v11, v1  }
0x5d: {  	v3 =	vld [tilespmem:s8+$0x189F0];
	[tilespmem:s0+$0x1A9F0] =	vst v7;
	v7 =	vmax.f32 v2, $0.0e+00  }
0x5e: {  	v2 =	vld [tilespmem:s8+$0x18A00];
	[tilespmem:s0+$0x1AA00] =	vst v7;
	v7 =	vmax.f32 v1, $0.0e+00  }
0x5f: {  	v1 =	vld [tilespmem:s8+$0x18A10];
	[tilespmem:s0+$0x1AA10] =	vst v7;
	s0 =	smov.u32 s8  }
0x60: {  	v7 =	vld [tilespmem:s0+$0x1A9A0]  }
0x61: {  	v12 =	vld [tilespmem:s0+$0x1A9B0]  }
.Ltmp0:
0x62: {  	v11 =	vld [tilespmem:s0+$0x1A9C0];
	(pc) =	sbr.rel @p0 .LBB2_3-.Ltmp0, $4  }
0x63: {  	v10 =	vld [tilespmem:s0+$0x1A9D0]  }
0x64: {  	v9 =	vld [tilespmem:s0+$0x1A9E0]  }
0x65: {  	v13 =	vadd.f32 v7, v14;
	v8 =	vld [tilespmem:s0+$0x1A9F0]  }
0x66: {  	s1 =	sadd.s32 $0x200, s1;
	v12 =	vadd.f32 v12, v15;
	v7 =	vld [tilespmem:s0+$0x1AA00]  }
0x67: {  	v13 =	vmax.f32 v13, $0.0e+00;
	v6 =	vadd.f32 v11, v6;
	v11 =	vld [tilespmem:s0+$0x1AA10]  }
0x68: {  	[tilespmem:s0+$0x1A9A0] =	vst v13;
	v12 =	vmax.f32 v12, $0.0e+00;
	v5 =	vadd.f32 v10, v5  }
0x69: {  	[tilespmem:s0+$0x1A9B0] =	vst v12;
	v6 =	vmax.f32 v6, $0.0e+00;
	v4 =	vadd.f32 v9, v4  }
0x6a: {  	[tilespmem:s0+$0x1A9C0] =	vst v6;
	v5 =	vmax.f32 v5, $0.0e+00;
	v3 =	vadd.f32 v8, v3  }
0x6b: {  	[tilespmem:s0+$0x1A9D0] =	vst v5;
	v4 =	vmax.f32 v4, $0.0e+00;
	v2 =	vadd.f32 v7, v2  }
0x6c: {  	[tilespmem:s0+$0x1A9E0] =	vst v4;
	v3 =	vmax.f32 v3, $0.0e+00;
	v1 =	vadd.f32 v11, v1  }
0x6d: {  	[tilespmem:s0+$0x1A9F0] =	vst v3;
	v2 =	vmax.f32 v2, $0.0e+00  }
0x6e: {  	[tilespmem:s0+$0x1AA00] =	vst v2;
	v1 =	vmax.f32 v1, $0.0e+00  }
0x6f: {  	[tilespmem:s0+$0x1AA10] =	vst v1  }
0x70: {  	v7 =	vld [tilespmem:s31+$0x199A0]  }
0x71: {  	v12 =	vld [tilespmem:s31+$0x199B0]  }
0x72: {  	v6 =	vld [tilespmem:s31+$0x199C0]  }
0x73: {  	v5 =	vld [tilespmem:s31+$0x199D0]  }
0x74: {  	v4 =	vld [tilespmem:s31+$0x199E0]  }
0x75: {  	v3 =	vld [tilespmem:s31+$0x199F0]  }
0x76: {  	v2 =	vld [tilespmem:s31+$0x19A00]  }
0x77: {  	v1 =	vld [tilespmem:s31+$0x19A10]  }
0x78: {  	v13 =	vld [tilespmem:s31+$0x1B9A0]  }
0x79: {  	v14 =	vld [tilespmem:s31+$0x1B9B0]  }
0x7a: {  	v11 =	vld [tilespmem:s31+$0x1B9C0]  }
0x7b: {  	v10 =	vld [tilespmem:s31+$0x1B9D0]  }
0x7c: {  	v9 =	vld [tilespmem:s31+$0x1B9E0]  }
0x7d: {  	v8 =	vld [tilespmem:s31+$0x1B9F0];
	v13 =	vadd.f32 v13, v7  }
0x7e: {  	s0 =	simm.s32 $0x200;
	v12 =	vadd.f32 v14, v12;
	v7 =	vld [tilespmem:s31+$0x1BA00]  }
.LBB2_5:
0x7f: {  	s1 =	sshra.s32 s0, $0x2;
	p0 =	sne.s32 s0, $0x3E00;
	v13 =	vmax.f32 v13, $0.0e+00;
	v6 =	vadd.f32 v11, v6;
	v11 =	vld [tilespmem:s31+$0x1BA10]  }
0x80: {  	v14 =	vld [tilespmem:s1+$0x199A0];
	[tilespmem:s31+$0x1B9A0] =	vst v13;
	v12 =	vmax.f32 v12, $0.0e+00;
	v5 =	vadd.f32 v10, v5  }
0x81: {  	v15 =	vld [tilespmem:s1+$0x199B0];
	[tilespmem:s31+$0x1B9B0] =	vst v12;
	v10 =	vmax.f32 v6, $0.0e+00;
	v4 =	vadd.f32 v9, v4  }
0x82: {  	v6 =	vld [tilespmem:s1+$0x199C0];
	[tilespmem:s31+$0x1B9C0] =	vst v10;
	v9 =	vmax.f32 v5, $0.0e+00;
	v3 =	vadd.f32 v8, v3  }
0x83: {  	v5 =	vld [tilespmem:s1+$0x199D0];
	[tilespmem:s31+$0x1B9D0] =	vst v9;
	v8 =	vmax.f32 v4, $0.0e+00;
	v2 =	vadd.f32 v7, v2  }
0x84: {  	v4 =	vld [tilespmem:s1+$0x199E0];
	[tilespmem:s31+$0x1B9E0] =	vst v8;
	v7 =	vmax.f32 v3, $0.0e+00;
	v1 =	vadd.f32 v11, v1  }
0x85: {  	v3 =	vld [tilespmem:s1+$0x199F0];
	[tilespmem:s31+$0x1B9F0] =	vst v7;
	v7 =	vmax.f32 v2, $0.0e+00  }
0x86: {  	v2 =	vld [tilespmem:s1+$0x19A00];
	[tilespmem:s31+$0x1BA00] =	vst v7;
	v7 =	vmax.f32 v1, $0.0e+00  }
0x87: {  	v1 =	vld [tilespmem:s1+$0x19A10];
	[tilespmem:s31+$0x1BA10] =	vst v7;
	s31 =	smov.u32 s1  }
0x88: {  	v7 =	vld [tilespmem:s31+$0x1B9A0]  }
0x89: {  	v12 =	vld [tilespmem:s31+$0x1B9B0]  }
.Ltmp1:
0x8a: {  	v11 =	vld [tilespmem:s31+$0x1B9C0];
	(pc) =	sbr.rel @p0 .LBB2_5-.Ltmp1, $4  }
0x8b: {  	v10 =	vld [tilespmem:s31+$0x1B9D0]  }
0x8c: {  	v9 =	vld [tilespmem:s31+$0x1B9E0]  }
0x8d: {  	v13 =	vadd.f32 v7, v14;
	v8 =	vld [tilespmem:s31+$0x1B9F0]  }
0x8e: {  	s0 =	sadd.s32 $0x200, s0;
	v12 =	vadd.f32 v12, v15;
	v7 =	vld [tilespmem:s31+$0x1BA00]  }
0x8f: {  	v13 =	vmax.f32 v13, $0.0e+00;
	v6 =	vadd.f32 v11, v6;
	v63 =	vld [tilespmem:s31+$0x1BA10]  }
0x90: {  	[tilespmem:s31+$0x1B9A0] =	vst v13;
	v12 =	vmax.f32 v12, $0.0e+00;
	v5 =	vadd.f32 v10, v5  }
0x91: {  	[tilespmem:s31+$0x1B9B0] =	vst v12;
	v6 =	vmax.f32 v6, $0.0e+00;
	v4 =	vadd.f32 v9, v4  }
0x92: {  	[tilespmem:s31+$0x1B9C0] =	vst v6;
	v5 =	vmax.f32 v5, $0.0e+00;
	v3 =	vadd.f32 v8, v3  }
0x93: {  	[tilespmem:s31+$0x1B9D0] =	vst v5;
	v4 =	vmax.f32 v4, $0.0e+00;
	v2 =	vadd.f32 v7, v2  }
0x94: {  	[tilespmem:s31+$0x1B9E0] =	vst v4;
	v3 =	vmax.f32 v3, $0.0e+00;
	v1 =	vadd.f32 v63, v1  }
0x95: {  	[tilespmem:s31+$0x1B9F0] =	vst v3;
	v2 =	vmax.f32 v2, $0.0e+00  }
0x96: {  	[tilespmem:s31+$0x1BA00] =	vst v2;
	v1 =	vmax.f32 v1, $0.0e+00  }
0x97: {  	[tilespmem:s31+$0x1BA10] =	vst v1  }
0x98: {  	[spmem:s2] =	stream.indirect.scatter.add.f32 [tilespmem:s25], [sflag:$0x2], $0x20, s18, s19, $0xb8;
	[tilespmem:$0x1C9A0] =	vst v63  }
0x99: {  	s30 =	sadd.s32 $0x1, s30;
	_ =	swait.ge [sflag:s16], $0x1000  }
0x9a: {  	p0 =	sne.s32 s30, s10;
	[sflag:s16] =	ssyncset.done $0x0  }
.Ltmp2:
0x9b: {  	[sflag:s16] =	ssyncadd.s32 $0xFFFFF000;
	(pc) =	sbr.rel @p0 .LBB2_2-.Ltmp2, $4  }
0x9c: {  	[spmem:s2] =	stream.indirect.scatter.add.f32 [tilespmem:s29], [sflag:$0x2], $0x20, s28, s19, $0xb8;
	[tilespmem:$0x1C9A0] =	vst v63  }
0x9d: {  	_ =	swait.ge [sflag:s16], $0x1000  }
0x9e: {  	[sflag:s16] =	ssyncset.done $0x0  }
0x9f: {  	[sflag:s16] =	ssyncadd.s32 $0xFFFFF000  }
0xa0: {  	s3 =	sadd.s32 $0x1, s3  }
0xa1: {  	p0 =	sne.s32 s3, s14  }
.Ltmp3:
0xa2: {  	[bflag:$0x0] =	sbarrier.arrive $0xFFFF;
	(pc) =	sbr.rel @p0 .LBB2_1-.Ltmp3, $4  }
0xa3: {  	[hbm:s13], [sflag:s9] =	dma.local [spmem:s15], $0x30D4  }
0xa4: {  	_ =	swait.ge [sflag:s16], $0x30D4  }
0xa5: {  	[sflag:s16] =	ssyncset.done $0x0  }
0xa6: {  	[sflag:s16] =	ssyncadd.s32 $0xFFFFCF2C  }
0xa7: {  	_ =	sfence.sel $0x180000  }
0xa8: {  	[bflag:$0x0] =	sbarrier.arrive $0xFFFF  }
0xa9: {  	_ =	strace $0x90000047  }
0xaa: {  	s0 =	stileid.u32;
	[bflag:$0x2] =	sbarrier.arrive $0xFFFF  }
0xab: {  	p0 =	sne.s32 s0, $0x0;
	s0 =	rddreg [dreg:$0x2]  }
0xac: {  	s0 =	sadd.s32 @!p0 $0x100000, s0  }
0xad: {  	[sflag:s0] =	ssyncadd.tile.s32 @!p0 $0x1;
	_ =	shalt  }
.Lfunc_end2:
_tile_overlayer_lowered:
.L_overlay_start_2:
0xae: {  	(tag) =	ssettag $0x2  }
0xaf: {  	s0 =	rddreg [dreg:$0x0];
	s2 =	stileid.u32  }
0xb0: {  	s1 =	rddreg [dreg:$0x1];
	p0 =	sne.s32 s2, $0x0  }
0xb1: {  	s3 =	rddreg [dreg:$0x2];
	[bflag:$0x3] =	sbarrier.arrive $0xFFFF;
	s2 =	simm.s32 @!p0 $0x1C02  }
0xb2: {  	[timem:s3], [sflag:s2] =	dma.local @!p0 [hbm:s0], s1  }
0xb3: {  	s0 =	simm.s32 @!p0 $0x2  }
0xb4: {  	_ =	swait.ge @!p0 [sflag:s0], s1  }
0xb5: {  	s1 =	ssub.s32 @!p0 $0x0, s1;
	[sflag:s0] =	ssyncset.done @!p0 $0x0  }
0xb6: {  	[sflag:s0] =	ssyncadd.s32 @!p0 s1  }
0xb7: {  	[bflag:$0x3] =	sbarrier.arrive $0xFFFF  }
0xb8: {  	_ =	shalt  }

// kernel: kernel.15.cloned.1.call-start
scs
__scs_entry_jumppad:
0x0: {  	(pc) =	sbr.rel $0x88, $3  }
0x1: {  	(tag) =	ssettag $0x0;
	lr =	simm.s32 $0x1  }
0x2: {  	[smem:$0x3F7A] =	sst lr;
	_ =	strace $0xD0000000  }
0x3: {  	_ = 	snop  }
0x4: {  	_ = 	snop  }
0x5: {  	_ = 	snop  }
0x6: {  	_ = 	snop  }
0x7: {  	_ = 	snop  }
__scs_overlays_trampoline_lowered:
0x8: {  	[smem:$0x3F89] =	sst s0  }
0x9: {  	[smem:$0x3F8A] =	sst s1  }
0xa: {  	[smem:$0x3F8B] =	sst s2  }
0xb: {  	[smem:$0x3F8C] =	sst s3  }
0xc: {  	[smem:$0x3F8D] =	sst s4  }
0xd: {  	[smem:$0x3F8E] =	sst s5  }
0xe: {  	[smem:$0x3F8F] =	sst s6  }
0xf: {  	[smem:$0x3F90] =	sst s7  }
0x10: {  	[smem:$0x3F91] =	sst s8  }
0x11: {  	[smem:$0x3F92] =	sst s9;
	s0 =	simm.s32 @!p0 $0x0  }
0x12: {  	s1 =	sld [smem:$0x3F78];
	s0 =	simm.s32 @p0 $0x1  }
0x13: {  	[smem:$0x3F93] =	sst s0;
	s0 =	simm.s32 @!p1 $0x0  }
0x14: {  	s2 =	sld [smem:$0x3F77];
	s0 =	simm.s32 @p1 $0x1  }
0x15: {  	[smem:$0x3F94] =	sst s0;
	s0 =	simm.s32 @!p2 $0x0  }
0x16: {  	s3 =	sld [smem:$0x3FDB];
	s0 =	simm.s32 @p2 $0x1  }
0x17: {  	s4 =	simm.s32 $0x1BF5;
	[smem:$0x3F96] =	sst s0  }
0x18: {  	s0 =	sld [smem:$0x3F79];
	_ =	swait.ge [sflag:s4], $0x0  }
0x19: {  	s7 =	sld [smem:$0x3F7A]  }
0x1a: {  	s8 =	sadd.s32 $0xFFFFE003, lr  }
0x1b: {  	s9 =	sadd.s32 $0xFFFFFEF7, lr;
	s5 =	simm.s32 $0xFFFFFFFF;
	p2 =	slt.u32 s8, $0xFFFFF086  }
0x1c: {  	p1 =	slt.u32 s9, $0xF7A;
	s5 =	simm.s32 @!p2 $0x0  }
0x1d: {  	s5 =	simm.s32 @p1 $0x1;
	p0 =	seq.s32 s7, s2  }
0x1e: {  	s7 =	smul.u32 @!p0 $0xF7A, s2;
	p2 =	seq.s32 @!p0 s5, $0x0  }
0x1f: {  	s9 =	smul.u32 $0xF7A, s1;
	s8 =	simm.s32 @!p0 $0x1BF5;
	p2 =	por !p2, p0  }
0x20: {  	[sflag:s8] =	ssyncset.s32 @!p0 $0xFFFFF086;
	s6 =	sadd.s32 @!p0 s3, s7;
	s7 =	simm.s32 @!p0 $0x108  }
0x21: {  	s3 =	sadd.s32 s3, s9;
	s6 =	sadd.s32 @!p0 $0x88, s6;
	s7 =	simm.s32 @p2 $0x1082  }
0x22: {  	[simem:s7], [sflag:s8] =	dma.local @!p0 [hbm:s6], $0xF7A  }
0x23: {  	s9 =	sor.u32 $0xD0000000, s2;
	s6 =	simm.s32 $0x108;
	_ =	swait.ge @!p0 [sflag:s8], $0x0  }
0x24: {  	s3 =	sadd.s32 $0x88, s3;
	s6 =	simm.s32 @!p1 $0x1082;
	[sflag:s4] =	ssyncset.s32 $0xFFFFF086  }
0x25: {  	[simem:s6], [sflag:s4] =	dma.local [hbm:s3], $0xF7A  }
0x26: {  	[smem:$0x3F7A] =	sst s1;
	(tag) =	ssettag s2;
	_ =	strace s9  }
0x27: {  	s1 =	sld [smem:$0x3F8A]  }
0x28: {  	s2 =	sld [smem:$0x3F8B]  }
0x29: {  	s4 =	sld [smem:$0x3F8D]  }
0x2a: {  	p0 =	seq.s32 s5, $0x0;
	s5 =	sld [smem:$0x3F8E]  }
0x2b: {  	s6 =	sld [smem:$0x3F8F]  }
0x2c: {  	s7 =	sld [smem:$0x3F90]  }
0x2d: {  	s3 =	simm.s32 $0x108;
	s8 =	sld [smem:$0x3F91]  }
0x2e: {  	s3 =	simm.s32 @!p0 $0x1082;
	s9 =	sld [smem:$0x3F92]  }
0x2f: {  	lr =	sadd.s32 s0, s3;
	s0 =	sld [smem:$0x3F89]  }
0x30: {  	s3 =	sld [smem:$0x3F8C]  }
0x31: {  	[smem:$0x3F95] =	sst s10  }
0x32: {  	s10 =	sld [smem:$0x3F93];
	_ =	sdelay $0x3  }
0x33: {  	p0 =	seq.s32 s10, $0x1;
	s10 =	sld [smem:$0x3F95];
	_ =	sdelay $0x3  }
0x34: {  	[smem:$0x3F95] =	sst s10  }
0x35: {  	s10 =	sld [smem:$0x3F94];
	_ =	sdelay $0x3  }
0x36: {  	p1 =	seq.s32 s10, $0x1;
	s10 =	sld [smem:$0x3F95];
	_ =	sdelay $0x3  }
0x37: {  	[smem:$0x3F95] =	sst s10  }
0x38: {  	s10 =	sld [smem:$0x3F96]  }
0x39: {  	_ = 	snop;
	(pc) =	sbr.ind lr, $3  }
0x3a: {  	_ = 	snop  }
0x3b: {  	_ = 	snop  }
0x3c: {  	p2 =	seq.s32 s10, $0x1;
	s10 =	sld [smem:$0x3F95]  }
0x3d: {  	_ =	shalt  }
0x3e: {  	_ =	shalt  }
0x3f: {  	_ =	shalt  }
0x40: {  	_ =	shalt  }
0x41: {  	_ =	shalt  }
0x42: {  	_ =	shalt  }
0x43: {  	_ =	shalt  }
0x44: {  	_ =	shalt  }
0x45: {  	_ =	shalt  }
0x46: {  	_ =	shalt  }
0x47: {  	_ =	shalt  }
0x48: {  	_ =	shalt  }
0x49: {  	_ =	shalt  }
0x4a: {  	_ =	shalt  }
0x4b: {  	_ =	shalt  }
0x4c: {  	_ =	shalt  }
0x4d: {  	_ =	shalt  }
0x4e: {  	_ =	shalt  }
0x4f: {  	_ =	shalt  }
0x50: {  	_ =	shalt  }
0x51: {  	_ =	shalt  }
0x52: {  	_ =	shalt  }
0x53: {  	_ =	shalt  }
0x54: {  	_ =	shalt  }
0x55: {  	_ =	shalt  }
0x56: {  	_ =	shalt  }
0x57: {  	_ =	shalt  }
0x58: {  	_ =	shalt  }
0x59: {  	_ =	shalt  }
0x5a: {  	_ =	shalt  }
0x5b: {  	_ =	shalt  }
0x5c: {  	_ =	shalt  }
0x5d: {  	_ =	shalt  }
0x5e: {  	_ =	shalt  }
0x5f: {  	_ =	shalt  }
0x60: {  	_ =	shalt  }
0x61: {  	_ =	shalt  }
0x62: {  	_ =	shalt  }
0x63: {  	_ =	shalt  }
0x64: {  	_ =	shalt  }
0x65: {  	_ =	shalt  }
0x66: {  	_ =	shalt  }
0x67: {  	_ =	shalt  }
0x68: {  	_ =	shalt  }
0x69: {  	_ =	shalt  }
0x6a: {  	_ =	shalt  }
0x6b: {  	_ =	shalt  }
0x6c: {  	_ =	shalt  }
0x6d: {  	_ =	shalt  }
0x6e: {  	_ =	shalt  }
0x6f: {  	_ =	shalt  }
0x70: {  	_ =	shalt  }
0x71: {  	_ =	shalt  }
0x72: {  	_ =	shalt  }
0x73: {  	_ =	shalt  }
0x74: {  	_ =	shalt  }
0x75: {  	_ =	shalt  }
0x76: {  	_ =	shalt  }
0x77: {  	_ =	shalt  }
0x78: {  	_ =	shalt  }
0x79: {  	_ =	shalt  }
0x7a: {  	_ =	shalt  }
0x7b: {  	_ =	shalt  }
0x7c: {  	_ =	shalt  }
0x7d: {  	_ =	shalt  }
0x7e: {  	_ =	shalt  }
0x7f: {  	_ =	shalt  }
0x80: {  	_ =	shalt  }
0x81: {  	_ =	shalt  }
0x82: {  	_ =	shalt  }
0x83: {  	_ =	shalt  }
0x84: {  	_ =	shalt  }
0x85: {  	_ =	shalt  }
0x86: {  	_ =	shalt  }
0x87: {  	_ =	shalt  }
.Lfunc_end0:
.L_simem_size_0:
called_computation.2_lowered:
.L_overlay_start_0:
0x88: {  	s2 =	sld [smem:$0x3FD9]  }
0x89: {  	s3 =	sld [smem:$0x3FFE];
	_ =	sdelay $0x1  }
0x8a: {  	s1 =	srdreg.scid  }
0x8b: {  	s0 =	sand.u32 $0x1, s1  }
0x8c: {  	s16 =	sshll.u32 s0, $0xA;
	s2 =	sadd.s32 s3, s2  }
0x8d: {  	s2 =	sadd.s32 s2, s16  }
0x8e: {  	[smem:$0x3FA1] =	sst s2  }
0x8f: {  	_ = 	snop  }
0x90: {  	(tm) =	ssettm $0x1  }
0x91: {  	s17 =	sld [smem:$0x3FFB];
	_ =	sdelay $0x3  }
0x92: {  	_ =	strace s17  }
0x93: {  	s2 =	sld [smem:$0x3FFC];
	_ =	sdelay $0x3  }
0x94: {  	_ =	strace s2  }
0x95: {  	s2 =	sld [smem:$0x3FFD];
	_ =	sdelay $0x3  }
0x96: {  	_ =	strace s2  }
0x97: {  	_ =	strace $0x8FFFFFFF  }
0x98: {  	s18 =	sld [smem:$0x3FDB];
	_ =	sdelay $0x1  }
0x99: {  	s19 =	simm.s32 $_scs_section_size  }
0x9a: {  	s4 =	simm.s32 $_size__tile_overlayer_lowered;
	s5 =	simm.s32 $_tile_overlayer_lowered  }
0x9b: {  	s22 =	simm.s32 $0x1BFF;
	s21 =	sshll.u32 s5, $0x1;
	s2 =	sadd.s32 s19, s18  }
0x9c: {  	s6 =	simm.s32 $0x0;
	s20 =	sshll.u32 s4, $0x1;
	s4 =	sadd.s32 s21, s2  }
0x9d: {  	[timem:s6], [sflag:s22] =	dma.local [hbm:s4], s20  }
0x9e: {  	_ =	swait.ge [sflag:s22], s20  }
0x9f: {  	s3 =	ssub.s32 $0x0, s20;
	[sflag:s22] =	ssyncset.done $0x0  }
0xa0: {  	[sflag:s22] =	ssyncadd.s32 s3;
	_ =	sdelay $0x1  }
0xa1: {  	s23 =	simm.s32 $0x1B8B  }
0xa2: {  	_ =	swait.ge [sflag:s23], $0x1  }
0xa3: {  	[sflag:s23] =	ssyncset.done $0x0  }
0xa4: {  	s25 =	simm.s32 $0x1B8E;
	s24 =	sld [smem:$0x3FFE];
	[sflag:s23] =	ssyncadd.s32 $0xFFFFFFFF  }
0xa5: {  	s26 =	simm.s32 $execute0_lowered;
	[smem:$0x3FD2] =	sst s25  }
0xa6: {  	s4 =	sshll.u32 s26, $0x1;
	_ =	strace $0x8000004C;
	[dreg:$0x1] =	wrdreg $0xFFFFFFFF  }
0xa7: {  	s28 =	simm.s32 $_size_execute0_lowered;
	s2 =	sadd.s32 s2, s4;
	[dreg:$0x0] =	wrdreg $0x0  }
0xa8: {  	s4 =	sshll.u32 s28, $0x1;
	[dreg:$0x2] =	wrdreg s2  }
0xa9: {  	[dreg:$0x3] =	wrdreg s4  }
0xaa: {  	[dreg:$0x4] =	wrdreg $0xC0  }
0xab: {  	_ =	task [dreg:s6], $0x5FFFF  }
0xac: {  	[dreg:$0x1] =	wrdreg $0xFFFFFFFF  }
0xad: {  	[dreg:$0x0] =	wrdreg $0x60  }
0xae: {  	[dreg:$0x2] =	wrdreg s24  }
0xaf: {  	[dreg:$0x3] =	wrdreg $0x0  }
0xb0: {  	[dreg:$0x4] =	wrdreg $0x9  }
0xb1: {  	_ =	task.clear_ibuf [dreg:s6], $0x5FFFF;
	_ =	strace $0x9000004C  }
0xb2: {  	s29 =	simm.s32 $0x9;
	_ =	strace $0x8000004E  }
0xb3: {  	_ =	swait.ge [sflag:s29], $0x1  }
0xb4: {  	[sflag:s29] =	ssyncadd.s32 $0xFFFFFFFF  }
0xb5: {  	_ =	strace $0x9000004E  }
0xb6: {  	_ =	sfence  }
0xb7: {  	s30 =	sld [smem:$0x0];
	_ =	sdelay $0x2  }
0xb8: {  	s31 =	sshll.u32 s1, $0xD;
	s1 =	sshrl.u32 s1, $0x2  }
0xb9: {  	s3 =	sand.u32 $0x4000, s31;
	s1 =	sadd.s32 s1, s30  }
0xba: {  	s0 =	sor.u32 s3, s0;
	s1 =	sshll.u32 s1, $0x11  }
0xbb: {  	s0 =	sor.u32 s1, s0  }
0xbc: {  	s0 =	sadd.s32 $0x8F2B, s0  }
0xbd: {  	[sflag:s0] =	ssyncadd.remote.s32 $0x1  }
0xbe: {  	_ =	sfence.sel $0xFFFF  }
0xbf: {  	[dreg:$0x0] =	wrdreg $0xFFFFFFFF;
	(pc) =	sbr.abs _section_cstart, $3  }
0xc0: {  	[dreg:$0x1] =	wrdreg $0xFFFFFFFF  }
0xc1: {  	_ =	task.clear_ibuf [dreg:s6], $0x2FFFF;
	_ =	strace $0x9FFFFFFF  }
0xc2: {  	(tm) =	ssettm $0x7FFFFFFF  }
0xc3: {  	_ =	shalt  }
tec
execute0_lowered:
.L_overlay_start_1:
0x0: {  	(tag) =	ssettag $0x1  }
0x1: {  	s0 =	rddreg [dreg:$0x0]  }
0x2: {  	s1 =	rddreg [dreg:$0x1];
	s3 =	simm.s32 $0x0  }
0x3: {  	s2 =	srdreg.scid;
	s13 =	stileid.u32;
	s16 =	simm.s32 $0x2  }
0x4: {  	s17 =	simm.s32 $0x186A0;
	s18 =	simm.s32 $0x187A0;
	s19 =	simm.s32 $0x80  }
0x5: {  	s20 =	simm.s32 $0x188A0;
	s21 =	simm.s32 $0x189A0;
	s22 =	simm.s32 $0x18920  }
0x6: {  	s23 =	simm.s32 $0x199A0;
	s28 =	simm.s32 $0x18820;
	s29 =	simm.s32 $0x1B9A0  }
0x7: {  	[smem:$0x7FF] =	sst s3;
	s2 =	sand.u32 $0x1, s2;
	s8 =	smul.u32 $0xC35, s13  }
0x8: {  	s4 =	sadd.s32 $0x1DA00, s0;
	s5 =	sadd.s32 $0x5200, s0;
	s6 =	sadd.s32 $0x3C0E00, s0  }
0x9: {  	s7 =	sadd.s32 $0x4CA200, s0;
	s11 =	smul.u32 $0x61A80, s13;
	s24 =	sadd.s32 $0x36200, s0  }
0xa: {  	s30 =	sshll.u32 s13, $0x6;
	s31 =	ssub.s32 $0xC44, s13;
	_ =	strace $0x8000004D  }
0xb: {  	s26 =	smul.u32 $0xC350, s2;
	s10 =	ssub.s32 $0x2, s2;
	[dreg:$0x3] =	wrdreg s24  }
0xc: {  	s2 =	sshll.u32 s2, $0x5;
	s24 =	simm.s32 $0x20;
	s12 =	sshrl.u32 s10, $0x1  }
0xd: {  	s25 =	sshrl.u32 s11, $0x2;
	s11 =	sshrl.u32 s31, $0x4;
	s9 =	sadd.s32 s8, s26  }
0xe: {  	s14 =	ssub.s32 s10, s12;
	s15 =	sadd.s32 s25, s1;
	s10 =	sor.u32 $0x40, s2  }
0xf: {  	s12 =	sshll.u32 s13, $0x1;
	s25 =	simm.s32 $0x1A9A0;
	s9 =	sshll.u32 s9, $0x2  }
0x10: {  	v0 =	vmov s26;
	s26 =	simm.s32 $0x1;
	s14 =	smax.u32 s14, $0x1;
	s0 =	sadd.s32 s9, s0  }
0x11: {  	s15 =	sshrl.u32 s15, $0x3;
	s9 =	sor.u32 $0x1C02, s30;
	s13 =	sadd.s32 $0x422A00, s0  }
.LBB2_1:
0x12: {  	s0 =	rddreg [dreg:$0x3]  }
0x13: {  	[spmem:s15], [sflag:s9] =	dma.local [hbm:s0], $0x30D4  }
0x14: {  	_ =	swait.ge [sflag:s16], $0x30D4  }
0x15: {  	[sflag:s16] =	ssyncset.done $0x0  }
0x16: {  	[sflag:s16] =	ssyncadd.s32 $0xFFFFCF2C  }
0x17: {  	s30 =	simm.s32 $0x0;
	[bflag:$0x0] =	sbarrier.arrive $0xFFFF  }
.LBB2_2:
0x18: {  	s0 =	sshll.u32 s30, $0x5  }
0x19: {  	s0 =	sor.u32 s12, s0  }
0x1a: {  	s2 =	sshll.u32 s0, $0x4  }
0x1b: {  	s8 =	simm.s32 $0x0;
	s31 =	sadd.s32 s4, s2  }
0x1c: {  	[tilespmem:s17], [sflag:$0x2] =	stream.linear.gather [hbm4b:s31+s8], $0x100, $0x38;
	[tilespmem:$0x1C9A0] =	vst v63  }
0x1d: {  	_ =	swait.ge [sflag:s16], $0x100  }
0x1e: {  	[sflag:s16] =	ssyncset.done $0x0  }
0x1f: {  	s2 =	sadd.s32 s5, s2;
	[sflag:s16] =	ssyncadd.s32 $0xFFFFFF00  }
0x20: {  	[tilespmem:s18], [sflag:$0x2] =	stream.linear.gather [hbm4b:s2+s8], $0x100, $0x38;
	[tilespmem:$0x1C9A0] =	vst v63  }
0x21: {  	_ =	swait.ge [sflag:s16], $0x100  }
0x22: {  	[sflag:s16] =	ssyncset.done $0x0  }
0x23: {  	[sflag:s16] =	ssyncadd.s32 $0xFFFFFF00  }
0x24: {  	v1 =	vld [tilespmem:$0x186A0]  }
0x25: {  	v2 =	vld [tilespmem:$0x186B0]  }
0x26: {  	v3 =	vld [tilespmem:$0x186C0]  }
0x27: {  	v4 =	vld [tilespmem:$0x186D0]  }
0x28: {  	v5 =	vld [tilespmem:$0x186E0]  }
0x29: {  	v6 =	vld [tilespmem:$0x186F0];
	v1 =	vadd.s32 v0, v1  }
0x2a: {  	[tilespmem:$0x188A0] =	vst v1;
	v1 =	vadd.s32 v0, v2;
	v2 =	vld [tilespmem:$0x18700]  }
0x2b: {  	[tilespmem:$0x188B0] =	vst v1;
	v1 =	vadd.s32 v0, v3;
	v3 =	vld [tilespmem:$0x18710]  }
0x2c: {  	[tilespmem:$0x188C0] =	vst v1;
	v1 =	vadd.s32 v0, v4;
	v4 =	vld [tilespmem:$0x18720]  }
0x2d: {  	[tilespmem:$0x188D0] =	vst v1;
	v1 =	vadd.s32 v0, v5;
	v5 =	vld [tilespmem:$0x18730]  }
0x2e: {  	[tilespmem:$0x188E0] =	vst v1;
	v1 =	vadd.s32 v0, v6;
	v6 =	vld [tilespmem:$0x18740]  }
0x2f: {  	[tilespmem:$0x188F0] =	vst v1;
	v1 =	vadd.s32 v0, v2;
	v2 =	vld [tilespmem:$0x18750]  }
0x30: {  	[tilespmem:$0x18900] =	vst v1;
	v1 =	vadd.s32 v0, v3;
	v3 =	vld [tilespmem:$0x18760]  }
0x31: {  	[tilespmem:$0x18910] =	vst v1;
	v1 =	vadd.s32 v0, v4;
	v4 =	vld [tilespmem:$0x18770]  }
0x32: {  	[tilespmem:$0x18920] =	vst v1;
	v1 =	vadd.s32 v0, v5;
	v5 =	vld [tilespmem:$0x18780]  }
0x33: {  	[tilespmem:$0x18930] =	vst v1;
	v1 =	vadd.s32 v0, v6;
	v6 =	vld [tilespmem:$0x18790]  }
0x34: {  	[tilespmem:$0x18940] =	vst v1;
	v1 =	vadd.s32 v0, v2  }
0x35: {  	[tilespmem:$0x18950] =	vst v1;
	v1 =	vadd.s32 v0, v3  }
0x36: {  	[tilespmem:$0x18960] =	vst v1;
	v1 =	vadd.s32 v0, v4  }
0x37: {  	[tilespmem:$0x18970] =	vst v1;
	v1 =	vadd.s32 v0, v5  }
0x38: {  	s0 =	sshll.u32 s0, $0xE;
	[tilespmem:$0x18980] =	vst v1;
	v1 =	vadd.s32 v0, v6  }
0x39: {  	s0 =	sor.u32 s10, s0;
	[tilespmem:$0x18990] =	vst v1  }
0x3a: {  	[tilespmem:s21], [sflag:$0x1] =	stream.indirect.gather [hbm4b:s6+s19], $0x20, s20, s19, $0xb8;
	[tilespmem:$0x1C9A0] =	vst v63  }
0x3b: {  	s0 =	sshrl.u32 s0, $0x3  }
0x3c: {  	[tilespmem:s23], [sflag:$0x1] =	stream.indirect.gather [hbm4b:s6+s19], $0x20, s22, s19, $0xb8;
	[tilespmem:$0x1C9A0] =	vst v63  }
0x3d: {  	s0 =	sadd.s32 s7, s0  }
0x3e: {  	[tilespmem:s25], [sflag:$0x2] =	stream.strided.gather [hbm4b:s0+s24], $0x2000, s19, s24, $0x38;
	[tilespmem:$0x1C9A0] =	vst v63  }
0x3f: {  	_ =	swait.ge [sflag:s16], $0x2000  }
0x40: {  	[sflag:s16] =	ssyncset.done $0x0  }
0x41: {  	[sflag:s16] =	ssyncadd.s32 $0xFFFFE000  }
0x42: {  	_ =	swait.ge [sflag:s26], $0x1000  }
0x43: {  	[sflag:s26] =	ssyncset.done $0x0  }
0x44: {  	[sflag:s26] =	ssyncadd.s32 $0xFFFFF000  }
0x45: {  	_ =	swait.ge [sflag:s26], $0x1000  }
0x46: {  	[sflag:s26] =	ssyncset.done $0x0  }
0x47: {  	s31 =	simm.s32 $0x0;
	[sflag:s26] =	ssyncadd.s32 $0xFFFFF000  }
0x48: {  	v7 =	vld [tilespmem:s31+$0x189A0]  }
0x49: {  	v12 =	vld [tilespmem:s31+$0x189B0]  }
0x4a: {  	v6 =	vld [tilespmem:s31+$0x189C0]  }
0x4b: {  	v5 =	vld [tilespmem:s31+$0x189D0]  }
0x4c: {  	v4 =	vld [tilespmem:s31+$0x189E0]  }
0x4d: {  	v3 =	vld [tilespmem:s31+$0x189F0]  }
0x4e: {  	v2 =	vld [tilespmem:s31+$0x18A00]  }
0x4f: {  	v1 =	vld [tilespmem:s31+$0x18A10]  }
0x50: {  	v13 =	vld [tilespmem:s31+$0x1A9A0]  }
0x51: {  	v14 =	vld [tilespmem:s31+$0x1A9B0]  }
0x52: {  	v11 =	vld [tilespmem:s31+$0x1A9C0]  }
0x53: {  	v10 =	vld [tilespmem:s31+$0x1A9D0]  }
0x54: {  	v9 =	vld [tilespmem:s31+$0x1A9E0]  }
0x55: {  	v8 =	vld [tilespmem:s31+$0x1A9F0];
	v13 =	vadd.f32 v13, v7  }
0x56: {  	s2 =	simm.s32 $0x200;
	s0 =	simm.s32 $0x0;
	v12 =	vadd.f32 v14, v12;
	v7 =	vld [tilespmem:s31+$0x1AA00]  }
.LBB2_3:
0x57: {  	s8 =	sshra.s32 s2, $0x2;
	p0 =	sne.s32 s2, $0x3E00;
	v13 =	vmax.f32 v13, $0.0e+00;
	v6 =	vadd.f32 v11, v6;
	v11 =	vld [tilespmem:s0+$0x1AA10]  }
0x58: {  	v14 =	vld [tilespmem:s8+$0x189A0];
	[tilespmem:s0+$0x1A9A0] =	vst v13;
	v12 =	vmax.f32 v12, $0.0e+00;
	v5 =	vadd.f32 v10, v5  }
0x59: {  	v15 =	vld [tilespmem:s8+$0x189B0];
	[tilespmem:s0+$0x1A9B0] =	vst v12;
	v10 =	vmax.f32 v6, $0.0e+00;
	v4 =	vadd.f32 v9, v4  }
0x5a: {  	v6 =	vld [tilespmem:s8+$0x189C0];
	[tilespmem:s0+$0x1A9C0] =	vst v10;
	v9 =	vmax.f32 v5, $0.0e+00;
	v3 =	vadd.f32 v8, v3  }
0x5b: {  	v5 =	vld [tilespmem:s8+$0x189D0];
	[tilespmem:s0+$0x1A9D0] =	vst v9;
	v8 =	vmax.f32 v4, $0.0e+00;
	v2 =	vadd.f32 v7, v2  }
0x5c: {  	v4 =	vld [tilespmem:s8+$0x189E0];
	[tilespmem:s0+$0x1A9E0] =	vst v8;
	v7 =	vmax.f32 v3, $0.0e+00;
	v1 =	vadd.f32 v11, v1  }
0x5d: {  	v3 =	vld [tilespmem:s8+$0x189F0];
	[tilespmem:s0+$0x1A9F0] =	vst v7;
	v7 =	vmax.f32 v2, $0.0e+00  }
0x5e: {  	v2 =	vld [tilespmem:s8+$0x18A00];
	[tilespmem:s0+$0x1AA00] =	vst v7;
	v7 =	vmax.f32 v1, $0.0e+00  }
0x5f: {  	v1 =	vld [tilespmem:s8+$0x18A10];
	[tilespmem:s0+$0x1AA10] =	vst v7;
	s0 =	smov.u32 s8  }
0x60: {  	v7 =	vld [tilespmem:s0+$0x1A9A0]  }
0x61: {  	v12 =	vld [tilespmem:s0+$0x1A9B0]  }
.Ltmp0:
0x62: {  	v11 =	vld [tilespmem:s0+$0x1A9C0];
	(pc) =	sbr.rel @p0 .LBB2_3-.Ltmp0, $4  }
0x63: {  	v10 =	vld [tilespmem:s0+$0x1A9D0]  }
0x64: {  	v9 =	vld [tilespmem:s0+$0x1A9E0]  }
0x65: {  	v13 =	vadd.f32 v7, v14;
	v8 =	vld [tilespmem:s0+$0x1A9F0]  }
0x66: {  	s2 =	sadd.s32 $0x200, s2;
	v12 =	vadd.f32 v12, v15;
	v7 =	vld [tilespmem:s0+$0x1AA00]  }
0x67: {  	v13 =	vmax.f32 v13, $0.0e+00;
	v6 =	vadd.f32 v11, v6;
	v11 =	vld [tilespmem:s0+$0x1AA10]  }
0x68: {  	[tilespmem:s0+$0x1A9A0] =	vst v13;
	v12 =	vmax.f32 v12, $0.0e+00;
	v5 =	vadd.f32 v10, v5  }
0x69: {  	[tilespmem:s0+$0x1A9B0] =	vst v12;
	v6 =	vmax.f32 v6, $0.0e+00;
	v4 =	vadd.f32 v9, v4  }
0x6a: {  	[tilespmem:s0+$0x1A9C0] =	vst v6;
	v5 =	vmax.f32 v5, $0.0e+00;
	v3 =	vadd.f32 v8, v3  }
0x6b: {  	[tilespmem:s0+$0x1A9D0] =	vst v5;
	v4 =	vmax.f32 v4, $0.0e+00;
	v2 =	vadd.f32 v7, v2  }
0x6c: {  	[tilespmem:s0+$0x1A9E0] =	vst v4;
	v3 =	vmax.f32 v3, $0.0e+00;
	v1 =	vadd.f32 v11, v1  }
0x6d: {  	[tilespmem:s0+$0x1A9F0] =	vst v3;
	v2 =	vmax.f32 v2, $0.0e+00  }
0x6e: {  	[tilespmem:s0+$0x1AA00] =	vst v2;
	v1 =	vmax.f32 v1, $0.0e+00  }
0x6f: {  	[tilespmem:s0+$0x1AA10] =	vst v1  }
0x70: {  	v7 =	vld [tilespmem:s31+$0x199A0]  }
0x71: {  	v12 =	vld [tilespmem:s31+$0x199B0]  }
0x72: {  	v6 =	vld [tilespmem:s31+$0x199C0]  }
0x73: {  	v5 =	vld [tilespmem:s31+$0x199D0]  }
0x74: {  	v4 =	vld [tilespmem:s31+$0x199E0]  }
0x75: {  	v3 =	vld [tilespmem:s31+$0x199F0]  }
0x76: {  	v2 =	vld [tilespmem:s31+$0x19A00]  }
0x77: {  	v1 =	vld [tilespmem:s31+$0x19A10]  }
0x78: {  	v13 =	vld [tilespmem:s31+$0x1B9A0]  }
0x79: {  	v14 =	vld [tilespmem:s31+$0x1B9B0]  }
0x7a: {  	v11 =	vld [tilespmem:s31+$0x1B9C0]  }
0x7b: {  	v10 =	vld [tilespmem:s31+$0x1B9D0]  }
0x7c: {  	v9 =	vld [tilespmem:s31+$0x1B9E0]  }
0x7d: {  	v8 =	vld [tilespmem:s31+$0x1B9F0];
	v13 =	vadd.f32 v13, v7  }
0x7e: {  	s0 =	simm.s32 $0x200;
	v12 =	vadd.f32 v14, v12;
	v7 =	vld [tilespmem:s31+$0x1BA00]  }
.LBB2_5:
0x7f: {  	s2 =	sshra.s32 s0, $0x2;
	p0 =	sne.s32 s0, $0x3E00;
	v13 =	vmax.f32 v13, $0.0e+00;
	v6 =	vadd.f32 v11, v6;
	v11 =	vld [tilespmem:s31+$0x1BA10]  }
0x80: {  	v14 =	vld [tilespmem:s2+$0x199A0];
	[tilespmem:s31+$0x1B9A0] =	vst v13;
	v12 =	vmax.f32 v12, $0.0e+00;
	v5 =	vadd.f32 v10, v5  }
0x81: {  	v15 =	vld [tilespmem:s2+$0x199B0];
	[tilespmem:s31+$0x1B9B0] =	vst v12;
	v10 =	vmax.f32 v6, $0.0e+00;
	v4 =	vadd.f32 v9, v4  }
0x82: {  	v6 =	vld [tilespmem:s2+$0x199C0];
	[tilespmem:s31+$0x1B9C0] =	vst v10;
	v9 =	vmax.f32 v5, $0.0e+00;
	v3 =	vadd.f32 v8, v3  }
0x83: {  	v5 =	vld [tilespmem:s2+$0x199D0];
	[tilespmem:s31+$0x1B9D0] =	vst v9;
	v8 =	vmax.f32 v4, $0.0e+00;
	v2 =	vadd.f32 v7, v2  }
0x84: {  	v4 =	vld [tilespmem:s2+$0x199E0];
	[tilespmem:s31+$0x1B9E0] =	vst v8;
	v7 =	vmax.f32 v3, $0.0e+00;
	v1 =	vadd.f32 v11, v1  }
0x85: {  	v3 =	vld [tilespmem:s2+$0x199F0];
	[tilespmem:s31+$0x1B9F0] =	vst v7;
	v7 =	vmax.f32 v2, $0.0e+00  }
0x86: {  	v2 =	vld [tilespmem:s2+$0x19A00];
	[tilespmem:s31+$0x1BA00] =	vst v7;
	v7 =	vmax.f32 v1, $0.0e+00  }
0x87: {  	v1 =	vld [tilespmem:s2+$0x19A10];
	[tilespmem:s31+$0x1BA10] =	vst v7;
	s31 =	smov.u32 s2  }
0x88: {  	v7 =	vld [tilespmem:s31+$0x1B9A0]  }
0x89: {  	v12 =	vld [tilespmem:s31+$0x1B9B0]  }
.Ltmp1:
0x8a: {  	v11 =	vld [tilespmem:s31+$0x1B9C0];
	(pc) =	sbr.rel @p0 .LBB2_5-.Ltmp1, $4  }
0x8b: {  	v10 =	vld [tilespmem:s31+$0x1B9D0]  }
0x8c: {  	v9 =	vld [tilespmem:s31+$0x1B9E0]  }
0x8d: {  	v13 =	vadd.f32 v7, v14;
	v8 =	vld [tilespmem:s31+$0x1B9F0]  }
0x8e: {  	s0 =	sadd.s32 $0x200, s0;
	v12 =	vadd.f32 v12, v15;
	v7 =	vld [tilespmem:s31+$0x1BA00]  }
0x8f: {  	v13 =	vmax.f32 v13, $0.0e+00;
	v6 =	vadd.f32 v11, v6;
	v63 =	vld [tilespmem:s31+$0x1BA10]  }
0x90: {  	[tilespmem:s31+$0x1B9A0] =	vst v13;
	v12 =	vmax.f32 v12, $0.0e+00;
	v5 =	vadd.f32 v10, v5  }
0x91: {  	[tilespmem:s31+$0x1B9B0] =	vst v12;
	v6 =	vmax.f32 v6, $0.0e+00;
	v4 =	vadd.f32 v9, v4  }
0x92: {  	[tilespmem:s31+$0x1B9C0] =	vst v6;
	v5 =	vmax.f32 v5, $0.0e+00;
	v3 =	vadd.f32 v8, v3  }
0x93: {  	[tilespmem:s31+$0x1B9D0] =	vst v5;
	v4 =	vmax.f32 v4, $0.0e+00;
	v2 =	vadd.f32 v7, v2  }
0x94: {  	[tilespmem:s31+$0x1B9E0] =	vst v4;
	v3 =	vmax.f32 v3, $0.0e+00;
	v1 =	vadd.f32 v63, v1  }
0x95: {  	[tilespmem:s31+$0x1B9F0] =	vst v3;
	v2 =	vmax.f32 v2, $0.0e+00  }
0x96: {  	[tilespmem:s31+$0x1BA00] =	vst v2;
	v1 =	vmax.f32 v1, $0.0e+00  }
0x97: {  	[tilespmem:s31+$0x1BA10] =	vst v1  }
0x98: {  	[spmem:s1] =	stream.indirect.scatter.add.f32 [tilespmem:s25], [sflag:$0x2], $0x20, s18, s19, $0xb8;
	[tilespmem:$0x1C9A0] =	vst v63  }
0x99: {  	s30 =	sadd.s32 $0x1, s30;
	_ =	swait.ge [sflag:s16], $0x1000  }
0x9a: {  	p0 =	sne.s32 s30, s11;
	[sflag:s16] =	ssyncset.done $0x0  }
.Ltmp2:
0x9b: {  	[sflag:s16] =	ssyncadd.s32 $0xFFFFF000;
	(pc) =	sbr.rel @p0 .LBB2_2-.Ltmp2, $4  }
0x9c: {  	[spmem:s1] =	stream.indirect.scatter.add.f32 [tilespmem:s29], [sflag:$0x2], $0x20, s28, s19, $0xb8;
	[tilespmem:$0x1C9A0] =	vst v63  }
0x9d: {  	_ =	swait.ge [sflag:s16], $0x1000  }
0x9e: {  	[sflag:s16] =	ssyncset.done $0x0  }
0x9f: {  	[sflag:s16] =	ssyncadd.s32 $0xFFFFF000  }
0xa0: {  	s3 =	sadd.s32 $0x1, s3  }
0xa1: {  	p0 =	sne.s32 s3, s14  }
.Ltmp3:
0xa2: {  	[bflag:$0x0] =	sbarrier.arrive $0xFFFF;
	(pc) =	sbr.rel @p0 .LBB2_1-.Ltmp3, $4  }
0xa3: {  	[hbm:s13], [sflag:s9] =	dma.local [spmem:s15], $0x30D4  }
0xa4: {  	_ =	swait.ge [sflag:s16], $0x30D4  }
0xa5: {  	[sflag:s16] =	ssyncset.done $0x0  }
0xa6: {  	[sflag:s16] =	ssyncadd.s32 $0xFFFFCF2C  }
0xa7: {  	_ =	sfence.sel $0x180000  }
0xa8: {  	[bflag:$0x0] =	sbarrier.arrive $0xFFFF  }
0xa9: {  	_ =	strace $0x9000004D  }
0xaa: {  	s0 =	stileid.u32;
	[bflag:$0x2] =	sbarrier.arrive $0xFFFF  }
0xab: {  	p0 =	sne.s32 s0, $0x0;
	s0 =	rddreg [dreg:$0x2]  }
0xac: {  	s0 =	sadd.s32 @!p0 $0x100000, s0  }
0xad: {  	[sflag:s0] =	ssyncadd.tile.s32 @!p0 $0x1;
	_ =	shalt  }
.Lfunc_end2:
_tile_overlayer_lowered:
.L_overlay_start_2:
0xae: {  	(tag) =	ssettag $0x2  }
0xaf: {  	s0 =	rddreg [dreg:$0x0];
	s2 =	stileid.u32  }
0xb0: {  	s1 =	rddreg [dreg:$0x1];
	p0 =	sne.s32 s2, $0x0  }
0xb1: {  	s3 =	rddreg [dreg:$0x2];
	[bflag:$0x3] =	sbarrier.arrive $0xFFFF;
	s2 =	simm.s32 @!p0 $0x1C02  }
0xb2: {  	[timem:s3], [sflag:s2] =	dma.local @!p0 [hbm:s0], s1  }
0xb3: {  	s0 =	simm.s32 @!p0 $0x2  }
0xb4: {  	_ =	swait.ge @!p0 [sflag:s0], s1  }
0xb5: {  	s1 =	ssub.s32 @!p0 $0x0, s1;
	[sflag:s0] =	ssyncset.done @!p0 $0x0  }
0xb6: {  	[sflag:s0] =	ssyncadd.s32 @!p0 s1  }
0xb7: {  	[bflag:$0x3] =	sbarrier.arrive $0xFFFF  }
0xb8: {  	_ =	shalt  }

// kernel: kernel.9.cloned.1.call-start
scs
__scs_entry_jumppad:
0x0: {  	(pc) =	sbr.rel $0x88, $3  }
0x1: {  	(tag) =	ssettag $0x0;
	lr =	simm.s32 $0x1  }
0x2: {  	[smem:$0x3F7A] =	sst lr;
	_ =	strace $0xD0000000  }
0x3: {  	_ = 	snop  }
0x4: {  	_ = 	snop  }
0x5: {  	_ = 	snop  }
0x6: {  	_ = 	snop  }
0x7: {  	_ = 	snop  }
__scs_overlays_trampoline_lowered:
0x8: {  	[smem:$0x3F89] =	sst s0  }
0x9: {  	[smem:$0x3F8A] =	sst s1  }
0xa: {  	[smem:$0x3F8B] =	sst s2  }
0xb: {  	[smem:$0x3F8C] =	sst s3  }
0xc: {  	[smem:$0x3F8D] =	sst s4  }
0xd: {  	[smem:$0x3F8E] =	sst s5  }
0xe: {  	[smem:$0x3F8F] =	sst s6  }
0xf: {  	[smem:$0x3F90] =	sst s7  }
0x10: {  	[smem:$0x3F91] =	sst s8  }
0x11: {  	[smem:$0x3F92] =	sst s9;
	s0 =	simm.s32 @!p0 $0x0  }
0x12: {  	s1 =	sld [smem:$0x3F78];
	s0 =	simm.s32 @p0 $0x1  }
0x13: {  	[smem:$0x3F93] =	sst s0;
	s0 =	simm.s32 @!p1 $0x0  }
0x14: {  	s2 =	sld [smem:$0x3F77];
	s0 =	simm.s32 @p1 $0x1  }
0x15: {  	[smem:$0x3F94] =	sst s0;
	s0 =	simm.s32 @!p2 $0x0  }
0x16: {  	s3 =	sld [smem:$0x3FDB];
	s0 =	simm.s32 @p2 $0x1  }
0x17: {  	s4 =	simm.s32 $0x1BF5;
	[smem:$0x3F96] =	sst s0  }
0x18: {  	s0 =	sld [smem:$0x3F79];
	_ =	swait.ge [sflag:s4], $0x0  }
0x19: {  	s7 =	sld [smem:$0x3F7A]  }
0x1a: {  	s8 =	sadd.s32 $0xFFFFE003, lr  }
0x1b: {  	s9 =	sadd.s32 $0xFFFFFEF7, lr;
	s5 =	simm.s32 $0xFFFFFFFF;
	p2 =	slt.u32 s8, $0xFFFFF086  }
0x1c: {  	p1 =	slt.u32 s9, $0xF7A;
	s5 =	simm.s32 @!p2 $0x0  }
0x1d: {  	s5 =	simm.s32 @p1 $0x1;
	p0 =	seq.s32 s7, s2  }
0x1e: {  	s7 =	smul.u32 @!p0 $0xF7A, s2;
	p2 =	seq.s32 @!p0 s5, $0x0  }
0x1f: {  	s9 =	smul.u32 $0xF7A, s1;
	s8 =	simm.s32 @!p0 $0x1BF5;
	p2 =	por !p2, p0  }
0x20: {  	[sflag:s8] =	ssyncset.s32 @!p0 $0xFFFFF086;
	s6 =	sadd.s32 @!p0 s3, s7;
	s7 =	simm.s32 @!p0 $0x108  }
0x21: {  	s3 =	sadd.s32 s3, s9;
	s6 =	sadd.s32 @!p0 $0x88, s6;
	s7 =	simm.s32 @p2 $0x1082  }
0x22: {  	[simem:s7], [sflag:s8] =	dma.local @!p0 [hbm:s6], $0xF7A  }
0x23: {  	s9 =	sor.u32 $0xD0000000, s2;
	s6 =	simm.s32 $0x108;
	_ =	swait.ge @!p0 [sflag:s8], $0x0  }
0x24: {  	s3 =	sadd.s32 $0x88, s3;
	s6 =	simm.s32 @!p1 $0x1082;
	[sflag:s4] =	ssyncset.s32 $0xFFFFF086  }
0x25: {  	[simem:s6], [sflag:s4] =	dma.local [hbm:s3], $0xF7A  }
0x26: {  	[smem:$0x3F7A] =	sst s1;
	(tag) =	ssettag s2;
	_ =	strace s9  }
0x27: {  	s1 =	sld [smem:$0x3F8A]  }
0x28: {  	s2 =	sld [smem:$0x3F8B]  }
0x29: {  	s4 =	sld [smem:$0x3F8D]  }
0x2a: {  	p0 =	seq.s32 s5, $0x0;
	s5 =	sld [smem:$0x3F8E]  }
0x2b: {  	s6 =	sld [smem:$0x3F8F]  }
0x2c: {  	s7 =	sld [smem:$0x3F90]  }
0x2d: {  	s3 =	simm.s32 $0x108;
	s8 =	sld [smem:$0x3F91]  }
0x2e: {  	s3 =	simm.s32 @!p0 $0x1082;
	s9 =	sld [smem:$0x3F92]  }
0x2f: {  	lr =	sadd.s32 s0, s3;
	s0 =	sld [smem:$0x3F89]  }
0x30: {  	s3 =	sld [smem:$0x3F8C]  }
0x31: {  	[smem:$0x3F95] =	sst s10  }
0x32: {  	s10 =	sld [smem:$0x3F93];
	_ =	sdelay $0x3  }
0x33: {  	p0 =	seq.s32 s10, $0x1;
	s10 =	sld [smem:$0x3F95];
	_ =	sdelay $0x3  }
0x34: {  	[smem:$0x3F95] =	sst s10  }
0x35: {  	s10 =	sld [smem:$0x3F94];
	_ =	sdelay $0x3  }
0x36: {  	p1 =	seq.s32 s10, $0x1;
	s10 =	sld [smem:$0x3F95];
	_ =	sdelay $0x3  }
0x37: {  	[smem:$0x3F95] =	sst s10  }
0x38: {  	s10 =	sld [smem:$0x3F96]  }
0x39: {  	_ = 	snop;
	(pc) =	sbr.ind lr, $3  }
0x3a: {  	_ = 	snop  }
0x3b: {  	_ = 	snop  }
0x3c: {  	p2 =	seq.s32 s10, $0x1;
	s10 =	sld [smem:$0x3F95]  }
0x3d: {  	_ =	shalt  }
0x3e: {  	_ =	shalt  }
0x3f: {  	_ =	shalt  }
0x40: {  	_ =	shalt  }
0x41: {  	_ =	shalt  }
0x42: {  	_ =	shalt  }
0x43: {  	_ =	shalt  }
0x44: {  	_ =	shalt  }
0x45: {  	_ =	shalt  }
0x46: {  	_ =	shalt  }
0x47: {  	_ =	shalt  }
0x48: {  	_ =	shalt  }
0x49: {  	_ =	shalt  }
0x4a: {  	_ =	shalt  }
0x4b: {  	_ =	shalt  }
0x4c: {  	_ =	shalt  }
0x4d: {  	_ =	shalt  }
0x4e: {  	_ =	shalt  }
0x4f: {  	_ =	shalt  }
0x50: {  	_ =	shalt  }
0x51: {  	_ =	shalt  }
0x52: {  	_ =	shalt  }
0x53: {  	_ =	shalt  }
0x54: {  	_ =	shalt  }
0x55: {  	_ =	shalt  }
0x56: {  	_ =	shalt  }
0x57: {  	_ =	shalt  }
0x58: {  	_ =	shalt  }
0x59: {  	_ =	shalt  }
0x5a: {  	_ =	shalt  }
0x5b: {  	_ =	shalt  }
0x5c: {  	_ =	shalt  }
0x5d: {  	_ =	shalt  }
0x5e: {  	_ =	shalt  }
0x5f: {  	_ =	shalt  }
0x60: {  	_ =	shalt  }
0x61: {  	_ =	shalt  }
0x62: {  	_ =	shalt  }
0x63: {  	_ =	shalt  }
0x64: {  	_ =	shalt  }
0x65: {  	_ =	shalt  }
0x66: {  	_ =	shalt  }
0x67: {  	_ =	shalt  }
0x68: {  	_ =	shalt  }
0x69: {  	_ =	shalt  }
0x6a: {  	_ =	shalt  }
0x6b: {  	_ =	shalt  }
0x6c: {  	_ =	shalt  }
0x6d: {  	_ =	shalt  }
0x6e: {  	_ =	shalt  }
0x6f: {  	_ =	shalt  }
0x70: {  	_ =	shalt  }
0x71: {  	_ =	shalt  }
0x72: {  	_ =	shalt  }
0x73: {  	_ =	shalt  }
0x74: {  	_ =	shalt  }
0x75: {  	_ =	shalt  }
0x76: {  	_ =	shalt  }
0x77: {  	_ =	shalt  }
0x78: {  	_ =	shalt  }
0x79: {  	_ =	shalt  }
0x7a: {  	_ =	shalt  }
0x7b: {  	_ =	shalt  }
0x7c: {  	_ =	shalt  }
0x7d: {  	_ =	shalt  }
0x7e: {  	_ =	shalt  }
0x7f: {  	_ =	shalt  }
0x80: {  	_ =	shalt  }
0x81: {  	_ =	shalt  }
0x82: {  	_ =	shalt  }
0x83: {  	_ =	shalt  }
0x84: {  	_ =	shalt  }
0x85: {  	_ =	shalt  }
0x86: {  	_ =	shalt  }
0x87: {  	_ =	shalt  }
.Lfunc_end0:
.L_simem_size_0:
called_computation_lowered:
.L_overlay_start_0:
0x88: {  	s2 =	sld [smem:$0x3FD9]  }
0x89: {  	s3 =	sld [smem:$0x3FFE];
	_ =	sdelay $0x1  }
0x8a: {  	s1 =	srdreg.scid  }
0x8b: {  	s0 =	sand.u32 $0x1, s1  }
0x8c: {  	s17 =	sshll.u32 s0, $0xA;
	s2 =	sadd.s32 s3, s2  }
0x8d: {  	s2 =	sadd.s32 s2, s17  }
0x8e: {  	[smem:$0x3FA1] =	sst s2  }
0x8f: {  	_ = 	snop  }
0x90: {  	s18 =	sld [smem:$0x3FD0];
	(tm) =	ssettm $0x1  }
0x91: {  	s19 =	sld [smem:$0x3FFB];
	_ =	sdelay $0x3  }
0x92: {  	_ =	strace s19  }
0x93: {  	s2 =	sld [smem:$0x3FFC];
	_ =	sdelay $0x3  }
0x94: {  	_ =	strace s2  }
0x95: {  	s2 =	sld [smem:$0x3FFD];
	_ =	sdelay $0x3  }
0x96: {  	_ =	strace s2  }
0x97: {  	_ =	strace $0x8FFFFFFF  }
0x98: {  	s20 =	sld [smem:$0x3FDB];
	_ =	sdelay $0x1  }
0x99: {  	s4 =	simm.s32 $_scs_section_size  }
0x9a: {  	s5 =	simm.s32 $_size__tile_overlayer_lowered;
	s6 =	simm.s32 $_tile_overlayer_lowered  }
0x9b: {  	s7 =	simm.s32 $0x1BFF;
	s21 =	sshll.u32 s6, $0x1;
	s4 =	sadd.s32 s4, s20  }
0x9c: {  	s22 =	simm.s32 $0x0;
	s5 =	sshll.u32 s5, $0x1;
	s6 =	sadd.s32 s21, s4  }
0x9d: {  	[timem:s22], [sflag:s7] =	dma.local [hbm:s6], s5  }
0x9e: {  	_ =	swait.ge [sflag:s7], s5  }
0x9f: {  	s5 =	ssub.s32 $0x0, s5;
	[sflag:s7] =	ssyncset.done $0x0  }
0xa0: {  	[sflag:s7] =	ssyncadd.s32 s5;
	_ =	sdelay $0x1  }
0xa1: {  	s23 =	simm.s32 $0x1B8B  }
0xa2: {  	_ =	swait.ge [sflag:s23], $0x1  }
0xa3: {  	[sflag:s23] =	ssyncset.done $0x0  }
0xa4: {  	[sflag:s23] =	ssyncadd.s32 $0xFFFFFFFF  }
0xa5: {  	s5 =	sld [smem:$0x0]  }
0xa6: {  	s6 =	sand.u32 $0xFFFFFFFE, s1  }
0xa7: {  	p0 =	sne.s32 s1, s6  }
0xa8: {  	s6 =	sshll.u32 @p0 s6, $0xE  }
0xa9: {  	s6 =	sadd.s32 @p0 $0x11B8D, s6;
	s7 =	sshll.u32 @p0 s5, $0x11  }
0xaa: {  	s6 =	sor.u32 @p0 s7, s6  }
0xab: {  	[sflag:s6] =	ssyncadd.remote.s32 @p0 $0x1;
	_ =	sdelay $0x1  }
0xac: {  	s6 =	simm.s32 @p0 $0x1B8D  }
0xad: {  	_ =	swait.eq @p0 [sflag:s6], $0x1  }
0xae: {  	[sflag:s6] =	ssyncadd.s32 @p0 $0xFFFFFFFF  }
0xaf: {  	s7 =	sshll.u32 @!p0 s1, $0xE  }
0xb0: {  	s7 =	sor.u32 @!p0 $0x4000, s7;
	s6 =	simm.s32 @!p0 $0x1B8D  }
0xb1: {  	s5 =	sshll.u32 @!p0 s5, $0x11;
	s7 =	sadd.s32 @!p0 $0x11B8D, s7;
	_ =	swait.eq @!p0 [sflag:s6], $0x1  }
0xb2: {  	s5 =	sor.u32 @!p0 s5, s7;
	[sflag:s6] =	ssyncadd.s32 @!p0 $0xFFFFFFFF  }
0xb3: {  	s25 =	simm.s32 $0x1B8E;
	s24 =	sld [smem:$0x3FFE];
	[sflag:s5] =	ssyncadd.remote.s32 @!p0 $0x1  }
0xb4: {  	s26 =	simm.s32 $execute0_lowered;
	[smem:$0x3FD2] =	sst s25  }
0xb5: {  	s6 =	sshll.u32 s26, $0x1;
	_ =	strace $0x80000049;
	[dreg:$0x1] =	wrdreg $0xFFFFFFFF  }
0xb6: {  	s28 =	simm.s32 $_size_execute0_lowered;
	s4 =	sadd.s32 s4, s6;
	[dreg:$0x0] =	wrdreg $0x0  }
0xb7: {  	s6 =	sshll.u32 s28, $0x1;
	[dreg:$0x2] =	wrdreg s4  }
0xb8: {  	[dreg:$0x3] =	wrdreg s6  }
0xb9: {  	[dreg:$0x4] =	wrdreg $0xC0  }
0xba: {  	_ =	task [dreg:s22], $0x5FFFF  }
0xbb: {  	[dreg:$0x1] =	wrdreg $0xFFFFFFFF  }
0xbc: {  	[dreg:$0x0] =	wrdreg $0x60  }
0xbd: {  	[dreg:$0x2] =	wrdreg s24  }
0xbe: {  	[dreg:$0x3] =	wrdreg s18  }
0xbf: {  	[dreg:$0x4] =	wrdreg $0x0  }
0xc0: {  	[dreg:$0x5] =	wrdreg $0x9  }
0xc1: {  	_ =	task.clear_ibuf [dreg:s22], $0x6FFFF;
	_ =	strace $0x90000049  }
0xc2: {  	s29 =	simm.s32 $0x9;
	_ =	strace $0x8000004B  }
0xc3: {  	_ =	swait.ge [sflag:s29], $0x1  }
0xc4: {  	[sflag:s29] =	ssyncadd.s32 $0xFFFFFFFF  }
0xc5: {  	_ =	strace $0x9000004B  }
0xc6: {  	_ =	sfence  }
0xc7: {  	s30 =	sld [smem:$0x0];
	_ =	sdelay $0x2  }
0xc8: {  	s31 =	sshll.u32 s1, $0xD;
	s1 =	sshrl.u32 s1, $0x2  }
0xc9: {  	s4 =	sand.u32 $0x4000, s31;
	s1 =	sadd.s32 s1, s30  }
0xca: {  	s0 =	sor.u32 s4, s0;
	s1 =	sshll.u32 s1, $0x11  }
0xcb: {  	s0 =	sor.u32 s1, s0  }
0xcc: {  	s0 =	sadd.s32 $0x8F2B, s0  }
0xcd: {  	[sflag:s0] =	ssyncadd.remote.s32 $0x1  }
0xce: {  	_ =	sfence.sel $0xFFFF  }
0xcf: {  	[dreg:$0x0] =	wrdreg $0xFFFFFFFF;
	(pc) =	sbr.abs _section_cstart, $3  }
0xd0: {  	[dreg:$0x1] =	wrdreg $0xFFFFFFFF  }
0xd1: {  	_ =	task.clear_ibuf [dreg:s22], $0x2FFFF;
	_ =	strace $0x9FFFFFFF  }
0xd2: {  	(tm) =	ssettm $0x7FFFFFFF  }
0xd3: {  	_ =	shalt  }
tec
execute0_lowered:
.L_overlay_start_1:
0x0: {  	(tag) =	ssettag $0x1  }
0x1: {  	s5 =	rddreg [dreg:$0x0]  }
0x2: {  	s1 =	rddreg [dreg:$0x1]  }
0x3: {  	s2 =	rddreg [dreg:$0x2]  }
0x4: {  	s0 =	rddreg [dreg:$0x3]  }
0x5: {  	s3 =	simm.s32 $0x0;
	s4 =	srdreg.scid;
	s14 =	simm.s32 $0x61A8  }
0x6: {  	s15 =	simm.s32 $0x80;
	s16 =	simm.s32 $0x6228;
	s17 =	simm.s32 $0x62A8  }
0x7: {  	s18 =	simm.s32 $0x6328;
	[smem:$0x7FF] =	sst s3;
	s6 =	sand.u32 $0x1, s4  }
0x8: {  	s19 =	simm.s32 $0x63A8;
	s4 =	stileid.u32;
	s7 =	smul.u32 $0xC350, s6  }
0x9: {  	s20 =	simm.s32 $0x0;
	_ =	strace $0x8000004A;
	s8 =	smul.u32 $0x186A0, s4  }
0xa: {  	s6 =	ssub.s32 $0x2, s6;
	s28 =	smul.u32 $0xC35, s4;
	s30 =	sshll.u32 s4, $0x6  }
0xb: {  	s12 =	smul.u32 $0x50, s4;
	s31 =	ssub.s32 $0x280, s4;
	s26 =	sshrl.u32 s6, $0x1  }
0xc: {  	s9 =	sadd.s32 s7, s5;
	s5 =	sadd.s32 $0x9B000, s5;
	s10 =	ssub.s32 s6, s26  }
0xd: {  	s29 =	sshrl.u32 s8, $0x2;
	s6 =	sor.u32 $0x1C01, s30;
	s7 =	sshrl.u32 s31, $0x4  }
0xe: {  	s11 =	sadd.s32 s29, s2;
	s13 =	sadd.s32 s28, s9;
	s12 =	sadd.s32 s12, s9  }
0xf: {  	s9 =	smax.u32 s10, $0x1;
	s8 =	sadd.s32 $0x9B200, s13;
	s10 =	sadd.s32 $0x5200, s12  }
0x10: {  	s11 =	sshrl.u32 s11, $0x3;
	s12 =	simm.s32 $0x1;
	s13 =	simm.s32 $0x6428  }
.LBB2_1:
0x11: {  	[spmem:s11], [sflag:s6] =	dma.local [hbm:s1], $0xC35  }
0x12: {  	_ =	swait.ge [sflag:s12], $0xC35  }
0x13: {  	[sflag:s12] =	ssyncset.done $0x0  }
0x14: {  	[sflag:s12] =	ssyncadd.s32 $0xFFFFF3CB  }
0x15: {  	[tilespmem:s13], [sflag:$0x1] =	stream.linear.gather [hbm4b:s5+s3], $0x400, $0x38;
	[tilespmem:$0x6828] =	vst v63  }
0x16: {  	_ =	swait.ge [sflag:s12], $0x400  }
0x17: {  	[sflag:s12] =	ssyncset.done $0x0  }
0x18: {  	[sflag:s12] =	ssyncadd.s32 $0xFFFFFC00  }
0x19: {  	[bflag:$0x0] =	sbarrier.arrive $0xFFFF  }
0x1a: {  	[tilespmem:s14], [sflag:$0x1] =	stream.linear.gather [hbm4b:s10+s3], $0x280, $0x38;
	[tilespmem:$0x6828] =	vst v63  }
0x1b: {  	_ =	swait.ge [sflag:s12], $0x280  }
0x1c: {  	[sflag:s12] =	ssyncset.done $0x0  }
0x1d: {  	[sflag:s12] =	ssyncadd.s32 $0xFFFFFD80  }
0x1e: {  	[spmem:s2] =	stream.indirect.scatter.add.f32 [tilespmem:s13], [sflag:$0x1], $0x8, s14, s15, $0xb8;
	[tilespmem:$0x6828] =	vst v63  }
0x1f: {  	_ =	swait.ge [sflag:s12], $0x400  }
0x20: {  	[sflag:s12] =	ssyncset.done $0x0  }
0x21: {  	[sflag:s12] =	ssyncadd.s32 $0xFFFFFC00  }
0x22: {  	[spmem:s2] =	stream.indirect.scatter.add.f32 [tilespmem:s13], [sflag:$0x1], $0x8, s16, s15, $0xb8;
	[tilespmem:$0x6828] =	vst v63  }
0x23: {  	_ =	swait.ge [sflag:s12], $0x400  }
0x24: {  	[sflag:s12] =	ssyncset.done $0x0  }
0x25: {  	[sflag:s12] =	ssyncadd.s32 $0xFFFFFC00  }
0x26: {  	[spmem:s2] =	stream.indirect.scatter.add.f32 [tilespmem:s13], [sflag:$0x1], $0x8, s17, s15, $0xb8;
	[tilespmem:$0x6828] =	vst v63  }
0x27: {  	_ =	swait.ge [sflag:s12], $0x400  }
0x28: {  	[sflag:s12] =	ssyncset.done $0x0  }
0x29: {  	[sflag:s12] =	ssyncadd.s32 $0xFFFFFC00  }
0x2a: {  	[spmem:s2] =	stream.indirect.scatter.add.f32 [tilespmem:s13], [sflag:$0x1], $0x8, s18, s15, $0xb8;
	[tilespmem:$0x6828] =	vst v63  }
0x2b: {  	p0 =	sne.s32 s7, $0x1;
	_ =	swait.ge [sflag:s12], $0x400  }
.Ltmp0:
0x2c: {  	[sflag:s12] =	ssyncset.done $0x0;
	(pc) =	sbr.rel @!p0 .LBB2_3-.Ltmp0, $4  }
0x2d: {  	[sflag:s12] =	ssyncadd.s32 $0xFFFFFC00  }
0x2e: {  	[spmem:s2] =	stream.indirect.scatter.add.f32 [tilespmem:s13], [sflag:$0x1], $0x8, s19, s15, $0xb8;
	[tilespmem:$0x6828] =	vst v63  }
0x2f: {  	_ =	swait.ge [sflag:s12], $0x400  }
0x30: {  	s21 =	sadd.s32 $0xFFFFFFFF, s7;
	s22 =	smov.u32 s10;
	[sflag:s12] =	ssyncset.done $0x0  }
.LBB2_2:
0x31: {  	p0 =	sne.s32 s21, $0x1;
	[sflag:s12] =	ssyncadd.s32 $0xFFFFFC00;
	s22 =	sadd.s32 $0x500, s22  }
0x32: {  	[tilespmem:s14], [sflag:$0x1] =	stream.linear.gather [hbm4b:s22+s3], $0x280, $0x38;
	[tilespmem:$0x6828] =	vst v63  }
0x33: {  	s21 =	sadd.s32 $0xFFFFFFFF, s21;
	_ =	swait.ge [sflag:s12], $0x280  }
0x34: {  	[sflag:s12] =	ssyncset.done $0x0  }
0x35: {  	[sflag:s12] =	ssyncadd.s32 $0xFFFFFD80  }
0x36: {  	[spmem:s2] =	stream.indirect.scatter.add.f32 [tilespmem:s13], [sflag:$0x1], $0x8, s14, s15, $0xb8;
	[tilespmem:$0x6828] =	vst v63  }
0x37: {  	_ =	swait.ge [sflag:s12], $0x400  }
0x38: {  	[sflag:s12] =	ssyncset.done $0x0  }
0x39: {  	[sflag:s12] =	ssyncadd.s32 $0xFFFFFC00  }
0x3a: {  	[spmem:s2] =	stream.indirect.scatter.add.f32 [tilespmem:s13], [sflag:$0x1], $0x8, s16, s15, $0xb8;
	[tilespmem:$0x6828] =	vst v63  }
0x3b: {  	_ =	swait.ge [sflag:s12], $0x400  }
0x3c: {  	[sflag:s12] =	ssyncset.done $0x0  }
0x3d: {  	[sflag:s12] =	ssyncadd.s32 $0xFFFFFC00  }
0x3e: {  	[spmem:s2] =	stream.indirect.scatter.add.f32 [tilespmem:s13], [sflag:$0x1], $0x8, s17, s15, $0xb8;
	[tilespmem:$0x6828] =	vst v63  }
0x3f: {  	_ =	swait.ge [sflag:s12], $0x400  }
0x40: {  	[sflag:s12] =	ssyncset.done $0x0  }
0x41: {  	[sflag:s12] =	ssyncadd.s32 $0xFFFFFC00  }
0x42: {  	[spmem:s2] =	stream.indirect.scatter.add.f32 [tilespmem:s13], [sflag:$0x1], $0x8, s18, s15, $0xb8;
	[tilespmem:$0x6828] =	vst v63  }
0x43: {  	_ =	swait.ge [sflag:s12], $0x400  }
.Ltmp1:
0x44: {  	[sflag:s12] =	ssyncset.done $0x0;
	(pc) =	sbr.rel @p0 .LBB2_2-.Ltmp1, $4  }
0x45: {  	[sflag:s12] =	ssyncadd.s32 $0xFFFFFC00  }
0x46: {  	[spmem:s2] =	stream.indirect.scatter.add.f32 [tilespmem:s13], [sflag:$0x1], $0x8, s19, s15, $0xb8;
	[tilespmem:$0x6828] =	vst v63  }
0x47: {  	_ =	swait.ge [sflag:s12], $0x400  }
0x48: {  	[sflag:s12] =	ssyncset.done $0x0  }
.LBB2_3:
0x49: {  	s20 =	sadd.s32 $0x1, s20  }
0x4a: {  	[sflag:s12] =	ssyncadd.s32 $0xFFFFFC00;
	p0 =	sne.s32 s20, s9  }
.Ltmp2:
0x4b: {  	[bflag:$0x0] =	sbarrier.arrive $0xFFFF;
	(pc) =	sbr.rel @p0 .LBB2_1-.Ltmp2, $4  }
0x4c: {  	[hbm:s8], [sflag:s6] =	dma.local [spmem:s11], $0xC35  }
0x4d: {  	_ =	swait.ge [sflag:s12], $0xC35  }
0x4e: {  	[sflag:s12] =	ssyncset.done $0x0  }
0x4f: {  	[sflag:s12] =	ssyncadd.s32 $0xFFFFF3CB  }
0x50: {  	_ =	sfence.sel $0x180000  }
0x51: {  	[bflag:$0x0] =	sbarrier.arrive $0xFFFF  }
0x52: {  	p0 =	sne.s32 s4, $0x0;
	_ =	strace $0x9000004A  }
0x53: {  	s0 =	sadd.s32 @!p0 $0x100000, s0;
	[bflag:$0x2] =	sbarrier.arrive $0xFFFF  }
0x54: {  	[sflag:s0] =	ssyncadd.tile.s32 @!p0 $0x1;
	_ =	shalt  }
.Lfunc_end2:
_tile_overlayer_lowered:
.L_overlay_start_2:
0x55: {  	(tag) =	ssettag $0x2  }
0x56: {  	s0 =	rddreg [dreg:$0x0];
	s2 =	stileid.u32  }
0x57: {  	s1 =	rddreg [dreg:$0x1];
	p0 =	sne.s32 s2, $0x0  }
0x58: {  	s3 =	rddreg [dreg:$0x2];
	[bflag:$0x3] =	sbarrier.arrive $0xFFFF;
	s2 =	simm.s32 @!p0 $0x1C01  }
0x59: {  	[timem:s3], [sflag:s2] =	dma.local @!p0 [hbm:s0], s1  }
0x5a: {  	s0 =	simm.s32 @!p0 $0x1  }
0x5b: {  	_ =	swait.ge @!p0 [sflag:s0], s1  }
0x5c: {  	s1 =	ssub.s32 @!p0 $0x0, s1;
	[sflag:s0] =	ssyncset.done @!p0 $0x0  }
0x5d: {  	[sflag:s0] =	ssyncadd.s32 @!p0 s1  }
0x5e: {  	[bflag:$0x3] =	sbarrier.arrive $0xFFFF  }
0x5f: {  	_ =	shalt  }

</sc_bundles>
